<compile_context>
chip_gen: v7x
topology: tpu7x:2x2x1
jax: 0.10.2.dev20260603
libtpu: 0.0.44.dev20260713+nightly
codegen_flags: <defaults>
</compile_context>

<pallas_src>
import functools

import jax
import jax.numpy as jnp
from jax import lax
from jax.experimental import pallas as pl
from jax.experimental.pallas import tpu as pltpu
from jax.experimental.pallas import tpu_sc as plsc

NW = 32
C = 128
K = 2


def _tail_sizes(rem):
    out = []
    while rem:
        t = min(rem, C)
        out.append(t)
        rem -= t
    return out


def _make_gather(N, E, D, base, Ec):
    epw = Ec // NW
    nfull = (epw // C) & ~1
    npairs = nfull // 2
    tails = _tail_sizes(epw - nfull * C)
    assert npairs >= 1
    mesh = plsc.VectorSubcoreMesh(core_axis_name="c", subcore_axis_name="s")

    @functools.partial(
        pl.kernel,
        out_type=jax.ShapeDtypeStruct((Ec, D), jnp.float32),
        mesh=mesh,
        scratch_types=[
            pltpu.VMEM((C,), jnp.int32),
            pltpu.VMEM((C,), jnp.int32),
            pltpu.VMEM((C,), jnp.int32),
            pltpu.VMEM((C,), jnp.int32),
            pltpu.VMEM((C, D), jnp.float32),
            pltpu.VMEM((C, D), jnp.float32),
            pltpu.VMEM((C, D), jnp.float32),
            pltpu.VMEM((C, D), jnp.float32),
            pltpu.SemaphoreType.DMA,
            pltpu.SemaphoreType.DMA,
            pltpu.SemaphoreType.DMA,
            pltpu.SemaphoreType.DMA,
            pltpu.SemaphoreType.DMA,
            pltpu.SemaphoreType.DMA,
        ],
    )
    def gather_k(p_hbm, q_hbm, src_hbm, dst_hbm, g_hbm,
                 sidx0, sidx1, didx0, didx1, bs0, bs1, bd0, bd1,
                 semA0, semA1, semB0, semB1, semC0, semC1):
        SIDX = [sidx0, sidx1]
        DIDX = [didx0, didx1]
        BS = [bs0, bs1]
        BD = [bd0, bd1]
        SEMA = [semA0, semA1]
        SEMB = [semB0, semB1]
        SEMC = [semC0, semC1]
        wid = lax.axis_index("s") * 2 + lax.axis_index("c")
        lbase = wid * epw
        gbase = base + lbase

        def a_descs(b, j):
            off = gbase + j * C
            return (pltpu.make_async_copy(src_hbm.at[pl.ds(off, C)], SIDX[b], SEMA[b]),
                    pltpu.make_async_copy(dst_hbm.at[pl.ds(off, C)], DIDX[b], SEMA[b]))

        def b_descs(b):
            return (pltpu.make_async_copy(p_hbm.at[SIDX[b]], BS[b], SEMB[b]),
                    pltpu.make_async_copy(q_hbm.at[DIDX[b]], BD[b], SEMB[b]))

        def c_descs(b, j):
            off = lbase + j * C
            return (pltpu.make_async_copy(BS[b], g_hbm.at[pl.ds(off, C)], SEMC[b]),)

        def add_rows(dst_ref, src_ref, nrows):
            def row(i, carry):
                for k in range(D // 16):
                    plsc.addupdate(dst_ref.at[i, pl.ds(16 * k, 16)],
                                   src_ref[i, pl.ds(16 * k, 16)])
                return carry
            lax.fori_loop(0, nrows, row, 0)

        def start(descs):
            for d in descs:
                d.start()

        def wait(descs):
            for d in descs:
                d.wait()

        start(a_descs(0, 0))
        start(a_descs(1, 1))

        def body(j2, carry):
            j0 = 2 * j2
            for b in (0, 1):
                wait(a_descs(b, j0 + b))

                @pl.when(j2 > 0)
                def _(b=b, j0=j0):
                    wait(c_descs(b, j0 + b - 2))

                start(b_descs(b))
            for b in (0, 1):
                wait(b_descs(b))
                add_rows(BS[b], BD[b], C)
                start(c_descs(b, j0 + b))

                @pl.when(j2 < npairs - 1)
                def _(b=b, j0=j0):
                    start(a_descs(b, j0 + 2 + b))

            return carry

        lax.fori_loop(0, npairs, body, 0)
        wait(c_descs(0, nfull - 2))
        wait(c_descs(1, nfull - 1))

        toff = nfull * C
        for t in tails:
            pltpu.sync_copy(src_hbm.at[pl.ds(gbase + toff, t)],
                            sidx0.at[pl.ds(0, t)])
            pltpu.sync_copy(dst_hbm.at[pl.ds(gbase + toff, t)],
                            didx0.at[pl.ds(0, t)])
            tb = (pltpu.make_async_copy(
                      p_hbm.at[sidx0.at[pl.ds(0, t)]], bs0.at[pl.ds(0, t)], semB0),
                  pltpu.make_async_copy(
                      q_hbm.at[didx0.at[pl.ds(0, t)]], bd0.at[pl.ds(0, t)], semB1))
            start(tb)
            wait(tb)
            add_rows(bs0, bd0, t)
            pltpu.sync_copy(bs0.at[pl.ds(0, t)],
                            g_hbm.at[pl.ds(lbase + toff, t)])
            toff += t

    return gather_k


def _make_scatter(NPAD, E, D, base, Ec):
    epw = Ec // NW
    nfull = (epw // C) & ~1
    npairs = nfull // 2
    tails = _tail_sizes(epw - nfull * C)
    assert npairs >= 1
    rpt = NPAD // 16
    mesh = plsc.VectorSubcoreMesh(core_axis_name="c", subcore_axis_name="s")

    tail_scratch = [pltpu.VMEM((t,), jnp.int32) for t in tails]

    @functools.partial(
        pl.kernel,
        out_type=jax.ShapeDtypeStruct((2, NPAD, D), jnp.float32),
        mesh=mesh,
        scratch_types=[
            pltpu.VMEM((C,), jnp.int32),
            pltpu.VMEM((C,), jnp.int32),
            pltpu.VMEM((C, D), jnp.float32),
            pltpu.VMEM((C, D), jnp.float32),
            pltpu.VMEM_SHARED((NPAD, D), jnp.float32),
            pltpu.SemaphoreType.DMA,
            pltpu.SemaphoreType.DMA,
        ] + tail_scratch,
    )
    def scatter_k(em_hbm, dst_hbm, zeros_hbm, out_hbm,
                  idx0, idx1, rows0, rows1, agg, semA0, semA1, *tscratch):
        IDX = [idx0, idx1]
        ROWS = [rows0, rows1]
        SEMA = [semA0, semA1]
        c = lax.axis_index("c")
        s = lax.axis_index("s")
        wid = s * 2 + c
        lbase = wid * epw
        gbase = base + lbase
        pltpu.sync_copy(zeros_hbm.at[pl.ds(s * rpt, rpt)],
                        agg.at[pl.ds(s * rpt, rpt)])
        plsc.subcore_barrier()

        def a_descs(b, j):
            return (pltpu.make_async_copy(
                        dst_hbm.at[pl.ds(gbase + j * C, C)], IDX[b], SEMA[b]),
                    pltpu.make_async_copy(
                        em_hbm.at[pl.ds(lbase + j * C, C)], ROWS[b], SEMA[b]))

        for b in (0, 1):
            for d in a_descs(b, b):
                d.start()

        def body(j2, carry):
            j0 = 2 * j2
            for b in (0, 1):
                for d in a_descs(b, j0 + b):
                    d.wait()
                pltpu.sync_copy(ROWS[b], agg.at[IDX[b]], add=True)

                @pl.when(j2 < npairs - 1)
                def _(b=b, j0=j0):
                    for d in a_descs(b, j0 + 2 + b):
                        d.start()

            return carry

        lax.fori_loop(0, npairs, body, 0)

        toff = nfull * C
        for i, t in enumerate(tails):
            tidx = tscratch[i]
            pltpu.sync_copy(dst_hbm.at[pl.ds(gbase + toff, t)], tidx)
            pltpu.sync_copy(em_hbm.at[pl.ds(lbase + toff, t)],
                            rows0.at[pl.ds(0, t)])
            pltpu.sync_copy(rows0.at[pl.ds(0, t)], agg.at[tidx], add=True)
            toff += t

        plsc.subcore_barrier()
        pltpu.sync_copy(agg.at[pl.ds(s * rpt, rpt)],
                        out_hbm.at[c].at[pl.ds(s * rpt, rpt)])

    return scatter_k


def _pre_body(x_ref, wb_ref, wc_ref, b1_ref, p_ref, q_ref):
    xb = x_ref[...]
    p_ref[...] = jnp.dot(xb, wb_ref[...], preferred_element_type=jnp.float32)
    q_ref[...] = (jnp.dot(xb, wc_ref[...], preferred_element_type=jnp.float32)
                  + b1_ref[...])


def _edge_math(ea_ref, g_ref, wa_ref, w2_ref, b2_ref, eo_ref, em_ref):
    ea = ea_ref[...]
    h = jnp.maximum(
        jnp.dot(ea, wa_ref[...], preferred_element_type=jnp.float32)
        + g_ref[...], 0.0)
    em = jnp.dot(h, w2_ref[...], preferred_element_type=jnp.float32) + b2_ref[...]
    em_ref[...] = em
    eo_ref[...] = ea + em


def _edge_body(ea_ref, g_ref, wa_ref, w2_ref, b2_ref, eo_ref, em_ref):
    _edge_math(ea_ref, g_ref, wa_ref, w2_ref, b2_ref, eo_ref, em_ref)


def _edge_body_alias(ea_ref, g_ref, wa_ref, w2_ref, b2_ref,
                     eo_prev_ref, eo_ref, em_ref):
    del eo_prev_ref
    _edge_math(ea_ref, g_ref, wa_ref, w2_ref, b2_ref, eo_ref, em_ref)


def _make_node_body(n_parts):
    def body(*refs):
        x_ref = refs[0]
        parts = refs[1:1 + n_parts]
        w1x_ref, w1a_ref, b1_ref, w2_ref, b2_ref, xo_ref = refs[1 + n_parts:]
        xb = x_ref[...]
        agg = parts[0][0]
        for r in parts[1:]:
            agg = agg + r[0]
        h = jnp.maximum(
            jnp.dot(xb, w1x_ref[...], preferred_element_type=jnp.float32)
            + jnp.dot(agg, w1a_ref[...], preferred_element_type=jnp.float32)
            + b1_ref[...], 0.0)
        xo_ref[...] = (xb
                       + jnp.dot(h, w2_ref[...], preferred_element_type=jnp.float32)
                       + b2_ref[...])
    return body


def _fixed(shape):
    return pl.BlockSpec(shape, lambda i: (0,) * len(shape))


def kernel(x, edge_attr, edge_index, We1, be1, We2, be2, Wn1, bn1, Wn2, bn2):
    N, D = x.shape
    E = edge_attr.shape[0]
    src = edge_index[0]
    dst = edge_index[1]
    b1 = be1.reshape(1, D)
    b2 = be2.reshape(1, D)
    nb1 = bn1.reshape(1, D)
    nb2 = bn2.reshape(1, D)

    BN = 1000
    P, Q = pl.pallas_call(
        _pre_body,
        grid=(N // BN,),
        in_specs=[
            pl.BlockSpec((BN, D), lambda i: (i, 0)),
            pl.BlockSpec((D, D), lambda i: (1, 0)),
            pl.BlockSpec((D, D), lambda i: (2, 0)),
            _fixed((1, D)),
        ],
        out_specs=[
            pl.BlockSpec((BN, D), lambda i: (i, 0)),
            pl.BlockSpec((BN, D), lambda i: (i, 0)),
        ],
        out_shape=[
            jax.ShapeDtypeStruct((N, D), jnp.float32),
            jax.ShapeDtypeStruct((N, D), jnp.float32),
        ],
    )(x, We1, We1, b1)

    NPAD = ((N + 127) // 128) * 128
    zeros = jnp.zeros((NPAD, D), jnp.float32)
    BE = 3200
    sizes = [E // K] * K
    bases = [sum(sizes[:k]) for k in range(K)]

    Gs = [_make_gather(N, E, D, bases[k], sizes[k])(P, Q, src, dst)
          for k in range(K)]

    eo = None
    EMs = []
    for k in range(K):
        boff = bases[k] // BE
        nblk = sizes[k] // BE
        ea_spec = pl.BlockSpec((BE, D), lambda i, boff=boff: (i + boff, 0))
        eo_spec = pl.BlockSpec((BE, D), lambda i, boff=boff: (i + boff, 0))
        common_in = [
            ea_spec,
            pl.BlockSpec((BE, D), lambda i: (i, 0)),
            pl.BlockSpec((D, D), lambda i: (0, 0)),
            _fixed((D, D)),
            _fixed((1, D)),
        ]
        out_shape = [
            jax.ShapeDtypeStruct((E, D), jnp.float32),
            jax.ShapeDtypeStruct((sizes[k], D), jnp.float32),
        ]
        out_specs = [eo_spec, pl.BlockSpec((BE, D), lambda i: (i, 0))]
        if k == 0:
            eo, em = pl.pallas_call(
                _edge_body,
                grid=(nblk,),
                in_specs=common_in,
                out_specs=out_specs,
                out_shape=out_shape,
            )(edge_attr, Gs[k], We1, We2, b2)
        else:
            eo, em = pl.pallas_call(
                _edge_body_alias,
                grid=(nblk,),
                in_specs=common_in + [pl.BlockSpec(memory_space=pl.ANY)],
                out_specs=out_specs,
                out_shape=out_shape,
                input_output_aliases={5: 0},
            )(edge_attr, Gs[k], We1, We2, b2, eo)
        EMs.append(em)

    partials = [_make_scatter(NPAD, E, D, bases[k], sizes[k])(EMs[k], dst, zeros)
                for k in range(K)]

    n_parts = 2 * K
    part_args = []
    part_specs = []
    for par in partials:
        for c in (0, 1):
            part_args.append(par)
            part_specs.append(pl.BlockSpec((1, BN, D), lambda i, c=c: (c, i, 0)))
    XO = pl.pallas_call(
        _make_node_body(n_parts),
        grid=(N // BN,),
        in_specs=[pl.BlockSpec((BN, D), lambda i: (i, 0))] + part_specs + [
            pl.BlockSpec((D, D), lambda i: (0, 0)),
            pl.BlockSpec((D, D), lambda i: (1, 0)),
            _fixed((1, D)),
            _fixed((D, D)),
            _fixed((1, D)),
        ],
        out_specs=pl.BlockSpec((BN, D), lambda i: (i, 0)),
        out_shape=jax.ShapeDtypeStruct((N, D), jnp.float32),
    )(x, *part_args, Wn1, Wn1, nb1, Wn2, nb2)

    return (XO, eo)

# --- scband reference (transcript-rebuilt; emitter-appended) ---
"""Pipeline reference for scband-gn-block-15212774163064 (READ-ONLY COPY).

The authoritative reference and input builder live on the scoring server;
editing this copy changes nothing except your own understanding.
"""

import jax, jax.numpy as jnp
import numpy as np

N = 10000
E = 320000
D = 128
RESIDUAL_SCALE = 1.0


def _mlp(h, W1, b1, W2, b2):
    h = jnp.maximum(h @ W1 + b1, 0.0)
    return h @ W2 + b2


def setup_inputs(seed: int = 0) -> dict:
    key = jax.random.key(seed)
    ks = jax.random.split(key, 8)
    inp = {
        "x": jax.random.normal(ks[0], (N, D), dtype=jnp.float32),
        "edge_attr": jax.random.normal(ks[1], (E, D), dtype=jnp.float32),
        "edge_index": jax.random.randint(ks[2], (2, E), 0, N, dtype=jnp.int32),
        # EdgeBlock MLP: build_mlp(3*D, D, D) -> Linear(3D,D), ReLU, Linear(D,D)
        "We1": jax.random.normal(ks[3], (3 * D, D), dtype=jnp.float32) * 0.02,
        "be1": jnp.zeros((D,), dtype=jnp.float32),
        "We2": jax.random.normal(ks[4], (D, D), dtype=jnp.float32) * 0.02,
        "be2": jnp.zeros((D,), dtype=jnp.float32),
        # NodeBlock MLP: build_mlp(2*D, D, D)
        "Wn1": jax.random.normal(ks[5], (2 * D, D), dtype=jnp.float32) * 0.02,
        "bn1": jnp.zeros((D,), dtype=jnp.float32),
        "Wn2": jax.random.normal(ks[6], (D, D), dtype=jnp.float32) * 0.02,
        "bn2": jnp.zeros((D,), dtype=jnp.float32),
    }
    return inp


def reference(x, edge_attr, edge_index, We1, be1, We2, be2, Wn1, bn1, Wn2, bn2):
    src = edge_index[0]
    dst = edge_index[1]
    # EdgeBlock: concat(edge_attr, x[src], x[dst]) -> MLP (gather on SparseCore)
    eb_in = jnp.concatenate([edge_attr, jnp.take(x, src, axis=0), jnp.take(x, dst, axis=0)], axis=1)
    edge_mlp_out = _mlp(eb_in, We1, be1, We2, be2)
    # NodeBlock: scatter-add edges to dst nodes, concat with x -> MLP
    agg = jax.ops.segment_sum(edge_mlp_out, dst, num_segments=x.shape[0])
    nb_in = jnp.concatenate([x, agg], axis=1)
    node_mlp_out = _mlp(nb_in, Wn1, bn1, Wn2, bn2)
    # Residual connections (residual_scale=1.0, use_pairnorm=False)
    x_out = x + RESIDUAL_SCALE * node_mlp_out
    edge_attr_out = edge_attr + RESIDUAL_SCALE * edge_mlp_out
    return (x_out, edge_attr_out)

if __name__ == "__main__":
    import jax
    _d = setup_inputs()
    print(jax.jit(kernel)(*tuple(_d.values())))

</pallas_src>

<mosaic_0001>
#map = affine_map<(d0, d1) -> (0, 0)>
#map1 = affine_map<(d0, d1) -> (0)>
#map2 = affine_map<(d0, d1) -> (0, 0, 0)>
module attributes {stable_mosaic.version = 14 : i64} {
  func.func @scatter_k(%arg0: i32, %arg1: i32, %arg2: memref<160000x128xf32, #tpu.memory_space<hbm>>, %arg3: memref<320000xi32, #tpu.memory_space<hbm>>, %arg4: memref<10112x128xf32, #tpu.memory_space<hbm>>, %arg5: memref<2x10112x128xf32, #tpu.memory_space<hbm>>, %arg6: memref<128xi32, #tpu.memory_space<vmem>>, %arg7: memref<128xi32, #tpu.memory_space<vmem>>, %arg8: memref<128x128xf32, #tpu.memory_space<vmem>>, %arg9: memref<128x128xf32, #tpu.memory_space<vmem>>, %arg10: memref<10112x128xf32, #tpu.memory_space<vmem_shared>>, %arg11: memref<!tpu.dma_semaphore, #tpu.memory_space<semaphore_mem>>, %arg12: memref<!tpu.dma_semaphore, #tpu.memory_space<semaphore_mem>>, %arg13: memref<128xi32, #tpu.memory_space<vmem>>, %arg14: memref<8xi32, #tpu.memory_space<vmem>>) attributes {dimension_semantics = [#tpu.dimension_semantics<core_parallel>, #tpu.dimension_semantics<subcore_parallel>], iteration_bounds = array<i64: 2, 16>, scalar_prefetch = 0 : i64, scratch_operands = 9 : i64, tpu.core_type = #tpu.core_type<sc_vector_subcore>, window_params = [{transform_indices = #map}, {transform_indices = #map1}, {transform_indices = #map}, {transform_indices = #map2}]} {
    %mul3A = arith.constant 2 : i32
    %mul3A_0 = arith.muli %arg1, %mul3A : i32
    %add3A = arith.addi %mul3A_0, %arg0 : i32
    %mul3A_1 = arith.constant 5000 : i32
    %mul3A_2 = arith.muli %add3A, %mul3A_1 : i32
    %add3A_3 = arith.constant 160000 : i32
    %add3A_4 = arith.addi %add3A_3, %mul3A_2 : i32
    %mul3A_5 = arith.constant 632 : i32
    %mul3A_6 = arith.muli %arg1, %mul3A_5 : i32
    %mul3A_7 = arith.constant 632 : i32
    %mul3A_8 = arith.muli %arg1, %mul3A_7 : i32
    "tpu.region"() ({
      %run_scoped3A = tpu.sem_alloc : memref<!tpu.dma_semaphore, #tpu.memory_space<semaphore_mem>>
      %dma_start3A_46 = arith.constant 0 : i32
      %dma_start3A_47 = tpu.memref_slice %arg10[%mul3A_8, %dma_start3A_46] : memref<10112x128xf32, #tpu.memory_space<vmem_shared>> -> memref<632x128xf32, #tpu.memory_space<vmem_shared>>
      %dma_start3A_48 = arith.constant 0 : i32
      %dma_start3A_49 = tpu.memref_slice %arg4[%mul3A_6, %dma_start3A_48] : memref<10112x128xf32, #tpu.memory_space<hbm>> -> memref<632x128xf32, #tpu.memory_space<hbm>>
      tpu.enqueue_dma source(%dma_start3A_49 : memref<632x128xf32, #tpu.memory_space<hbm>>) target(%dma_start3A_47 : memref<632x128xf32, #tpu.memory_space<vmem_shared>>) target_semaphore(%run_scoped3A : memref<!tpu.dma_semaphore, #tpu.memory_space<semaphore_mem>>)
      %dma_wait3A = arith.constant 0 : i32
      %dma_wait3A_50 = tpu.memref_slice %arg10[%mul3A_8, %dma_wait3A] : memref<10112x128xf32, #tpu.memory_space<vmem_shared>> -> memref<632x128xf32, #tpu.memory_space<vmem_shared>>
      %dma_wait3A_51 = arith.constant 0 : i32
      %dma_wait3A_52 = tpu.memref_slice %arg4[%mul3A_6, %dma_wait3A_51] : memref<10112x128xf32, #tpu.memory_space<hbm>> -> memref<632x128xf32, #tpu.memory_space<hbm>>
      tpu.wait_dma2 semaphore(%run_scoped3A : memref<!tpu.dma_semaphore, #tpu.memory_space<semaphore_mem>>) src(%dma_wait3A_52 : memref<632x128xf32, #tpu.memory_space<hbm>>) dst(%dma_wait3A_50 : memref<632x128xf32, #tpu.memory_space<vmem_shared>>)
      tpu.yield
    }) : () -> ()
    %barrier3A = arith.constant 0 : index
    tpu.barrier barrier_id(%barrier3A)
    %add3A_9 = arith.constant 0 : i32
    %add3A_10 = arith.addi %add3A_4, %add3A_9 : i32
    %add3A_11 = arith.constant 0 : i32
    %add3A_12 = arith.addi %mul3A_2, %add3A_11 : i32
    %dma_start3A = tpu.memref_slice %arg3[%add3A_10] : memref<320000xi32, #tpu.memory_space<hbm>> -> memref<128xi32, #tpu.memory_space<hbm>>
    %dma_start3A_13 = tpu.memref_slice %arg3[%add3A_10] : memref<320000xi32, #tpu.memory_space<hbm>> -> memref<128xi32, #tpu.memory_space<hbm>>
    tpu.enqueue_dma source(%dma_start3A_13 : memref<128xi32, #tpu.memory_space<hbm>>) target(%arg6 : memref<128xi32, #tpu.memory_space<vmem>>) target_semaphore(%arg11 : memref<!tpu.dma_semaphore, #tpu.memory_space<semaphore_mem>>)
    %dma_start3A_14 = arith.constant 0 : i32
    %dma_start3A_15 = tpu.memref_slice %arg2[%add3A_12, %dma_start3A_14] : memref<160000x128xf32, #tpu.memory_space<hbm>> -> memref<128x128xf32, #tpu.memory_space<hbm>>
    %dma_start3A_16 = arith.constant 0 : i32
    %dma_start3A_17 = tpu.memref_slice %arg2[%add3A_12, %dma_start3A_16] : memref<160000x128xf32, #tpu.memory_space<hbm>> -> memref<128x128xf32, #tpu.memory_space<hbm>>
    tpu.enqueue_dma source(%dma_start3A_17 : memref<128x128xf32, #tpu.memory_space<hbm>>) target(%arg8 : memref<128x128xf32, #tpu.memory_space<vmem>>) target_semaphore(%arg11 : memref<!tpu.dma_semaphore, #tpu.memory_space<semaphore_mem>>)
    %add3A_18 = arith.constant 128 : i32
    %add3A_19 = arith.addi %add3A_4, %add3A_18 : i32
    %add3A_20 = arith.constant 128 : i32
    %add3A_21 = arith.addi %mul3A_2, %add3A_20 : i32
    %dma_start3A_22 = tpu.memref_slice %arg3[%add3A_19] : memref<320000xi32, #tpu.memory_space<hbm>> -> memref<128xi32, #tpu.memory_space<hbm>>
    %dma_start3A_23 = tpu.memref_slice %arg3[%add3A_19] : memref<320000xi32, #tpu.memory_space<hbm>> -> memref<128xi32, #tpu.memory_space<hbm>>
    tpu.enqueue_dma source(%dma_start3A_23 : memref<128xi32, #tpu.memory_space<hbm>>) target(%arg7 : memref<128xi32, #tpu.memory_space<vmem>>) target_semaphore(%arg12 : memref<!tpu.dma_semaphore, #tpu.memory_space<semaphore_mem>>)
    %dma_start3A_24 = arith.constant 0 : i32
    %dma_start3A_25 = tpu.memref_slice %arg2[%add3A_21, %dma_start3A_24] : memref<160000x128xf32, #tpu.memory_space<hbm>> -> memref<128x128xf32, #tpu.memory_space<hbm>>
    %dma_start3A_26 = arith.constant 0 : i32
    %dma_start3A_27 = tpu.memref_slice %arg2[%add3A_21, %dma_start3A_26] : memref<160000x128xf32, #tpu.memory_space<hbm>> -> memref<128x128xf32, #tpu.memory_space<hbm>>
    tpu.enqueue_dma source(%dma_start3A_27 : memref<128x128xf32, #tpu.memory_space<hbm>>) target(%arg9 : memref<128x128xf32, #tpu.memory_space<vmem>>) target_semaphore(%arg12 : memref<!tpu.dma_semaphore, #tpu.memory_space<semaphore_mem>>)
    %scan3A = arith.constant 0 : i32
    %scan3A_28 = arith.constant 0 : i32
    %scan3A_29 = arith.constant 19 : i32
    %scan3A_30 = arith.addi %scan3A_28, %scan3A_29 : i32
    %scan3A_31 = arith.constant 1 : i32
    scf.for %scan3A_46 = %scan3A_28 to %scan3A_30 step %scan3A_31  : i32 {
      %mul3A_47 = arith.constant 2 : i32
      %mul3A_48 = arith.muli %mul3A_47, %scan3A_46 : i32
      %add3A_49 = arith.constant 0 : i32
      %add3A_50 = arith.addi %mul3A_48, %add3A_49 : i32
      %mul3A_51 = arith.constant 128 : i32
      %mul3A_52 = arith.muli %add3A_50, %mul3A_51 : i32
      %add3A_53 = arith.addi %add3A_4, %mul3A_52 : i32
      %mul3A_54 = arith.constant 128 : i32
      %mul3A_55 = arith.muli %add3A_50, %mul3A_54 : i32
      %add3A_56 = arith.addi %mul3A_2, %mul3A_55 : i32
      %dma_wait3A = tpu.memref_slice %arg3[%add3A_53] : memref<320000xi32, #tpu.memory_space<hbm>> -> memref<128xi32, #tpu.memory_space<hbm>>
      %dma_wait3A_57 = tpu.memref_slice %arg3[%add3A_53] : memref<320000xi32, #tpu.memory_space<hbm>> -> memref<128xi32, #tpu.memory_space<hbm>>
      tpu.wait_dma2 semaphore(%arg11 : memref<!tpu.dma_semaphore, #tpu.memory_space<semaphore_mem>>) src(%dma_wait3A_57 : memref<128xi32, #tpu.memory_space<hbm>>) dst(%arg6 : memref<128xi32, #tpu.memory_space<vmem>>)
      %dma_wait3A_58 = arith.constant 0 : i32
      %dma_wait3A_59 = tpu.memref_slice %arg2[%add3A_56, %dma_wait3A_58] : memref<160000x128xf32, #tpu.memory_space<hbm>> -> memref<128x128xf32, #tpu.memory_space<hbm>>
      %dma_wait3A_60 = arith.constant 0 : i32
      %dma_wait3A_61 = tpu.memref_slice %arg2[%add3A_56, %dma_wait3A_60] : memref<160000x128xf32, #tpu.memory_space<hbm>> -> memref<128x128xf32, #tpu.memory_space<hbm>>
      tpu.wait_dma2 semaphore(%arg11 : memref<!tpu.dma_semaphore, #tpu.memory_space<semaphore_mem>>) src(%dma_wait3A_61 : memref<128x128xf32, #tpu.memory_space<hbm>>) dst(%arg8 : memref<128x128xf32, #tpu.memory_space<vmem>>)
      "tpu.region"() ({
        %run_scoped3A = tpu.sem_alloc : memref<!tpu.dma_semaphore, #tpu.memory_space<semaphore_mem>>
        %dma_start3A_83 = arith.constant 0 : i32
        %dma_start3A_84 = arith.constant 0 : i32
        %dma_start3A_85 = tpu.memref_slice %arg10[%dma_start3A_83, %dma_start3A_84] : memref<10112x128xf32, #tpu.memory_space<vmem_shared>> -> memref<10112x128xf32, #tpu.memory_space<vmem_shared>>
        tpu.enqueue_indirect_dma source(%arg8 : memref<128x128xf32, #tpu.memory_space<vmem>>) target(%dma_start3A_85 : memref<10112x128xf32, #tpu.memory_space<vmem_shared>>) offsets(%arg6 : memref<128xi32, #tpu.memory_space<vmem>>) semaphore(%run_scoped3A : memref<!tpu.dma_semaphore, #tpu.memory_space<semaphore_mem>>) {add = true}
        %dma_wait3A_86 = arith.constant 0 : i32
        %dma_wait3A_87 = arith.constant 0 : i32
        %dma_wait3A_88 = tpu.memref_slice %arg10[%dma_wait3A_86, %dma_wait3A_87] : memref<10112x128xf32, #tpu.memory_space<vmem_shared>> -> memref<10112x128xf32, #tpu.memory_space<vmem_shared>>
        tpu.wait_indirect_dma semaphore(%run_scoped3A : memref<!tpu.dma_semaphore, #tpu.memory_space<semaphore_mem>>) src(%arg8 : memref<128x128xf32, #tpu.memory_space<vmem>>) dst(%dma_wait3A_88 : memref<10112x128xf32, #tpu.memory_space<vmem_shared>>)
        tpu.yield
      }) : () -> ()
      %lt3A = arith.constant 18 : i32
      %lt3A_62 = arith.cmpi slt, %scan3A_46, %lt3A : i32
      %convert_element_type3A = arith.extui %lt3A_62 : i1 to i32
      %cond3A = arith.constant 0 : i32
      %cond3A_63 = arith.cmpi ne, %convert_element_type3A, %cond3A : i32
      scf.if %cond3A_63 {
        %add3A_83 = arith.constant 2 : i32
        %add3A_84 = arith.addi %mul3A_48, %add3A_83 : i32
        %add3A_85 = arith.constant 0 : i32
        %add3A_86 = arith.addi %add3A_84, %add3A_85 : i32
        %mul3A_87 = arith.constant 128 : i32
        %mul3A_88 = arith.muli %add3A_86, %mul3A_87 : i32
        %add3A_89 = arith.addi %add3A_4, %mul3A_88 : i32
        %mul3A_90 = arith.constant 128 : i32
        %mul3A_91 = arith.muli %add3A_86, %mul3A_90 : i32
        %add3A_92 = arith.addi %mul3A_2, %mul3A_91 : i32
        %dma_start3A_93 = tpu.memref_slice %arg3[%add3A_89] : memref<320000xi32, #tpu.memory_space<hbm>> -> memref<128xi32, #tpu.memory_space<hbm>>
        %dma_start3A_94 = tpu.memref_slice %arg3[%add3A_89] : memref<320000xi32, #tpu.memory_space<hbm>> -> memref<128xi32, #tpu.memory_space<hbm>>
        tpu.enqueue_dma source(%dma_start3A_94 : memref<128xi32, #tpu.memory_space<hbm>>) target(%arg6 : memref<128xi32, #tpu.memory_space<vmem>>) target_semaphore(%arg11 : memref<!tpu.dma_semaphore, #tpu.memory_space<semaphore_mem>>)
        %dma_start3A_95 = arith.constant 0 : i32
        %dma_start3A_96 = tpu.memref_slice %arg2[%add3A_92, %dma_start3A_95] : memref<160000x128xf32, #tpu.memory_space<hbm>> -> memref<128x128xf32, #tpu.memory_space<hbm>>
        %dma_start3A_97 = arith.constant 0 : i32
        %dma_start3A_98 = tpu.memref_slice %arg2[%add3A_92, %dma_start3A_97] : memref<160000x128xf32, #tpu.memory_space<hbm>> -> memref<128x128xf32, #tpu.memory_space<hbm>>
        tpu.enqueue_dma source(%dma_start3A_98 : memref<128x128xf32, #tpu.memory_space<hbm>>) target(%arg8 : memref<128x128xf32, #tpu.memory_space<vmem>>) target_semaphore(%arg11 : memref<!tpu.dma_semaphore, #tpu.memory_space<semaphore_mem>>)
      } else {
      }
      %add3A_64 = arith.constant 1 : i32
      %add3A_65 = arith.addi %mul3A_48, %add3A_64 : i32
      %mul3A_66 = arith.constant 128 : i32
      %mul3A_67 = arith.muli %add3A_65, %mul3A_66 : i32
      %add3A_68 = arith.addi %add3A_4, %mul3A_67 : i32
      %mul3A_69 = arith.constant 128 : i32
      %mul3A_70 = arith.muli %add3A_65, %mul3A_69 : i32
      %add3A_71 = arith.addi %mul3A_2, %mul3A_70 : i32
      %dma_wait3A_72 = tpu.memref_slice %arg3[%add3A_68] : memref<320000xi32, #tpu.memory_space<hbm>> -> memref<128xi32, #tpu.memory_space<hbm>>
      %dma_wait3A_73 = tpu.memref_slice %arg3[%add3A_68] : memref<320000xi32, #tpu.memory_space<hbm>> -> memref<128xi32, #tpu.memory_space<hbm>>
      tpu.wait_dma2 semaphore(%arg12 : memref<!tpu.dma_semaphore, #tpu.memory_space<semaphore_mem>>) src(%dma_wait3A_73 : memref<128xi32, #tpu.memory_space<hbm>>) dst(%arg7 : memref<128xi32, #tpu.memory_space<vmem>>)
      %dma_wait3A_74 = arith.constant 0 : i32
      %dma_wait3A_75 = tpu.memref_slice %arg2[%add3A_71, %dma_wait3A_74] : memref<160000x128xf32, #tpu.memory_space<hbm>> -> memref<128x128xf32, #tpu.memory_space<hbm>>
      %dma_wait3A_76 = arith.constant 0 : i32
      %dma_wait3A_77 = tpu.memref_slice %arg2[%add3A_71, %dma_wait3A_76] : memref<160000x128xf32, #tpu.memory_space<hbm>> -> memref<128x128xf32, #tpu.memory_space<hbm>>
      tpu.wait_dma2 semaphore(%arg12 : memref<!tpu.dma_semaphore, #tpu.memory_space<semaphore_mem>>) src(%dma_wait3A_77 : memref<128x128xf32, #tpu.memory_space<hbm>>) dst(%arg9 : memref<128x128xf32, #tpu.memory_space<vmem>>)
      "tpu.region"() ({
        %run_scoped3A = tpu.sem_alloc : memref<!tpu.dma_semaphore, #tpu.memory_space<semaphore_mem>>
        %dma_start3A_83 = arith.constant 0 : i32
        %dma_start3A_84 = arith.constant 0 : i32
        %dma_start3A_85 = tpu.memref_slice %arg10[%dma_start3A_83, %dma_start3A_84] : memref<10112x128xf32, #tpu.memory_space<vmem_shared>> -> memref<10112x128xf32, #tpu.memory_space<vmem_shared>>
        tpu.enqueue_indirect_dma source(%arg9 : memref<128x128xf32, #tpu.memory_space<vmem>>) target(%dma_start3A_85 : memref<10112x128xf32, #tpu.memory_space<vmem_shared>>) offsets(%arg7 : memref<128xi32, #tpu.memory_space<vmem>>) semaphore(%run_scoped3A : memref<!tpu.dma_semaphore, #tpu.memory_space<semaphore_mem>>) {add = true}
        %dma_wait3A_86 = arith.constant 0 : i32
        %dma_wait3A_87 = arith.constant 0 : i32
        %dma_wait3A_88 = tpu.memref_slice %arg10[%dma_wait3A_86, %dma_wait3A_87] : memref<10112x128xf32, #tpu.memory_space<vmem_shared>> -> memref<10112x128xf32, #tpu.memory_space<vmem_shared>>
        tpu.wait_indirect_dma semaphore(%run_scoped3A : memref<!tpu.dma_semaphore, #tpu.memory_space<semaphore_mem>>) src(%arg9 : memref<128x128xf32, #tpu.memory_space<vmem>>) dst(%dma_wait3A_88 : memref<10112x128xf32, #tpu.memory_space<vmem_shared>>)
        tpu.yield
      }) : () -> ()
      %lt3A_78 = arith.constant 18 : i32
      %lt3A_79 = arith.cmpi slt, %scan3A_46, %lt3A_78 : i32
      %convert_element_type3A_80 = arith.extui %lt3A_79 : i1 to i32
      %cond3A_81 = arith.constant 0 : i32
      %cond3A_82 = arith.cmpi ne, %convert_element_type3A_80, %cond3A_81 : i32
      scf.if %cond3A_82 {
        %add3A_83 = arith.constant 2 : i32
        %add3A_84 = arith.addi %mul3A_48, %add3A_83 : i32
        %add3A_85 = arith.constant 1 : i32
        %add3A_86 = arith.addi %add3A_84, %add3A_85 : i32
        %mul3A_87 = arith.constant 128 : i32
        %mul3A_88 = arith.muli %add3A_86, %mul3A_87 : i32
        %add3A_89 = arith.addi %add3A_4, %mul3A_88 : i32
        %mul3A_90 = arith.constant 128 : i32
        %mul3A_91 = arith.muli %add3A_86, %mul3A_90 : i32
        %add3A_92 = arith.addi %mul3A_2, %mul3A_91 : i32
        %dma_start3A_93 = tpu.memref_slice %arg3[%add3A_89] : memref<320000xi32, #tpu.memory_space<hbm>> -> memref<128xi32, #tpu.memory_space<hbm>>
        %dma_start3A_94 = tpu.memref_slice %arg3[%add3A_89] : memref<320000xi32, #tpu.memory_space<hbm>> -> memref<128xi32, #tpu.memory_space<hbm>>
        tpu.enqueue_dma source(%dma_start3A_94 : memref<128xi32, #tpu.memory_space<hbm>>) target(%arg7 : memref<128xi32, #tpu.memory_space<vmem>>) target_semaphore(%arg12 : memref<!tpu.dma_semaphore, #tpu.memory_space<semaphore_mem>>)
        %dma_start3A_95 = arith.constant 0 : i32
        %dma_start3A_96 = tpu.memref_slice %arg2[%add3A_92, %dma_start3A_95] : memref<160000x128xf32, #tpu.memory_space<hbm>> -> memref<128x128xf32, #tpu.memory_space<hbm>>
        %dma_start3A_97 = arith.constant 0 : i32
        %dma_start3A_98 = tpu.memref_slice %arg2[%add3A_92, %dma_start3A_97] : memref<160000x128xf32, #tpu.memory_space<hbm>> -> memref<128x128xf32, #tpu.memory_space<hbm>>
        tpu.enqueue_dma source(%dma_start3A_98 : memref<128x128xf32, #tpu.memory_space<hbm>>) target(%arg9 : memref<128x128xf32, #tpu.memory_space<vmem>>) target_semaphore(%arg12 : memref<!tpu.dma_semaphore, #tpu.memory_space<semaphore_mem>>)
      } else {
      }
    }
    %scan3A_32 = arith.constant 19 : i32
    %add3A_33 = arith.constant 4864 : i32
    %add3A_34 = arith.addi %add3A_4, %add3A_33 : i32
    "tpu.region"() ({
      %run_scoped3A = tpu.sem_alloc : memref<!tpu.dma_semaphore, #tpu.memory_space<semaphore_mem>>
      %dma_start3A_46 = tpu.memref_slice %arg3[%add3A_34] : memref<320000xi32, #tpu.memory_space<hbm>> -> memref<128xi32, #tpu.memory_space<hbm>>
      %dma_start3A_47 = tpu.memref_slice %arg3[%add3A_34] : memref<320000xi32, #tpu.memory_space<hbm>> -> memref<128xi32, #tpu.memory_space<hbm>>
      tpu.enqueue_dma source(%dma_start3A_47 : memref<128xi32, #tpu.memory_space<hbm>>) target(%arg13 : memref<128xi32, #tpu.memory_space<vmem>>) target_semaphore(%run_scoped3A : memref<!tpu.dma_semaphore, #tpu.memory_space<semaphore_mem>>)
      %dma_wait3A = tpu.memref_slice %arg3[%add3A_34] : memref<320000xi32, #tpu.memory_space<hbm>> -> memref<128xi32, #tpu.memory_space<hbm>>
      %dma_wait3A_48 = tpu.memref_slice %arg3[%add3A_34] : memref<320000xi32, #tpu.memory_space<hbm>> -> memref<128xi32, #tpu.memory_space<hbm>>
      tpu.wait_dma2 semaphore(%run_scoped3A : memref<!tpu.dma_semaphore, #tpu.memory_space<semaphore_mem>>) src(%dma_wait3A_48 : memref<128xi32, #tpu.memory_space<hbm>>) dst(%arg13 : memref<128xi32, #tpu.memory_space<vmem>>)
      tpu.yield
    }) : () -> ()
    %add3A_35 = arith.constant 4864 : i32
    %add3A_36 = arith.addi %mul3A_2, %add3A_35 : i32
    "tpu.region"() ({
      %run_scoped3A = tpu.sem_alloc : memref<!tpu.dma_semaphore, #tpu.memory_space<semaphore_mem>>
      %dma_start3A_46 = arith.constant 0 : i32
      %dma_start3A_47 = arith.constant 0 : i32
      %dma_start3A_48 = tpu.memref_slice %arg8[%dma_start3A_46, %dma_start3A_47] : memref<128x128xf32, #tpu.memory_space<vmem>> -> memref<128x128xf32, #tpu.memory_space<vmem>>
      %dma_start3A_49 = arith.constant 0 : i32
      %dma_start3A_50 = tpu.memref_slice %arg2[%add3A_36, %dma_start3A_49] : memref<160000x128xf32, #tpu.memory_space<hbm>> -> memref<128x128xf32, #tpu.memory_space<hbm>>
      %dma_start3A_51 = arith.constant 0 : i32
      %dma_start3A_52 = arith.constant 0 : i32
      %dma_start3A_53 = tpu.memref_slice %arg8[%dma_start3A_51, %dma_start3A_52] : memref<128x128xf32, #tpu.memory_space<vmem>> -> memref<128x128xf32, #tpu.memory_space<vmem>>
      %dma_start3A_54 = arith.constant 0 : i32
      %dma_start3A_55 = tpu.memref_slice %arg2[%add3A_36, %dma_start3A_54] : memref<160000x128xf32, #tpu.memory_space<hbm>> -> memref<128x128xf32, #tpu.memory_space<hbm>>
      tpu.enqueue_dma source(%dma_start3A_55 : memref<128x128xf32, #tpu.memory_space<hbm>>) target(%dma_start3A_53 : memref<128x128xf32, #tpu.memory_space<vmem>>) target_semaphore(%run_scoped3A : memref<!tpu.dma_semaphore, #tpu.memory_space<semaphore_mem>>)
      %dma_wait3A = arith.constant 0 : i32
      %dma_wait3A_56 = arith.constant 0 : i32
      %dma_wait3A_57 = tpu.memref_slice %arg8[%dma_wait3A, %dma_wait3A_56] : memref<128x128xf32, #tpu.memory_space<vmem>> -> memref<128x128xf32, #tpu.memory_space<vmem>>
      %dma_wait3A_58 = arith.constant 0 : i32
      %dma_wait3A_59 = tpu.memref_slice %arg2[%add3A_36, %dma_wait3A_58] : memref<160000x128xf32, #tpu.memory_space<hbm>> -> memref<128x128xf32, #tpu.memory_space<hbm>>
      %dma_wait3A_60 = arith.constant 0 : i32
      %dma_wait3A_61 = arith.constant 0 : i32
      %dma_wait3A_62 = tpu.memref_slice %arg8[%dma_wait3A_60, %dma_wait3A_61] : memref<128x128xf32, #tpu.memory_space<vmem>> -> memref<128x128xf32, #tpu.memory_space<vmem>>
      %dma_wait3A_63 = arith.constant 0 : i32
      %dma_wait3A_64 = tpu.memref_slice %arg2[%add3A_36, %dma_wait3A_63] : memref<160000x128xf32, #tpu.memory_space<hbm>> -> memref<128x128xf32, #tpu.memory_space<hbm>>
      tpu.wait_dma2 semaphore(%run_scoped3A : memref<!tpu.dma_semaphore, #tpu.memory_space<semaphore_mem>>) src(%dma_wait3A_64 : memref<128x128xf32, #tpu.memory_space<hbm>>) dst(%dma_wait3A_62 : memref<128x128xf32, #tpu.memory_space<vmem>>)
      tpu.yield
    }) : () -> ()
    "tpu.region"() ({
      %run_scoped3A = tpu.sem_alloc : memref<!tpu.dma_semaphore, #tpu.memory_space<semaphore_mem>>
      %dma_start3A_46 = arith.constant 0 : i32
      %dma_start3A_47 = arith.constant 0 : i32
      %dma_start3A_48 = tpu.memref_slice %arg8[%dma_start3A_46, %dma_start3A_47] : memref<128x128xf32, #tpu.memory_space<vmem>> -> memref<128x128xf32, #tpu.memory_space<vmem>>
      %dma_start3A_49 = arith.constant 0 : i32
      %dma_start3A_50 = arith.constant 0 : i32
      %dma_start3A_51 = tpu.memref_slice %arg10[%dma_start3A_49, %dma_start3A_50] : memref<10112x128xf32, #tpu.memory_space<vmem_shared>> -> memref<10112x128xf32, #tpu.memory_space<vmem_shared>>
      tpu.enqueue_indirect_dma source(%dma_start3A_48 : memref<128x128xf32, #tpu.memory_space<vmem>>) target(%dma_start3A_51 : memref<10112x128xf32, #tpu.memory_space<vmem_shared>>) offsets(%arg13 : memref<128xi32, #tpu.memory_space<vmem>>) semaphore(%run_scoped3A : memref<!tpu.dma_semaphore, #tpu.memory_space<semaphore_mem>>) {add = true}
      %dma_wait3A = arith.constant 0 : i32
      %dma_wait3A_52 = arith.constant 0 : i32
      %dma_wait3A_53 = tpu.memref_slice %arg8[%dma_wait3A, %dma_wait3A_52] : memref<128x128xf32, #tpu.memory_space<vmem>> -> memref<128x128xf32, #tpu.memory_space<vmem>>
      %dma_wait3A_54 = arith.constant 0 : i32
      %dma_wait3A_55 = arith.constant 0 : i32
      %dma_wait3A_56 = tpu.memref_slice %arg10[%dma_wait3A_54, %dma_wait3A_55] : memref<10112x128xf32, #tpu.memory_space<vmem_shared>> -> memref<10112x128xf32, #tpu.memory_space<vmem_shared>>
      tpu.wait_indirect_dma semaphore(%run_scoped3A : memref<!tpu.dma_semaphore, #tpu.memory_space<semaphore_mem>>) src(%dma_wait3A_53 : memref<128x128xf32, #tpu.memory_space<vmem>>) dst(%dma_wait3A_56 : memref<10112x128xf32, #tpu.memory_space<vmem_shared>>)
      tpu.yield
    }) : () -> ()
    %add3A_37 = arith.constant 4992 : i32
    %add3A_38 = arith.addi %add3A_4, %add3A_37 : i32
    "tpu.region"() ({
      %run_scoped3A = tpu.sem_alloc : memref<!tpu.dma_semaphore, #tpu.memory_space<semaphore_mem>>
      %dma_start3A_46 = tpu.memref_slice %arg3[%add3A_38] : memref<320000xi32, #tpu.memory_space<hbm>> -> memref<8xi32, #tpu.memory_space<hbm>>
      %dma_start3A_47 = tpu.memref_slice %arg3[%add3A_38] : memref<320000xi32, #tpu.memory_space<hbm>> -> memref<8xi32, #tpu.memory_space<hbm>>
      tpu.enqueue_dma source(%dma_start3A_47 : memref<8xi32, #tpu.memory_space<hbm>>) target(%arg14 : memref<8xi32, #tpu.memory_space<vmem>>) target_semaphore(%run_scoped3A : memref<!tpu.dma_semaphore, #tpu.memory_space<semaphore_mem>>)
      %dma_wait3A = tpu.memref_slice %arg3[%add3A_38] : memref<320000xi32, #tpu.memory_space<hbm>> -> memref<8xi32, #tpu.memory_space<hbm>>
      %dma_wait3A_48 = tpu.memref_slice %arg3[%add3A_38] : memref<320000xi32, #tpu.memory_space<hbm>> -> memref<8xi32, #tpu.memory_space<hbm>>
      tpu.wait_dma2 semaphore(%run_scoped3A : memref<!tpu.dma_semaphore, #tpu.memory_space<semaphore_mem>>) src(%dma_wait3A_48 : memref<8xi32, #tpu.memory_space<hbm>>) dst(%arg14 : memref<8xi32, #tpu.memory_space<vmem>>)
      tpu.yield
    }) : () -> ()
    %add3A_39 = arith.constant 4992 : i32
    %add3A_40 = arith.addi %mul3A_2, %add3A_39 : i32
    "tpu.region"() ({
      %run_scoped3A = tpu.sem_alloc : memref<!tpu.dma_semaphore, #tpu.memory_space<semaphore_mem>>
      %dma_start3A_46 = arith.constant 0 : i32
      %dma_start3A_47 = arith.constant 0 : i32
      %dma_start3A_48 = tpu.memref_slice %arg8[%dma_start3A_46, %dma_start3A_47] : memref<128x128xf32, #tpu.memory_space<vmem>> -> memref<8x128xf32, #tpu.memory_space<vmem>>
      %dma_start3A_49 = arith.constant 0 : i32
      %dma_start3A_50 = tpu.memref_slice %arg2[%add3A_40, %dma_start3A_49] : memref<160000x128xf32, #tpu.memory_space<hbm>> -> memref<8x128xf32, #tpu.memory_space<hbm>>
      %dma_start3A_51 = arith.constant 0 : i32
      %dma_start3A_52 = arith.constant 0 : i32
      %dma_start3A_53 = tpu.memref_slice %arg8[%dma_start3A_51, %dma_start3A_52] : memref<128x128xf32, #tpu.memory_space<vmem>> -> memref<8x128xf32, #tpu.memory_space<vmem>>
      %dma_start3A_54 = arith.constant 0 : i32
      %dma_start3A_55 = tpu.memref_slice %arg2[%add3A_40, %dma_start3A_54] : memref<160000x128xf32, #tpu.memory_space<hbm>> -> memref<8x128xf32, #tpu.memory_space<hbm>>
      tpu.enqueue_dma source(%dma_start3A_55 : memref<8x128xf32, #tpu.memory_space<hbm>>) target(%dma_start3A_53 : memref<8x128xf32, #tpu.memory_space<vmem>>) target_semaphore(%run_scoped3A : memref<!tpu.dma_semaphore, #tpu.memory_space<semaphore_mem>>)
      %dma_wait3A = arith.constant 0 : i32
      %dma_wait3A_56 = arith.constant 0 : i32
      %dma_wait3A_57 = tpu.memref_slice %arg8[%dma_wait3A, %dma_wait3A_56] : memref<128x128xf32, #tpu.memory_space<vmem>> -> memref<8x128xf32, #tpu.memory_space<vmem>>
      %dma_wait3A_58 = arith.constant 0 : i32
      %dma_wait3A_59 = tpu.memref_slice %arg2[%add3A_40, %dma_wait3A_58] : memref<160000x128xf32, #tpu.memory_space<hbm>> -> memref<8x128xf32, #tpu.memory_space<hbm>>
      %dma_wait3A_60 = arith.constant 0 : i32
      %dma_wait3A_61 = arith.constant 0 : i32
      %dma_wait3A_62 = tpu.memref_slice %arg8[%dma_wait3A_60, %dma_wait3A_61] : memref<128x128xf32, #tpu.memory_space<vmem>> -> memref<8x128xf32, #tpu.memory_space<vmem>>
      %dma_wait3A_63 = arith.constant 0 : i32
      %dma_wait3A_64 = tpu.memref_slice %arg2[%add3A_40, %dma_wait3A_63] : memref<160000x128xf32, #tpu.memory_space<hbm>> -> memref<8x128xf32, #tpu.memory_space<hbm>>
      tpu.wait_dma2 semaphore(%run_scoped3A : memref<!tpu.dma_semaphore, #tpu.memory_space<semaphore_mem>>) src(%dma_wait3A_64 : memref<8x128xf32, #tpu.memory_space<hbm>>) dst(%dma_wait3A_62 : memref<8x128xf32, #tpu.memory_space<vmem>>)
      tpu.yield
    }) : () -> ()
    "tpu.region"() ({
      %run_scoped3A = tpu.sem_alloc : memref<!tpu.dma_semaphore, #tpu.memory_space<semaphore_mem>>
      %dma_start3A_46 = arith.constant 0 : i32
      %dma_start3A_47 = arith.constant 0 : i32
      %dma_start3A_48 = tpu.memref_slice %arg8[%dma_start3A_46, %dma_start3A_47] : memref<128x128xf32, #tpu.memory_space<vmem>> -> memref<8x128xf32, #tpu.memory_space<vmem>>
      %dma_start3A_49 = arith.constant 0 : i32
      %dma_start3A_50 = arith.constant 0 : i32
      %dma_start3A_51 = tpu.memref_slice %arg10[%dma_start3A_49, %dma_start3A_50] : memref<10112x128xf32, #tpu.memory_space<vmem_shared>> -> memref<10112x128xf32, #tpu.memory_space<vmem_shared>>
      tpu.enqueue_indirect_dma source(%dma_start3A_48 : memref<8x128xf32, #tpu.memory_space<vmem>>) target(%dma_start3A_51 : memref<10112x128xf32, #tpu.memory_space<vmem_shared>>) offsets(%arg14 : memref<8xi32, #tpu.memory_space<vmem>>) semaphore(%run_scoped3A : memref<!tpu.dma_semaphore, #tpu.memory_space<semaphore_mem>>) {add = true}
      %dma_wait3A = arith.constant 0 : i32
      %dma_wait3A_52 = arith.constant 0 : i32
      %dma_wait3A_53 = tpu.memref_slice %arg8[%dma_wait3A, %dma_wait3A_52] : memref<128x128xf32, #tpu.memory_space<vmem>> -> memref<8x128xf32, #tpu.memory_space<vmem>>
      %dma_wait3A_54 = arith.constant 0 : i32
      %dma_wait3A_55 = arith.constant 0 : i32
      %dma_wait3A_56 = tpu.memref_slice %arg10[%dma_wait3A_54, %dma_wait3A_55] : memref<10112x128xf32, #tpu.memory_space<vmem_shared>> -> memref<10112x128xf32, #tpu.memory_space<vmem_shared>>
      tpu.wait_indirect_dma semaphore(%run_scoped3A : memref<!tpu.dma_semaphore, #tpu.memory_space<semaphore_mem>>) src(%dma_wait3A_53 : memref<8x128xf32, #tpu.memory_space<vmem>>) dst(%dma_wait3A_56 : memref<10112x128xf32, #tpu.memory_space<vmem_shared>>)
      tpu.yield
    }) : () -> ()
    %barrier3A_41 = arith.constant 0 : index
    tpu.barrier barrier_id(%barrier3A_41)
    %mul3A_42 = arith.constant 632 : i32
    %mul3A_43 = arith.muli %arg1, %mul3A_42 : i32
    %mul3A_44 = arith.constant 632 : i32
    %mul3A_45 = arith.muli %arg1, %mul3A_44 : i32
    "tpu.region"() ({
      %run_scoped3A = tpu.sem_alloc : memref<!tpu.dma_semaphore, #tpu.memory_space<semaphore_mem>>
      %dma_start3A_46 = arith.constant 0 : i32
      %dma_start3A_47 = arith.constant 0 : i32
      %dma_start3A_48 = tpu.memref_slice %arg5[%arg0, %dma_start3A_46, %dma_start3A_47] : memref<2x10112x128xf32, #tpu.memory_space<hbm>> -> memref<1x10112x128xf32, #tpu.memory_space<hbm>>
      %dma_start3A_49 = tpu.memref_squeeze %dma_start3A_48 : memref<1x10112x128xf32, #tpu.memory_space<hbm>> -> memref<10112x128xf32, #tpu.memory_space<hbm>>
      %dma_start3A_50 = arith.constant 0 : i32
      %dma_start3A_51 = tpu.memref_slice %dma_start3A_49[%mul3A_45, %dma_start3A_50] : memref<10112x128xf32, #tpu.memory_space<hbm>> -> memref<632x128xf32, #tpu.memory_space<hbm>>
      %dma_start3A_52 = arith.constant 0 : i32
      %dma_start3A_53 = tpu.memref_slice %arg10[%mul3A_43, %dma_start3A_52] : memref<10112x128xf32, #tpu.memory_space<vmem_shared>> -> memref<632x128xf32, #tpu.memory_space<vmem_shared>>
      tpu.enqueue_dma source(%dma_start3A_53 : memref<632x128xf32, #tpu.memory_space<vmem_shared>>) target(%dma_start3A_51 : memref<632x128xf32, #tpu.memory_space<hbm>>) target_semaphore(%run_scoped3A : memref<!tpu.dma_semaphore, #tpu.memory_space<semaphore_mem>>)
      %dma_wait3A = arith.constant 0 : i32
      %dma_wait3A_54 = arith.constant 0 : i32
      %dma_wait3A_55 = tpu.memref_slice %arg5[%arg0, %dma_wait3A, %dma_wait3A_54] : memref<2x10112x128xf32, #tpu.memory_space<hbm>> -> memref<1x10112x128xf32, #tpu.memory_space<hbm>>
      %dma_wait3A_56 = tpu.memref_squeeze %dma_wait3A_55 : memref<1x10112x128xf32, #tpu.memory_space<hbm>> -> memref<10112x128xf32, #tpu.memory_space<hbm>>
      %dma_wait3A_57 = arith.constant 0 : i32
      %dma_wait3A_58 = tpu.memref_slice %dma_wait3A_56[%mul3A_45, %dma_wait3A_57] : memref<10112x128xf32, #tpu.memory_space<hbm>> -> memref<632x128xf32, #tpu.memory_space<hbm>>
      %dma_wait3A_59 = arith.constant 0 : i32
      %dma_wait3A_60 = tpu.memref_slice %arg10[%mul3A_43, %dma_wait3A_59] : memref<10112x128xf32, #tpu.memory_space<vmem_shared>> -> memref<632x128xf32, #tpu.memory_space<vmem_shared>>
      tpu.wait_dma2 semaphore(%run_scoped3A : memref<!tpu.dma_semaphore, #tpu.memory_space<semaphore_mem>>) src(%dma_wait3A_60 : memref<632x128xf32, #tpu.memory_space<vmem_shared>>) dst(%dma_wait3A_58 : memref<632x128xf32, #tpu.memory_space<hbm>>)
      tpu.yield
    }) : () -> ()
    return
  }
}

#map = affine_map<(d0, d1) -> (0, 0)>
#map1 = affine_map<(d0, d1) -> (0)>
module attributes {stable_mosaic.version = 14 : i64} {
  func.func @gather_k(%arg0: i32, %arg1: i32, %arg2: memref<10000x128xf32, #tpu.memory_space<hbm>>, %arg3: memref<10000x128xf32, #tpu.memory_space<hbm>>, %arg4: memref<320000xi32, #tpu.memory_space<hbm>>, %arg5: memref<320000xi32, #tpu.memory_space<hbm>>, %arg6: memref<160000x128xf32, #tpu.memory_space<hbm>>, %arg7: memref<128xi32, #tpu.memory_space<vmem>>, %arg8: memref<128xi32, #tpu.memory_space<vmem>>, %arg9: memref<128xi32, #tpu.memory_space<vmem>>, %arg10: memref<128xi32, #tpu.memory_space<vmem>>, %arg11: memref<128x128xf32, #tpu.memory_space<vmem>>, %arg12: memref<128x128xf32, #tpu.memory_space<vmem>>, %arg13: memref<128x128xf32, #tpu.memory_space<vmem>>, %arg14: memref<128x128xf32, #tpu.memory_space<vmem>>, %arg15: memref<!tpu.dma_semaphore, #tpu.memory_space<semaphore_mem>>, %arg16: memref<!tpu.dma_semaphore, #tpu.memory_space<semaphore_mem>>, %arg17: memref<!tpu.dma_semaphore, #tpu.memory_space<semaphore_mem>>, %arg18: memref<!tpu.dma_semaphore, #tpu.memory_space<semaphore_mem>>, %arg19: memref<!tpu.dma_semaphore, #tpu.memory_space<semaphore_mem>>, %arg20: memref<!tpu.dma_semaphore, #tpu.memory_space<semaphore_mem>>) attributes {dimension_semantics = [#tpu.dimension_semantics<core_parallel>, #tpu.dimension_semantics<subcore_parallel>], iteration_bounds = array<i64: 2, 16>, scalar_prefetch = 0 : i64, scratch_operands = 14 : i64, tpu.core_type = #tpu.core_type<sc_vector_subcore>, window_params = [{transform_indices = #map}, {transform_indices = #map}, {transform_indices = #map1}, {transform_indices = #map1}, {transform_indices = #map}]} {
    %mul3A = arith.constant 2 : i32
    %mul3A_0 = arith.muli %arg1, %mul3A : i32
    %add3A = arith.addi %mul3A_0, %arg0 : i32
    %mul3A_1 = arith.constant 5000 : i32
    %mul3A_2 = arith.muli %add3A, %mul3A_1 : i32
    %add3A_3 = arith.constant 0 : i32
    %add3A_4 = arith.addi %add3A_3, %mul3A_2 : i32
    %add3A_5 = arith.constant 0 : i32
    %add3A_6 = arith.addi %add3A_4, %add3A_5 : i32
    %dma_start3A = tpu.memref_slice %arg4[%add3A_6] : memref<320000xi32, #tpu.memory_space<hbm>> -> memref<128xi32, #tpu.memory_space<hbm>>
    %dma_start3A_7 = tpu.memref_slice %arg4[%add3A_6] : memref<320000xi32, #tpu.memory_space<hbm>> -> memref<128xi32, #tpu.memory_space<hbm>>
    tpu.enqueue_dma source(%dma_start3A_7 : memref<128xi32, #tpu.memory_space<hbm>>) target(%arg7 : memref<128xi32, #tpu.memory_space<vmem>>) target_semaphore(%arg15 : memref<!tpu.dma_semaphore, #tpu.memory_space<semaphore_mem>>)
    %dma_start3A_8 = tpu.memref_slice %arg5[%add3A_6] : memref<320000xi32, #tpu.memory_space<hbm>> -> memref<128xi32, #tpu.memory_space<hbm>>
    %dma_start3A_9 = tpu.memref_slice %arg5[%add3A_6] : memref<320000xi32, #tpu.memory_space<hbm>> -> memref<128xi32, #tpu.memory_space<hbm>>
    tpu.enqueue_dma source(%dma_start3A_9 : memref<128xi32, #tpu.memory_space<hbm>>) target(%arg9 : memref<128xi32, #tpu.memory_space<vmem>>) target_semaphore(%arg15 : memref<!tpu.dma_semaphore, #tpu.memory_space<semaphore_mem>>)
    %add3A_10 = arith.constant 128 : i32
    %add3A_11 = arith.addi %add3A_4, %add3A_10 : i32
    %dma_start3A_12 = tpu.memref_slice %arg4[%add3A_11] : memref<320000xi32, #tpu.memory_space<hbm>> -> memref<128xi32, #tpu.memory_space<hbm>>
    %dma_start3A_13 = tpu.memref_slice %arg4[%add3A_11] : memref<320000xi32, #tpu.memory_space<hbm>> -> memref<128xi32, #tpu.memory_space<hbm>>
    tpu.enqueue_dma source(%dma_start3A_13 : memref<128xi32, #tpu.memory_space<hbm>>) target(%arg8 : memref<128xi32, #tpu.memory_space<vmem>>) target_semaphore(%arg16 : memref<!tpu.dma_semaphore, #tpu.memory_space<semaphore_mem>>)
    %dma_start3A_14 = tpu.memref_slice %arg5[%add3A_11] : memref<320000xi32, #tpu.memory_space<hbm>> -> memref<128xi32, #tpu.memory_space<hbm>>
    %dma_start3A_15 = tpu.memref_slice %arg5[%add3A_11] : memref<320000xi32, #tpu.memory_space<hbm>> -> memref<128xi32, #tpu.memory_space<hbm>>
    tpu.enqueue_dma source(%dma_start3A_15 : memref<128xi32, #tpu.memory_space<hbm>>) target(%arg10 : memref<128xi32, #tpu.memory_space<vmem>>) target_semaphore(%arg16 : memref<!tpu.dma_semaphore, #tpu.memory_space<semaphore_mem>>)
    %scan3A = arith.constant 0 : i32
    %scan3A_16 = arith.constant 0 : i32
    %scan3A_17 = arith.constant 19 : i32
    %scan3A_18 = arith.addi %scan3A_16, %scan3A_17 : i32
    %scan3A_19 = arith.constant 1 : i32
    scf.for %scan3A_120 = %scan3A_16 to %scan3A_18 step %scan3A_19  : i32 {
      %mul3A_121 = arith.constant 2 : i32
      %mul3A_122 = arith.muli %mul3A_121, %scan3A_120 : i32
      %add3A_123 = arith.constant 0 : i32
      %add3A_124 = arith.addi %mul3A_122, %add3A_123 : i32
      %mul3A_125 = arith.constant 128 : i32
      %mul3A_126 = arith.muli %add3A_124, %mul3A_125 : i32
      %add3A_127 = arith.addi %add3A_4, %mul3A_126 : i32
      %dma_wait3A_128 = tpu.memref_slice %arg4[%add3A_127] : memref<320000xi32, #tpu.memory_space<hbm>> -> memref<128xi32, #tpu.memory_space<hbm>>
      %dma_wait3A_129 = tpu.memref_slice %arg4[%add3A_127] : memref<320000xi32, #tpu.memory_space<hbm>> -> memref<128xi32, #tpu.memory_space<hbm>>
      tpu.wait_dma2 semaphore(%arg15 : memref<!tpu.dma_semaphore, #tpu.memory_space<semaphore_mem>>) src(%dma_wait3A_129 : memref<128xi32, #tpu.memory_space<hbm>>) dst(%arg7 : memref<128xi32, #tpu.memory_space<vmem>>)
      %dma_wait3A_130 = tpu.memref_slice %arg5[%add3A_127] : memref<320000xi32, #tpu.memory_space<hbm>> -> memref<128xi32, #tpu.memory_space<hbm>>
      %dma_wait3A_131 = tpu.memref_slice %arg5[%add3A_127] : memref<320000xi32, #tpu.memory_space<hbm>> -> memref<128xi32, #tpu.memory_space<hbm>>
      tpu.wait_dma2 semaphore(%arg15 : memref<!tpu.dma_semaphore, #tpu.memory_space<semaphore_mem>>) src(%dma_wait3A_131 : memref<128xi32, #tpu.memory_space<hbm>>) dst(%arg9 : memref<128xi32, #tpu.memory_space<vmem>>)
      %gt3A = arith.constant 0 : i32
      %gt3A_132 = arith.cmpi sgt, %scan3A_120, %gt3A : i32
      %convert_element_type3A = arith.extui %gt3A_132 : i1 to i32
      %cond3A = arith.constant 0 : i32
      %cond3A_133 = arith.cmpi ne, %convert_element_type3A, %cond3A : i32
      scf.if %cond3A_133 {
        %add3A_211 = arith.constant 0 : i32
        %add3A_212 = arith.addi %mul3A_122, %add3A_211 : i32
        %sub3A = arith.constant 2 : i32
        %sub3A_213 = arith.subi %add3A_212, %sub3A : i32
        %mul3A_214 = arith.constant 128 : i32
        %mul3A_215 = arith.muli %sub3A_213, %mul3A_214 : i32
        %add3A_216 = arith.addi %mul3A_2, %mul3A_215 : i32
        %dma_wait3A_217 = arith.constant 0 : i32
        %dma_wait3A_218 = tpu.memref_slice %arg6[%add3A_216, %dma_wait3A_217] : memref<160000x128xf32, #tpu.memory_space<hbm>> -> memref<128x128xf32, #tpu.memory_space<hbm>>
        %dma_wait3A_219 = arith.constant 0 : i32
        %dma_wait3A_220 = tpu.memref_slice %arg6[%add3A_216, %dma_wait3A_219] : memref<160000x128xf32, #tpu.memory_space<hbm>> -> memref<128x128xf32, #tpu.memory_space<hbm>>
        tpu.wait_dma2 semaphore(%arg19 : memref<!tpu.dma_semaphore, #tpu.memory_space<semaphore_mem>>) src(%arg11 : memref<128x128xf32, #tpu.memory_space<vmem>>) dst(%dma_wait3A_220 : memref<128x128xf32, #tpu.memory_space<hbm>>)
      } else {
      }
      %dma_start3A_134 = arith.constant 0 : i32
      %dma_start3A_135 = arith.constant 0 : i32
      %dma_start3A_136 = tpu.memref_slice %arg2[%dma_start3A_134, %dma_start3A_135] : memref<10000x128xf32, #tpu.memory_space<hbm>> -> memref<10000x128xf32, #tpu.memory_space<hbm>>
      tpu.enqueue_indirect_dma source(%dma_start3A_136 : memref<10000x128xf32, #tpu.memory_space<hbm>>) target(%arg11 : memref<128x128xf32, #tpu.memory_space<vmem>>) offsets(%arg7 : memref<128xi32, #tpu.memory_space<vmem>>) semaphore(%arg17 : memref<!tpu.dma_semaphore, #tpu.memory_space<semaphore_mem>>)
      %dma_start3A_137 = arith.constant 0 : i32
      %dma_start3A_138 = arith.constant 0 : i32
      %dma_start3A_139 = tpu.memref_slice %arg3[%dma_start3A_137, %dma_start3A_138] : memref<10000x128xf32, #tpu.memory_space<hbm>> -> memref<10000x128xf32, #tpu.memory_space<hbm>>
      tpu.enqueue_indirect_dma source(%dma_start3A_139 : memref<10000x128xf32, #tpu.memory_space<hbm>>) target(%arg13 : memref<128x128xf32, #tpu.memory_space<vmem>>) offsets(%arg9 : memref<128xi32, #tpu.memory_space<vmem>>) semaphore(%arg17 : memref<!tpu.dma_semaphore, #tpu.memory_space<semaphore_mem>>)
      %add3A_140 = arith.constant 1 : i32
      %add3A_141 = arith.addi %mul3A_122, %add3A_140 : i32
      %mul3A_142 = arith.constant 128 : i32
      %mul3A_143 = arith.muli %add3A_141, %mul3A_142 : i32
      %add3A_144 = arith.addi %add3A_4, %mul3A_143 : i32
      %dma_wait3A_145 = tpu.memref_slice %arg4[%add3A_144] : memref<320000xi32, #tpu.memory_space<hbm>> -> memref<128xi32, #tpu.memory_space<hbm>>
      %dma_wait3A_146 = tpu.memref_slice %arg4[%add3A_144] : memref<320000xi32, #tpu.memory_space<hbm>> -> memref<128xi32, #tpu.memory_space<hbm>>
      tpu.wait_dma2 semaphore(%arg16 : memref<!tpu.dma_semaphore, #tpu.memory_space<semaphore_mem>>) src(%dma_wait3A_146 : memref<128xi32, #tpu.memory_space<hbm>>) dst(%arg8 : memref<128xi32, #tpu.memory_space<vmem>>)
      %dma_wait3A_147 = tpu.memref_slice %arg5[%add3A_144] : memref<320000xi32, #tpu.memory_space<hbm>> -> memref<128xi32, #tpu.memory_space<hbm>>
      %dma_wait3A_148 = tpu.memref_slice %arg5[%add3A_144] : memref<320000xi32, #tpu.memory_space<hbm>> -> memref<128xi32, #tpu.memory_space<hbm>>
      tpu.wait_dma2 semaphore(%arg16 : memref<!tpu.dma_semaphore, #tpu.memory_space<semaphore_mem>>) src(%dma_wait3A_148 : memref<128xi32, #tpu.memory_space<hbm>>) dst(%arg10 : memref<128xi32, #tpu.memory_space<vmem>>)
      %gt3A_149 = arith.constant 0 : i32
      %gt3A_150 = arith.cmpi sgt, %scan3A_120, %gt3A_149 : i32
      %convert_element_type3A_151 = arith.extui %gt3A_150 : i1 to i32
      %cond3A_152 = arith.constant 0 : i32
      %cond3A_153 = arith.cmpi ne, %convert_element_type3A_151, %cond3A_152 : i32
      scf.if %cond3A_153 {
        %add3A_211 = arith.constant 1 : i32
        %add3A_212 = arith.addi %mul3A_122, %add3A_211 : i32
        %sub3A = arith.constant 2 : i32
        %sub3A_213 = arith.subi %add3A_212, %sub3A : i32
        %mul3A_214 = arith.constant 128 : i32
        %mul3A_215 = arith.muli %sub3A_213, %mul3A_214 : i32
        %add3A_216 = arith.addi %mul3A_2, %mul3A_215 : i32
        %dma_wait3A_217 = arith.constant 0 : i32
        %dma_wait3A_218 = tpu.memref_slice %arg6[%add3A_216, %dma_wait3A_217] : memref<160000x128xf32, #tpu.memory_space<hbm>> -> memref<128x128xf32, #tpu.memory_space<hbm>>
        %dma_wait3A_219 = arith.constant 0 : i32
        %dma_wait3A_220 = tpu.memref_slice %arg6[%add3A_216, %dma_wait3A_219] : memref<160000x128xf32, #tpu.memory_space<hbm>> -> memref<128x128xf32, #tpu.memory_space<hbm>>
        tpu.wait_dma2 semaphore(%arg20 : memref<!tpu.dma_semaphore, #tpu.memory_space<semaphore_mem>>) src(%arg12 : memref<128x128xf32, #tpu.memory_space<vmem>>) dst(%dma_wait3A_220 : memref<128x128xf32, #tpu.memory_space<hbm>>)
      } else {
      }
      %dma_start3A_154 = arith.constant 0 : i32
      %dma_start3A_155 = arith.constant 0 : i32
      %dma_start3A_156 = tpu.memref_slice %arg2[%dma_start3A_154, %dma_start3A_155] : memref<10000x128xf32, #tpu.memory_space<hbm>> -> memref<10000x128xf32, #tpu.memory_space<hbm>>
      tpu.enqueue_indirect_dma source(%dma_start3A_156 : memref<10000x128xf32, #tpu.memory_space<hbm>>) target(%arg12 : memref<128x128xf32, #tpu.memory_space<vmem>>) offsets(%arg8 : memref<128xi32, #tpu.memory_space<vmem>>) semaphore(%arg18 : memref<!tpu.dma_semaphore, #tpu.memory_space<semaphore_mem>>)
      %dma_start3A_157 = arith.constant 0 : i32
      %dma_start3A_158 = arith.constant 0 : i32
      %dma_start3A_159 = tpu.memref_slice %arg3[%dma_start3A_157, %dma_start3A_158] : memref<10000x128xf32, #tpu.memory_space<hbm>> -> memref<10000x128xf32, #tpu.memory_space<hbm>>
      tpu.enqueue_indirect_dma source(%dma_start3A_159 : memref<10000x128xf32, #tpu.memory_space<hbm>>) target(%arg14 : memref<128x128xf32, #tpu.memory_space<vmem>>) offsets(%arg10 : memref<128xi32, #tpu.memory_space<vmem>>) semaphore(%arg18 : memref<!tpu.dma_semaphore, #tpu.memory_space<semaphore_mem>>)
      %dma_wait3A_160 = arith.constant 0 : i32
      %dma_wait3A_161 = arith.constant 0 : i32
      %dma_wait3A_162 = tpu.memref_slice %arg2[%dma_wait3A_160, %dma_wait3A_161] : memref<10000x128xf32, #tpu.memory_space<hbm>> -> memref<10000x128xf32, #tpu.memory_space<hbm>>
      tpu.wait_indirect_dma semaphore(%arg17 : memref<!tpu.dma_semaphore, #tpu.memory_space<semaphore_mem>>) src(%dma_wait3A_162 : memref<10000x128xf32, #tpu.memory_space<hbm>>) dst(%arg11 : memref<128x128xf32, #tpu.memory_space<vmem>>)
      %dma_wait3A_163 = arith.constant 0 : i32
      %dma_wait3A_164 = arith.constant 0 : i32
      %dma_wait3A_165 = tpu.memref_slice %arg3[%dma_wait3A_163, %dma_wait3A_164] : memref<10000x128xf32, #tpu.memory_space<hbm>> -> memref<10000x128xf32, #tpu.memory_space<hbm>>
      tpu.wait_indirect_dma semaphore(%arg17 : memref<!tpu.dma_semaphore, #tpu.memory_space<semaphore_mem>>) src(%dma_wait3A_165 : memref<10000x128xf32, #tpu.memory_space<hbm>>) dst(%arg13 : memref<128x128xf32, #tpu.memory_space<vmem>>)
      %scan3A_166 = arith.constant 0 : i32
      %scan3A_167 = arith.constant 0 : i32
      %scan3A_168 = arith.constant 128 : i32
      %scan3A_169 = arith.addi %scan3A_167, %scan3A_168 : i32
      %scan3A_170 = arith.constant 1 : i32
      scf.for %scan3A_211 = %scan3A_167 to %scan3A_169 step %scan3A_170  : i32 {
        %get3A = arith.index_cast %scan3A_211 : i32 to index
        %get3A_212 = arith.constant 0 : index
        %get3A_213 = tpu.vector_load %arg13[%get3A, %get3A_212] {strides = array<i32>} : memref<128x128xf32, #tpu.memory_space<vmem>>, vector<1x16xf32>,
        %get3A_214 = vector.shape_cast %get3A_213 : vector<1x16xf32> to vector<16xf32>
        %swap3A = arith.index_cast %scan3A_211 : i32 to index
        %swap3A_215 = arith.constant 0 : index
        %swap3A_216 = tpu.vector_load %arg11[%swap3A, %swap3A_215] {strides = array<i32>} : memref<128x128xf32, #tpu.memory_space<vmem>>, vector<1x16xf32>,
        %swap3A_217 = vector.shape_cast %swap3A_216 : vector<1x16xf32> to vector<16xf32>
        %swap3A_218 = vector.shape_cast %get3A_214 : vector<16xf32> to vector<1x16xf32>
        tpu.vector_store %arg11[%swap3A, %swap3A_215], %swap3A_218 {add = true, strides = array<i32>} : memref<128x128xf32, #tpu.memory_space<vmem>>, vector<1x16xf32>,
        %get3A_219 = arith.index_cast %scan3A_211 : i32 to index
        %get3A_220 = arith.constant 16 : index
        %get3A_221 = tpu.vector_load %arg13[%get3A_219, %get3A_220] {strides = array<i32>} : memref<128x128xf32, #tpu.memory_space<vmem>>, vector<1x16xf32>,
        %get3A_222 = vector.shape_cast %get3A_221 : vector<1x16xf32> to vector<16xf32>
        %swap3A_223 = arith.index_cast %scan3A_211 : i32 to index
        %swap3A_224 = arith.constant 16 : index
        %swap3A_225 = tpu.vector_load %arg11[%swap3A_223, %swap3A_224] {strides = array<i32>} : memref<128x128xf32, #tpu.memory_space<vmem>>, vector<1x16xf32>,
        %swap3A_226 = vector.shape_cast %swap3A_225 : vector<1x16xf32> to vector<16xf32>
        %swap3A_227 = vector.shape_cast %get3A_222 : vector<16xf32> to vector<1x16xf32>
        tpu.vector_store %arg11[%swap3A_223, %swap3A_224], %swap3A_227 {add = true, strides = array<i32>} : memref<128x128xf32, #tpu.memory_space<vmem>>, vector<1x16xf32>,
        %get3A_228 = arith.index_cast %scan3A_211 : i32 to index
        %get3A_229 = arith.constant 32 : index
        %get3A_230 = tpu.vector_load %arg13[%get3A_228, %get3A_229] {strides = array<i32>} : memref<128x128xf32, #tpu.memory_space<vmem>>, vector<1x16xf32>,
        %get3A_231 = vector.shape_cast %get3A_230 : vector<1x16xf32> to vector<16xf32>
        %swap3A_232 = arith.index_cast %scan3A_211 : i32 to index
        %swap3A_233 = arith.constant 32 : index
        %swap3A_234 = tpu.vector_load %arg11[%swap3A_232, %swap3A_233] {strides = array<i32>} : memref<128x128xf32, #tpu.memory_space<vmem>>, vector<1x16xf32>,
        %swap3A_235 = vector.shape_cast %swap3A_234 : vector<1x16xf32> to vector<16xf32>
        %swap3A_236 = vector.shape_cast %get3A_231 : vector<16xf32> to vector<1x16xf32>
        tpu.vector_store %arg11[%swap3A_232, %swap3A_233], %swap3A_236 {add = true, strides = array<i32>} : memref<128x128xf32, #tpu.memory_space<vmem>>, vector<1x16xf32>,
        %get3A_237 = arith.index_cast %scan3A_211 : i32 to index
        %get3A_238 = arith.constant 48 : index
        %get3A_239 = tpu.vector_load %arg13[%get3A_237, %get3A_238] {strides = array<i32>} : memref<128x128xf32, #tpu.memory_space<vmem>>, vector<1x16xf32>,
        %get3A_240 = vector.shape_cast %get3A_239 : vector<1x16xf32> to vector<16xf32>
        %swap3A_241 = arith.index_cast %scan3A_211 : i32 to index
        %swap3A_242 = arith.constant 48 : index
        %swap3A_243 = tpu.vector_load %arg11[%swap3A_241, %swap3A_242] {strides = array<i32>} : memref<128x128xf32, #tpu.memory_space<vmem>>, vector<1x16xf32>,
        %swap3A_244 = vector.shape_cast %swap3A_243 : vector<1x16xf32> to vector<16xf32>
        %swap3A_245 = vector.shape_cast %get3A_240 : vector<16xf32> to vector<1x16xf32>
        tpu.vector_store %arg11[%swap3A_241, %swap3A_242], %swap3A_245 {add = true, strides = array<i32>} : memref<128x128xf32, #tpu.memory_space<vmem>>, vector<1x16xf32>,
        %get3A_246 = arith.index_cast %scan3A_211 : i32 to index
        %get3A_247 = arith.constant 64 : index
        %get3A_248 = tpu.vector_load %arg13[%get3A_246, %get3A_247] {strides = array<i32>} : memref<128x128xf32, #tpu.memory_space<vmem>>, vector<1x16xf32>,
        %get3A_249 = vector.shape_cast %get3A_248 : vector<1x16xf32> to vector<16xf32>
        %swap3A_250 = arith.index_cast %scan3A_211 : i32 to index
        %swap3A_251 = arith.constant 64 : index
        %swap3A_252 = tpu.vector_load %arg11[%swap3A_250, %swap3A_251] {strides = array<i32>} : memref<128x128xf32, #tpu.memory_space<vmem>>, vector<1x16xf32>,
        %swap3A_253 = vector.shape_cast %swap3A_252 : vector<1x16xf32> to vector<16xf32>
        %swap3A_254 = vector.shape_cast %get3A_249 : vector<16xf32> to vector<1x16xf32>
        tpu.vector_store %arg11[%swap3A_250, %swap3A_251], %swap3A_254 {add = true, strides = array<i32>} : memref<128x128xf32, #tpu.memory_space<vmem>>, vector<1x16xf32>,
        %get3A_255 = arith.index_cast %scan3A_211 : i32 to index
        %get3A_256 = arith.constant 80 : index
        %get3A_257 = tpu.vector_load %arg13[%get3A_255, %get3A_256] {strides = array<i32>} : memref<128x128xf32, #tpu.memory_space<vmem>>, vector<1x16xf32>,
        %get3A_258 = vector.shape_cast %get3A_257 : vector<1x16xf32> to vector<16xf32>
        %swap3A_259 = arith.index_cast %scan3A_211 : i32 to index
        %swap3A_260 = arith.constant 80 : index
        %swap3A_261 = tpu.vector_load %arg11[%swap3A_259, %swap3A_260] {strides = array<i32>} : memref<128x128xf32, #tpu.memory_space<vmem>>, vector<1x16xf32>,
        %swap3A_262 = vector.shape_cast %swap3A_261 : vector<1x16xf32> to vector<16xf32>
        %swap3A_263 = vector.shape_cast %get3A_258 : vector<16xf32> to vector<1x16xf32>
        tpu.vector_store %arg11[%swap3A_259, %swap3A_260], %swap3A_263 {add = true, strides = array<i32>} : memref<128x128xf32, #tpu.memory_space<vmem>>, vector<1x16xf32>,
        %get3A_264 = arith.index_cast %scan3A_211 : i32 to index
        %get3A_265 = arith.constant 96 : index
        %get3A_266 = tpu.vector_load %arg13[%get3A_264, %get3A_265] {strides = array<i32>} : memref<128x128xf32, #tpu.memory_space<vmem>>, vector<1x16xf32>,
        %get3A_267 = vector.shape_cast %get3A_266 : vector<1x16xf32> to vector<16xf32>
        %swap3A_268 = arith.index_cast %scan3A_211 : i32 to index
        %swap3A_269 = arith.constant 96 : index
        %swap3A_270 = tpu.vector_load %arg11[%swap3A_268, %swap3A_269] {strides = array<i32>} : memref<128x128xf32, #tpu.memory_space<vmem>>, vector<1x16xf32>,
        %swap3A_271 = vector.shape_cast %swap3A_270 : vector<1x16xf32> to vector<16xf32>
        %swap3A_272 = vector.shape_cast %get3A_267 : vector<16xf32> to vector<1x16xf32>
        tpu.vector_store %arg11[%swap3A_268, %swap3A_269], %swap3A_272 {add = true, strides = array<i32>} : memref<128x128xf32, #tpu.memory_space<vmem>>, vector<1x16xf32>,
        %get3A_273 = arith.index_cast %scan3A_211 : i32 to index
        %get3A_274 = arith.constant 112 : index
        %get3A_275 = tpu.vector_load %arg13[%get3A_273, %get3A_274] {strides = array<i32>} : memref<128x128xf32, #tpu.memory_space<vmem>>, vector<1x16xf32>,
        %get3A_276 = vector.shape_cast %get3A_275 : vector<1x16xf32> to vector<16xf32>
        %swap3A_277 = arith.index_cast %scan3A_211 : i32 to index
        %swap3A_278 = arith.constant 112 : index
        %swap3A_279 = tpu.vector_load %arg11[%swap3A_277, %swap3A_278] {strides = array<i32>} : memref<128x128xf32, #tpu.memory_space<vmem>>, vector<1x16xf32>,
        %swap3A_280 = vector.shape_cast %swap3A_279 : vector<1x16xf32> to vector<16xf32>
        %swap3A_281 = vector.shape_cast %get3A_276 : vector<16xf32> to vector<1x16xf32>
        tpu.vector_store %arg11[%swap3A_277, %swap3A_278], %swap3A_281 {add = true, strides = array<i32>} : memref<128x128xf32, #tpu.memory_space<vmem>>, vector<1x16xf32>,
      }
      %scan3A_171 = arith.constant 128 : i32
      %add3A_172 = arith.constant 0 : i32
      %add3A_173 = arith.addi %mul3A_122, %add3A_172 : i32
      %mul3A_174 = arith.constant 128 : i32
      %mul3A_175 = arith.muli %add3A_173, %mul3A_174 : i32
      %add3A_176 = arith.addi %mul3A_2, %mul3A_175 : i32
      %dma_start3A_177 = arith.constant 0 : i32
      %dma_start3A_178 = tpu.memref_slice %arg6[%add3A_176, %dma_start3A_177] : memref<160000x128xf32, #tpu.memory_space<hbm>> -> memref<128x128xf32, #tpu.memory_space<hbm>>
      %dma_start3A_179 = arith.constant 0 : i32
      %dma_start3A_180 = tpu.memref_slice %arg6[%add3A_176, %dma_start3A_179] : memref<160000x128xf32, #tpu.memory_space<hbm>> -> memref<128x128xf32, #tpu.memory_space<hbm>>
      tpu.enqueue_dma source(%arg11 : memref<128x128xf32, #tpu.memory_space<vmem>>) target(%dma_start3A_180 : memref<128x128xf32, #tpu.memory_space<hbm>>) target_semaphore(%arg19 : memref<!tpu.dma_semaphore, #tpu.memory_space<semaphore_mem>>)
      %lt3A = arith.constant 18 : i32
      %lt3A_181 = arith.cmpi slt, %scan3A_120, %lt3A : i32
      %convert_element_type3A_182 = arith.extui %lt3A_181 : i1 to i32
      %cond3A_183 = arith.constant 0 : i32
      %cond3A_184 = arith.cmpi ne, %convert_element_type3A_182, %cond3A_183 : i32
      scf.if %cond3A_184 {
        %add3A_211 = arith.constant 2 : i32
        %add3A_212 = arith.addi %mul3A_122, %add3A_211 : i32
        %add3A_213 = arith.constant 0 : i32
        %add3A_214 = arith.addi %add3A_212, %add3A_213 : i32
        %mul3A_215 = arith.constant 128 : i32
        %mul3A_216 = arith.muli %add3A_214, %mul3A_215 : i32
        %add3A_217 = arith.addi %add3A_4, %mul3A_216 : i32
        %dma_start3A_218 = tpu.memref_slice %arg4[%add3A_217] : memref<320000xi32, #tpu.memory_space<hbm>> -> memref<128xi32, #tpu.memory_space<hbm>>
        %dma_start3A_219 = tpu.memref_slice %arg4[%add3A_217] : memref<320000xi32, #tpu.memory_space<hbm>> -> memref<128xi32, #tpu.memory_space<hbm>>
        tpu.enqueue_dma source(%dma_start3A_219 : memref<128xi32, #tpu.memory_space<hbm>>) target(%arg7 : memref<128xi32, #tpu.memory_space<vmem>>) target_semaphore(%arg15 : memref<!tpu.dma_semaphore, #tpu.memory_space<semaphore_mem>>)
        %dma_start3A_220 = tpu.memref_slice %arg5[%add3A_217] : memref<320000xi32, #tpu.memory_space<hbm>> -> memref<128xi32, #tpu.memory_space<hbm>>
        %dma_start3A_221 = tpu.memref_slice %arg5[%add3A_217] : memref<320000xi32, #tpu.memory_space<hbm>> -> memref<128xi32, #tpu.memory_space<hbm>>
        tpu.enqueue_dma source(%dma_start3A_221 : memref<128xi32, #tpu.memory_space<hbm>>) target(%arg9 : memref<128xi32, #tpu.memory_space<vmem>>) target_semaphore(%arg15 : memref<!tpu.dma_semaphore, #tpu.memory_space<semaphore_mem>>)
      } else {
      }
      %dma_wait3A_185 = arith.constant 0 : i32
      %dma_wait3A_186 = arith.constant 0 : i32
      %dma_wait3A_187 = tpu.memref_slice %arg2[%dma_wait3A_185, %dma_wait3A_186] : memref<10000x128xf32, #tpu.memory_space<hbm>> -> memref<10000x128xf32, #tpu.memory_space<hbm>>
      tpu.wait_indirect_dma semaphore(%arg18 : memref<!tpu.dma_semaphore, #tpu.memory_space<semaphore_mem>>) src(%dma_wait3A_187 : memref<10000x128xf32, #tpu.memory_space<hbm>>) dst(%arg12 : memref<128x128xf32, #tpu.memory_space<vmem>>)
      %dma_wait3A_188 = arith.constant 0 : i32
      %dma_wait3A_189 = arith.constant 0 : i32
      %dma_wait3A_190 = tpu.memref_slice %arg3[%dma_wait3A_188, %dma_wait3A_189] : memref<10000x128xf32, #tpu.memory_space<hbm>> -> memref<10000x128xf32, #tpu.memory_space<hbm>>
      tpu.wait_indirect_dma semaphore(%arg18 : memref<!tpu.dma_semaphore, #tpu.memory_space<semaphore_mem>>) src(%dma_wait3A_190 : memref<10000x128xf32, #tpu.memory_space<hbm>>) dst(%arg14 : memref<128x128xf32, #tpu.memory_space<vmem>>)
      %scan3A_191 = arith.constant 0 : i32
      %scan3A_192 = arith.constant 0 : i32
      %scan3A_193 = arith.constant 128 : i32
      %scan3A_194 = arith.addi %scan3A_192, %scan3A_193 : i32
      %scan3A_195 = arith.constant 1 : i32
      scf.for %scan3A_211 = %scan3A_192 to %scan3A_194 step %scan3A_195  : i32 {
        %get3A = arith.index_cast %scan3A_211 : i32 to index
        %get3A_212 = arith.constant 0 : index
        %get3A_213 = tpu.vector_load %arg14[%get3A, %get3A_212] {strides = array<i32>} : memref<128x128xf32, #tpu.memory_space<vmem>>, vector<1x16xf32>,
        %get3A_214 = vector.shape_cast %get3A_213 : vector<1x16xf32> to vector<16xf32>
        %swap3A = arith.index_cast %scan3A_211 : i32 to index
        %swap3A_215 = arith.constant 0 : index
        %swap3A_216 = tpu.vector_load %arg12[%swap3A, %swap3A_215] {strides = array<i32>} : memref<128x128xf32, #tpu.memory_space<vmem>>, vector<1x16xf32>,
        %swap3A_217 = vector.shape_cast %swap3A_216 : vector<1x16xf32> to vector<16xf32>
        %swap3A_218 = vector.shape_cast %get3A_214 : vector<16xf32> to vector<1x16xf32>
        tpu.vector_store %arg12[%swap3A, %swap3A_215], %swap3A_218 {add = true, strides = array<i32>} : memref<128x128xf32, #tpu.memory_space<vmem>>, vector<1x16xf32>,
        %get3A_219 = arith.index_cast %scan3A_211 : i32 to index
        %get3A_220 = arith.constant 16 : index
        %get3A_221 = tpu.vector_load %arg14[%get3A_219, %get3A_220] {strides = array<i32>} : memref<128x128xf32, #tpu.memory_space<vmem>>, vector<1x16xf32>,
        %get3A_222 = vector.shape_cast %get3A_221 : vector<1x16xf32> to vector<16xf32>
        %swap3A_223 = arith.index_cast %scan3A_211 : i32 to index
        %swap3A_224 = arith.constant 16 : index
        %swap3A_225 = tpu.vector_load %arg12[%swap3A_223, %swap3A_224] {strides = array<i32>} : memref<128x128xf32, #tpu.memory_space<vmem>>, vector<1x16xf32>,
        %swap3A_226 = vector.shape_cast %swap3A_225 : vector<1x16xf32> to vector<16xf32>
        %swap3A_227 = vector.shape_cast %get3A_222 : vector<16xf32> to vector<1x16xf32>
        tpu.vector_store %arg12[%swap3A_223, %swap3A_224], %swap3A_227 {add = true, strides = array<i32>} : memref<128x128xf32, #tpu.memory_space<vmem>>, vector<1x16xf32>,
        %get3A_228 = arith.index_cast %scan3A_211 : i32 to index
        %get3A_229 = arith.constant 32 : index
        %get3A_230 = tpu.vector_load %arg14[%get3A_228, %get3A_229] {strides = array<i32>} : memref<128x128xf32, #tpu.memory_space<vmem>>, vector<1x16xf32>,
        %get3A_231 = vector.shape_cast %get3A_230 : vector<1x16xf32> to vector<16xf32>
        %swap3A_232 = arith.index_cast %scan3A_211 : i32 to index
        %swap3A_233 = arith.constant 32 : index
        %swap3A_234 = tpu.vector_load %arg12[%swap3A_232, %swap3A_233] {strides = array<i32>} : memref<128x128xf32, #tpu.memory_space<vmem>>, vector<1x16xf32>,
        %swap3A_235 = vector.shape_cast %swap3A_234 : vector<1x16xf32> to vector<16xf32>
        %swap3A_236 = vector.shape_cast %get3A_231 : vector<16xf32> to vector<1x16xf32>
        tpu.vector_store %arg12[%swap3A_232, %swap3A_233], %swap3A_236 {add = true, strides = array<i32>} : memref<128x128xf32, #tpu.memory_space<vmem>>, vector<1x16xf32>,
        %get3A_237 = arith.index_cast %scan3A_211 : i32 to index
        %get3A_238 = arith.constant 48 : index
        %get3A_239 = tpu.vector_load %arg14[%get3A_237, %get3A_238] {strides = array<i32>} : memref<128x128xf32, #tpu.memory_space<vmem>>, vector<1x16xf32>,
        %get3A_240 = vector.shape_cast %get3A_239 : vector<1x16xf32> to vector<16xf32>
        %swap3A_241 = arith.index_cast %scan3A_211 : i32 to index
        %swap3A_242 = arith.constant 48 : index
        %swap3A_243 = tpu.vector_load %arg12[%swap3A_241, %swap3A_242] {strides = array<i32>} : memref<128x128xf32, #tpu.memory_space<vmem>>, vector<1x16xf32>,
        %swap3A_244 = vector.shape_cast %swap3A_243 : vector<1x16xf32> to vector<16xf32>
        %swap3A_245 = vector.shape_cast %get3A_240 : vector<16xf32> to vector<1x16xf32>
        tpu.vector_store %arg12[%swap3A_241, %swap3A_242], %swap3A_245 {add = true, strides = array<i32>} : memref<128x128xf32, #tpu.memory_space<vmem>>, vector<1x16xf32>,
        %get3A_246 = arith.index_cast %scan3A_211 : i32 to index
        %get3A_247 = arith.constant 64 : index
        %get3A_248 = tpu.vector_load %arg14[%get3A_246, %get3A_247] {strides = array<i32>} : memref<128x128xf32, #tpu.memory_space<vmem>>, vector<1x16xf32>,
        %get3A_249 = vector.shape_cast %get3A_248 : vector<1x16xf32> to vector<16xf32>
        %swap3A_250 = arith.index_cast %scan3A_211 : i32 to index
        %swap3A_251 = arith.constant 64 : index
        %swap3A_252 = tpu.vector_load %arg12[%swap3A_250, %swap3A_251] {strides = array<i32>} : memref<128x128xf32, #tpu.memory_space<vmem>>, vector<1x16xf32>,
        %swap3A_253 = vector.shape_cast %swap3A_252 : vector<1x16xf32> to vector<16xf32>
        %swap3A_254 = vector.shape_cast %get3A_249 : vector<16xf32> to vector<1x16xf32>
        tpu.vector_store %arg12[%swap3A_250, %swap3A_251], %swap3A_254 {add = true, strides = array<i32>} : memref<128x128xf32, #tpu.memory_space<vmem>>, vector<1x16xf32>,
        %get3A_255 = arith.index_cast %scan3A_211 : i32 to index
        %get3A_256 = arith.constant 80 : index
        %get3A_257 = tpu.vector_load %arg14[%get3A_255, %get3A_256] {strides = array<i32>} : memref<128x128xf32, #tpu.memory_space<vmem>>, vector<1x16xf32>,
        %get3A_258 = vector.shape_cast %get3A_257 : vector<1x16xf32> to vector<16xf32>
        %swap3A_259 = arith.index_cast %scan3A_211 : i32 to index
        %swap3A_260 = arith.constant 80 : index
        %swap3A_261 = tpu.vector_load %arg12[%swap3A_259, %swap3A_260] {strides = array<i32>} : memref<128x128xf32, #tpu.memory_space<vmem>>, vector<1x16xf32>,
        %swap3A_262 = vector.shape_cast %swap3A_261 : vector<1x16xf32> to vector<16xf32>
        %swap3A_263 = vector.shape_cast %get3A_258 : vector<16xf32> to vector<1x16xf32>
        tpu.vector_store %arg12[%swap3A_259, %swap3A_260], %swap3A_263 {add = true, strides = array<i32>} : memref<128x128xf32, #tpu.memory_space<vmem>>, vector<1x16xf32>,
        %get3A_264 = arith.index_cast %scan3A_211 : i32 to index
        %get3A_265 = arith.constant 96 : index
        %get3A_266 = tpu.vector_load %arg14[%get3A_264, %get3A_265] {strides = array<i32>} : memref<128x128xf32, #tpu.memory_space<vmem>>, vector<1x16xf32>,
        %get3A_267 = vector.shape_cast %get3A_266 : vector<1x16xf32> to vector<16xf32>
        %swap3A_268 = arith.index_cast %scan3A_211 : i32 to index
        %swap3A_269 = arith.constant 96 : index
        %swap3A_270 = tpu.vector_load %arg12[%swap3A_268, %swap3A_269] {strides = array<i32>} : memref<128x128xf32, #tpu.memory_space<vmem>>, vector<1x16xf32>,
        %swap3A_271 = vector.shape_cast %swap3A_270 : vector<1x16xf32> to vector<16xf32>
        %swap3A_272 = vector.shape_cast %get3A_267 : vector<16xf32> to vector<1x16xf32>
        tpu.vector_store %arg12[%swap3A_268, %swap3A_269], %swap3A_272 {add = true, strides = array<i32>} : memref<128x128xf32, #tpu.memory_space<vmem>>, vector<1x16xf32>,
        %get3A_273 = arith.index_cast %scan3A_211 : i32 to index
        %get3A_274 = arith.constant 112 : index
        %get3A_275 = tpu.vector_load %arg14[%get3A_273, %get3A_274] {strides = array<i32>} : memref<128x128xf32, #tpu.memory_space<vmem>>, vector<1x16xf32>,
        %get3A_276 = vector.shape_cast %get3A_275 : vector<1x16xf32> to vector<16xf32>
        %swap3A_277 = arith.index_cast %scan3A_211 : i32 to index
        %swap3A_278 = arith.constant 112 : index
        %swap3A_279 = tpu.vector_load %arg12[%swap3A_277, %swap3A_278] {strides = array<i32>} : memref<128x128xf32, #tpu.memory_space<vmem>>, vector<1x16xf32>,
        %swap3A_280 = vector.shape_cast %swap3A_279 : vector<1x16xf32> to vector<16xf32>
        %swap3A_281 = vector.shape_cast %get3A_276 : vector<16xf32> to vector<1x16xf32>
        tpu.vector_store %arg12[%swap3A_277, %swap3A_278], %swap3A_281 {add = true, strides = array<i32>} : memref<128x128xf32, #tpu.memory_space<vmem>>, vector<1x16xf32>,
      }
      %scan3A_196 = arith.constant 128 : i32
      %add3A_197 = arith.constant 1 : i32
      %add3A_198 = arith.addi %mul3A_122, %add3A_197 : i32
      %mul3A_199 = arith.constant 128 : i32
      %mul3A_200 = arith.muli %add3A_198, %mul3A_199 : i32
      %add3A_201 = arith.addi %mul3A_2, %mul3A_200 : i32
      %dma_start3A_202 = arith.constant 0 : i32
      %dma_start3A_203 = tpu.memref_slice %arg6[%add3A_201, %dma_start3A_202] : memref<160000x128xf32, #tpu.memory_space<hbm>> -> memref<128x128xf32, #tpu.memory_space<hbm>>
      %dma_start3A_204 = arith.constant 0 : i32
      %dma_start3A_205 = tpu.memref_slice %arg6[%add3A_201, %dma_start3A_204] : memref<160000x128xf32, #tpu.memory_space<hbm>> -> memref<128x128xf32, #tpu.memory_space<hbm>>
      tpu.enqueue_dma source(%arg12 : memref<128x128xf32, #tpu.memory_space<vmem>>) target(%dma_start3A_205 : memref<128x128xf32, #tpu.memory_space<hbm>>) target_semaphore(%arg20 : memref<!tpu.dma_semaphore, #tpu.memory_space<semaphore_mem>>)
      %lt3A_206 = arith.constant 18 : i32
      %lt3A_207 = arith.cmpi slt, %scan3A_120, %lt3A_206 : i32
      %convert_element_type3A_208 = arith.extui %lt3A_207 : i1 to i32
      %cond3A_209 = arith.constant 0 : i32
      %cond3A_210 = arith.cmpi ne, %convert_element_type3A_208, %cond3A_209 : i32
      scf.if %cond3A_210 {
        %add3A_211 = arith.constant 2 : i32
        %add3A_212 = arith.addi %mul3A_122, %add3A_211 : i32
        %add3A_213 = arith.constant 1 : i32
        %add3A_214 = arith.addi %add3A_212, %add3A_213 : i32
        %mul3A_215 = arith.constant 128 : i32
        %mul3A_216 = arith.muli %add3A_214, %mul3A_215 : i32
        %add3A_217 = arith.addi %add3A_4, %mul3A_216 : i32
        %dma_start3A_218 = tpu.memref_slice %arg4[%add3A_217] : memref<320000xi32, #tpu.memory_space<hbm>> -> memref<128xi32, #tpu.memory_space<hbm>>
        %dma_start3A_219 = tpu.memref_slice %arg4[%add3A_217] : memref<320000xi32, #tpu.memory_space<hbm>> -> memref<128xi32, #tpu.memory_space<hbm>>
        tpu.enqueue_dma source(%dma_start3A_219 : memref<128xi32, #tpu.memory_space<hbm>>) target(%arg8 : memref<128xi32, #tpu.memory_space<vmem>>) target_semaphore(%arg16 : memref<!tpu.dma_semaphore, #tpu.memory_space<semaphore_mem>>)
        %dma_start3A_220 = tpu.memref_slice %arg5[%add3A_217] : memref<320000xi32, #tpu.memory_space<hbm>> -> memref<128xi32, #tpu.memory_space<hbm>>
        %dma_start3A_221 = tpu.memref_slice %arg5[%add3A_217] : memref<320000xi32, #tpu.memory_space<hbm>> -> memref<128xi32, #tpu.memory_space<hbm>>
        tpu.enqueue_dma source(%dma_start3A_221 : memref<128xi32, #tpu.memory_space<hbm>>) target(%arg10 : memref<128xi32, #tpu.memory_space<vmem>>) target_semaphore(%arg16 : memref<!tpu.dma_semaphore, #tpu.memory_space<semaphore_mem>>)
      } else {
      }
    }
    %scan3A_20 = arith.constant 19 : i32
    %add3A_21 = arith.constant 4608 : i32
    %add3A_22 = arith.addi %mul3A_2, %add3A_21 : i32
    %dma_wait3A = arith.constant 0 : i32
    %dma_wait3A_23 = tpu.memref_slice %arg6[%add3A_22, %dma_wait3A] : memref<160000x128xf32, #tpu.memory_space<hbm>> -> memref<128x128xf32, #tpu.memory_space<hbm>>
    %dma_wait3A_24 = arith.constant 0 : i32
    %dma_wait3A_25 = tpu.memref_slice %arg6[%add3A_22, %dma_wait3A_24] : memref<160000x128xf32, #tpu.memory_space<hbm>> -> memref<128x128xf32, #tpu.memory_space<hbm>>
    tpu.wait_dma2 semaphore(%arg19 : memref<!tpu.dma_semaphore, #tpu.memory_space<semaphore_mem>>) src(%arg11 : memref<128x128xf32, #tpu.memory_space<vmem>>) dst(%dma_wait3A_25 : memref<128x128xf32, #tpu.memory_space<hbm>>)
    %add3A_26 = arith.constant 4736 : i32
    %add3A_27 = arith.addi %mul3A_2, %add3A_26 : i32
    %dma_wait3A_28 = arith.constant 0 : i32
    %dma_wait3A_29 = tpu.memref_slice %arg6[%add3A_27, %dma_wait3A_28] : memref<160000x128xf32, #tpu.memory_space<hbm>> -> memref<128x128xf32, #tpu.memory_space<hbm>>
    %dma_wait3A_30 = arith.constant 0 : i32
    %dma_wait3A_31 = tpu.memref_slice %arg6[%add3A_27, %dma_wait3A_30] : memref<160000x128xf32, #tpu.memory_space<hbm>> -> memref<128x128xf32, #tpu.memory_space<hbm>>
    tpu.wait_dma2 semaphore(%arg20 : memref<!tpu.dma_semaphore, #tpu.memory_space<semaphore_mem>>) src(%arg12 : memref<128x128xf32, #tpu.memory_space<vmem>>) dst(%dma_wait3A_31 : memref<128x128xf32, #tpu.memory_space<hbm>>)
    %add3A_32 = arith.constant 4864 : i32
    %add3A_33 = arith.addi %add3A_4, %add3A_32 : i32
    "tpu.region"() ({
      %run_scoped3A = tpu.sem_alloc : memref<!tpu.dma_semaphore, #tpu.memory_space<semaphore_mem>>
      %dma_start3A_120 = arith.constant 0 : i32
      %dma_start3A_121 = tpu.memref_slice %arg7[%dma_start3A_120] : memref<128xi32, #tpu.memory_space<vmem>> -> memref<128xi32, #tpu.memory_space<vmem>>
      %dma_start3A_122 = tpu.memref_slice %arg4[%add3A_33] : memref<320000xi32, #tpu.memory_space<hbm>> -> memref<128xi32, #tpu.memory_space<hbm>>
      %dma_start3A_123 = arith.constant 0 : i32
      %dma_start3A_124 = tpu.memref_slice %arg7[%dma_start3A_123] : memref<128xi32, #tpu.memory_space<vmem>> -> memref<128xi32, #tpu.memory_space<vmem>>
      %dma_start3A_125 = tpu.memref_slice %arg4[%add3A_33] : memref<320000xi32, #tpu.memory_space<hbm>> -> memref<128xi32, #tpu.memory_space<hbm>>
      tpu.enqueue_dma source(%dma_start3A_125 : memref<128xi32, #tpu.memory_space<hbm>>) target(%dma_start3A_124 : memref<128xi32, #tpu.memory_space<vmem>>) target_semaphore(%run_scoped3A : memref<!tpu.dma_semaphore, #tpu.memory_space<semaphore_mem>>)
      %dma_wait3A_126 = arith.constant 0 : i32
      %dma_wait3A_127 = tpu.memref_slice %arg7[%dma_wait3A_126] : memref<128xi32, #tpu.memory_space<vmem>> -> memref<128xi32, #tpu.memory_space<vmem>>
      %dma_wait3A_128 = tpu.memref_slice %arg4[%add3A_33] : memref<320000xi32, #tpu.memory_space<hbm>> -> memref<128xi32, #tpu.memory_space<hbm>>
      %dma_wait3A_129 = arith.constant 0 : i32
      %dma_wait3A_130 = tpu.memref_slice %arg7[%dma_wait3A_129] : memref<128xi32, #tpu.memory_space<vmem>> -> memref<128xi32, #tpu.memory_space<vmem>>
      %dma_wait3A_131 = tpu.memref_slice %arg4[%add3A_33] : memref<320000xi32, #tpu.memory_space<hbm>> -> memref<128xi32, #tpu.memory_space<hbm>>
      tpu.wait_dma2 semaphore(%run_scoped3A : memref<!tpu.dma_semaphore, #tpu.memory_space<semaphore_mem>>) src(%dma_wait3A_131 : memref<128xi32, #tpu.memory_space<hbm>>) dst(%dma_wait3A_130 : memref<128xi32, #tpu.memory_space<vmem>>)
      tpu.yield
    }) : () -> ()
    %add3A_34 = arith.constant 4864 : i32
    %add3A_35 = arith.addi %add3A_4, %add3A_34 : i32
    "tpu.region"() ({
      %run_scoped3A = tpu.sem_alloc : memref<!tpu.dma_semaphore, #tpu.memory_space<semaphore_mem>>
      %dma_start3A_120 = arith.constant 0 : i32
      %dma_start3A_121 = tpu.memref_slice %arg9[%dma_start3A_120] : memref<128xi32, #tpu.memory_space<vmem>> -> memref<128xi32, #tpu.memory_space<vmem>>
      %dma_start3A_122 = tpu.memref_slice %arg5[%add3A_35] : memref<320000xi32, #tpu.memory_space<hbm>> -> memref<128xi32, #tpu.memory_space<hbm>>
      %dma_start3A_123 = arith.constant 0 : i32
      %dma_start3A_124 = tpu.memref_slice %arg9[%dma_start3A_123] : memref<128xi32, #tpu.memory_space<vmem>> -> memref<128xi32, #tpu.memory_space<vmem>>
      %dma_start3A_125 = tpu.memref_slice %arg5[%add3A_35] : memref<320000xi32, #tpu.memory_space<hbm>> -> memref<128xi32, #tpu.memory_space<hbm>>
      tpu.enqueue_dma source(%dma_start3A_125 : memref<128xi32, #tpu.memory_space<hbm>>) target(%dma_start3A_124 : memref<128xi32, #tpu.memory_space<vmem>>) target_semaphore(%run_scoped3A : memref<!tpu.dma_semaphore, #tpu.memory_space<semaphore_mem>>)
      %dma_wait3A_126 = arith.constant 0 : i32
      %dma_wait3A_127 = tpu.memref_slice %arg9[%dma_wait3A_126] : memref<128xi32, #tpu.memory_space<vmem>> -> memref<128xi32, #tpu.memory_space<vmem>>
      %dma_wait3A_128 = tpu.memref_slice %arg5[%add3A_35] : memref<320000xi32, #tpu.memory_space<hbm>> -> memref<128xi32, #tpu.memory_space<hbm>>
      %dma_wait3A_129 = arith.constant 0 : i32
      %dma_wait3A_130 = tpu.memref_slice %arg9[%dma_wait3A_129] : memref<128xi32, #tpu.memory_space<vmem>> -> memref<128xi32, #tpu.memory_space<vmem>>
      %dma_wait3A_131 = tpu.memref_slice %arg5[%add3A_35] : memref<320000xi32, #tpu.memory_space<hbm>> -> memref<128xi32, #tpu.memory_space<hbm>>
      tpu.wait_dma2 semaphore(%run_scoped3A : memref<!tpu.dma_semaphore, #tpu.memory_space<semaphore_mem>>) src(%dma_wait3A_131 : memref<128xi32, #tpu.memory_space<hbm>>) dst(%dma_wait3A_130 : memref<128xi32, #tpu.memory_space<vmem>>)
      tpu.yield
    }) : () -> ()
    %dma_start3A_36 = arith.constant 0 : i32
    %dma_start3A_37 = arith.constant 0 : i32
    %dma_start3A_38 = tpu.memref_slice %arg11[%dma_start3A_36, %dma_start3A_37] : memref<128x128xf32, #tpu.memory_space<vmem>> -> memref<128x128xf32, #tpu.memory_space<vmem>>
    %dma_start3A_39 = arith.constant 0 : i32
    %dma_start3A_40 = tpu.memref_slice %arg7[%dma_start3A_39] : memref<128xi32, #tpu.memory_space<vmem>> -> memref<128xi32, #tpu.memory_space<vmem>>
    %dma_start3A_41 = arith.constant 0 : i32
    %dma_start3A_42 = arith.constant 0 : i32
    %dma_start3A_43 = tpu.memref_slice %arg2[%dma_start3A_41, %dma_start3A_42] : memref<10000x128xf32, #tpu.memory_space<hbm>> -> memref<10000x128xf32, #tpu.memory_space<hbm>>
    tpu.enqueue_indirect_dma source(%dma_start3A_43 : memref<10000x128xf32, #tpu.memory_space<hbm>>) target(%dma_start3A_38 : memref<128x128xf32, #tpu.memory_space<vmem>>) offsets(%dma_start3A_40 : memref<128xi32, #tpu.memory_space<vmem>>) semaphore(%arg17 : memref<!tpu.dma_semaphore, #tpu.memory_space<semaphore_mem>>)
    %dma_start3A_44 = arith.constant 0 : i32
    %dma_start3A_45 = arith.constant 0 : i32
    %dma_start3A_46 = tpu.memref_slice %arg13[%dma_start3A_44, %dma_start3A_45] : memref<128x128xf32, #tpu.memory_space<vmem>> -> memref<128x128xf32, #tpu.memory_space<vmem>>
    %dma_start3A_47 = arith.constant 0 : i32
    %dma_start3A_48 = tpu.memref_slice %arg9[%dma_start3A_47] : memref<128xi32, #tpu.memory_space<vmem>> -> memref<128xi32, #tpu.memory_space<vmem>>
    %dma_start3A_49 = arith.constant 0 : i32
    %dma_start3A_50 = arith.constant 0 : i32
    %dma_start3A_51 = tpu.memref_slice %arg3[%dma_start3A_49, %dma_start3A_50] : memref<10000x128xf32, #tpu.memory_space<hbm>> -> memref<10000x128xf32, #tpu.memory_space<hbm>>
    tpu.enqueue_indirect_dma source(%dma_start3A_51 : memref<10000x128xf32, #tpu.memory_space<hbm>>) target(%dma_start3A_46 : memref<128x128xf32, #tpu.memory_space<vmem>>) offsets(%dma_start3A_48 : memref<128xi32, #tpu.memory_space<vmem>>) semaphore(%arg18 : memref<!tpu.dma_semaphore, #tpu.memory_space<semaphore_mem>>)
    %dma_wait3A_52 = arith.constant 0 : i32
    %dma_wait3A_53 = arith.constant 0 : i32
    %dma_wait3A_54 = tpu.memref_slice %arg11[%dma_wait3A_52, %dma_wait3A_53] : memref<128x128xf32, #tpu.memory_space<vmem>> -> memref<128x128xf32, #tpu.memory_space<vmem>>
    %dma_wait3A_55 = arith.constant 0 : i32
    %dma_wait3A_56 = tpu.memref_slice %arg7[%dma_wait3A_55] : memref<128xi32, #tpu.memory_space<vmem>> -> memref<128xi32, #tpu.memory_space<vmem>>
    %dma_wait3A_57 = arith.constant 0 : i32
    %dma_wait3A_58 = arith.constant 0 : i32
    %dma_wait3A_59 = tpu.memref_slice %arg2[%dma_wait3A_57, %dma_wait3A_58] : memref<10000x128xf32, #tpu.memory_space<hbm>> -> memref<10000x128xf32, #tpu.memory_space<hbm>>
    tpu.wait_indirect_dma semaphore(%arg17 : memref<!tpu.dma_semaphore, #tpu.memory_space<semaphore_mem>>) src(%dma_wait3A_59 : memref<10000x128xf32, #tpu.memory_space<hbm>>) dst(%dma_wait3A_54 : memref<128x128xf32, #tpu.memory_space<vmem>>)
    %dma_wait3A_60 = arith.constant 0 : i32
    %dma_wait3A_61 = arith.constant 0 : i32
    %dma_wait3A_62 = tpu.memref_slice %arg13[%dma_wait3A_60, %dma_wait3A_61] : memref<128x128xf32, #tpu.memory_space<vmem>> -> memref<128x128xf32, #tpu.memory_space<vmem>>
    %dma_wait3A_63 = arith.constant 0 : i32
    %dma_wait3A_64 = tpu.memref_slice %arg9[%dma_wait3A_63] : memref<128xi32, #tpu.memory_space<vmem>> -> memref<128xi32, #tpu.memory_space<vmem>>
    %dma_wait3A_65 = arith.constant 0 : i32
    %dma_wait3A_66 = arith.constant 0 : i32
    %dma_wait3A_67 = tpu.memref_slice %arg3[%dma_wait3A_65, %dma_wait3A_66] : memref<10000x128xf32, #tpu.memory_space<hbm>> -> memref<10000x128xf32, #tpu.memory_space<hbm>>
    tpu.wait_indirect_dma semaphore(%arg18 : memref<!tpu.dma_semaphore, #tpu.memory_space<semaphore_mem>>) src(%dma_wait3A_67 : memref<10000x128xf32, #tpu.memory_space<hbm>>) dst(%dma_wait3A_62 : memref<128x128xf32, #tpu.memory_space<vmem>>)
    %scan3A_68 = arith.constant 0 : i32
    %scan3A_69 = arith.constant 0 : i32
    %scan3A_70 = arith.constant 128 : i32
    %scan3A_71 = arith.addi %scan3A_69, %scan3A_70 : i32
    %scan3A_72 = arith.constant 1 : i32
    scf.for %scan3A_120 = %scan3A_69 to %scan3A_71 step %scan3A_72  : i32 {
      %get3A = arith.index_cast %scan3A_120 : i32 to index
      %get3A_121 = arith.constant 0 : index
      %get3A_122 = tpu.vector_load %arg13[%get3A, %get3A_121] {strides = array<i32>} : memref<128x128xf32, #tpu.memory_space<vmem>>, vector<1x16xf32>,
      %get3A_123 = vector.shape_cast %get3A_122 : vector<1x16xf32> to vector<16xf32>
      %swap3A = arith.index_cast %scan3A_120 : i32 to index
      %swap3A_124 = arith.constant 0 : index
      %swap3A_125 = tpu.vector_load %arg11[%swap3A, %swap3A_124] {strides = array<i32>} : memref<128x128xf32, #tpu.memory_space<vmem>>, vector<1x16xf32>,
      %swap3A_126 = vector.shape_cast %swap3A_125 : vector<1x16xf32> to vector<16xf32>
      %swap3A_127 = vector.shape_cast %get3A_123 : vector<16xf32> to vector<1x16xf32>
      tpu.vector_store %arg11[%swap3A, %swap3A_124], %swap3A_127 {add = true, strides = array<i32>} : memref<128x128xf32, #tpu.memory_space<vmem>>, vector<1x16xf32>,
      %get3A_128 = arith.index_cast %scan3A_120 : i32 to index
      %get3A_129 = arith.constant 16 : index
      %get3A_130 = tpu.vector_load %arg13[%get3A_128, %get3A_129] {strides = array<i32>} : memref<128x128xf32, #tpu.memory_space<vmem>>, vector<1x16xf32>,
      %get3A_131 = vector.shape_cast %get3A_130 : vector<1x16xf32> to vector<16xf32>
      %swap3A_132 = arith.index_cast %scan3A_120 : i32 to index
      %swap3A_133 = arith.constant 16 : index
      %swap3A_134 = tpu.vector_load %arg11[%swap3A_132, %swap3A_133] {strides = array<i32>} : memref<128x128xf32, #tpu.memory_space<vmem>>, vector<1x16xf32>,
      %swap3A_135 = vector.shape_cast %swap3A_134 : vector<1x16xf32> to vector<16xf32>
      %swap3A_136 = vector.shape_cast %get3A_131 : vector<16xf32> to vector<1x16xf32>
      tpu.vector_store %arg11[%swap3A_132, %swap3A_133], %swap3A_136 {add = true, strides = array<i32>} : memref<128x128xf32, #tpu.memory_space<vmem>>, vector<1x16xf32>,
      %get3A_137 = arith.index_cast %scan3A_120 : i32 to index
      %get3A_138 = arith.constant 32 : index
      %get3A_139 = tpu.vector_load %arg13[%get3A_137, %get3A_138] {strides = array<i32>} : memref<128x128xf32, #tpu.memory_space<vmem>>, vector<1x16xf32>,
      %get3A_140 = vector.shape_cast %get3A_139 : vector<1x16xf32> to vector<16xf32>
      %swap3A_141 = arith.index_cast %scan3A_120 : i32 to index
      %swap3A_142 = arith.constant 32 : index
      %swap3A_143 = tpu.vector_load %arg11[%swap3A_141, %swap3A_142] {strides = array<i32>} : memref<128x128xf32, #tpu.memory_space<vmem>>, vector<1x16xf32>,
      %swap3A_144 = vector.shape_cast %swap3A_143 : vector<1x16xf32> to vector<16xf32>
      %swap3A_145 = vector.shape_cast %get3A_140 : vector<16xf32> to vector<1x16xf32>
      tpu.vector_store %arg11[%swap3A_141, %swap3A_142], %swap3A_145 {add = true, strides = array<i32>} : memref<128x128xf32, #tpu.memory_space<vmem>>, vector<1x16xf32>,
      %get3A_146 = arith.index_cast %scan3A_120 : i32 to index
      %get3A_147 = arith.constant 48 : index
      %get3A_148 = tpu.vector_load %arg13[%get3A_146, %get3A_147] {strides = array<i32>} : memref<128x128xf32, #tpu.memory_space<vmem>>, vector<1x16xf32>,
      %get3A_149 = vector.shape_cast %get3A_148 : vector<1x16xf32> to vector<16xf32>
      %swap3A_150 = arith.index_cast %scan3A_120 : i32 to index
      %swap3A_151 = arith.constant 48 : index
      %swap3A_152 = tpu.vector_load %arg11[%swap3A_150, %swap3A_151] {strides = array<i32>} : memref<128x128xf32, #tpu.memory_space<vmem>>, vector<1x16xf32>,
      %swap3A_153 = vector.shape_cast %swap3A_152 : vector<1x16xf32> to vector<16xf32>
      %swap3A_154 = vector.shape_cast %get3A_149 : vector<16xf32> to vector<1x16xf32>
      tpu.vector_store %arg11[%swap3A_150, %swap3A_151], %swap3A_154 {add = true, strides = array<i32>} : memref<128x128xf32, #tpu.memory_space<vmem>>, vector<1x16xf32>,
      %get3A_155 = arith.index_cast %scan3A_120 : i32 to index
      %get3A_156 = arith.constant 64 : index
      %get3A_157 = tpu.vector_load %arg13[%get3A_155, %get3A_156] {strides = array<i32>} : memref<128x128xf32, #tpu.memory_space<vmem>>, vector<1x16xf32>,
      %get3A_158 = vector.shape_cast %get3A_157 : vector<1x16xf32> to vector<16xf32>
      %swap3A_159 = arith.index_cast %scan3A_120 : i32 to index
      %swap3A_160 = arith.constant 64 : index
      %swap3A_161 = tpu.vector_load %arg11[%swap3A_159, %swap3A_160] {strides = array<i32>} : memref<128x128xf32, #tpu.memory_space<vmem>>, vector<1x16xf32>,
      %swap3A_162 = vector.shape_cast %swap3A_161 : vector<1x16xf32> to vector<16xf32>
      %swap3A_163 = vector.shape_cast %get3A_158 : vector<16xf32> to vector<1x16xf32>
      tpu.vector_store %arg11[%swap3A_159, %swap3A_160], %swap3A_163 {add = true, strides = array<i32>} : memref<128x128xf32, #tpu.memory_space<vmem>>, vector<1x16xf32>,
      %get3A_164 = arith.index_cast %scan3A_120 : i32 to index
      %get3A_165 = arith.constant 80 : index
      %get3A_166 = tpu.vector_load %arg13[%get3A_164, %get3A_165] {strides = array<i32>} : memref<128x128xf32, #tpu.memory_space<vmem>>, vector<1x16xf32>,
      %get3A_167 = vector.shape_cast %get3A_166 : vector<1x16xf32> to vector<16xf32>
      %swap3A_168 = arith.index_cast %scan3A_120 : i32 to index
      %swap3A_169 = arith.constant 80 : index
      %swap3A_170 = tpu.vector_load %arg11[%swap3A_168, %swap3A_169] {strides = array<i32>} : memref<128x128xf32, #tpu.memory_space<vmem>>, vector<1x16xf32>,
      %swap3A_171 = vector.shape_cast %swap3A_170 : vector<1x16xf32> to vector<16xf32>
      %swap3A_172 = vector.shape_cast %get3A_167 : vector<16xf32> to vector<1x16xf32>
      tpu.vector_store %arg11[%swap3A_168, %swap3A_169], %swap3A_172 {add = true, strides = array<i32>} : memref<128x128xf32, #tpu.memory_space<vmem>>, vector<1x16xf32>,
      %get3A_173 = arith.index_cast %scan3A_120 : i32 to index
      %get3A_174 = arith.constant 96 : index
      %get3A_175 = tpu.vector_load %arg13[%get3A_173, %get3A_174] {strides = array<i32>} : memref<128x128xf32, #tpu.memory_space<vmem>>, vector<1x16xf32>,
      %get3A_176 = vector.shape_cast %get3A_175 : vector<1x16xf32> to vector<16xf32>
      %swap3A_177 = arith.index_cast %scan3A_120 : i32 to index
      %swap3A_178 = arith.constant 96 : index
      %swap3A_179 = tpu.vector_load %arg11[%swap3A_177, %swap3A_178] {strides = array<i32>} : memref<128x128xf32, #tpu.memory_space<vmem>>, vector<1x16xf32>,
      %swap3A_180 = vector.shape_cast %swap3A_179 : vector<1x16xf32> to vector<16xf32>
      %swap3A_181 = vector.shape_cast %get3A_176 : vector<16xf32> to vector<1x16xf32>
      tpu.vector_store %arg11[%swap3A_177, %swap3A_178], %swap3A_181 {add = true, strides = array<i32>} : memref<128x128xf32, #tpu.memory_space<vmem>>, vector<1x16xf32>,
      %get3A_182 = arith.index_cast %scan3A_120 : i32 to index
      %get3A_183 = arith.constant 112 : index
      %get3A_184 = tpu.vector_load %arg13[%get3A_182, %get3A_183] {strides = array<i32>} : memref<128x128xf32, #tpu.memory_space<vmem>>, vector<1x16xf32>,
      %get3A_185 = vector.shape_cast %get3A_184 : vector<1x16xf32> to vector<16xf32>
      %swap3A_186 = arith.index_cast %scan3A_120 : i32 to index
      %swap3A_187 = arith.constant 112 : index
      %swap3A_188 = tpu.vector_load %arg11[%swap3A_186, %swap3A_187] {strides = array<i32>} : memref<128x128xf32, #tpu.memory_space<vmem>>, vector<1x16xf32>,
      %swap3A_189 = vector.shape_cast %swap3A_188 : vector<1x16xf32> to vector<16xf32>
      %swap3A_190 = vector.shape_cast %get3A_185 : vector<16xf32> to vector<1x16xf32>
      tpu.vector_store %arg11[%swap3A_186, %swap3A_187], %swap3A_190 {add = true, strides = array<i32>} : memref<128x128xf32, #tpu.memory_space<vmem>>, vector<1x16xf32>,
    }
    %scan3A_73 = arith.constant 128 : i32
    %add3A_74 = arith.constant 4864 : i32
    %add3A_75 = arith.addi %mul3A_2, %add3A_74 : i32
    "tpu.region"() ({
      %run_scoped3A = tpu.sem_alloc : memref<!tpu.dma_semaphore, #tpu.memory_space<semaphore_mem>>
      %dma_start3A_120 = arith.constant 0 : i32
      %dma_start3A_121 = arith.constant 0 : i32
      %dma_start3A_122 = tpu.memref_slice %arg11[%dma_start3A_120, %dma_start3A_121] : memref<128x128xf32, #tpu.memory_space<vmem>> -> memref<128x128xf32, #tpu.memory_space<vmem>>
      %dma_start3A_123 = arith.constant 0 : i32
      %dma_start3A_124 = tpu.memref_slice %arg6[%add3A_75, %dma_start3A_123] : memref<160000x128xf32, #tpu.memory_space<hbm>> -> memref<128x128xf32, #tpu.memory_space<hbm>>
      %dma_start3A_125 = arith.constant 0 : i32
      %dma_start3A_126 = tpu.memref_slice %arg6[%add3A_75, %dma_start3A_125] : memref<160000x128xf32, #tpu.memory_space<hbm>> -> memref<128x128xf32, #tpu.memory_space<hbm>>
      %dma_start3A_127 = arith.constant 0 : i32
      %dma_start3A_128 = arith.constant 0 : i32
      %dma_start3A_129 = tpu.memref_slice %arg11[%dma_start3A_127, %dma_start3A_128] : memref<128x128xf32, #tpu.memory_space<vmem>> -> memref<128x128xf32, #tpu.memory_space<vmem>>
      tpu.enqueue_dma source(%dma_start3A_129 : memref<128x128xf32, #tpu.memory_space<vmem>>) target(%dma_start3A_126 : memref<128x128xf32, #tpu.memory_space<hbm>>) target_semaphore(%run_scoped3A : memref<!tpu.dma_semaphore, #tpu.memory_space<semaphore_mem>>)
      %dma_wait3A_130 = arith.constant 0 : i32
      %dma_wait3A_131 = arith.constant 0 : i32
      %dma_wait3A_132 = tpu.memref_slice %arg11[%dma_wait3A_130, %dma_wait3A_131] : memref<128x128xf32, #tpu.memory_space<vmem>> -> memref<128x128xf32, #tpu.memory_space<vmem>>
      %dma_wait3A_133 = arith.constant 0 : i32
      %dma_wait3A_134 = tpu.memref_slice %arg6[%add3A_75, %dma_wait3A_133] : memref<160000x128xf32, #tpu.memory_space<hbm>> -> memref<128x128xf32, #tpu.memory_space<hbm>>
      %dma_wait3A_135 = arith.constant 0 : i32
      %dma_wait3A_136 = tpu.memref_slice %arg6[%add3A_75, %dma_wait3A_135] : memref<160000x128xf32, #tpu.memory_space<hbm>> -> memref<128x128xf32, #tpu.memory_space<hbm>>
      %dma_wait3A_137 = arith.constant 0 : i32
      %dma_wait3A_138 = arith.constant 0 : i32
      %dma_wait3A_139 = tpu.memref_slice %arg11[%dma_wait3A_137, %dma_wait3A_138] : memref<128x128xf32, #tpu.memory_space<vmem>> -> memref<128x128xf32, #tpu.memory_space<vmem>>
      tpu.wait_dma2 semaphore(%run_scoped3A : memref<!tpu.dma_semaphore, #tpu.memory_space<semaphore_mem>>) src(%dma_wait3A_139 : memref<128x128xf32, #tpu.memory_space<vmem>>) dst(%dma_wait3A_136 : memref<128x128xf32, #tpu.memory_space<hbm>>)
      tpu.yield
    }) : () -> ()
    %add3A_76 = arith.constant 4992 : i32
    %add3A_77 = arith.addi %add3A_4, %add3A_76 : i32
    "tpu.region"() ({
      %run_scoped3A = tpu.sem_alloc : memref<!tpu.dma_semaphore, #tpu.memory_space<semaphore_mem>>
      %dma_start3A_120 = arith.constant 0 : i32
      %dma_start3A_121 = tpu.memref_slice %arg7[%dma_start3A_120] : memref<128xi32, #tpu.memory_space<vmem>> -> memref<8xi32, #tpu.memory_space<vmem>>
      %dma_start3A_122 = tpu.memref_slice %arg4[%add3A_77] : memref<320000xi32, #tpu.memory_space<hbm>> -> memref<8xi32, #tpu.memory_space<hbm>>
      %dma_start3A_123 = arith.constant 0 : i32
      %dma_start3A_124 = tpu.memref_slice %arg7[%dma_start3A_123] : memref<128xi32, #tpu.memory_space<vmem>> -> memref<8xi32, #tpu.memory_space<vmem>>
      %dma_start3A_125 = tpu.memref_slice %arg4[%add3A_77] : memref<320000xi32, #tpu.memory_space<hbm>> -> memref<8xi32, #tpu.memory_space<hbm>>
      tpu.enqueue_dma source(%dma_start3A_125 : memref<8xi32, #tpu.memory_space<hbm>>) target(%dma_start3A_124 : memref<8xi32, #tpu.memory_space<vmem>>) target_semaphore(%run_scoped3A : memref<!tpu.dma_semaphore, #tpu.memory_space<semaphore_mem>>)
      %dma_wait3A_126 = arith.constant 0 : i32
      %dma_wait3A_127 = tpu.memref_slice %arg7[%dma_wait3A_126] : memref<128xi32, #tpu.memory_space<vmem>> -> memref<8xi32, #tpu.memory_space<vmem>>
      %dma_wait3A_128 = tpu.memref_slice %arg4[%add3A_77] : memref<320000xi32, #tpu.memory_space<hbm>> -> memref<8xi32, #tpu.memory_space<hbm>>
      %dma_wait3A_129 = arith.constant 0 : i32
      %dma_wait3A_130 = tpu.memref_slice %arg7[%dma_wait3A_129] : memref<128xi32, #tpu.memory_space<vmem>> -> memref<8xi32, #tpu.memory_space<vmem>>
      %dma_wait3A_131 = tpu.memref_slice %arg4[%add3A_77] : memref<320000xi32, #tpu.memory_space<hbm>> -> memref<8xi32, #tpu.memory_space<hbm>>
      tpu.wait_dma2 semaphore(%run_scoped3A : memref<!tpu.dma_semaphore, #tpu.memory_space<semaphore_mem>>) src(%dma_wait3A_131 : memref<8xi32, #tpu.memory_space<hbm>>) dst(%dma_wait3A_130 : memref<8xi32, #tpu.memory_space<vmem>>)
      tpu.yield
    }) : () -> ()
    %add3A_78 = arith.constant 4992 : i32
    %add3A_79 = arith.addi %add3A_4, %add3A_78 : i32
    "tpu.region"() ({
      %run_scoped3A = tpu.sem_alloc : memref<!tpu.dma_semaphore, #tpu.memory_space<semaphore_mem>>
      %dma_start3A_120 = arith.constant 0 : i32
      %dma_start3A_121 = tpu.memref_slice %arg9[%dma_start3A_120] : memref<128xi32, #tpu.memory_space<vmem>> -> memref<8xi32, #tpu.memory_space<vmem>>
      %dma_start3A_122 = tpu.memref_slice %arg5[%add3A_79] : memref<320000xi32, #tpu.memory_space<hbm>> -> memref<8xi32, #tpu.memory_space<hbm>>
      %dma_start3A_123 = arith.constant 0 : i32
      %dma_start3A_124 = tpu.memref_slice %arg9[%dma_start3A_123] : memref<128xi32, #tpu.memory_space<vmem>> -> memref<8xi32, #tpu.memory_space<vmem>>
      %dma_start3A_125 = tpu.memref_slice %arg5[%add3A_79] : memref<320000xi32, #tpu.memory_space<hbm>> -> memref<8xi32, #tpu.memory_space<hbm>>
      tpu.enqueue_dma source(%dma_start3A_125 : memref<8xi32, #tpu.memory_space<hbm>>) target(%dma_start3A_124 : memref<8xi32, #tpu.memory_space<vmem>>) target_semaphore(%run_scoped3A : memref<!tpu.dma_semaphore, #tpu.memory_space<semaphore_mem>>)
      %dma_wait3A_126 = arith.constant 0 : i32
      %dma_wait3A_127 = tpu.memref_slice %arg9[%dma_wait3A_126] : memref<128xi32, #tpu.memory_space<vmem>> -> memref<8xi32, #tpu.memory_space<vmem>>
      %dma_wait3A_128 = tpu.memref_slice %arg5[%add3A_79] : memref<320000xi32, #tpu.memory_space<hbm>> -> memref<8xi32, #tpu.memory_space<hbm>>
      %dma_wait3A_129 = arith.constant 0 : i32
      %dma_wait3A_130 = tpu.memref_slice %arg9[%dma_wait3A_129] : memref<128xi32, #tpu.memory_space<vmem>> -> memref<8xi32, #tpu.memory_space<vmem>>
      %dma_wait3A_131 = tpu.memref_slice %arg5[%add3A_79] : memref<320000xi32, #tpu.memory_space<hbm>> -> memref<8xi32, #tpu.memory_space<hbm>>
      tpu.wait_dma2 semaphore(%run_scoped3A : memref<!tpu.dma_semaphore, #tpu.memory_space<semaphore_mem>>) src(%dma_wait3A_131 : memref<8xi32, #tpu.memory_space<hbm>>) dst(%dma_wait3A_130 : memref<8xi32, #tpu.memory_space<vmem>>)
      tpu.yield
    }) : () -> ()
    %dma_start3A_80 = arith.constant 0 : i32
    %dma_start3A_81 = arith.constant 0 : i32
    %dma_start3A_82 = tpu.memref_slice %arg11[%dma_start3A_80, %dma_start3A_81] : memref<128x128xf32, #tpu.memory_space<vmem>> -> memref<8x128xf32, #tpu.memory_space<vmem>>
    %dma_start3A_83 = arith.constant 0 : i32
    %dma_start3A_84 = tpu.memref_slice %arg7[%dma_start3A_83] : memref<128xi32, #tpu.memory_space<vmem>> -> memref<8xi32, #tpu.memory_space<vmem>>
    %dma_start3A_85 = arith.constant 0 : i32
    %dma_start3A_86 = arith.constant 0 : i32
    %dma_start3A_87 = tpu.memref_slice %arg2[%dma_start3A_85, %dma_start3A_86] : memref<10000x128xf32, #tpu.memory_space<hbm>> -> memref<10000x128xf32, #tpu.memory_space<hbm>>
    tpu.enqueue_indirect_dma source(%dma_start3A_87 : memref<10000x128xf32, #tpu.memory_space<hbm>>) target(%dma_start3A_82 : memref<8x128xf32, #tpu.memory_space<vmem>>) offsets(%dma_start3A_84 : memref<8xi32, #tpu.memory_space<vmem>>) semaphore(%arg17 : memref<!tpu.dma_semaphore, #tpu.memory_space<semaphore_mem>>)
    %dma_start3A_88 = arith.constant 0 : i32
    %dma_start3A_89 = arith.constant 0 : i32
    %dma_start3A_90 = tpu.memref_slice %arg13[%dma_start3A_88, %dma_start3A_89] : memref<128x128xf32, #tpu.memory_space<vmem>> -> memref<8x128xf32, #tpu.memory_space<vmem>>
    %dma_start3A_91 = arith.constant 0 : i32
    %dma_start3A_92 = tpu.memref_slice %arg9[%dma_start3A_91] : memref<128xi32, #tpu.memory_space<vmem>> -> memref<8xi32, #tpu.memory_space<vmem>>
    %dma_start3A_93 = arith.constant 0 : i32
    %dma_start3A_94 = arith.constant 0 : i32
    %dma_start3A_95 = tpu.memref_slice %arg3[%dma_start3A_93, %dma_start3A_94] : memref<10000x128xf32, #tpu.memory_space<hbm>> -> memref<10000x128xf32, #tpu.memory_space<hbm>>
    tpu.enqueue_indirect_dma source(%dma_start3A_95 : memref<10000x128xf32, #tpu.memory_space<hbm>>) target(%dma_start3A_90 : memref<8x128xf32, #tpu.memory_space<vmem>>) offsets(%dma_start3A_92 : memref<8xi32, #tpu.memory_space<vmem>>) semaphore(%arg18 : memref<!tpu.dma_semaphore, #tpu.memory_space<semaphore_mem>>)
    %dma_wait3A_96 = arith.constant 0 : i32
    %dma_wait3A_97 = arith.constant 0 : i32
    %dma_wait3A_98 = tpu.memref_slice %arg11[%dma_wait3A_96, %dma_wait3A_97] : memref<128x128xf32, #tpu.memory_space<vmem>> -> memref<8x128xf32, #tpu.memory_space<vmem>>
    %dma_wait3A_99 = arith.constant 0 : i32
    %dma_wait3A_100 = tpu.memref_slice %arg7[%dma_wait3A_99] : memref<128xi32, #tpu.memory_space<vmem>> -> memref<8xi32, #tpu.memory_space<vmem>>
    %dma_wait3A_101 = arith.constant 0 : i32
    %dma_wait3A_102 = arith.constant 0 : i32
    %dma_wait3A_103 = tpu.memref_slice %arg2[%dma_wait3A_101, %dma_wait3A_102] : memref<10000x128xf32, #tpu.memory_space<hbm>> -> memref<10000x128xf32, #tpu.memory_space<hbm>>
    tpu.wait_indirect_dma semaphore(%arg17 : memref<!tpu.dma_semaphore, #tpu.memory_space<semaphore_mem>>) src(%dma_wait3A_103 : memref<10000x128xf32, #tpu.memory_space<hbm>>) dst(%dma_wait3A_98 : memref<8x128xf32, #tpu.memory_space<vmem>>)
    %dma_wait3A_104 = arith.constant 0 : i32
    %dma_wait3A_105 = arith.constant 0 : i32
    %dma_wait3A_106 = tpu.memref_slice %arg13[%dma_wait3A_104, %dma_wait3A_105] : memref<128x128xf32, #tpu.memory_space<vmem>> -> memref<8x128xf32, #tpu.memory_space<vmem>>
    %dma_wait3A_107 = arith.constant 0 : i32
    %dma_wait3A_108 = tpu.memref_slice %arg9[%dma_wait3A_107] : memref<128xi32, #tpu.memory_space<vmem>> -> memref<8xi32, #tpu.memory_space<vmem>>
    %dma_wait3A_109 = arith.constant 0 : i32
    %dma_wait3A_110 = arith.constant 0 : i32
    %dma_wait3A_111 = tpu.memref_slice %arg3[%dma_wait3A_109, %dma_wait3A_110] : memref<10000x128xf32, #tpu.memory_space<hbm>> -> memref<10000x128xf32, #tpu.memory_space<hbm>>
    tpu.wait_indirect_dma semaphore(%arg18 : memref<!tpu.dma_semaphore, #tpu.memory_space<semaphore_mem>>) src(%dma_wait3A_111 : memref<10000x128xf32, #tpu.memory_space<hbm>>) dst(%dma_wait3A_106 : memref<8x128xf32, #tpu.memory_space<vmem>>)
    %scan3A_112 = arith.constant 0 : i32
    %scan3A_113 = arith.constant 0 : i32
    %scan3A_114 = arith.constant 8 : i32
    %scan3A_115 = arith.addi %scan3A_113, %scan3A_114 : i32
    %scan3A_116 = arith.constant 1 : i32
    scf.for %scan3A_120 = %scan3A_113 to %scan3A_115 step %scan3A_116  : i32 {
      %get3A = arith.index_cast %scan3A_120 : i32 to index
      %get3A_121 = arith.constant 0 : index
      %get3A_122 = tpu.vector_load %arg13[%get3A, %get3A_121] {strides = array<i32>} : memref<128x128xf32, #tpu.memory_space<vmem>>, vector<1x16xf32>,
      %get3A_123 = vector.shape_cast %get3A_122 : vector<1x16xf32> to vector<16xf32>
      %swap3A = arith.index_cast %scan3A_120 : i32 to index
      %swap3A_124 = arith.constant 0 : index
      %swap3A_125 = tpu.vector_load %arg11[%swap3A, %swap3A_124] {strides = array<i32>} : memref<128x128xf32, #tpu.memory_space<vmem>>, vector<1x16xf32>,
      %swap3A_126 = vector.shape_cast %swap3A_125 : vector<1x16xf32> to vector<16xf32>
      %swap3A_127 = vector.shape_cast %get3A_123 : vector<16xf32> to vector<1x16xf32>
      tpu.vector_store %arg11[%swap3A, %swap3A_124], %swap3A_127 {add = true, strides = array<i32>} : memref<128x128xf32, #tpu.memory_space<vmem>>, vector<1x16xf32>,
      %get3A_128 = arith.index_cast %scan3A_120 : i32 to index
      %get3A_129 = arith.constant 16 : index
      %get3A_130 = tpu.vector_load %arg13[%get3A_128, %get3A_129] {strides = array<i32>} : memref<128x128xf32, #tpu.memory_space<vmem>>, vector<1x16xf32>,
      %get3A_131 = vector.shape_cast %get3A_130 : vector<1x16xf32> to vector<16xf32>
      %swap3A_132 = arith.index_cast %scan3A_120 : i32 to index
      %swap3A_133 = arith.constant 16 : index
      %swap3A_134 = tpu.vector_load %arg11[%swap3A_132, %swap3A_133] {strides = array<i32>} : memref<128x128xf32, #tpu.memory_space<vmem>>, vector<1x16xf32>,
      %swap3A_135 = vector.shape_cast %swap3A_134 : vector<1x16xf32> to vector<16xf32>
      %swap3A_136 = vector.shape_cast %get3A_131 : vector<16xf32> to vector<1x16xf32>
      tpu.vector_store %arg11[%swap3A_132, %swap3A_133], %swap3A_136 {add = true, strides = array<i32>} : memref<128x128xf32, #tpu.memory_space<vmem>>, vector<1x16xf32>,
      %get3A_137 = arith.index_cast %scan3A_120 : i32 to index
      %get3A_138 = arith.constant 32 : index
      %get3A_139 = tpu.vector_load %arg13[%get3A_137, %get3A_138] {strides = array<i32>} : memref<128x128xf32, #tpu.memory_space<vmem>>, vector<1x16xf32>,
      %get3A_140 = vector.shape_cast %get3A_139 : vector<1x16xf32> to vector<16xf32>
      %swap3A_141 = arith.index_cast %scan3A_120 : i32 to index
      %swap3A_142 = arith.constant 32 : index
      %swap3A_143 = tpu.vector_load %arg11[%swap3A_141, %swap3A_142] {strides = array<i32>} : memref<128x128xf32, #tpu.memory_space<vmem>>, vector<1x16xf32>,
      %swap3A_144 = vector.shape_cast %swap3A_143 : vector<1x16xf32> to vector<16xf32>
      %swap3A_145 = vector.shape_cast %get3A_140 : vector<16xf32> to vector<1x16xf32>
      tpu.vector_store %arg11[%swap3A_141, %swap3A_142], %swap3A_145 {add = true, strides = array<i32>} : memref<128x128xf32, #tpu.memory_space<vmem>>, vector<1x16xf32>,
      %get3A_146 = arith.index_cast %scan3A_120 : i32 to index
      %get3A_147 = arith.constant 48 : index
      %get3A_148 = tpu.vector_load %arg13[%get3A_146, %get3A_147] {strides = array<i32>} : memref<128x128xf32, #tpu.memory_space<vmem>>, vector<1x16xf32>,
      %get3A_149 = vector.shape_cast %get3A_148 : vector<1x16xf32> to vector<16xf32>
      %swap3A_150 = arith.index_cast %scan3A_120 : i32 to index
      %swap3A_151 = arith.constant 48 : index
      %swap3A_152 = tpu.vector_load %arg11[%swap3A_150, %swap3A_151] {strides = array<i32>} : memref<128x128xf32, #tpu.memory_space<vmem>>, vector<1x16xf32>,
      %swap3A_153 = vector.shape_cast %swap3A_152 : vector<1x16xf32> to vector<16xf32>
      %swap3A_154 = vector.shape_cast %get3A_149 : vector<16xf32> to vector<1x16xf32>
      tpu.vector_store %arg11[%swap3A_150, %swap3A_151], %swap3A_154 {add = true, strides = array<i32>} : memref<128x128xf32, #tpu.memory_space<vmem>>, vector<1x16xf32>,
      %get3A_155 = arith.index_cast %scan3A_120 : i32 to index
      %get3A_156 = arith.constant 64 : index
      %get3A_157 = tpu.vector_load %arg13[%get3A_155, %get3A_156] {strides = array<i32>} : memref<128x128xf32, #tpu.memory_space<vmem>>, vector<1x16xf32>,
      %get3A_158 = vector.shape_cast %get3A_157 : vector<1x16xf32> to vector<16xf32>
      %swap3A_159 = arith.index_cast %scan3A_120 : i32 to index
      %swap3A_160 = arith.constant 64 : index
      %swap3A_161 = tpu.vector_load %arg11[%swap3A_159, %swap3A_160] {strides = array<i32>} : memref<128x128xf32, #tpu.memory_space<vmem>>, vector<1x16xf32>,
      %swap3A_162 = vector.shape_cast %swap3A_161 : vector<1x16xf32> to vector<16xf32>
      %swap3A_163 = vector.shape_cast %get3A_158 : vector<16xf32> to vector<1x16xf32>
      tpu.vector_store %arg11[%swap3A_159, %swap3A_160], %swap3A_163 {add = true, strides = array<i32>} : memref<128x128xf32, #tpu.memory_space<vmem>>, vector<1x16xf32>,
      %get3A_164 = arith.index_cast %scan3A_120 : i32 to index
      %get3A_165 = arith.constant 80 : index
      %get3A_166 = tpu.vector_load %arg13[%get3A_164, %get3A_165] {strides = array<i32>} : memref<128x128xf32, #tpu.memory_space<vmem>>, vector<1x16xf32>,
      %get3A_167 = vector.shape_cast %get3A_166 : vector<1x16xf32> to vector<16xf32>
      %swap3A_168 = arith.index_cast %scan3A_120 : i32 to index
      %swap3A_169 = arith.constant 80 : index
      %swap3A_170 = tpu.vector_load %arg11[%swap3A_168, %swap3A_169] {strides = array<i32>} : memref<128x128xf32, #tpu.memory_space<vmem>>, vector<1x16xf32>,
      %swap3A_171 = vector.shape_cast %swap3A_170 : vector<1x16xf32> to vector<16xf32>
      %swap3A_172 = vector.shape_cast %get3A_167 : vector<16xf32> to vector<1x16xf32>
      tpu.vector_store %arg11[%swap3A_168, %swap3A_169], %swap3A_172 {add = true, strides = array<i32>} : memref<128x128xf32, #tpu.memory_space<vmem>>, vector<1x16xf32>,
      %get3A_173 = arith.index_cast %scan3A_120 : i32 to index
      %get3A_174 = arith.constant 96 : index
      %get3A_175 = tpu.vector_load %arg13[%get3A_173, %get3A_174] {strides = array<i32>} : memref<128x128xf32, #tpu.memory_space<vmem>>, vector<1x16xf32>,
      %get3A_176 = vector.shape_cast %get3A_175 : vector<1x16xf32> to vector<16xf32>
      %swap3A_177 = arith.index_cast %scan3A_120 : i32 to index
      %swap3A_178 = arith.constant 96 : index
      %swap3A_179 = tpu.vector_load %arg11[%swap3A_177, %swap3A_178] {strides = array<i32>} : memref<128x128xf32, #tpu.memory_space<vmem>>, vector<1x16xf32>,
      %swap3A_180 = vector.shape_cast %swap3A_179 : vector<1x16xf32> to vector<16xf32>
      %swap3A_181 = vector.shape_cast %get3A_176 : vector<16xf32> to vector<1x16xf32>
      tpu.vector_store %arg11[%swap3A_177, %swap3A_178], %swap3A_181 {add = true, strides = array<i32>} : memref<128x128xf32, #tpu.memory_space<vmem>>, vector<1x16xf32>,
      %get3A_182 = arith.index_cast %scan3A_120 : i32 to index
      %get3A_183 = arith.constant 112 : index
      %get3A_184 = tpu.vector_load %arg13[%get3A_182, %get3A_183] {strides = array<i32>} : memref<128x128xf32, #tpu.memory_space<vmem>>, vector<1x16xf32>,
      %get3A_185 = vector.shape_cast %get3A_184 : vector<1x16xf32> to vector<16xf32>
      %swap3A_186 = arith.index_cast %scan3A_120 : i32 to index
      %swap3A_187 = arith.constant 112 : index
      %swap3A_188 = tpu.vector_load %arg11[%swap3A_186, %swap3A_187] {strides = array<i32>} : memref<128x128xf32, #tpu.memory_space<vmem>>, vector<1x16xf32>,
      %swap3A_189 = vector.shape_cast %swap3A_188 : vector<1x16xf32> to vector<16xf32>
      %swap3A_190 = vector.shape_cast %get3A_185 : vector<16xf32> to vector<1x16xf32>
      tpu.vector_store %arg11[%swap3A_186, %swap3A_187], %swap3A_190 {add = true, strides = array<i32>} : memref<128x128xf32, #tpu.memory_space<vmem>>, vector<1x16xf32>,
    }
    %scan3A_117 = arith.constant 8 : i32
    %add3A_118 = arith.constant 4992 : i32
    %add3A_119 = arith.addi %mul3A_2, %add3A_118 : i32
    "tpu.region"() ({
      %run_scoped3A = tpu.sem_alloc : memref<!tpu.dma_semaphore, #tpu.memory_space<semaphore_mem>>
      %dma_start3A_120 = arith.constant 0 : i32
      %dma_start3A_121 = arith.constant 0 : i32
      %dma_start3A_122 = tpu.memref_slice %arg11[%dma_start3A_120, %dma_start3A_121] : memref<128x128xf32, #tpu.memory_space<vmem>> -> memref<8x128xf32, #tpu.memory_space<vmem>>
      %dma_start3A_123 = arith.constant 0 : i32
      %dma_start3A_124 = tpu.memref_slice %arg6[%add3A_119, %dma_start3A_123] : memref<160000x128xf32, #tpu.memory_space<hbm>> -> memref<8x128xf32, #tpu.memory_space<hbm>>
      %dma_start3A_125 = arith.constant 0 : i32
      %dma_start3A_126 = tpu.memref_slice %arg6[%add3A_119, %dma_start3A_125] : memref<160000x128xf32, #tpu.memory_space<hbm>> -> memref<8x128xf32, #tpu.memory_space<hbm>>
      %dma_start3A_127 = arith.constant 0 : i32
      %dma_start3A_128 = arith.constant 0 : i32
      %dma_start3A_129 = tpu.memref_slice %arg11[%dma_start3A_127, %dma_start3A_128] : memref<128x128xf32, #tpu.memory_space<vmem>> -> memref<8x128xf32, #tpu.memory_space<vmem>>
      tpu.enqueue_dma source(%dma_start3A_129 : memref<8x128xf32, #tpu.memory_space<vmem>>) target(%dma_start3A_126 : memref<8x128xf32, #tpu.memory_space<hbm>>) target_semaphore(%run_scoped3A : memref<!tpu.dma_semaphore, #tpu.memory_space<semaphore_mem>>)
      %dma_wait3A_130 = arith.constant 0 : i32
      %dma_wait3A_131 = arith.constant 0 : i32
      %dma_wait3A_132 = tpu.memref_slice %arg11[%dma_wait3A_130, %dma_wait3A_131] : memref<128x128xf32, #tpu.memory_space<vmem>> -> memref<8x128xf32, #tpu.memory_space<vmem>>
      %dma_wait3A_133 = arith.constant 0 : i32
      %dma_wait3A_134 = tpu.memref_slice %arg6[%add3A_119, %dma_wait3A_133] : memref<160000x128xf32, #tpu.memory_space<hbm>> -> memref<8x128xf32, #tpu.memory_space<hbm>>
      %dma_wait3A_135 = arith.constant 0 : i32
      %dma_wait3A_136 = tpu.memref_slice %arg6[%add3A_119, %dma_wait3A_135] : memref<160000x128xf32, #tpu.memory_space<hbm>> -> memref<8x128xf32, #tpu.memory_space<hbm>>
      %dma_wait3A_137 = arith.constant 0 : i32
      %dma_wait3A_138 = arith.constant 0 : i32
      %dma_wait3A_139 = tpu.memref_slice %arg11[%dma_wait3A_137, %dma_wait3A_138] : memref<128x128xf32, #tpu.memory_space<vmem>> -> memref<8x128xf32, #tpu.memory_space<vmem>>
      tpu.wait_dma2 semaphore(%run_scoped3A : memref<!tpu.dma_semaphore, #tpu.memory_space<semaphore_mem>>) src(%dma_wait3A_139 : memref<8x128xf32, #tpu.memory_space<vmem>>) dst(%dma_wait3A_136 : memref<8x128xf32, #tpu.memory_space<hbm>>)
      tpu.yield
    }) : () -> ()
    return
  }
}

#map = affine_map<(d0, d1) -> (0, 0)>
#map1 = affine_map<(d0, d1) -> (0)>
module attributes {stable_mosaic.version = 14 : i64} {
  func.func @gather_k(%arg0: i32, %arg1: i32, %arg2: memref<10000x128xf32, #tpu.memory_space<hbm>>, %arg3: memref<10000x128xf32, #tpu.memory_space<hbm>>, %arg4: memref<320000xi32, #tpu.memory_space<hbm>>, %arg5: memref<320000xi32, #tpu.memory_space<hbm>>, %arg6: memref<160000x128xf32, #tpu.memory_space<hbm>>, %arg7: memref<128xi32, #tpu.memory_space<vmem>>, %arg8: memref<128xi32, #tpu.memory_space<vmem>>, %arg9: memref<128xi32, #tpu.memory_space<vmem>>, %arg10: memref<128xi32, #tpu.memory_space<vmem>>, %arg11: memref<128x128xf32, #tpu.memory_space<vmem>>, %arg12: memref<128x128xf32, #tpu.memory_space<vmem>>, %arg13: memref<128x128xf32, #tpu.memory_space<vmem>>, %arg14: memref<128x128xf32, #tpu.memory_space<vmem>>, %arg15: memref<!tpu.dma_semaphore, #tpu.memory_space<semaphore_mem>>, %arg16: memref<!tpu.dma_semaphore, #tpu.memory_space<semaphore_mem>>, %arg17: memref<!tpu.dma_semaphore, #tpu.memory_space<semaphore_mem>>, %arg18: memref<!tpu.dma_semaphore, #tpu.memory_space<semaphore_mem>>, %arg19: memref<!tpu.dma_semaphore, #tpu.memory_space<semaphore_mem>>, %arg20: memref<!tpu.dma_semaphore, #tpu.memory_space<semaphore_mem>>) attributes {dimension_semantics = [#tpu.dimension_semantics<core_parallel>, #tpu.dimension_semantics<subcore_parallel>], iteration_bounds = array<i64: 2, 16>, scalar_prefetch = 0 : i64, scratch_operands = 14 : i64, tpu.core_type = #tpu.core_type<sc_vector_subcore>, window_params = [{transform_indices = #map}, {transform_indices = #map}, {transform_indices = #map1}, {transform_indices = #map1}, {transform_indices = #map}]} {
    %mul3A = arith.constant 2 : i32
    %mul3A_0 = arith.muli %arg1, %mul3A : i32
    %add3A = arith.addi %mul3A_0, %arg0 : i32
    %mul3A_1 = arith.constant 5000 : i32
    %mul3A_2 = arith.muli %add3A, %mul3A_1 : i32
    %add3A_3 = arith.constant 160000 : i32
    %add3A_4 = arith.addi %add3A_3, %mul3A_2 : i32
    %add3A_5 = arith.constant 0 : i32
    %add3A_6 = arith.addi %add3A_4, %add3A_5 : i32
    %dma_start3A = tpu.memref_slice %arg4[%add3A_6] : memref<320000xi32, #tpu.memory_space<hbm>> -> memref<128xi32, #tpu.memory_space<hbm>>
    %dma_start3A_7 = tpu.memref_slice %arg4[%add3A_6] : memref<320000xi32, #tpu.memory_space<hbm>> -> memref<128xi32, #tpu.memory_space<hbm>>
    tpu.enqueue_dma source(%dma_start3A_7 : memref<128xi32, #tpu.memory_space<hbm>>) target(%arg7 : memref<128xi32, #tpu.memory_space<vmem>>) target_semaphore(%arg15 : memref<!tpu.dma_semaphore, #tpu.memory_space<semaphore_mem>>)
    %dma_start3A_8 = tpu.memref_slice %arg5[%add3A_6] : memref<320000xi32, #tpu.memory_space<hbm>> -> memref<128xi32, #tpu.memory_space<hbm>>
    %dma_start3A_9 = tpu.memref_slice %arg5[%add3A_6] : memref<320000xi32, #tpu.memory_space<hbm>> -> memref<128xi32, #tpu.memory_space<hbm>>
    tpu.enqueue_dma source(%dma_start3A_9 : memref<128xi32, #tpu.memory_space<hbm>>) target(%arg9 : memref<128xi32, #tpu.memory_space<vmem>>) target_semaphore(%arg15 : memref<!tpu.dma_semaphore, #tpu.memory_space<semaphore_mem>>)
    %add3A_10 = arith.constant 128 : i32
    %add3A_11 = arith.addi %add3A_4, %add3A_10 : i32
    %dma_start3A_12 = tpu.memref_slice %arg4[%add3A_11] : memref<320000xi32, #tpu.memory_space<hbm>> -> memref<128xi32, #tpu.memory_space<hbm>>
    %dma_start3A_13 = tpu.memref_slice %arg4[%add3A_11] : memref<320000xi32, #tpu.memory_space<hbm>> -> memref<128xi32, #tpu.memory_space<hbm>>
    tpu.enqueue_dma source(%dma_start3A_13 : memref<128xi32, #tpu.memory_space<hbm>>) target(%arg8 : memref<128xi32, #tpu.memory_space<vmem>>) target_semaphore(%arg16 : memref<!tpu.dma_semaphore, #tpu.memory_space<semaphore_mem>>)
    %dma_start3A_14 = tpu.memref_slice %arg5[%add3A_11] : memref<320000xi32, #tpu.memory_space<hbm>> -> memref<128xi32, #tpu.memory_space<hbm>>
    %dma_start3A_15 = tpu.memref_slice %arg5[%add3A_11] : memref<320000xi32, #tpu.memory_space<hbm>> -> memref<128xi32, #tpu.memory_space<hbm>>
    tpu.enqueue_dma source(%dma_start3A_15 : memref<128xi32, #tpu.memory_space<hbm>>) target(%arg10 : memref<128xi32, #tpu.memory_space<vmem>>) target_semaphore(%arg16 : memref<!tpu.dma_semaphore, #tpu.memory_space<semaphore_mem>>)
    %scan3A = arith.constant 0 : i32
    %scan3A_16 = arith.constant 0 : i32
    %scan3A_17 = arith.constant 19 : i32
    %scan3A_18 = arith.addi %scan3A_16, %scan3A_17 : i32
    %scan3A_19 = arith.constant 1 : i32
    scf.for %scan3A_120 = %scan3A_16 to %scan3A_18 step %scan3A_19  : i32 {
      %mul3A_121 = arith.constant 2 : i32
      %mul3A_122 = arith.muli %mul3A_121, %scan3A_120 : i32
      %add3A_123 = arith.constant 0 : i32
      %add3A_124 = arith.addi %mul3A_122, %add3A_123 : i32
      %mul3A_125 = arith.constant 128 : i32
      %mul3A_126 = arith.muli %add3A_124, %mul3A_125 : i32
      %add3A_127 = arith.addi %add3A_4, %mul3A_126 : i32
      %dma_wait3A_128 = tpu.memref_slice %arg4[%add3A_127] : memref<320000xi32, #tpu.memory_space<hbm>> -> memref<128xi32, #tpu.memory_space<hbm>>
      %dma_wait3A_129 = tpu.memref_slice %arg4[%add3A_127] : memref<320000xi32, #tpu.memory_space<hbm>> -> memref<128xi32, #tpu.memory_space<hbm>>
      tpu.wait_dma2 semaphore(%arg15 : memref<!tpu.dma_semaphore, #tpu.memory_space<semaphore_mem>>) src(%dma_wait3A_129 : memref<128xi32, #tpu.memory_space<hbm>>) dst(%arg7 : memref<128xi32, #tpu.memory_space<vmem>>)
      %dma_wait3A_130 = tpu.memref_slice %arg5[%add3A_127] : memref<320000xi32, #tpu.memory_space<hbm>> -> memref<128xi32, #tpu.memory_space<hbm>>
      %dma_wait3A_131 = tpu.memref_slice %arg5[%add3A_127] : memref<320000xi32, #tpu.memory_space<hbm>> -> memref<128xi32, #tpu.memory_space<hbm>>
      tpu.wait_dma2 semaphore(%arg15 : memref<!tpu.dma_semaphore, #tpu.memory_space<semaphore_mem>>) src(%dma_wait3A_131 : memref<128xi32, #tpu.memory_space<hbm>>) dst(%arg9 : memref<128xi32, #tpu.memory_space<vmem>>)
      %gt3A = arith.constant 0 : i32
      %gt3A_132 = arith.cmpi sgt, %scan3A_120, %gt3A : i32
      %convert_element_type3A = arith.extui %gt3A_132 : i1 to i32
      %cond3A = arith.constant 0 : i32
      %cond3A_133 = arith.cmpi ne, %convert_element_type3A, %cond3A : i32
      scf.if %cond3A_133 {
        %add3A_211 = arith.constant 0 : i32
        %add3A_212 = arith.addi %mul3A_122, %add3A_211 : i32
        %sub3A = arith.constant 2 : i32
        %sub3A_213 = arith.subi %add3A_212, %sub3A : i32
        %mul3A_214 = arith.constant 128 : i32
        %mul3A_215 = arith.muli %sub3A_213, %mul3A_214 : i32
        %add3A_216 = arith.addi %mul3A_2, %mul3A_215 : i32
        %dma_wait3A_217 = arith.constant 0 : i32
        %dma_wait3A_218 = tpu.memref_slice %arg6[%add3A_216, %dma_wait3A_217] : memref<160000x128xf32, #tpu.memory_space<hbm>> -> memref<128x128xf32, #tpu.memory_space<hbm>>
        %dma_wait3A_219 = arith.constant 0 : i32
        %dma_wait3A_220 = tpu.memref_slice %arg6[%add3A_216, %dma_wait3A_219] : memref<160000x128xf32, #tpu.memory_space<hbm>> -> memref<128x128xf32, #tpu.memory_space<hbm>>
        tpu.wait_dma2 semaphore(%arg19 : memref<!tpu.dma_semaphore, #tpu.memory_space<semaphore_mem>>) src(%arg11 : memref<128x128xf32, #tpu.memory_space<vmem>>) dst(%dma_wait3A_220 : memref<128x128xf32, #tpu.memory_space<hbm>>)
      } else {
      }
      %dma_start3A_134 = arith.constant 0 : i32
      %dma_start3A_135 = arith.constant 0 : i32
      %dma_start3A_136 = tpu.memref_slice %arg2[%dma_start3A_134, %dma_start3A_135] : memref<10000x128xf32, #tpu.memory_space<hbm>> -> memref<10000x128xf32, #tpu.memory_space<hbm>>
      tpu.enqueue_indirect_dma source(%dma_start3A_136 : memref<10000x128xf32, #tpu.memory_space<hbm>>) target(%arg11 : memref<128x128xf32, #tpu.memory_space<vmem>>) offsets(%arg7 : memref<128xi32, #tpu.memory_space<vmem>>) semaphore(%arg17 : memref<!tpu.dma_semaphore, #tpu.memory_space<semaphore_mem>>)
      %dma_start3A_137 = arith.constant 0 : i32
      %dma_start3A_138 = arith.constant 0 : i32
      %dma_start3A_139 = tpu.memref_slice %arg3[%dma_start3A_137, %dma_start3A_138] : memref<10000x128xf32, #tpu.memory_space<hbm>> -> memref<10000x128xf32, #tpu.memory_space<hbm>>
      tpu.enqueue_indirect_dma source(%dma_start3A_139 : memref<10000x128xf32, #tpu.memory_space<hbm>>) target(%arg13 : memref<128x128xf32, #tpu.memory_space<vmem>>) offsets(%arg9 : memref<128xi32, #tpu.memory_space<vmem>>) semaphore(%arg17 : memref<!tpu.dma_semaphore, #tpu.memory_space<semaphore_mem>>)
      %add3A_140 = arith.constant 1 : i32
      %add3A_141 = arith.addi %mul3A_122, %add3A_140 : i32
      %mul3A_142 = arith.constant 128 : i32
      %mul3A_143 = arith.muli %add3A_141, %mul3A_142 : i32
      %add3A_144 = arith.addi %add3A_4, %mul3A_143 : i32
      %dma_wait3A_145 = tpu.memref_slice %arg4[%add3A_144] : memref<320000xi32, #tpu.memory_space<hbm>> -> memref<128xi32, #tpu.memory_space<hbm>>
      %dma_wait3A_146 = tpu.memref_slice %arg4[%add3A_144] : memref<320000xi32, #tpu.memory_space<hbm>> -> memref<128xi32, #tpu.memory_space<hbm>>
      tpu.wait_dma2 semaphore(%arg16 : memref<!tpu.dma_semaphore, #tpu.memory_space<semaphore_mem>>) src(%dma_wait3A_146 : memref<128xi32, #tpu.memory_space<hbm>>) dst(%arg8 : memref<128xi32, #tpu.memory_space<vmem>>)
      %dma_wait3A_147 = tpu.memref_slice %arg5[%add3A_144] : memref<320000xi32, #tpu.memory_space<hbm>> -> memref<128xi32, #tpu.memory_space<hbm>>
      %dma_wait3A_148 = tpu.memref_slice %arg5[%add3A_144] : memref<320000xi32, #tpu.memory_space<hbm>> -> memref<128xi32, #tpu.memory_space<hbm>>
      tpu.wait_dma2 semaphore(%arg16 : memref<!tpu.dma_semaphore, #tpu.memory_space<semaphore_mem>>) src(%dma_wait3A_148 : memref<128xi32, #tpu.memory_space<hbm>>) dst(%arg10 : memref<128xi32, #tpu.memory_space<vmem>>)
      %gt3A_149 = arith.constant 0 : i32
      %gt3A_150 = arith.cmpi sgt, %scan3A_120, %gt3A_149 : i32
      %convert_element_type3A_151 = arith.extui %gt3A_150 : i1 to i32
      %cond3A_152 = arith.constant 0 : i32
      %cond3A_153 = arith.cmpi ne, %convert_element_type3A_151, %cond3A_152 : i32
      scf.if %cond3A_153 {
        %add3A_211 = arith.constant 1 : i32
        %add3A_212 = arith.addi %mul3A_122, %add3A_211 : i32
        %sub3A = arith.constant 2 : i32
        %sub3A_213 = arith.subi %add3A_212, %sub3A : i32
        %mul3A_214 = arith.constant 128 : i32
        %mul3A_215 = arith.muli %sub3A_213, %mul3A_214 : i32
        %add3A_216 = arith.addi %mul3A_2, %mul3A_215 : i32
        %dma_wait3A_217 = arith.constant 0 : i32
        %dma_wait3A_218 = tpu.memref_slice %arg6[%add3A_216, %dma_wait3A_217] : memref<160000x128xf32, #tpu.memory_space<hbm>> -> memref<128x128xf32, #tpu.memory_space<hbm>>
        %dma_wait3A_219 = arith.constant 0 : i32
        %dma_wait3A_220 = tpu.memref_slice %arg6[%add3A_216, %dma_wait3A_219] : memref<160000x128xf32, #tpu.memory_space<hbm>> -> memref<128x128xf32, #tpu.memory_space<hbm>>
        tpu.wait_dma2 semaphore(%arg20 : memref<!tpu.dma_semaphore, #tpu.memory_space<semaphore_mem>>) src(%arg12 : memref<128x128xf32, #tpu.memory_space<vmem>>) dst(%dma_wait3A_220 : memref<128x128xf32, #tpu.memory_space<hbm>>)
      } else {
      }
      %dma_start3A_154 = arith.constant 0 : i32
      %dma_start3A_155 = arith.constant 0 : i32
      %dma_start3A_156 = tpu.memref_slice %arg2[%dma_start3A_154, %dma_start3A_155] : memref<10000x128xf32, #tpu.memory_space<hbm>> -> memref<10000x128xf32, #tpu.memory_space<hbm>>
      tpu.enqueue_indirect_dma source(%dma_start3A_156 : memref<10000x128xf32, #tpu.memory_space<hbm>>) target(%arg12 : memref<128x128xf32, #tpu.memory_space<vmem>>) offsets(%arg8 : memref<128xi32, #tpu.memory_space<vmem>>) semaphore(%arg18 : memref<!tpu.dma_semaphore, #tpu.memory_space<semaphore_mem>>)
      %dma_start3A_157 = arith.constant 0 : i32
      %dma_start3A_158 = arith.constant 0 : i32
      %dma_start3A_159 = tpu.memref_slice %arg3[%dma_start3A_157, %dma_start3A_158] : memref<10000x128xf32, #tpu.memory_space<hbm>> -> memref<10000x128xf32, #tpu.memory_space<hbm>>
      tpu.enqueue_indirect_dma source(%dma_start3A_159 : memref<10000x128xf32, #tpu.memory_space<hbm>>) target(%arg14 : memref<128x128xf32, #tpu.memory_space<vmem>>) offsets(%arg10 : memref<128xi32, #tpu.memory_space<vmem>>) semaphore(%arg18 : memref<!tpu.dma_semaphore, #tpu.memory_space<semaphore_mem>>)
      %dma_wait3A_160 = arith.constant 0 : i32
      %dma_wait3A_161 = arith.constant 0 : i32
      %dma_wait3A_162 = tpu.memref_slice %arg2[%dma_wait3A_160, %dma_wait3A_161] : memref<10000x128xf32, #tpu.memory_space<hbm>> -> memref<10000x128xf32, #tpu.memory_space<hbm>>
      tpu.wait_indirect_dma semaphore(%arg17 : memref<!tpu.dma_semaphore, #tpu.memory_space<semaphore_mem>>) src(%dma_wait3A_162 : memref<10000x128xf32, #tpu.memory_space<hbm>>) dst(%arg11 : memref<128x128xf32, #tpu.memory_space<vmem>>)
      %dma_wait3A_163 = arith.constant 0 : i32
      %dma_wait3A_164 = arith.constant 0 : i32
      %dma_wait3A_165 = tpu.memref_slice %arg3[%dma_wait3A_163, %dma_wait3A_164] : memref<10000x128xf32, #tpu.memory_space<hbm>> -> memref<10000x128xf32, #tpu.memory_space<hbm>>
      tpu.wait_indirect_dma semaphore(%arg17 : memref<!tpu.dma_semaphore, #tpu.memory_space<semaphore_mem>>) src(%dma_wait3A_165 : memref<10000x128xf32, #tpu.memory_space<hbm>>) dst(%arg13 : memref<128x128xf32, #tpu.memory_space<vmem>>)
      %scan3A_166 = arith.constant 0 : i32
      %scan3A_167 = arith.constant 0 : i32
      %scan3A_168 = arith.constant 128 : i32
      %scan3A_169 = arith.addi %scan3A_167, %scan3A_168 : i32
      %scan3A_170 = arith.constant 1 : i32
      scf.for %scan3A_211 = %scan3A_167 to %scan3A_169 step %scan3A_170  : i32 {
        %get3A = arith.index_cast %scan3A_211 : i32 to index
        %get3A_212 = arith.constant 0 : index
        %get3A_213 = tpu.vector_load %arg13[%get3A, %get3A_212] {strides = array<i32>} : memref<128x128xf32, #tpu.memory_space<vmem>>, vector<1x16xf32>,
        %get3A_214 = vector.shape_cast %get3A_213 : vector<1x16xf32> to vector<16xf32>
        %swap3A = arith.index_cast %scan3A_211 : i32 to index
        %swap3A_215 = arith.constant 0 : index
        %swap3A_216 = tpu.vector_load %arg11[%swap3A, %swap3A_215] {strides = array<i32>} : memref<128x128xf32, #tpu.memory_space<vmem>>, vector<1x16xf32>,
        %swap3A_217 = vector.shape_cast %swap3A_216 : vector<1x16xf32> to vector<16xf32>
        %swap3A_218 = vector.shape_cast %get3A_214 : vector<16xf32> to vector<1x16xf32>
        tpu.vector_store %arg11[%swap3A, %swap3A_215], %swap3A_218 {add = true, strides = array<i32>} : memref<128x128xf32, #tpu.memory_space<vmem>>, vector<1x16xf32>,
        %get3A_219 = arith.index_cast %scan3A_211 : i32 to index
        %get3A_220 = arith.constant 16 : index
        %get3A_221 = tpu.vector_load %arg13[%get3A_219, %get3A_220] {strides = array<i32>} : memref<128x128xf32, #tpu.memory_space<vmem>>, vector<1x16xf32>,
        %get3A_222 = vector.shape_cast %get3A_221 : vector<1x16xf32> to vector<16xf32>
        %swap3A_223 = arith.index_cast %scan3A_211 : i32 to index
        %swap3A_224 = arith.constant 16 : index
        %swap3A_225 = tpu.vector_load %arg11[%swap3A_223, %swap3A_224] {strides = array<i32>} : memref<128x128xf32, #tpu.memory_space<vmem>>, vector<1x16xf32>,
        %swap3A_226 = vector.shape_cast %swap3A_225 : vector<1x16xf32> to vector<16xf32>
        %swap3A_227 = vector.shape_cast %get3A_222 : vector<16xf32> to vector<1x16xf32>
        tpu.vector_store %arg11[%swap3A_223, %swap3A_224], %swap3A_227 {add = true, strides = array<i32>} : memref<128x128xf32, #tpu.memory_space<vmem>>, vector<1x16xf32>,
        %get3A_228 = arith.index_cast %scan3A_211 : i32 to index
        %get3A_229 = arith.constant 32 : index
        %get3A_230 = tpu.vector_load %arg13[%get3A_228, %get3A_229] {strides = array<i32>} : memref<128x128xf32, #tpu.memory_space<vmem>>, vector<1x16xf32>,
        %get3A_231 = vector.shape_cast %get3A_230 : vector<1x16xf32> to vector<16xf32>
        %swap3A_232 = arith.index_cast %scan3A_211 : i32 to index
        %swap3A_233 = arith.constant 32 : index
        %swap3A_234 = tpu.vector_load %arg11[%swap3A_232, %swap3A_233] {strides = array<i32>} : memref<128x128xf32, #tpu.memory_space<vmem>>, vector<1x16xf32>,
        %swap3A_235 = vector.shape_cast %swap3A_234 : vector<1x16xf32> to vector<16xf32>
        %swap3A_236 = vector.shape_cast %get3A_231 : vector<16xf32> to vector<1x16xf32>
        tpu.vector_store %arg11[%swap3A_232, %swap3A_233], %swap3A_236 {add = true, strides = array<i32>} : memref<128x128xf32, #tpu.memory_space<vmem>>, vector<1x16xf32>,
        %get3A_237 = arith.index_cast %scan3A_211 : i32 to index
        %get3A_238 = arith.constant 48 : index
        %get3A_239 = tpu.vector_load %arg13[%get3A_237, %get3A_238] {strides = array<i32>} : memref<128x128xf32, #tpu.memory_space<vmem>>, vector<1x16xf32>,
        %get3A_240 = vector.shape_cast %get3A_239 : vector<1x16xf32> to vector<16xf32>
        %swap3A_241 = arith.index_cast %scan3A_211 : i32 to index
        %swap3A_242 = arith.constant 48 : index
        %swap3A_243 = tpu.vector_load %arg11[%swap3A_241, %swap3A_242] {strides = array<i32>} : memref<128x128xf32, #tpu.memory_space<vmem>>, vector<1x16xf32>,
        %swap3A_244 = vector.shape_cast %swap3A_243 : vector<1x16xf32> to vector<16xf32>
        %swap3A_245 = vector.shape_cast %get3A_240 : vector<16xf32> to vector<1x16xf32>
        tpu.vector_store %arg11[%swap3A_241, %swap3A_242], %swap3A_245 {add = true, strides = array<i32>} : memref<128x128xf32, #tpu.memory_space<vmem>>, vector<1x16xf32>,
        %get3A_246 = arith.index_cast %scan3A_211 : i32 to index
        %get3A_247 = arith.constant 64 : index
        %get3A_248 = tpu.vector_load %arg13[%get3A_246, %get3A_247] {strides = array<i32>} : memref<128x128xf32, #tpu.memory_space<vmem>>, vector<1x16xf32>,
        %get3A_249 = vector.shape_cast %get3A_248 : vector<1x16xf32> to vector<16xf32>
        %swap3A_250 = arith.index_cast %scan3A_211 : i32 to index
        %swap3A_251 = arith.constant 64 : index
        %swap3A_252 = tpu.vector_load %arg11[%swap3A_250, %swap3A_251] {strides = array<i32>} : memref<128x128xf32, #tpu.memory_space<vmem>>, vector<1x16xf32>,
        %swap3A_253 = vector.shape_cast %swap3A_252 : vector<1x16xf32> to vector<16xf32>
        %swap3A_254 = vector.shape_cast %get3A_249 : vector<16xf32> to vector<1x16xf32>
        tpu.vector_store %arg11[%swap3A_250, %swap3A_251], %swap3A_254 {add = true, strides = array<i32>} : memref<128x128xf32, #tpu.memory_space<vmem>>, vector<1x16xf32>,
        %get3A_255 = arith.index_cast %scan3A_211 : i32 to index
        %get3A_256 = arith.constant 80 : index
        %get3A_257 = tpu.vector_load %arg13[%get3A_255, %get3A_256] {strides = array<i32>} : memref<128x128xf32, #tpu.memory_space<vmem>>, vector<1x16xf32>,
        %get3A_258 = vector.shape_cast %get3A_257 : vector<1x16xf32> to vector<16xf32>
        %swap3A_259 = arith.index_cast %scan3A_211 : i32 to index
        %swap3A_260 = arith.constant 80 : index
        %swap3A_261 = tpu.vector_load %arg11[%swap3A_259, %swap3A_260] {strides = array<i32>} : memref<128x128xf32, #tpu.memory_space<vmem>>, vector<1x16xf32>,
        %swap3A_262 = vector.shape_cast %swap3A_261 : vector<1x16xf32> to vector<16xf32>
        %swap3A_263 = vector.shape_cast %get3A_258 : vector<16xf32> to vector<1x16xf32>
        tpu.vector_store %arg11[%swap3A_259, %swap3A_260], %swap3A_263 {add = true, strides = array<i32>} : memref<128x128xf32, #tpu.memory_space<vmem>>, vector<1x16xf32>,
        %get3A_264 = arith.index_cast %scan3A_211 : i32 to index
        %get3A_265 = arith.constant 96 : index
        %get3A_266 = tpu.vector_load %arg13[%get3A_264, %get3A_265] {strides = array<i32>} : memref<128x128xf32, #tpu.memory_space<vmem>>, vector<1x16xf32>,
        %get3A_267 = vector.shape_cast %get3A_266 : vector<1x16xf32> to vector<16xf32>
        %swap3A_268 = arith.index_cast %scan3A_211 : i32 to index
        %swap3A_269 = arith.constant 96 : index
        %swap3A_270 = tpu.vector_load %arg11[%swap3A_268, %swap3A_269] {strides = array<i32>} : memref<128x128xf32, #tpu.memory_space<vmem>>, vector<1x16xf32>,
        %swap3A_271 = vector.shape_cast %swap3A_270 : vector<1x16xf32> to vector<16xf32>
        %swap3A_272 = vector.shape_cast %get3A_267 : vector<16xf32> to vector<1x16xf32>
        tpu.vector_store %arg11[%swap3A_268, %swap3A_269], %swap3A_272 {add = true, strides = array<i32>} : memref<128x128xf32, #tpu.memory_space<vmem>>, vector<1x16xf32>,
        %get3A_273 = arith.index_cast %scan3A_211 : i32 to index
        %get3A_274 = arith.constant 112 : index
        %get3A_275 = tpu.vector_load %arg13[%get3A_273, %get3A_274] {strides = array<i32>} : memref<128x128xf32, #tpu.memory_space<vmem>>, vector<1x16xf32>,
        %get3A_276 = vector.shape_cast %get3A_275 : vector<1x16xf32> to vector<16xf32>
        %swap3A_277 = arith.index_cast %scan3A_211 : i32 to index
        %swap3A_278 = arith.constant 112 : index
        %swap3A_279 = tpu.vector_load %arg11[%swap3A_277, %swap3A_278] {strides = array<i32>} : memref<128x128xf32, #tpu.memory_space<vmem>>, vector<1x16xf32>,
        %swap3A_280 = vector.shape_cast %swap3A_279 : vector<1x16xf32> to vector<16xf32>
        %swap3A_281 = vector.shape_cast %get3A_276 : vector<16xf32> to vector<1x16xf32>
        tpu.vector_store %arg11[%swap3A_277, %swap3A_278], %swap3A_281 {add = true, strides = array<i32>} : memref<128x128xf32, #tpu.memory_space<vmem>>, vector<1x16xf32>,
      }
      %scan3A_171 = arith.constant 128 : i32
      %add3A_172 = arith.constant 0 : i32
      %add3A_173 = arith.addi %mul3A_122, %add3A_172 : i32
      %mul3A_174 = arith.constant 128 : i32
      %mul3A_175 = arith.muli %add3A_173, %mul3A_174 : i32
      %add3A_176 = arith.addi %mul3A_2, %mul3A_175 : i32
      %dma_start3A_177 = arith.constant 0 : i32
      %dma_start3A_178 = tpu.memref_slice %arg6[%add3A_176, %dma_start3A_177] : memref<160000x128xf32, #tpu.memory_space<hbm>> -> memref<128x128xf32, #tpu.memory_space<hbm>>
      %dma_start3A_179 = arith.constant 0 : i32
      %dma_start3A_180 = tpu.memref_slice %arg6[%add3A_176, %dma_start3A_179] : memref<160000x128xf32, #tpu.memory_space<hbm>> -> memref<128x128xf32, #tpu.memory_space<hbm>>
      tpu.enqueue_dma source(%arg11 : memref<128x128xf32, #tpu.memory_space<vmem>>) target(%dma_start3A_180 : memref<128x128xf32, #tpu.memory_space<hbm>>) target_semaphore(%arg19 : memref<!tpu.dma_semaphore, #tpu.memory_space<semaphore_mem>>)
      %lt3A = arith.constant 18 : i32
      %lt3A_181 = arith.cmpi slt, %scan3A_120, %lt3A : i32
      %convert_element_type3A_182 = arith.extui %lt3A_181 : i1 to i32
      %cond3A_183 = arith.constant 0 : i32
      %cond3A_184 = arith.cmpi ne, %convert_element_type3A_182, %cond3A_183 : i32
      scf.if %cond3A_184 {
        %add3A_211 = arith.constant 2 : i32
        %add3A_212 = arith.addi %mul3A_122, %add3A_211 : i32
        %add3A_213 = arith.constant 0 : i32
        %add3A_214 = arith.addi %add3A_212, %add3A_213 : i32
        %mul3A_215 = arith.constant 128 : i32
        %mul3A_216 = arith.muli %add3A_214, %mul3A_215 : i32
        %add3A_217 = arith.addi %add3A_4, %mul3A_216 : i32
        %dma_start3A_218 = tpu.memref_slice %arg4[%add3A_217] : memref<320000xi32, #tpu.memory_space<hbm>> -> memref<128xi32, #tpu.memory_space<hbm>>
        %dma_start3A_219 = tpu.memref_slice %arg4[%add3A_217] : memref<320000xi32, #tpu.memory_space<hbm>> -> memref<128xi32, #tpu.memory_space<hbm>>
        tpu.enqueue_dma source(%dma_start3A_219 : memref<128xi32, #tpu.memory_space<hbm>>) target(%arg7 : memref<128xi32, #tpu.memory_space<vmem>>) target_semaphore(%arg15 : memref<!tpu.dma_semaphore, #tpu.memory_space<semaphore_mem>>)
        %dma_start3A_220 = tpu.memref_slice %arg5[%add3A_217] : memref<320000xi32, #tpu.memory_space<hbm>> -> memref<128xi32, #tpu.memory_space<hbm>>
        %dma_start3A_221 = tpu.memref_slice %arg5[%add3A_217] : memref<320000xi32, #tpu.memory_space<hbm>> -> memref<128xi32, #tpu.memory_space<hbm>>
        tpu.enqueue_dma source(%dma_start3A_221 : memref<128xi32, #tpu.memory_space<hbm>>) target(%arg9 : memref<128xi32, #tpu.memory_space<vmem>>) target_semaphore(%arg15 : memref<!tpu.dma_semaphore, #tpu.memory_space<semaphore_mem>>)
      } else {
      }
      %dma_wait3A_185 = arith.constant 0 : i32
      %dma_wait3A_186 = arith.constant 0 : i32
      %dma_wait3A_187 = tpu.memref_slice %arg2[%dma_wait3A_185, %dma_wait3A_186] : memref<10000x128xf32, #tpu.memory_space<hbm>> -> memref<10000x128xf32, #tpu.memory_space<hbm>>
      tpu.wait_indirect_dma semaphore(%arg18 : memref<!tpu.dma_semaphore, #tpu.memory_space<semaphore_mem>>) src(%dma_wait3A_187 : memref<10000x128xf32, #tpu.memory_space<hbm>>) dst(%arg12 : memref<128x128xf32, #tpu.memory_space<vmem>>)
      %dma_wait3A_188 = arith.constant 0 : i32
      %dma_wait3A_189 = arith.constant 0 : i32
      %dma_wait3A_190 = tpu.memref_slice %arg3[%dma_wait3A_188, %dma_wait3A_189] : memref<10000x128xf32, #tpu.memory_space<hbm>> -> memref<10000x128xf32, #tpu.memory_space<hbm>>
      tpu.wait_indirect_dma semaphore(%arg18 : memref<!tpu.dma_semaphore, #tpu.memory_space<semaphore_mem>>) src(%dma_wait3A_190 : memref<10000x128xf32, #tpu.memory_space<hbm>>) dst(%arg14 : memref<128x128xf32, #tpu.memory_space<vmem>>)
      %scan3A_191 = arith.constant 0 : i32
      %scan3A_192 = arith.constant 0 : i32
      %scan3A_193 = arith.constant 128 : i32
      %scan3A_194 = arith.addi %scan3A_192, %scan3A_193 : i32
      %scan3A_195 = arith.constant 1 : i32
      scf.for %scan3A_211 = %scan3A_192 to %scan3A_194 step %scan3A_195  : i32 {
        %get3A = arith.index_cast %scan3A_211 : i32 to index
        %get3A_212 = arith.constant 0 : index
        %get3A_213 = tpu.vector_load %arg14[%get3A, %get3A_212] {strides = array<i32>} : memref<128x128xf32, #tpu.memory_space<vmem>>, vector<1x16xf32>,
        %get3A_214 = vector.shape_cast %get3A_213 : vector<1x16xf32> to vector<16xf32>
        %swap3A = arith.index_cast %scan3A_211 : i32 to index
        %swap3A_215 = arith.constant 0 : index
        %swap3A_216 = tpu.vector_load %arg12[%swap3A, %swap3A_215] {strides = array<i32>} : memref<128x128xf32, #tpu.memory_space<vmem>>, vector<1x16xf32>,
        %swap3A_217 = vector.shape_cast %swap3A_216 : vector<1x16xf32> to vector<16xf32>
        %swap3A_218 = vector.shape_cast %get3A_214 : vector<16xf32> to vector<1x16xf32>
        tpu.vector_store %arg12[%swap3A, %swap3A_215], %swap3A_218 {add = true, strides = array<i32>} : memref<128x128xf32, #tpu.memory_space<vmem>>, vector<1x16xf32>,
        %get3A_219 = arith.index_cast %scan3A_211 : i32 to index
        %get3A_220 = arith.constant 16 : index
        %get3A_221 = tpu.vector_load %arg14[%get3A_219, %get3A_220] {strides = array<i32>} : memref<128x128xf32, #tpu.memory_space<vmem>>, vector<1x16xf32>,
        %get3A_222 = vector.shape_cast %get3A_221 : vector<1x16xf32> to vector<16xf32>
        %swap3A_223 = arith.index_cast %scan3A_211 : i32 to index
        %swap3A_224 = arith.constant 16 : index
        %swap3A_225 = tpu.vector_load %arg12[%swap3A_223, %swap3A_224] {strides = array<i32>} : memref<128x128xf32, #tpu.memory_space<vmem>>, vector<1x16xf32>,
        %swap3A_226 = vector.shape_cast %swap3A_225 : vector<1x16xf32> to vector<16xf32>
        %swap3A_227 = vector.shape_cast %get3A_222 : vector<16xf32> to vector<1x16xf32>
        tpu.vector_store %arg12[%swap3A_223, %swap3A_224], %swap3A_227 {add = true, strides = array<i32>} : memref<128x128xf32, #tpu.memory_space<vmem>>, vector<1x16xf32>,
        %get3A_228 = arith.index_cast %scan3A_211 : i32 to index
        %get3A_229 = arith.constant 32 : index
        %get3A_230 = tpu.vector_load %arg14[%get3A_228, %get3A_229] {strides = array<i32>} : memref<128x128xf32, #tpu.memory_space<vmem>>, vector<1x16xf32>,
        %get3A_231 = vector.shape_cast %get3A_230 : vector<1x16xf32> to vector<16xf32>
        %swap3A_232 = arith.index_cast %scan3A_211 : i32 to index
        %swap3A_233 = arith.constant 32 : index
        %swap3A_234 = tpu.vector_load %arg12[%swap3A_232, %swap3A_233] {strides = array<i32>} : memref<128x128xf32, #tpu.memory_space<vmem>>, vector<1x16xf32>,
        %swap3A_235 = vector.shape_cast %swap3A_234 : vector<1x16xf32> to vector<16xf32>
        %swap3A_236 = vector.shape_cast %get3A_231 : vector<16xf32> to vector<1x16xf32>
        tpu.vector_store %arg12[%swap3A_232, %swap3A_233], %swap3A_236 {add = true, strides = array<i32>} : memref<128x128xf32, #tpu.memory_space<vmem>>, vector<1x16xf32>,
        %get3A_237 = arith.index_cast %scan3A_211 : i32 to index
        %get3A_238 = arith.constant 48 : index
        %get3A_239 = tpu.vector_load %arg14[%get3A_237, %get3A_238] {strides = array<i32>} : memref<128x128xf32, #tpu.memory_space<vmem>>, vector<1x16xf32>,
        %get3A_240 = vector.shape_cast %get3A_239 : vector<1x16xf32> to vector<16xf32>
        %swap3A_241 = arith.index_cast %scan3A_211 : i32 to index
        %swap3A_242 = arith.constant 48 : index
        %swap3A_243 = tpu.vector_load %arg12[%swap3A_241, %swap3A_242] {strides = array<i32>} : memref<128x128xf32, #tpu.memory_space<vmem>>, vector<1x16xf32>,
        %swap3A_244 = vector.shape_cast %swap3A_243 : vector<1x16xf32> to vector<16xf32>
        %swap3A_245 = vector.shape_cast %get3A_240 : vector<16xf32> to vector<1x16xf32>
        tpu.vector_store %arg12[%swap3A_241, %swap3A_242], %swap3A_245 {add = true, strides = array<i32>} : memref<128x128xf32, #tpu.memory_space<vmem>>, vector<1x16xf32>,
        %get3A_246 = arith.index_cast %scan3A_211 : i32 to index
        %get3A_247 = arith.constant 64 : index
        %get3A_248 = tpu.vector_load %arg14[%get3A_246, %get3A_247] {strides = array<i32>} : memref<128x128xf32, #tpu.memory_space<vmem>>, vector<1x16xf32>,
        %get3A_249 = vector.shape_cast %get3A_248 : vector<1x16xf32> to vector<16xf32>
        %swap3A_250 = arith.index_cast %scan3A_211 : i32 to index
        %swap3A_251 = arith.constant 64 : index
        %swap3A_252 = tpu.vector_load %arg12[%swap3A_250, %swap3A_251] {strides = array<i32>} : memref<128x128xf32, #tpu.memory_space<vmem>>, vector<1x16xf32>,
        %swap3A_253 = vector.shape_cast %swap3A_252 : vector<1x16xf32> to vector<16xf32>
        %swap3A_254 = vector.shape_cast %get3A_249 : vector<16xf32> to vector<1x16xf32>
        tpu.vector_store %arg12[%swap3A_250, %swap3A_251], %swap3A_254 {add = true, strides = array<i32>} : memref<128x128xf32, #tpu.memory_space<vmem>>, vector<1x16xf32>,
        %get3A_255 = arith.index_cast %scan3A_211 : i32 to index
        %get3A_256 = arith.constant 80 : index
        %get3A_257 = tpu.vector_load %arg14[%get3A_255, %get3A_256] {strides = array<i32>} : memref<128x128xf32, #tpu.memory_space<vmem>>, vector<1x16xf32>,
        %get3A_258 = vector.shape_cast %get3A_257 : vector<1x16xf32> to vector<16xf32>
        %swap3A_259 = arith.index_cast %scan3A_211 : i32 to index
        %swap3A_260 = arith.constant 80 : index
        %swap3A_261 = tpu.vector_load %arg12[%swap3A_259, %swap3A_260] {strides = array<i32>} : memref<128x128xf32, #tpu.memory_space<vmem>>, vector<1x16xf32>,
        %swap3A_262 = vector.shape_cast %swap3A_261 : vector<1x16xf32> to vector<16xf32>
        %swap3A_263 = vector.shape_cast %get3A_258 : vector<16xf32> to vector<1x16xf32>
        tpu.vector_store %arg12[%swap3A_259, %swap3A_260], %swap3A_263 {add = true, strides = array<i32>} : memref<128x128xf32, #tpu.memory_space<vmem>>, vector<1x16xf32>,
        %get3A_264 = arith.index_cast %scan3A_211 : i32 to index
        %get3A_265 = arith.constant 96 : index
        %get3A_266 = tpu.vector_load %arg14[%get3A_264, %get3A_265] {strides = array<i32>} : memref<128x128xf32, #tpu.memory_space<vmem>>, vector<1x16xf32>,
        %get3A_267 = vector.shape_cast %get3A_266 : vector<1x16xf32> to vector<16xf32>
        %swap3A_268 = arith.index_cast %scan3A_211 : i32 to index
        %swap3A_269 = arith.constant 96 : index
        %swap3A_270 = tpu.vector_load %arg12[%swap3A_268, %swap3A_269] {strides = array<i32>} : memref<128x128xf32, #tpu.memory_space<vmem>>, vector<1x16xf32>,
        %swap3A_271 = vector.shape_cast %swap3A_270 : vector<1x16xf32> to vector<16xf32>
        %swap3A_272 = vector.shape_cast %get3A_267 : vector<16xf32> to vector<1x16xf32>
        tpu.vector_store %arg12[%swap3A_268, %swap3A_269], %swap3A_272 {add = true, strides = array<i32>} : memref<128x128xf32, #tpu.memory_space<vmem>>, vector<1x16xf32>,
        %get3A_273 = arith.index_cast %scan3A_211 : i32 to index
        %get3A_274 = arith.constant 112 : index
        %get3A_275 = tpu.vector_load %arg14[%get3A_273, %get3A_274] {strides = array<i32>} : memref<128x128xf32, #tpu.memory_space<vmem>>, vector<1x16xf32>,
        %get3A_276 = vector.shape_cast %get3A_275 : vector<1x16xf32> to vector<16xf32>
        %swap3A_277 = arith.index_cast %scan3A_211 : i32 to index
        %swap3A_278 = arith.constant 112 : index
        %swap3A_279 = tpu.vector_load %arg12[%swap3A_277, %swap3A_278] {strides = array<i32>} : memref<128x128xf32, #tpu.memory_space<vmem>>, vector<1x16xf32>,
        %swap3A_280 = vector.shape_cast %swap3A_279 : vector<1x16xf32> to vector<16xf32>
        %swap3A_281 = vector.shape_cast %get3A_276 : vector<16xf32> to vector<1x16xf32>
        tpu.vector_store %arg12[%swap3A_277, %swap3A_278], %swap3A_281 {add = true, strides = array<i32>} : memref<128x128xf32, #tpu.memory_space<vmem>>, vector<1x16xf32>,
      }
      %scan3A_196 = arith.constant 128 : i32
      %add3A_197 = arith.constant 1 : i32
      %add3A_198 = arith.addi %mul3A_122, %add3A_197 : i32
      %mul3A_199 = arith.constant 128 : i32
      %mul3A_200 = arith.muli %add3A_198, %mul3A_199 : i32
      %add3A_201 = arith.addi %mul3A_2, %mul3A_200 : i32
      %dma_start3A_202 = arith.constant 0 : i32
      %dma_start3A_203 = tpu.memref_slice %arg6[%add3A_201, %dma_start3A_202] : memref<160000x128xf32, #tpu.memory_space<hbm>> -> memref<128x128xf32, #tpu.memory_space<hbm>>
      %dma_start3A_204 = arith.constant 0 : i32
      %dma_start3A_205 = tpu.memref_slice %arg6[%add3A_201, %dma_start3A_204] : memref<160000x128xf32, #tpu.memory_space<hbm>> -> memref<128x128xf32, #tpu.memory_space<hbm>>
      tpu.enqueue_dma source(%arg12 : memref<128x128xf32, #tpu.memory_space<vmem>>) target(%dma_start3A_205 : memref<128x128xf32, #tpu.memory_space<hbm>>) target_semaphore(%arg20 : memref<!tpu.dma_semaphore, #tpu.memory_space<semaphore_mem>>)
      %lt3A_206 = arith.constant 18 : i32
      %lt3A_207 = arith.cmpi slt, %scan3A_120, %lt3A_206 : i32
      %convert_element_type3A_208 = arith.extui %lt3A_207 : i1 to i32
      %cond3A_209 = arith.constant 0 : i32
      %cond3A_210 = arith.cmpi ne, %convert_element_type3A_208, %cond3A_209 : i32
      scf.if %cond3A_210 {
        %add3A_211 = arith.constant 2 : i32
        %add3A_212 = arith.addi %mul3A_122, %add3A_211 : i32
        %add3A_213 = arith.constant 1 : i32
        %add3A_214 = arith.addi %add3A_212, %add3A_213 : i32
        %mul3A_215 = arith.constant 128 : i32
        %mul3A_216 = arith.muli %add3A_214, %mul3A_215 : i32
        %add3A_217 = arith.addi %add3A_4, %mul3A_216 : i32
        %dma_start3A_218 = tpu.memref_slice %arg4[%add3A_217] : memref<320000xi32, #tpu.memory_space<hbm>> -> memref<128xi32, #tpu.memory_space<hbm>>
        %dma_start3A_219 = tpu.memref_slice %arg4[%add3A_217] : memref<320000xi32, #tpu.memory_space<hbm>> -> memref<128xi32, #tpu.memory_space<hbm>>
        tpu.enqueue_dma source(%dma_start3A_219 : memref<128xi32, #tpu.memory_space<hbm>>) target(%arg8 : memref<128xi32, #tpu.memory_space<vmem>>) target_semaphore(%arg16 : memref<!tpu.dma_semaphore, #tpu.memory_space<semaphore_mem>>)
        %dma_start3A_220 = tpu.memref_slice %arg5[%add3A_217] : memref<320000xi32, #tpu.memory_space<hbm>> -> memref<128xi32, #tpu.memory_space<hbm>>
        %dma_start3A_221 = tpu.memref_slice %arg5[%add3A_217] : memref<320000xi32, #tpu.memory_space<hbm>> -> memref<128xi32, #tpu.memory_space<hbm>>
        tpu.enqueue_dma source(%dma_start3A_221 : memref<128xi32, #tpu.memory_space<hbm>>) target(%arg10 : memref<128xi32, #tpu.memory_space<vmem>>) target_semaphore(%arg16 : memref<!tpu.dma_semaphore, #tpu.memory_space<semaphore_mem>>)
      } else {
      }
    }
    %scan3A_20 = arith.constant 19 : i32
    %add3A_21 = arith.constant 4608 : i32
    %add3A_22 = arith.addi %mul3A_2, %add3A_21 : i32
    %dma_wait3A = arith.constant 0 : i32
    %dma_wait3A_23 = tpu.memref_slice %arg6[%add3A_22, %dma_wait3A] : memref<160000x128xf32, #tpu.memory_space<hbm>> -> memref<128x128xf32, #tpu.memory_space<hbm>>
    %dma_wait3A_24 = arith.constant 0 : i32
    %dma_wait3A_25 = tpu.memref_slice %arg6[%add3A_22, %dma_wait3A_24] : memref<160000x128xf32, #tpu.memory_space<hbm>> -> memref<128x128xf32, #tpu.memory_space<hbm>>
    tpu.wait_dma2 semaphore(%arg19 : memref<!tpu.dma_semaphore, #tpu.memory_space<semaphore_mem>>) src(%arg11 : memref<128x128xf32, #tpu.memory_space<vmem>>) dst(%dma_wait3A_25 : memref<128x128xf32, #tpu.memory_space<hbm>>)
    %add3A_26 = arith.constant 4736 : i32
    %add3A_27 = arith.addi %mul3A_2, %add3A_26 : i32
    %dma_wait3A_28 = arith.constant 0 : i32
    %dma_wait3A_29 = tpu.memref_slice %arg6[%add3A_27, %dma_wait3A_28] : memref<160000x128xf32, #tpu.memory_space<hbm>> -> memref<128x128xf32, #tpu.memory_space<hbm>>
    %dma_wait3A_30 = arith.constant 0 : i32
    %dma_wait3A_31 = tpu.memref_slice %arg6[%add3A_27, %dma_wait3A_30] : memref<160000x128xf32, #tpu.memory_space<hbm>> -> memref<128x128xf32, #tpu.memory_space<hbm>>
    tpu.wait_dma2 semaphore(%arg20 : memref<!tpu.dma_semaphore, #tpu.memory_space<semaphore_mem>>) src(%arg12 : memref<128x128xf32, #tpu.memory_space<vmem>>) dst(%dma_wait3A_31 : memref<128x128xf32, #tpu.memory_space<hbm>>)
    %add3A_32 = arith.constant 4864 : i32
    %add3A_33 = arith.addi %add3A_4, %add3A_32 : i32
    "tpu.region"() ({
      %run_scoped3A = tpu.sem_alloc : memref<!tpu.dma_semaphore, #tpu.memory_space<semaphore_mem>>
      %dma_start3A_120 = arith.constant 0 : i32
      %dma_start3A_121 = tpu.memref_slice %arg7[%dma_start3A_120] : memref<128xi32, #tpu.memory_space<vmem>> -> memref<128xi32, #tpu.memory_space<vmem>>
      %dma_start3A_122 = tpu.memref_slice %arg4[%add3A_33] : memref<320000xi32, #tpu.memory_space<hbm>> -> memref<128xi32, #tpu.memory_space<hbm>>
      %dma_start3A_123 = arith.constant 0 : i32
      %dma_start3A_124 = tpu.memref_slice %arg7[%dma_start3A_123] : memref<128xi32, #tpu.memory_space<vmem>> -> memref<128xi32, #tpu.memory_space<vmem>>
      %dma_start3A_125 = tpu.memref_slice %arg4[%add3A_33] : memref<320000xi32, #tpu.memory_space<hbm>> -> memref<128xi32, #tpu.memory_space<hbm>>
      tpu.enqueue_dma source(%dma_start3A_125 : memref<128xi32, #tpu.memory_space<hbm>>) target(%dma_start3A_124 : memref<128xi32, #tpu.memory_space<vmem>>) target_semaphore(%run_scoped3A : memref<!tpu.dma_semaphore, #tpu.memory_space<semaphore_mem>>)
      %dma_wait3A_126 = arith.constant 0 : i32
      %dma_wait3A_127 = tpu.memref_slice %arg7[%dma_wait3A_126] : memref<128xi32, #tpu.memory_space<vmem>> -> memref<128xi32, #tpu.memory_space<vmem>>
      %dma_wait3A_128 = tpu.memref_slice %arg4[%add3A_33] : memref<320000xi32, #tpu.memory_space<hbm>> -> memref<128xi32, #tpu.memory_space<hbm>>
      %dma_wait3A_129 = arith.constant 0 : i32
      %dma_wait3A_130 = tpu.memref_slice %arg7[%dma_wait3A_129] : memref<128xi32, #tpu.memory_space<vmem>> -> memref<128xi32, #tpu.memory_space<vmem>>
      %dma_wait3A_131 = tpu.memref_slice %arg4[%add3A_33] : memref<320000xi32, #tpu.memory_space<hbm>> -> memref<128xi32, #tpu.memory_space<hbm>>
      tpu.wait_dma2 semaphore(%run_scoped3A : memref<!tpu.dma_semaphore, #tpu.memory_space<semaphore_mem>>) src(%dma_wait3A_131 : memref<128xi32, #tpu.memory_space<hbm>>) dst(%dma_wait3A_130 : memref<128xi32, #tpu.memory_space<vmem>>)
      tpu.yield
    }) : () -> ()
    %add3A_34 = arith.constant 4864 : i32
    %add3A_35 = arith.addi %add3A_4, %add3A_34 : i32
    "tpu.region"() ({
      %run_scoped3A = tpu.sem_alloc : memref<!tpu.dma_semaphore, #tpu.memory_space<semaphore_mem>>
      %dma_start3A_120 = arith.constant 0 : i32
      %dma_start3A_121 = tpu.memref_slice %arg9[%dma_start3A_120] : memref<128xi32, #tpu.memory_space<vmem>> -> memref<128xi32, #tpu.memory_space<vmem>>
      %dma_start3A_122 = tpu.memref_slice %arg5[%add3A_35] : memref<320000xi32, #tpu.memory_space<hbm>> -> memref<128xi32, #tpu.memory_space<hbm>>
      %dma_start3A_123 = arith.constant 0 : i32
      %dma_start3A_124 = tpu.memref_slice %arg9[%dma_start3A_123] : memref<128xi32, #tpu.memory_space<vmem>> -> memref<128xi32, #tpu.memory_space<vmem>>
      %dma_start3A_125 = tpu.memref_slice %arg5[%add3A_35] : memref<320000xi32, #tpu.memory_space<hbm>> -> memref<128xi32, #tpu.memory_space<hbm>>
      tpu.enqueue_dma source(%dma_start3A_125 : memref<128xi32, #tpu.memory_space<hbm>>) target(%dma_start3A_124 : memref<128xi32, #tpu.memory_space<vmem>>) target_semaphore(%run_scoped3A : memref<!tpu.dma_semaphore, #tpu.memory_space<semaphore_mem>>)
      %dma_wait3A_126 = arith.constant 0 : i32
      %dma_wait3A_127 = tpu.memref_slice %arg9[%dma_wait3A_126] : memref<128xi32, #tpu.memory_space<vmem>> -> memref<128xi32, #tpu.memory_space<vmem>>
      %dma_wait3A_128 = tpu.memref_slice %arg5[%add3A_35] : memref<320000xi32, #tpu.memory_space<hbm>> -> memref<128xi32, #tpu.memory_space<hbm>>
      %dma_wait3A_129 = arith.constant 0 : i32
      %dma_wait3A_130 = tpu.memref_slice %arg9[%dma_wait3A_129] : memref<128xi32, #tpu.memory_space<vmem>> -> memref<128xi32, #tpu.memory_space<vmem>>
      %dma_wait3A_131 = tpu.memref_slice %arg5[%add3A_35] : memref<320000xi32, #tpu.memory_space<hbm>> -> memref<128xi32, #tpu.memory_space<hbm>>
      tpu.wait_dma2 semaphore(%run_scoped3A : memref<!tpu.dma_semaphore, #tpu.memory_space<semaphore_mem>>) src(%dma_wait3A_131 : memref<128xi32, #tpu.memory_space<hbm>>) dst(%dma_wait3A_130 : memref<128xi32, #tpu.memory_space<vmem>>)
      tpu.yield
    }) : () -> ()
    %dma_start3A_36 = arith.constant 0 : i32
    %dma_start3A_37 = arith.constant 0 : i32
    %dma_start3A_38 = tpu.memref_slice %arg11[%dma_start3A_36, %dma_start3A_37] : memref<128x128xf32, #tpu.memory_space<vmem>> -> memref<128x128xf32, #tpu.memory_space<vmem>>
    %dma_start3A_39 = arith.constant 0 : i32
    %dma_start3A_40 = tpu.memref_slice %arg7[%dma_start3A_39] : memref<128xi32, #tpu.memory_space<vmem>> -> memref<128xi32, #tpu.memory_space<vmem>>
    %dma_start3A_41 = arith.constant 0 : i32
    %dma_start3A_42 = arith.constant 0 : i32
    %dma_start3A_43 = tpu.memref_slice %arg2[%dma_start3A_41, %dma_start3A_42] : memref<10000x128xf32, #tpu.memory_space<hbm>> -> memref<10000x128xf32, #tpu.memory_space<hbm>>
    tpu.enqueue_indirect_dma source(%dma_start3A_43 : memref<10000x128xf32, #tpu.memory_space<hbm>>) target(%dma_start3A_38 : memref<128x128xf32, #tpu.memory_space<vmem>>) offsets(%dma_start3A_40 : memref<128xi32, #tpu.memory_space<vmem>>) semaphore(%arg17 : memref<!tpu.dma_semaphore, #tpu.memory_space<semaphore_mem>>)
    %dma_start3A_44 = arith.constant 0 : i32
    %dma_start3A_45 = arith.constant 0 : i32
    %dma_start3A_46 = tpu.memref_slice %arg13[%dma_start3A_44, %dma_start3A_45] : memref<128x128xf32, #tpu.memory_space<vmem>> -> memref<128x128xf32, #tpu.memory_space<vmem>>
    %dma_start3A_47 = arith.constant 0 : i32
    %dma_start3A_48 = tpu.memref_slice %arg9[%dma_start3A_47] : memref<128xi32, #tpu.memory_space<vmem>> -> memref<128xi32, #tpu.memory_space<vmem>>
    %dma_start3A_49 = arith.constant 0 : i32
    %dma_start3A_50 = arith.constant 0 : i32
    %dma_start3A_51 = tpu.memref_slice %arg3[%dma_start3A_49, %dma_start3A_50] : memref<10000x128xf32, #tpu.memory_space<hbm>> -> memref<10000x128xf32, #tpu.memory_space<hbm>>
    tpu.enqueue_indirect_dma source(%dma_start3A_51 : memref<10000x128xf32, #tpu.memory_space<hbm>>) target(%dma_start3A_46 : memref<128x128xf32, #tpu.memory_space<vmem>>) offsets(%dma_start3A_48 : memref<128xi32, #tpu.memory_space<vmem>>) semaphore(%arg18 : memref<!tpu.dma_semaphore, #tpu.memory_space<semaphore_mem>>)
    %dma_wait3A_52 = arith.constant 0 : i32
    %dma_wait3A_53 = arith.constant 0 : i32
    %dma_wait3A_54 = tpu.memref_slice %arg11[%dma_wait3A_52, %dma_wait3A_53] : memref<128x128xf32, #tpu.memory_space<vmem>> -> memref<128x128xf32, #tpu.memory_space<vmem>>
    %dma_wait3A_55 = arith.constant 0 : i32
    %dma_wait3A_56 = tpu.memref_slice %arg7[%dma_wait3A_55] : memref<128xi32, #tpu.memory_space<vmem>> -> memref<128xi32, #tpu.memory_space<vmem>>
    %dma_wait3A_57 = arith.constant 0 : i32
    %dma_wait3A_58 = arith.constant 0 : i32
    %dma_wait3A_59 = tpu.memref_slice %arg2[%dma_wait3A_57, %dma_wait3A_58] : memref<10000x128xf32, #tpu.memory_space<hbm>> -> memref<10000x128xf32, #tpu.memory_space<hbm>>
    tpu.wait_indirect_dma semaphore(%arg17 : memref<!tpu.dma_semaphore, #tpu.memory_space<semaphore_mem>>) src(%dma_wait3A_59 : memref<10000x128xf32, #tpu.memory_space<hbm>>) dst(%dma_wait3A_54 : memref<128x128xf32, #tpu.memory_space<vmem>>)
    %dma_wait3A_60 = arith.constant 0 : i32
    %dma_wait3A_61 = arith.constant 0 : i32
    %dma_wait3A_62 = tpu.memref_slice %arg13[%dma_wait3A_60, %dma_wait3A_61] : memref<128x128xf32, #tpu.memory_space<vmem>> -> memref<128x128xf32, #tpu.memory_space<vmem>>
    %dma_wait3A_63 = arith.constant 0 : i32
    %dma_wait3A_64 = tpu.memref_slice %arg9[%dma_wait3A_63] : memref<128xi32, #tpu.memory_space<vmem>> -> memref<128xi32, #tpu.memory_space<vmem>>
    %dma_wait3A_65 = arith.constant 0 : i32
    %dma_wait3A_66 = arith.constant 0 : i32
    %dma_wait3A_67 = tpu.memref_slice %arg3[%dma_wait3A_65, %dma_wait3A_66] : memref<10000x128xf32, #tpu.memory_space<hbm>> -> memref<10000x128xf32, #tpu.memory_space<hbm>>
    tpu.wait_indirect_dma semaphore(%arg18 : memref<!tpu.dma_semaphore, #tpu.memory_space<semaphore_mem>>) src(%dma_wait3A_67 : memref<10000x128xf32, #tpu.memory_space<hbm>>) dst(%dma_wait3A_62 : memref<128x128xf32, #tpu.memory_space<vmem>>)
    %scan3A_68 = arith.constant 0 : i32
    %scan3A_69 = arith.constant 0 : i32
    %scan3A_70 = arith.constant 128 : i32
    %scan3A_71 = arith.addi %scan3A_69, %scan3A_70 : i32
    %scan3A_72 = arith.constant 1 : i32
    scf.for %scan3A_120 = %scan3A_69 to %scan3A_71 step %scan3A_72  : i32 {
      %get3A = arith.index_cast %scan3A_120 : i32 to index
      %get3A_121 = arith.constant 0 : index
      %get3A_122 = tpu.vector_load %arg13[%get3A, %get3A_121] {strides = array<i32>} : memref<128x128xf32, #tpu.memory_space<vmem>>, vector<1x16xf32>,
      %get3A_123 = vector.shape_cast %get3A_122 : vector<1x16xf32> to vector<16xf32>
      %swap3A = arith.index_cast %scan3A_120 : i32 to index
      %swap3A_124 = arith.constant 0 : index
      %swap3A_125 = tpu.vector_load %arg11[%swap3A, %swap3A_124] {strides = array<i32>} : memref<128x128xf32, #tpu.memory_space<vmem>>, vector<1x16xf32>,
      %swap3A_126 = vector.shape_cast %swap3A_125 : vector<1x16xf32> to vector<16xf32>
      %swap3A_127 = vector.shape_cast %get3A_123 : vector<16xf32> to vector<1x16xf32>
      tpu.vector_store %arg11[%swap3A, %swap3A_124], %swap3A_127 {add = true, strides = array<i32>} : memref<128x128xf32, #tpu.memory_space<vmem>>, vector<1x16xf32>,
      %get3A_128 = arith.index_cast %scan3A_120 : i32 to index
      %get3A_129 = arith.constant 16 : index
      %get3A_130 = tpu.vector_load %arg13[%get3A_128, %get3A_129] {strides = array<i32>} : memref<128x128xf32, #tpu.memory_space<vmem>>, vector<1x16xf32>,
      %get3A_131 = vector.shape_cast %get3A_130 : vector<1x16xf32> to vector<16xf32>
      %swap3A_132 = arith.index_cast %scan3A_120 : i32 to index
      %swap3A_133 = arith.constant 16 : index
      %swap3A_134 = tpu.vector_load %arg11[%swap3A_132, %swap3A_133] {strides = array<i32>} : memref<128x128xf32, #tpu.memory_space<vmem>>, vector<1x16xf32>,
      %swap3A_135 = vector.shape_cast %swap3A_134 : vector<1x16xf32> to vector<16xf32>
      %swap3A_136 = vector.shape_cast %get3A_131 : vector<16xf32> to vector<1x16xf32>
      tpu.vector_store %arg11[%swap3A_132, %swap3A_133], %swap3A_136 {add = true, strides = array<i32>} : memref<128x128xf32, #tpu.memory_space<vmem>>, vector<1x16xf32>,
      %get3A_137 = arith.index_cast %scan3A_120 : i32 to index
      %get3A_138 = arith.constant 32 : index
      %get3A_139 = tpu.vector_load %arg13[%get3A_137, %get3A_138] {strides = array<i32>} : memref<128x128xf32, #tpu.memory_space<vmem>>, vector<1x16xf32>,
      %get3A_140 = vector.shape_cast %get3A_139 : vector<1x16xf32> to vector<16xf32>
      %swap3A_141 = arith.index_cast %scan3A_120 : i32 to index
      %swap3A_142 = arith.constant 32 : index
      %swap3A_143 = tpu.vector_load %arg11[%swap3A_141, %swap3A_142] {strides = array<i32>} : memref<128x128xf32, #tpu.memory_space<vmem>>, vector<1x16xf32>,
      %swap3A_144 = vector.shape_cast %swap3A_143 : vector<1x16xf32> to vector<16xf32>
      %swap3A_145 = vector.shape_cast %get3A_140 : vector<16xf32> to vector<1x16xf32>
      tpu.vector_store %arg11[%swap3A_141, %swap3A_142], %swap3A_145 {add = true, strides = array<i32>} : memref<128x128xf32, #tpu.memory_space<vmem>>, vector<1x16xf32>,
      %get3A_146 = arith.index_cast %scan3A_120 : i32 to index
      %get3A_147 = arith.constant 48 : index
      %get3A_148 = tpu.vector_load %arg13[%get3A_146, %get3A_147] {strides = array<i32>} : memref<128x128xf32, #tpu.memory_space<vmem>>, vector<1x16xf32>,
      %get3A_149 = vector.shape_cast %get3A_148 : vector<1x16xf32> to vector<16xf32>
      %swap3A_150 = arith.index_cast %scan3A_120 : i32 to index
      %swap3A_151 = arith.constant 48 : index
      %swap3A_152 = tpu.vector_load %arg11[%swap3A_150, %swap3A_151] {strides = array<i32>} : memref<128x128xf32, #tpu.memory_space<vmem>>, vector<1x16xf32>,
      %swap3A_153 = vector.shape_cast %swap3A_152 : vector<1x16xf32> to vector<16xf32>
      %swap3A_154 = vector.shape_cast %get3A_149 : vector<16xf32> to vector<1x16xf32>
      tpu.vector_store %arg11[%swap3A_150, %swap3A_151], %swap3A_154 {add = true, strides = array<i32>} : memref<128x128xf32, #tpu.memory_space<vmem>>, vector<1x16xf32>,
      %get3A_155 = arith.index_cast %scan3A_120 : i32 to index
      %get3A_156 = arith.constant 64 : index
      %get3A_157 = tpu.vector_load %arg13[%get3A_155, %get3A_156] {strides = array<i32>} : memref<128x128xf32, #tpu.memory_space<vmem>>, vector<1x16xf32>,
      %get3A_158 = vector.shape_cast %get3A_157 : vector<1x16xf32> to vector<16xf32>
      %swap3A_159 = arith.index_cast %scan3A_120 : i32 to index
      %swap3A_160 = arith.constant 64 : index
      %swap3A_161 = tpu.vector_load %arg11[%swap3A_159, %swap3A_160] {strides = array<i32>} : memref<128x128xf32, #tpu.memory_space<vmem>>, vector<1x16xf32>,
      %swap3A_162 = vector.shape_cast %swap3A_161 : vector<1x16xf32> to vector<16xf32>
      %swap3A_163 = vector.shape_cast %get3A_158 : vector<16xf32> to vector<1x16xf32>
      tpu.vector_store %arg11[%swap3A_159, %swap3A_160], %swap3A_163 {add = true, strides = array<i32>} : memref<128x128xf32, #tpu.memory_space<vmem>>, vector<1x16xf32>,
      %get3A_164 = arith.index_cast %scan3A_120 : i32 to index
      %get3A_165 = arith.constant 80 : index
      %get3A_166 = tpu.vector_load %arg13[%get3A_164, %get3A_165] {strides = array<i32>} : memref<128x128xf32, #tpu.memory_space<vmem>>, vector<1x16xf32>,
      %get3A_167 = vector.shape_cast %get3A_166 : vector<1x16xf32> to vector<16xf32>
      %swap3A_168 = arith.index_cast %scan3A_120 : i32 to index
      %swap3A_169 = arith.constant 80 : index
      %swap3A_170 = tpu.vector_load %arg11[%swap3A_168, %swap3A_169] {strides = array<i32>} : memref<128x128xf32, #tpu.memory_space<vmem>>, vector<1x16xf32>,
      %swap3A_171 = vector.shape_cast %swap3A_170 : vector<1x16xf32> to vector<16xf32>
      %swap3A_172 = vector.shape_cast %get3A_167 : vector<16xf32> to vector<1x16xf32>
      tpu.vector_store %arg11[%swap3A_168, %swap3A_169], %swap3A_172 {add = true, strides = array<i32>} : memref<128x128xf32, #tpu.memory_space<vmem>>, vector<1x16xf32>,
      %get3A_173 = arith.index_cast %scan3A_120 : i32 to index
      %get3A_174 = arith.constant 96 : index
      %get3A_175 = tpu.vector_load %arg13[%get3A_173, %get3A_174] {strides = array<i32>} : memref<128x128xf32, #tpu.memory_space<vmem>>, vector<1x16xf32>,
      %get3A_176 = vector.shape_cast %get3A_175 : vector<1x16xf32> to vector<16xf32>
      %swap3A_177 = arith.index_cast %scan3A_120 : i32 to index
      %swap3A_178 = arith.constant 96 : index
      %swap3A_179 = tpu.vector_load %arg11[%swap3A_177, %swap3A_178] {strides = array<i32>} : memref<128x128xf32, #tpu.memory_space<vmem>>, vector<1x16xf32>,
      %swap3A_180 = vector.shape_cast %swap3A_179 : vector<1x16xf32> to vector<16xf32>
      %swap3A_181 = vector.shape_cast %get3A_176 : vector<16xf32> to vector<1x16xf32>
      tpu.vector_store %arg11[%swap3A_177, %swap3A_178], %swap3A_181 {add = true, strides = array<i32>} : memref<128x128xf32, #tpu.memory_space<vmem>>, vector<1x16xf32>,
      %get3A_182 = arith.index_cast %scan3A_120 : i32 to index
      %get3A_183 = arith.constant 112 : index
      %get3A_184 = tpu.vector_load %arg13[%get3A_182, %get3A_183] {strides = array<i32>} : memref<128x128xf32, #tpu.memory_space<vmem>>, vector<1x16xf32>,
      %get3A_185 = vector.shape_cast %get3A_184 : vector<1x16xf32> to vector<16xf32>
      %swap3A_186 = arith.index_cast %scan3A_120 : i32 to index
      %swap3A_187 = arith.constant 112 : index
      %swap3A_188 = tpu.vector_load %arg11[%swap3A_186, %swap3A_187] {strides = array<i32>} : memref<128x128xf32, #tpu.memory_space<vmem>>, vector<1x16xf32>,
      %swap3A_189 = vector.shape_cast %swap3A_188 : vector<1x16xf32> to vector<16xf32>
      %swap3A_190 = vector.shape_cast %get3A_185 : vector<16xf32> to vector<1x16xf32>
      tpu.vector_store %arg11[%swap3A_186, %swap3A_187], %swap3A_190 {add = true, strides = array<i32>} : memref<128x128xf32, #tpu.memory_space<vmem>>, vector<1x16xf32>,
    }
    %scan3A_73 = arith.constant 128 : i32
    %add3A_74 = arith.constant 4864 : i32
    %add3A_75 = arith.addi %mul3A_2, %add3A_74 : i32
    "tpu.region"() ({
      %run_scoped3A = tpu.sem_alloc : memref<!tpu.dma_semaphore, #tpu.memory_space<semaphore_mem>>
      %dma_start3A_120 = arith.constant 0 : i32
      %dma_start3A_121 = arith.constant 0 : i32
      %dma_start3A_122 = tpu.memref_slice %arg11[%dma_start3A_120, %dma_start3A_121] : memref<128x128xf32, #tpu.memory_space<vmem>> -> memref<128x128xf32, #tpu.memory_space<vmem>>
      %dma_start3A_123 = arith.constant 0 : i32
      %dma_start3A_124 = tpu.memref_slice %arg6[%add3A_75, %dma_start3A_123] : memref<160000x128xf32, #tpu.memory_space<hbm>> -> memref<128x128xf32, #tpu.memory_space<hbm>>
      %dma_start3A_125 = arith.constant 0 : i32
      %dma_start3A_126 = tpu.memref_slice %arg6[%add3A_75, %dma_start3A_125] : memref<160000x128xf32, #tpu.memory_space<hbm>> -> memref<128x128xf32, #tpu.memory_space<hbm>>
      %dma_start3A_127 = arith.constant 0 : i32
      %dma_start3A_128 = arith.constant 0 : i32
      %dma_start3A_129 = tpu.memref_slice %arg11[%dma_start3A_127, %dma_start3A_128] : memref<128x128xf32, #tpu.memory_space<vmem>> -> memref<128x128xf32, #tpu.memory_space<vmem>>
      tpu.enqueue_dma source(%dma_start3A_129 : memref<128x128xf32, #tpu.memory_space<vmem>>) target(%dma_start3A_126 : memref<128x128xf32, #tpu.memory_space<hbm>>) target_semaphore(%run_scoped3A : memref<!tpu.dma_semaphore, #tpu.memory_space<semaphore_mem>>)
      %dma_wait3A_130 = arith.constant 0 : i32
      %dma_wait3A_131 = arith.constant 0 : i32
      %dma_wait3A_132 = tpu.memref_slice %arg11[%dma_wait3A_130, %dma_wait3A_131] : memref<128x128xf32, #tpu.memory_space<vmem>> -> memref<128x128xf32, #tpu.memory_space<vmem>>
      %dma_wait3A_133 = arith.constant 0 : i32
      %dma_wait3A_134 = tpu.memref_slice %arg6[%add3A_75, %dma_wait3A_133] : memref<160000x128xf32, #tpu.memory_space<hbm>> -> memref<128x128xf32, #tpu.memory_space<hbm>>
      %dma_wait3A_135 = arith.constant 0 : i32
      %dma_wait3A_136 = tpu.memref_slice %arg6[%add3A_75, %dma_wait3A_135] : memref<160000x128xf32, #tpu.memory_space<hbm>> -> memref<128x128xf32, #tpu.memory_space<hbm>>
      %dma_wait3A_137 = arith.constant 0 : i32
      %dma_wait3A_138 = arith.constant 0 : i32
      %dma_wait3A_139 = tpu.memref_slice %arg11[%dma_wait3A_137, %dma_wait3A_138] : memref<128x128xf32, #tpu.memory_space<vmem>> -> memref<128x128xf32, #tpu.memory_space<vmem>>
      tpu.wait_dma2 semaphore(%run_scoped3A : memref<!tpu.dma_semaphore, #tpu.memory_space<semaphore_mem>>) src(%dma_wait3A_139 : memref<128x128xf32, #tpu.memory_space<vmem>>) dst(%dma_wait3A_136 : memref<128x128xf32, #tpu.memory_space<hbm>>)
      tpu.yield
    }) : () -> ()
    %add3A_76 = arith.constant 4992 : i32
    %add3A_77 = arith.addi %add3A_4, %add3A_76 : i32
    "tpu.region"() ({
      %run_scoped3A = tpu.sem_alloc : memref<!tpu.dma_semaphore, #tpu.memory_space<semaphore_mem>>
      %dma_start3A_120 = arith.constant 0 : i32
      %dma_start3A_121 = tpu.memref_slice %arg7[%dma_start3A_120] : memref<128xi32, #tpu.memory_space<vmem>> -> memref<8xi32, #tpu.memory_space<vmem>>
      %dma_start3A_122 = tpu.memref_slice %arg4[%add3A_77] : memref<320000xi32, #tpu.memory_space<hbm>> -> memref<8xi32, #tpu.memory_space<hbm>>
      %dma_start3A_123 = arith.constant 0 : i32
      %dma_start3A_124 = tpu.memref_slice %arg7[%dma_start3A_123] : memref<128xi32, #tpu.memory_space<vmem>> -> memref<8xi32, #tpu.memory_space<vmem>>
      %dma_start3A_125 = tpu.memref_slice %arg4[%add3A_77] : memref<320000xi32, #tpu.memory_space<hbm>> -> memref<8xi32, #tpu.memory_space<hbm>>
      tpu.enqueue_dma source(%dma_start3A_125 : memref<8xi32, #tpu.memory_space<hbm>>) target(%dma_start3A_124 : memref<8xi32, #tpu.memory_space<vmem>>) target_semaphore(%run_scoped3A : memref<!tpu.dma_semaphore, #tpu.memory_space<semaphore_mem>>)
      %dma_wait3A_126 = arith.constant 0 : i32
      %dma_wait3A_127 = tpu.memref_slice %arg7[%dma_wait3A_126] : memref<128xi32, #tpu.memory_space<vmem>> -> memref<8xi32, #tpu.memory_space<vmem>>
      %dma_wait3A_128 = tpu.memref_slice %arg4[%add3A_77] : memref<320000xi32, #tpu.memory_space<hbm>> -> memref<8xi32, #tpu.memory_space<hbm>>
      %dma_wait3A_129 = arith.constant 0 : i32
      %dma_wait3A_130 = tpu.memref_slice %arg7[%dma_wait3A_129] : memref<128xi32, #tpu.memory_space<vmem>> -> memref<8xi32, #tpu.memory_space<vmem>>
      %dma_wait3A_131 = tpu.memref_slice %arg4[%add3A_77] : memref<320000xi32, #tpu.memory_space<hbm>> -> memref<8xi32, #tpu.memory_space<hbm>>
      tpu.wait_dma2 semaphore(%run_scoped3A : memref<!tpu.dma_semaphore, #tpu.memory_space<semaphore_mem>>) src(%dma_wait3A_131 : memref<8xi32, #tpu.memory_space<hbm>>) dst(%dma_wait3A_130 : memref<8xi32, #tpu.memory_space<vmem>>)
      tpu.yield
    }) : () -> ()
    %add3A_78 = arith.constant 4992 : i32
    %add3A_79 = arith.addi %add3A_4, %add3A_78 : i32
    "tpu.region"() ({
      %run_scoped3A = tpu.sem_alloc : memref<!tpu.dma_semaphore, #tpu.memory_space<semaphore_mem>>
      %dma_start3A_120 = arith.constant 0 : i32
      %dma_start3A_121 = tpu.memref_slice %arg9[%dma_start3A_120] : memref<128xi32, #tpu.memory_space<vmem>> -> memref<8xi32, #tpu.memory_space<vmem>>
      %dma_start3A_122 = tpu.memref_slice %arg5[%add3A_79] : memref<320000xi32, #tpu.memory_space<hbm>> -> memref<8xi32, #tpu.memory_space<hbm>>
      %dma_start3A_123 = arith.constant 0 : i32
      %dma_start3A_124 = tpu.memref_slice %arg9[%dma_start3A_123] : memref<128xi32, #tpu.memory_space<vmem>> -> memref<8xi32, #tpu.memory_space<vmem>>
      %dma_start3A_125 = tpu.memref_slice %arg5[%add3A_79] : memref<320000xi32, #tpu.memory_space<hbm>> -> memref<8xi32, #tpu.memory_space<hbm>>
      tpu.enqueue_dma source(%dma_start3A_125 : memref<8xi32, #tpu.memory_space<hbm>>) target(%dma_start3A_124 : memref<8xi32, #tpu.memory_space<vmem>>) target_semaphore(%run_scoped3A : memref<!tpu.dma_semaphore, #tpu.memory_space<semaphore_mem>>)
      %dma_wait3A_126 = arith.constant 0 : i32
      %dma_wait3A_127 = tpu.memref_slice %arg9[%dma_wait3A_126] : memref<128xi32, #tpu.memory_space<vmem>> -> memref<8xi32, #tpu.memory_space<vmem>>
      %dma_wait3A_128 = tpu.memref_slice %arg5[%add3A_79] : memref<320000xi32, #tpu.memory_space<hbm>> -> memref<8xi32, #tpu.memory_space<hbm>>
      %dma_wait3A_129 = arith.constant 0 : i32
      %dma_wait3A_130 = tpu.memref_slice %arg9[%dma_wait3A_129] : memref<128xi32, #tpu.memory_space<vmem>> -> memref<8xi32, #tpu.memory_space<vmem>>
      %dma_wait3A_131 = tpu.memref_slice %arg5[%add3A_79] : memref<320000xi32, #tpu.memory_space<hbm>> -> memref<8xi32, #tpu.memory_space<hbm>>
      tpu.wait_dma2 semaphore(%run_scoped3A : memref<!tpu.dma_semaphore, #tpu.memory_space<semaphore_mem>>) src(%dma_wait3A_131 : memref<8xi32, #tpu.memory_space<hbm>>) dst(%dma_wait3A_130 : memref<8xi32, #tpu.memory_space<vmem>>)
      tpu.yield
    }) : () -> ()
    %dma_start3A_80 = arith.constant 0 : i32
    %dma_start3A_81 = arith.constant 0 : i32
    %dma_start3A_82 = tpu.memref_slice %arg11[%dma_start3A_80, %dma_start3A_81] : memref<128x128xf32, #tpu.memory_space<vmem>> -> memref<8x128xf32, #tpu.memory_space<vmem>>
    %dma_start3A_83 = arith.constant 0 : i32
    %dma_start3A_84 = tpu.memref_slice %arg7[%dma_start3A_83] : memref<128xi32, #tpu.memory_space<vmem>> -> memref<8xi32, #tpu.memory_space<vmem>>
    %dma_start3A_85 = arith.constant 0 : i32
    %dma_start3A_86 = arith.constant 0 : i32
    %dma_start3A_87 = tpu.memref_slice %arg2[%dma_start3A_85, %dma_start3A_86] : memref<10000x128xf32, #tpu.memory_space<hbm>> -> memref<10000x128xf32, #tpu.memory_space<hbm>>
    tpu.enqueue_indirect_dma source(%dma_start3A_87 : memref<10000x128xf32, #tpu.memory_space<hbm>>) target(%dma_start3A_82 : memref<8x128xf32, #tpu.memory_space<vmem>>) offsets(%dma_start3A_84 : memref<8xi32, #tpu.memory_space<vmem>>) semaphore(%arg17 : memref<!tpu.dma_semaphore, #tpu.memory_space<semaphore_mem>>)
    %dma_start3A_88 = arith.constant 0 : i32
    %dma_start3A_89 = arith.constant 0 : i32
    %dma_start3A_90 = tpu.memref_slice %arg13[%dma_start3A_88, %dma_start3A_89] : memref<128x128xf32, #tpu.memory_space<vmem>> -> memref<8x128xf32, #tpu.memory_space<vmem>>
    %dma_start3A_91 = arith.constant 0 : i32
    %dma_start3A_92 = tpu.memref_slice %arg9[%dma_start3A_91] : memref<128xi32, #tpu.memory_space<vmem>> -> memref<8xi32, #tpu.memory_space<vmem>>
    %dma_start3A_93 = arith.constant 0 : i32
    %dma_start3A_94 = arith.constant 0 : i32
    %dma_start3A_95 = tpu.memref_slice %arg3[%dma_start3A_93, %dma_start3A_94] : memref<10000x128xf32, #tpu.memory_space<hbm>> -> memref<10000x128xf32, #tpu.memory_space<hbm>>
    tpu.enqueue_indirect_dma source(%dma_start3A_95 : memref<10000x128xf32, #tpu.memory_space<hbm>>) target(%dma_start3A_90 : memref<8x128xf32, #tpu.memory_space<vmem>>) offsets(%dma_start3A_92 : memref<8xi32, #tpu.memory_space<vmem>>) semaphore(%arg18 : memref<!tpu.dma_semaphore, #tpu.memory_space<semaphore_mem>>)
    %dma_wait3A_96 = arith.constant 0 : i32
    %dma_wait3A_97 = arith.constant 0 : i32
    %dma_wait3A_98 = tpu.memref_slice %arg11[%dma_wait3A_96, %dma_wait3A_97] : memref<128x128xf32, #tpu.memory_space<vmem>> -> memref<8x128xf32, #tpu.memory_space<vmem>>
    %dma_wait3A_99 = arith.constant 0 : i32
    %dma_wait3A_100 = tpu.memref_slice %arg7[%dma_wait3A_99] : memref<128xi32, #tpu.memory_space<vmem>> -> memref<8xi32, #tpu.memory_space<vmem>>
    %dma_wait3A_101 = arith.constant 0 : i32
    %dma_wait3A_102 = arith.constant 0 : i32
    %dma_wait3A_103 = tpu.memref_slice %arg2[%dma_wait3A_101, %dma_wait3A_102] : memref<10000x128xf32, #tpu.memory_space<hbm>> -> memref<10000x128xf32, #tpu.memory_space<hbm>>
    tpu.wait_indirect_dma semaphore(%arg17 : memref<!tpu.dma_semaphore, #tpu.memory_space<semaphore_mem>>) src(%dma_wait3A_103 : memref<10000x128xf32, #tpu.memory_space<hbm>>) dst(%dma_wait3A_98 : memref<8x128xf32, #tpu.memory_space<vmem>>)
    %dma_wait3A_104 = arith.constant 0 : i32
    %dma_wait3A_105 = arith.constant 0 : i32
    %dma_wait3A_106 = tpu.memref_slice %arg13[%dma_wait3A_104, %dma_wait3A_105] : memref<128x128xf32, #tpu.memory_space<vmem>> -> memref<8x128xf32, #tpu.memory_space<vmem>>
    %dma_wait3A_107 = arith.constant 0 : i32
    %dma_wait3A_108 = tpu.memref_slice %arg9[%dma_wait3A_107] : memref<128xi32, #tpu.memory_space<vmem>> -> memref<8xi32, #tpu.memory_space<vmem>>
    %dma_wait3A_109 = arith.constant 0 : i32
    %dma_wait3A_110 = arith.constant 0 : i32
    %dma_wait3A_111 = tpu.memref_slice %arg3[%dma_wait3A_109, %dma_wait3A_110] : memref<10000x128xf32, #tpu.memory_space<hbm>> -> memref<10000x128xf32, #tpu.memory_space<hbm>>
    tpu.wait_indirect_dma semaphore(%arg18 : memref<!tpu.dma_semaphore, #tpu.memory_space<semaphore_mem>>) src(%dma_wait3A_111 : memref<10000x128xf32, #tpu.memory_space<hbm>>) dst(%dma_wait3A_106 : memref<8x128xf32, #tpu.memory_space<vmem>>)
    %scan3A_112 = arith.constant 0 : i32
    %scan3A_113 = arith.constant 0 : i32
    %scan3A_114 = arith.constant 8 : i32
    %scan3A_115 = arith.addi %scan3A_113, %scan3A_114 : i32
    %scan3A_116 = arith.constant 1 : i32
    scf.for %scan3A_120 = %scan3A_113 to %scan3A_115 step %scan3A_116  : i32 {
      %get3A = arith.index_cast %scan3A_120 : i32 to index
      %get3A_121 = arith.constant 0 : index
      %get3A_122 = tpu.vector_load %arg13[%get3A, %get3A_121] {strides = array<i32>} : memref<128x128xf32, #tpu.memory_space<vmem>>, vector<1x16xf32>,
      %get3A_123 = vector.shape_cast %get3A_122 : vector<1x16xf32> to vector<16xf32>
      %swap3A = arith.index_cast %scan3A_120 : i32 to index
      %swap3A_124 = arith.constant 0 : index
      %swap3A_125 = tpu.vector_load %arg11[%swap3A, %swap3A_124] {strides = array<i32>} : memref<128x128xf32, #tpu.memory_space<vmem>>, vector<1x16xf32>,
      %swap3A_126 = vector.shape_cast %swap3A_125 : vector<1x16xf32> to vector<16xf32>
      %swap3A_127 = vector.shape_cast %get3A_123 : vector<16xf32> to vector<1x16xf32>
      tpu.vector_store %arg11[%swap3A, %swap3A_124], %swap3A_127 {add = true, strides = array<i32>} : memref<128x128xf32, #tpu.memory_space<vmem>>, vector<1x16xf32>,
      %get3A_128 = arith.index_cast %scan3A_120 : i32 to index
      %get3A_129 = arith.constant 16 : index
      %get3A_130 = tpu.vector_load %arg13[%get3A_128, %get3A_129] {strides = array<i32>} : memref<128x128xf32, #tpu.memory_space<vmem>>, vector<1x16xf32>,
      %get3A_131 = vector.shape_cast %get3A_130 : vector<1x16xf32> to vector<16xf32>
      %swap3A_132 = arith.index_cast %scan3A_120 : i32 to index
      %swap3A_133 = arith.constant 16 : index
      %swap3A_134 = tpu.vector_load %arg11[%swap3A_132, %swap3A_133] {strides = array<i32>} : memref<128x128xf32, #tpu.memory_space<vmem>>, vector<1x16xf32>,
      %swap3A_135 = vector.shape_cast %swap3A_134 : vector<1x16xf32> to vector<16xf32>
      %swap3A_136 = vector.shape_cast %get3A_131 : vector<16xf32> to vector<1x16xf32>
      tpu.vector_store %arg11[%swap3A_132, %swap3A_133], %swap3A_136 {add = true, strides = array<i32>} : memref<128x128xf32, #tpu.memory_space<vmem>>, vector<1x16xf32>,
      %get3A_137 = arith.index_cast %scan3A_120 : i32 to index
      %get3A_138 = arith.constant 32 : index
      %get3A_139 = tpu.vector_load %arg13[%get3A_137, %get3A_138] {strides = array<i32>} : memref<128x128xf32, #tpu.memory_space<vmem>>, vector<1x16xf32>,
      %get3A_140 = vector.shape_cast %get3A_139 : vector<1x16xf32> to vector<16xf32>
      %swap3A_141 = arith.index_cast %scan3A_120 : i32 to index
      %swap3A_142 = arith.constant 32 : index
      %swap3A_143 = tpu.vector_load %arg11[%swap3A_141, %swap3A_142] {strides = array<i32>} : memref<128x128xf32, #tpu.memory_space<vmem>>, vector<1x16xf32>,
      %swap3A_144 = vector.shape_cast %swap3A_143 : vector<1x16xf32> to vector<16xf32>
      %swap3A_145 = vector.shape_cast %get3A_140 : vector<16xf32> to vector<1x16xf32>
      tpu.vector_store %arg11[%swap3A_141, %swap3A_142], %swap3A_145 {add = true, strides = array<i32>} : memref<128x128xf32, #tpu.memory_space<vmem>>, vector<1x16xf32>,
      %get3A_146 = arith.index_cast %scan3A_120 : i32 to index
      %get3A_147 = arith.constant 48 : index
      %get3A_148 = tpu.vector_load %arg13[%get3A_146, %get3A_147] {strides = array<i32>} : memref<128x128xf32, #tpu.memory_space<vmem>>, vector<1x16xf32>,
      %get3A_149 = vector.shape_cast %get3A_148 : vector<1x16xf32> to vector<16xf32>
      %swap3A_150 = arith.index_cast %scan3A_120 : i32 to index
      %swap3A_151 = arith.constant 48 : index
      %swap3A_152 = tpu.vector_load %arg11[%swap3A_150, %swap3A_151] {strides = array<i32>} : memref<128x128xf32, #tpu.memory_space<vmem>>, vector<1x16xf32>,
      %swap3A_153 = vector.shape_cast %swap3A_152 : vector<1x16xf32> to vector<16xf32>
      %swap3A_154 = vector.shape_cast %get3A_149 : vector<16xf32> to vector<1x16xf32>
      tpu.vector_store %arg11[%swap3A_150, %swap3A_151], %swap3A_154 {add = true, strides = array<i32>} : memref<128x128xf32, #tpu.memory_space<vmem>>, vector<1x16xf32>,
      %get3A_155 = arith.index_cast %scan3A_120 : i32 to index
      %get3A_156 = arith.constant 64 : index
      %get3A_157 = tpu.vector_load %arg13[%get3A_155, %get3A_156] {strides = array<i32>} : memref<128x128xf32, #tpu.memory_space<vmem>>, vector<1x16xf32>,
      %get3A_158 = vector.shape_cast %get3A_157 : vector<1x16xf32> to vector<16xf32>
      %swap3A_159 = arith.index_cast %scan3A_120 : i32 to index
      %swap3A_160 = arith.constant 64 : index
      %swap3A_161 = tpu.vector_load %arg11[%swap3A_159, %swap3A_160] {strides = array<i32>} : memref<128x128xf32, #tpu.memory_space<vmem>>, vector<1x16xf32>,
      %swap3A_162 = vector.shape_cast %swap3A_161 : vector<1x16xf32> to vector<16xf32>
      %swap3A_163 = vector.shape_cast %get3A_158 : vector<16xf32> to vector<1x16xf32>
      tpu.vector_store %arg11[%swap3A_159, %swap3A_160], %swap3A_163 {add = true, strides = array<i32>} : memref<128x128xf32, #tpu.memory_space<vmem>>, vector<1x16xf32>,
      %get3A_164 = arith.index_cast %scan3A_120 : i32 to index
      %get3A_165 = arith.constant 80 : index
      %get3A_166 = tpu.vector_load %arg13[%get3A_164, %get3A_165] {strides = array<i32>} : memref<128x128xf32, #tpu.memory_space<vmem>>, vector<1x16xf32>,
      %get3A_167 = vector.shape_cast %get3A_166 : vector<1x16xf32> to vector<16xf32>
      %swap3A_168 = arith.index_cast %scan3A_120 : i32 to index
      %swap3A_169 = arith.constant 80 : index
      %swap3A_170 = tpu.vector_load %arg11[%swap3A_168, %swap3A_169] {strides = array<i32>} : memref<128x128xf32, #tpu.memory_space<vmem>>, vector<1x16xf32>,
      %swap3A_171 = vector.shape_cast %swap3A_170 : vector<1x16xf32> to vector<16xf32>
      %swap3A_172 = vector.shape_cast %get3A_167 : vector<16xf32> to vector<1x16xf32>
      tpu.vector_store %arg11[%swap3A_168, %swap3A_169], %swap3A_172 {add = true, strides = array<i32>} : memref<128x128xf32, #tpu.memory_space<vmem>>, vector<1x16xf32>,
      %get3A_173 = arith.index_cast %scan3A_120 : i32 to index
      %get3A_174 = arith.constant 96 : index
      %get3A_175 = tpu.vector_load %arg13[%get3A_173, %get3A_174] {strides = array<i32>} : memref<128x128xf32, #tpu.memory_space<vmem>>, vector<1x16xf32>,
      %get3A_176 = vector.shape_cast %get3A_175 : vector<1x16xf32> to vector<16xf32>
      %swap3A_177 = arith.index_cast %scan3A_120 : i32 to index
      %swap3A_178 = arith.constant 96 : index
      %swap3A_179 = tpu.vector_load %arg11[%swap3A_177, %swap3A_178] {strides = array<i32>} : memref<128x128xf32, #tpu.memory_space<vmem>>, vector<1x16xf32>,
      %swap3A_180 = vector.shape_cast %swap3A_179 : vector<1x16xf32> to vector<16xf32>
      %swap3A_181 = vector.shape_cast %get3A_176 : vector<16xf32> to vector<1x16xf32>
      tpu.vector_store %arg11[%swap3A_177, %swap3A_178], %swap3A_181 {add = true, strides = array<i32>} : memref<128x128xf32, #tpu.memory_space<vmem>>, vector<1x16xf32>,
      %get3A_182 = arith.index_cast %scan3A_120 : i32 to index
      %get3A_183 = arith.constant 112 : index
      %get3A_184 = tpu.vector_load %arg13[%get3A_182, %get3A_183] {strides = array<i32>} : memref<128x128xf32, #tpu.memory_space<vmem>>, vector<1x16xf32>,
      %get3A_185 = vector.shape_cast %get3A_184 : vector<1x16xf32> to vector<16xf32>
      %swap3A_186 = arith.index_cast %scan3A_120 : i32 to index
      %swap3A_187 = arith.constant 112 : index
      %swap3A_188 = tpu.vector_load %arg11[%swap3A_186, %swap3A_187] {strides = array<i32>} : memref<128x128xf32, #tpu.memory_space<vmem>>, vector<1x16xf32>,
      %swap3A_189 = vector.shape_cast %swap3A_188 : vector<1x16xf32> to vector<16xf32>
      %swap3A_190 = vector.shape_cast %get3A_185 : vector<16xf32> to vector<1x16xf32>
      tpu.vector_store %arg11[%swap3A_186, %swap3A_187], %swap3A_190 {add = true, strides = array<i32>} : memref<128x128xf32, #tpu.memory_space<vmem>>, vector<1x16xf32>,
    }
    %scan3A_117 = arith.constant 8 : i32
    %add3A_118 = arith.constant 4992 : i32
    %add3A_119 = arith.addi %mul3A_2, %add3A_118 : i32
    "tpu.region"() ({
      %run_scoped3A = tpu.sem_alloc : memref<!tpu.dma_semaphore, #tpu.memory_space<semaphore_mem>>
      %dma_start3A_120 = arith.constant 0 : i32
      %dma_start3A_121 = arith.constant 0 : i32
      %dma_start3A_122 = tpu.memref_slice %arg11[%dma_start3A_120, %dma_start3A_121] : memref<128x128xf32, #tpu.memory_space<vmem>> -> memref<8x128xf32, #tpu.memory_space<vmem>>
      %dma_start3A_123 = arith.constant 0 : i32
      %dma_start3A_124 = tpu.memref_slice %arg6[%add3A_119, %dma_start3A_123] : memref<160000x128xf32, #tpu.memory_space<hbm>> -> memref<8x128xf32, #tpu.memory_space<hbm>>
      %dma_start3A_125 = arith.constant 0 : i32
      %dma_start3A_126 = tpu.memref_slice %arg6[%add3A_119, %dma_start3A_125] : memref<160000x128xf32, #tpu.memory_space<hbm>> -> memref<8x128xf32, #tpu.memory_space<hbm>>
      %dma_start3A_127 = arith.constant 0 : i32
      %dma_start3A_128 = arith.constant 0 : i32
      %dma_start3A_129 = tpu.memref_slice %arg11[%dma_start3A_127, %dma_start3A_128] : memref<128x128xf32, #tpu.memory_space<vmem>> -> memref<8x128xf32, #tpu.memory_space<vmem>>
      tpu.enqueue_dma source(%dma_start3A_129 : memref<8x128xf32, #tpu.memory_space<vmem>>) target(%dma_start3A_126 : memref<8x128xf32, #tpu.memory_space<hbm>>) target_semaphore(%run_scoped3A : memref<!tpu.dma_semaphore, #tpu.memory_space<semaphore_mem>>)
      %dma_wait3A_130 = arith.constant 0 : i32
      %dma_wait3A_131 = arith.constant 0 : i32
      %dma_wait3A_132 = tpu.memref_slice %arg11[%dma_wait3A_130, %dma_wait3A_131] : memref<128x128xf32, #tpu.memory_space<vmem>> -> memref<8x128xf32, #tpu.memory_space<vmem>>
      %dma_wait3A_133 = arith.constant 0 : i32
      %dma_wait3A_134 = tpu.memref_slice %arg6[%add3A_119, %dma_wait3A_133] : memref<160000x128xf32, #tpu.memory_space<hbm>> -> memref<8x128xf32, #tpu.memory_space<hbm>>
      %dma_wait3A_135 = arith.constant 0 : i32
      %dma_wait3A_136 = tpu.memref_slice %arg6[%add3A_119, %dma_wait3A_135] : memref<160000x128xf32, #tpu.memory_space<hbm>> -> memref<8x128xf32, #tpu.memory_space<hbm>>
      %dma_wait3A_137 = arith.constant 0 : i32
      %dma_wait3A_138 = arith.constant 0 : i32
      %dma_wait3A_139 = tpu.memref_slice %arg11[%dma_wait3A_137, %dma_wait3A_138] : memref<128x128xf32, #tpu.memory_space<vmem>> -> memref<8x128xf32, #tpu.memory_space<vmem>>
      tpu.wait_dma2 semaphore(%run_scoped3A : memref<!tpu.dma_semaphore, #tpu.memory_space<semaphore_mem>>) src(%dma_wait3A_139 : memref<8x128xf32, #tpu.memory_space<vmem>>) dst(%dma_wait3A_136 : memref<8x128xf32, #tpu.memory_space<hbm>>)
      tpu.yield
    }) : () -> ()
    return
  }
}

#map = affine_map<(d0, d1) -> (0, 0)>
#map1 = affine_map<(d0, d1) -> (0)>
#map2 = affine_map<(d0, d1) -> (0, 0, 0)>
module attributes {stable_mosaic.version = 14 : i64} {
  func.func @scatter_k(%arg0: i32, %arg1: i32, %arg2: memref<160000x128xf32, #tpu.memory_space<hbm>>, %arg3: memref<320000xi32, #tpu.memory_space<hbm>>, %arg4: memref<10112x128xf32, #tpu.memory_space<hbm>>, %arg5: memref<2x10112x128xf32, #tpu.memory_space<hbm>>, %arg6: memref<128xi32, #tpu.memory_space<vmem>>, %arg7: memref<128xi32, #tpu.memory_space<vmem>>, %arg8: memref<128x128xf32, #tpu.memory_space<vmem>>, %arg9: memref<128x128xf32, #tpu.memory_space<vmem>>, %arg10: memref<10112x128xf32, #tpu.memory_space<vmem_shared>>, %arg11: memref<!tpu.dma_semaphore, #tpu.memory_space<semaphore_mem>>, %arg12: memref<!tpu.dma_semaphore, #tpu.memory_space<semaphore_mem>>, %arg13: memref<128xi32, #tpu.memory_space<vmem>>, %arg14: memref<8xi32, #tpu.memory_space<vmem>>) attributes {dimension_semantics = [#tpu.dimension_semantics<core_parallel>, #tpu.dimension_semantics<subcore_parallel>], iteration_bounds = array<i64: 2, 16>, scalar_prefetch = 0 : i64, scratch_operands = 9 : i64, tpu.core_type = #tpu.core_type<sc_vector_subcore>, window_params = [{transform_indices = #map}, {transform_indices = #map1}, {transform_indices = #map}, {transform_indices = #map2}]} {
    %mul3A = arith.constant 2 : i32
    %mul3A_0 = arith.muli %arg1, %mul3A : i32
    %add3A = arith.addi %mul3A_0, %arg0 : i32
    %mul3A_1 = arith.constant 5000 : i32
    %mul3A_2 = arith.muli %add3A, %mul3A_1 : i32
    %add3A_3 = arith.constant 0 : i32
    %add3A_4 = arith.addi %add3A_3, %mul3A_2 : i32
    %mul3A_5 = arith.constant 632 : i32
    %mul3A_6 = arith.muli %arg1, %mul3A_5 : i32
    %mul3A_7 = arith.constant 632 : i32
    %mul3A_8 = arith.muli %arg1, %mul3A_7 : i32
    "tpu.region"() ({
      %run_scoped3A = tpu.sem_alloc : memref<!tpu.dma_semaphore, #tpu.memory_space<semaphore_mem>>
      %dma_start3A_46 = arith.constant 0 : i32
      %dma_start3A_47 = tpu.memref_slice %arg10[%mul3A_8, %dma_start3A_46] : memref<10112x128xf32, #tpu.memory_space<vmem_shared>> -> memref<632x128xf32, #tpu.memory_space<vmem_shared>>
      %dma_start3A_48 = arith.constant 0 : i32
      %dma_start3A_49 = tpu.memref_slice %arg4[%mul3A_6, %dma_start3A_48] : memref<10112x128xf32, #tpu.memory_space<hbm>> -> memref<632x128xf32, #tpu.memory_space<hbm>>
      tpu.enqueue_dma source(%dma_start3A_49 : memref<632x128xf32, #tpu.memory_space<hbm>>) target(%dma_start3A_47 : memref<632x128xf32, #tpu.memory_space<vmem_shared>>) target_semaphore(%run_scoped3A : memref<!tpu.dma_semaphore, #tpu.memory_space<semaphore_mem>>)
      %dma_wait3A = arith.constant 0 : i32
      %dma_wait3A_50 = tpu.memref_slice %arg10[%mul3A_8, %dma_wait3A] : memref<10112x128xf32, #tpu.memory_space<vmem_shared>> -> memref<632x128xf32, #tpu.memory_space<vmem_shared>>
      %dma_wait3A_51 = arith.constant 0 : i32
      %dma_wait3A_52 = tpu.memref_slice %arg4[%mul3A_6, %dma_wait3A_51] : memref<10112x128xf32, #tpu.memory_space<hbm>> -> memref<632x128xf32, #tpu.memory_space<hbm>>
      tpu.wait_dma2 semaphore(%run_scoped3A : memref<!tpu.dma_semaphore, #tpu.memory_space<semaphore_mem>>) src(%dma_wait3A_52 : memref<632x128xf32, #tpu.memory_space<hbm>>) dst(%dma_wait3A_50 : memref<632x128xf32, #tpu.memory_space<vmem_shared>>)
      tpu.yield
    }) : () -> ()
    %barrier3A = arith.constant 0 : index
    tpu.barrier barrier_id(%barrier3A)
    %add3A_9 = arith.constant 0 : i32
    %add3A_10 = arith.addi %add3A_4, %add3A_9 : i32
    %add3A_11 = arith.constant 0 : i32
    %add3A_12 = arith.addi %mul3A_2, %add3A_11 : i32
    %dma_start3A = tpu.memref_slice %arg3[%add3A_10] : memref<320000xi32, #tpu.memory_space<hbm>> -> memref<128xi32, #tpu.memory_space<hbm>>
    %dma_start3A_13 = tpu.memref_slice %arg3[%add3A_10] : memref<320000xi32, #tpu.memory_space<hbm>> -> memref<128xi32, #tpu.memory_space<hbm>>
    tpu.enqueue_dma source(%dma_start3A_13 : memref<128xi32, #tpu.memory_space<hbm>>) target(%arg6 : memref<128xi32, #tpu.memory_space<vmem>>) target_semaphore(%arg11 : memref<!tpu.dma_semaphore, #tpu.memory_space<semaphore_mem>>)
    %dma_start3A_14 = arith.constant 0 : i32
    %dma_start3A_15 = tpu.memref_slice %arg2[%add3A_12, %dma_start3A_14] : memref<160000x128xf32, #tpu.memory_space<hbm>> -> memref<128x128xf32, #tpu.memory_space<hbm>>
    %dma_start3A_16 = arith.constant 0 : i32
    %dma_start3A_17 = tpu.memref_slice %arg2[%add3A_12, %dma_start3A_16] : memref<160000x128xf32, #tpu.memory_space<hbm>> -> memref<128x128xf32, #tpu.memory_space<hbm>>
    tpu.enqueue_dma source(%dma_start3A_17 : memref<128x128xf32, #tpu.memory_space<hbm>>) target(%arg8 : memref<128x128xf32, #tpu.memory_space<vmem>>) target_semaphore(%arg11 : memref<!tpu.dma_semaphore, #tpu.memory_space<semaphore_mem>>)
    %add3A_18 = arith.constant 128 : i32
    %add3A_19 = arith.addi %add3A_4, %add3A_18 : i32
    %add3A_20 = arith.constant 128 : i32
    %add3A_21 = arith.addi %mul3A_2, %add3A_20 : i32
    %dma_start3A_22 = tpu.memref_slice %arg3[%add3A_19] : memref<320000xi32, #tpu.memory_space<hbm>> -> memref<128xi32, #tpu.memory_space<hbm>>
    %dma_start3A_23 = tpu.memref_slice %arg3[%add3A_19] : memref<320000xi32, #tpu.memory_space<hbm>> -> memref<128xi32, #tpu.memory_space<hbm>>
    tpu.enqueue_dma source(%dma_start3A_23 : memref<128xi32, #tpu.memory_space<hbm>>) target(%arg7 : memref<128xi32, #tpu.memory_space<vmem>>) target_semaphore(%arg12 : memref<!tpu.dma_semaphore, #tpu.memory_space<semaphore_mem>>)
    %dma_start3A_24 = arith.constant 0 : i32
    %dma_start3A_25 = tpu.memref_slice %arg2[%add3A_21, %dma_start3A_24] : memref<160000x128xf32, #tpu.memory_space<hbm>> -> memref<128x128xf32, #tpu.memory_space<hbm>>
    %dma_start3A_26 = arith.constant 0 : i32
    %dma_start3A_27 = tpu.memref_slice %arg2[%add3A_21, %dma_start3A_26] : memref<160000x128xf32, #tpu.memory_space<hbm>> -> memref<128x128xf32, #tpu.memory_space<hbm>>
    tpu.enqueue_dma source(%dma_start3A_27 : memref<128x128xf32, #tpu.memory_space<hbm>>) target(%arg9 : memref<128x128xf32, #tpu.memory_space<vmem>>) target_semaphore(%arg12 : memref<!tpu.dma_semaphore, #tpu.memory_space<semaphore_mem>>)
    %scan3A = arith.constant 0 : i32
    %scan3A_28 = arith.constant 0 : i32
    %scan3A_29 = arith.constant 19 : i32
    %scan3A_30 = arith.addi %scan3A_28, %scan3A_29 : i32
    %scan3A_31 = arith.constant 1 : i32
    scf.for %scan3A_46 = %scan3A_28 to %scan3A_30 step %scan3A_31  : i32 {
      %mul3A_47 = arith.constant 2 : i32
      %mul3A_48 = arith.muli %mul3A_47, %scan3A_46 : i32
      %add3A_49 = arith.constant 0 : i32
      %add3A_50 = arith.addi %mul3A_48, %add3A_49 : i32
      %mul3A_51 = arith.constant 128 : i32
      %mul3A_52 = arith.muli %add3A_50, %mul3A_51 : i32
      %add3A_53 = arith.addi %add3A_4, %mul3A_52 : i32
      %mul3A_54 = arith.constant 128 : i32
      %mul3A_55 = arith.muli %add3A_50, %mul3A_54 : i32
      %add3A_56 = arith.addi %mul3A_2, %mul3A_55 : i32
      %dma_wait3A = tpu.memref_slice %arg3[%add3A_53] : memref<320000xi32, #tpu.memory_space<hbm>> -> memref<128xi32, #tpu.memory_space<hbm>>
      %dma_wait3A_57 = tpu.memref_slice %arg3[%add3A_53] : memref<320000xi32, #tpu.memory_space<hbm>> -> memref<128xi32, #tpu.memory_space<hbm>>
      tpu.wait_dma2 semaphore(%arg11 : memref<!tpu.dma_semaphore, #tpu.memory_space<semaphore_mem>>) src(%dma_wait3A_57 : memref<128xi32, #tpu.memory_space<hbm>>) dst(%arg6 : memref<128xi32, #tpu.memory_space<vmem>>)
      %dma_wait3A_58 = arith.constant 0 : i32
      %dma_wait3A_59 = tpu.memref_slice %arg2[%add3A_56, %dma_wait3A_58] : memref<160000x128xf32, #tpu.memory_space<hbm>> -> memref<128x128xf32, #tpu.memory_space<hbm>>
      %dma_wait3A_60 = arith.constant 0 : i32
      %dma_wait3A_61 = tpu.memref_slice %arg2[%add3A_56, %dma_wait3A_60] : memref<160000x128xf32, #tpu.memory_space<hbm>> -> memref<128x128xf32, #tpu.memory_space<hbm>>
      tpu.wait_dma2 semaphore(%arg11 : memref<!tpu.dma_semaphore, #tpu.memory_space<semaphore_mem>>) src(%dma_wait3A_61 : memref<128x128xf32, #tpu.memory_space<hbm>>) dst(%arg8 : memref<128x128xf32, #tpu.memory_space<vmem>>)
      "tpu.region"() ({
        %run_scoped3A = tpu.sem_alloc : memref<!tpu.dma_semaphore, #tpu.memory_space<semaphore_mem>>
        %dma_start3A_83 = arith.constant 0 : i32
        %dma_start3A_84 = arith.constant 0 : i32
        %dma_start3A_85 = tpu.memref_slice %arg10[%dma_start3A_83, %dma_start3A_84] : memref<10112x128xf32, #tpu.memory_space<vmem_shared>> -> memref<10112x128xf32, #tpu.memory_space<vmem_shared>>
        tpu.enqueue_indirect_dma source(%arg8 : memref<128x128xf32, #tpu.memory_space<vmem>>) target(%dma_start3A_85 : memref<10112x128xf32, #tpu.memory_space<vmem_shared>>) offsets(%arg6 : memref<128xi32, #tpu.memory_space<vmem>>) semaphore(%run_scoped3A : memref<!tpu.dma_semaphore, #tpu.memory_space<semaphore_mem>>) {add = true}
        %dma_wait3A_86 = arith.constant 0 : i32
        %dma_wait3A_87 = arith.constant 0 : i32
        %dma_wait3A_88 = tpu.memref_slice %arg10[%dma_wait3A_86, %dma_wait3A_87] : memref<10112x128xf32, #tpu.memory_space<vmem_shared>> -> memref<10112x128xf32, #tpu.memory_space<vmem_shared>>
        tpu.wait_indirect_dma semaphore(%run_scoped3A : memref<!tpu.dma_semaphore, #tpu.memory_space<semaphore_mem>>) src(%arg8 : memref<128x128xf32, #tpu.memory_space<vmem>>) dst(%dma_wait3A_88 : memref<10112x128xf32, #tpu.memory_space<vmem_shared>>)
        tpu.yield
      }) : () -> ()
      %lt3A = arith.constant 18 : i32
      %lt3A_62 = arith.cmpi slt, %scan3A_46, %lt3A : i32
      %convert_element_type3A = arith.extui %lt3A_62 : i1 to i32
      %cond3A = arith.constant 0 : i32
      %cond3A_63 = arith.cmpi ne, %convert_element_type3A, %cond3A : i32
      scf.if %cond3A_63 {
        %add3A_83 = arith.constant 2 : i32
        %add3A_84 = arith.addi %mul3A_48, %add3A_83 : i32
        %add3A_85 = arith.constant 0 : i32
        %add3A_86 = arith.addi %add3A_84, %add3A_85 : i32
        %mul3A_87 = arith.constant 128 : i32
        %mul3A_88 = arith.muli %add3A_86, %mul3A_87 : i32
        %add3A_89 = arith.addi %add3A_4, %mul3A_88 : i32
        %mul3A_90 = arith.constant 128 : i32
        %mul3A_91 = arith.muli %add3A_86, %mul3A_90 : i32
        %add3A_92 = arith.addi %mul3A_2, %mul3A_91 : i32
        %dma_start3A_93 = tpu.memref_slice %arg3[%add3A_89] : memref<320000xi32, #tpu.memory_space<hbm>> -> memref<128xi32, #tpu.memory_space<hbm>>
        %dma_start3A_94 = tpu.memref_slice %arg3[%add3A_89] : memref<320000xi32, #tpu.memory_space<hbm>> -> memref<128xi32, #tpu.memory_space<hbm>>
        tpu.enqueue_dma source(%dma_start3A_94 : memref<128xi32, #tpu.memory_space<hbm>>) target(%arg6 : memref<128xi32, #tpu.memory_space<vmem>>) target_semaphore(%arg11 : memref<!tpu.dma_semaphore, #tpu.memory_space<semaphore_mem>>)
        %dma_start3A_95 = arith.constant 0 : i32
        %dma_start3A_96 = tpu.memref_slice %arg2[%add3A_92, %dma_start3A_95] : memref<160000x128xf32, #tpu.memory_space<hbm>> -> memref<128x128xf32, #tpu.memory_space<hbm>>
        %dma_start3A_97 = arith.constant 0 : i32
        %dma_start3A_98 = tpu.memref_slice %arg2[%add3A_92, %dma_start3A_97] : memref<160000x128xf32, #tpu.memory_space<hbm>> -> memref<128x128xf32, #tpu.memory_space<hbm>>
        tpu.enqueue_dma source(%dma_start3A_98 : memref<128x128xf32, #tpu.memory_space<hbm>>) target(%arg8 : memref<128x128xf32, #tpu.memory_space<vmem>>) target_semaphore(%arg11 : memref<!tpu.dma_semaphore, #tpu.memory_space<semaphore_mem>>)
      } else {
      }
      %add3A_64 = arith.constant 1 : i32
      %add3A_65 = arith.addi %mul3A_48, %add3A_64 : i32
      %mul3A_66 = arith.constant 128 : i32
      %mul3A_67 = arith.muli %add3A_65, %mul3A_66 : i32
      %add3A_68 = arith.addi %add3A_4, %mul3A_67 : i32
      %mul3A_69 = arith.constant 128 : i32
      %mul3A_70 = arith.muli %add3A_65, %mul3A_69 : i32
      %add3A_71 = arith.addi %mul3A_2, %mul3A_70 : i32
      %dma_wait3A_72 = tpu.memref_slice %arg3[%add3A_68] : memref<320000xi32, #tpu.memory_space<hbm>> -> memref<128xi32, #tpu.memory_space<hbm>>
      %dma_wait3A_73 = tpu.memref_slice %arg3[%add3A_68] : memref<320000xi32, #tpu.memory_space<hbm>> -> memref<128xi32, #tpu.memory_space<hbm>>
      tpu.wait_dma2 semaphore(%arg12 : memref<!tpu.dma_semaphore, #tpu.memory_space<semaphore_mem>>) src(%dma_wait3A_73 : memref<128xi32, #tpu.memory_space<hbm>>) dst(%arg7 : memref<128xi32, #tpu.memory_space<vmem>>)
      %dma_wait3A_74 = arith.constant 0 : i32
      %dma_wait3A_75 = tpu.memref_slice %arg2[%add3A_71, %dma_wait3A_74] : memref<160000x128xf32, #tpu.memory_space<hbm>> -> memref<128x128xf32, #tpu.memory_space<hbm>>
      %dma_wait3A_76 = arith.constant 0 : i32
      %dma_wait3A_77 = tpu.memref_slice %arg2[%add3A_71, %dma_wait3A_76] : memref<160000x128xf32, #tpu.memory_space<hbm>> -> memref<128x128xf32, #tpu.memory_space<hbm>>
      tpu.wait_dma2 semaphore(%arg12 : memref<!tpu.dma_semaphore, #tpu.memory_space<semaphore_mem>>) src(%dma_wait3A_77 : memref<128x128xf32, #tpu.memory_space<hbm>>) dst(%arg9 : memref<128x128xf32, #tpu.memory_space<vmem>>)
      "tpu.region"() ({
        %run_scoped3A = tpu.sem_alloc : memref<!tpu.dma_semaphore, #tpu.memory_space<semaphore_mem>>
        %dma_start3A_83 = arith.constant 0 : i32
        %dma_start3A_84 = arith.constant 0 : i32
        %dma_start3A_85 = tpu.memref_slice %arg10[%dma_start3A_83, %dma_start3A_84] : memref<10112x128xf32, #tpu.memory_space<vmem_shared>> -> memref<10112x128xf32, #tpu.memory_space<vmem_shared>>
        tpu.enqueue_indirect_dma source(%arg9 : memref<128x128xf32, #tpu.memory_space<vmem>>) target(%dma_start3A_85 : memref<10112x128xf32, #tpu.memory_space<vmem_shared>>) offsets(%arg7 : memref<128xi32, #tpu.memory_space<vmem>>) semaphore(%run_scoped3A : memref<!tpu.dma_semaphore, #tpu.memory_space<semaphore_mem>>) {add = true}
        %dma_wait3A_86 = arith.constant 0 : i32
        %dma_wait3A_87 = arith.constant 0 : i32
        %dma_wait3A_88 = tpu.memref_slice %arg10[%dma_wait3A_86, %dma_wait3A_87] : memref<10112x128xf32, #tpu.memory_space<vmem_shared>> -> memref<10112x128xf32, #tpu.memory_space<vmem_shared>>
        tpu.wait_indirect_dma semaphore(%run_scoped3A : memref<!tpu.dma_semaphore, #tpu.memory_space<semaphore_mem>>) src(%arg9 : memref<128x128xf32, #tpu.memory_space<vmem>>) dst(%dma_wait3A_88 : memref<10112x128xf32, #tpu.memory_space<vmem_shared>>)
        tpu.yield
      }) : () -> ()
      %lt3A_78 = arith.constant 18 : i32
      %lt3A_79 = arith.cmpi slt, %scan3A_46, %lt3A_78 : i32
      %convert_element_type3A_80 = arith.extui %lt3A_79 : i1 to i32
      %cond3A_81 = arith.constant 0 : i32
      %cond3A_82 = arith.cmpi ne, %convert_element_type3A_80, %cond3A_81 : i32
      scf.if %cond3A_82 {
        %add3A_83 = arith.constant 2 : i32
        %add3A_84 = arith.addi %mul3A_48, %add3A_83 : i32
        %add3A_85 = arith.constant 1 : i32
        %add3A_86 = arith.addi %add3A_84, %add3A_85 : i32
        %mul3A_87 = arith.constant 128 : i32
        %mul3A_88 = arith.muli %add3A_86, %mul3A_87 : i32
        %add3A_89 = arith.addi %add3A_4, %mul3A_88 : i32
        %mul3A_90 = arith.constant 128 : i32
        %mul3A_91 = arith.muli %add3A_86, %mul3A_90 : i32
        %add3A_92 = arith.addi %mul3A_2, %mul3A_91 : i32
        %dma_start3A_93 = tpu.memref_slice %arg3[%add3A_89] : memref<320000xi32, #tpu.memory_space<hbm>> -> memref<128xi32, #tpu.memory_space<hbm>>
        %dma_start3A_94 = tpu.memref_slice %arg3[%add3A_89] : memref<320000xi32, #tpu.memory_space<hbm>> -> memref<128xi32, #tpu.memory_space<hbm>>
        tpu.enqueue_dma source(%dma_start3A_94 : memref<128xi32, #tpu.memory_space<hbm>>) target(%arg7 : memref<128xi32, #tpu.memory_space<vmem>>) target_semaphore(%arg12 : memref<!tpu.dma_semaphore, #tpu.memory_space<semaphore_mem>>)
        %dma_start3A_95 = arith.constant 0 : i32
        %dma_start3A_96 = tpu.memref_slice %arg2[%add3A_92, %dma_start3A_95] : memref<160000x128xf32, #tpu.memory_space<hbm>> -> memref<128x128xf32, #tpu.memory_space<hbm>>
        %dma_start3A_97 = arith.constant 0 : i32
        %dma_start3A_98 = tpu.memref_slice %arg2[%add3A_92, %dma_start3A_97] : memref<160000x128xf32, #tpu.memory_space<hbm>> -> memref<128x128xf32, #tpu.memory_space<hbm>>
        tpu.enqueue_dma source(%dma_start3A_98 : memref<128x128xf32, #tpu.memory_space<hbm>>) target(%arg9 : memref<128x128xf32, #tpu.memory_space<vmem>>) target_semaphore(%arg12 : memref<!tpu.dma_semaphore, #tpu.memory_space<semaphore_mem>>)
      } else {
      }
    }
    %scan3A_32 = arith.constant 19 : i32
    %add3A_33 = arith.constant 4864 : i32
    %add3A_34 = arith.addi %add3A_4, %add3A_33 : i32
    "tpu.region"() ({
      %run_scoped3A = tpu.sem_alloc : memref<!tpu.dma_semaphore, #tpu.memory_space<semaphore_mem>>
      %dma_start3A_46 = tpu.memref_slice %arg3[%add3A_34] : memref<320000xi32, #tpu.memory_space<hbm>> -> memref<128xi32, #tpu.memory_space<hbm>>
      %dma_start3A_47 = tpu.memref_slice %arg3[%add3A_34] : memref<320000xi32, #tpu.memory_space<hbm>> -> memref<128xi32, #tpu.memory_space<hbm>>
      tpu.enqueue_dma source(%dma_start3A_47 : memref<128xi32, #tpu.memory_space<hbm>>) target(%arg13 : memref<128xi32, #tpu.memory_space<vmem>>) target_semaphore(%run_scoped3A : memref<!tpu.dma_semaphore, #tpu.memory_space<semaphore_mem>>)
      %dma_wait3A = tpu.memref_slice %arg3[%add3A_34] : memref<320000xi32, #tpu.memory_space<hbm>> -> memref<128xi32, #tpu.memory_space<hbm>>
      %dma_wait3A_48 = tpu.memref_slice %arg3[%add3A_34] : memref<320000xi32, #tpu.memory_space<hbm>> -> memref<128xi32, #tpu.memory_space<hbm>>
      tpu.wait_dma2 semaphore(%run_scoped3A : memref<!tpu.dma_semaphore, #tpu.memory_space<semaphore_mem>>) src(%dma_wait3A_48 : memref<128xi32, #tpu.memory_space<hbm>>) dst(%arg13 : memref<128xi32, #tpu.memory_space<vmem>>)
      tpu.yield
    }) : () -> ()
    %add3A_35 = arith.constant 4864 : i32
    %add3A_36 = arith.addi %mul3A_2, %add3A_35 : i32
    "tpu.region"() ({
      %run_scoped3A = tpu.sem_alloc : memref<!tpu.dma_semaphore, #tpu.memory_space<semaphore_mem>>
      %dma_start3A_46 = arith.constant 0 : i32
      %dma_start3A_47 = arith.constant 0 : i32
      %dma_start3A_48 = tpu.memref_slice %arg8[%dma_start3A_46, %dma_start3A_47] : memref<128x128xf32, #tpu.memory_space<vmem>> -> memref<128x128xf32, #tpu.memory_space<vmem>>
      %dma_start3A_49 = arith.constant 0 : i32
      %dma_start3A_50 = tpu.memref_slice %arg2[%add3A_36, %dma_start3A_49] : memref<160000x128xf32, #tpu.memory_space<hbm>> -> memref<128x128xf32, #tpu.memory_space<hbm>>
      %dma_start3A_51 = arith.constant 0 : i32
      %dma_start3A_52 = arith.constant 0 : i32
      %dma_start3A_53 = tpu.memref_slice %arg8[%dma_start3A_51, %dma_start3A_52] : memref<128x128xf32, #tpu.memory_space<vmem>> -> memref<128x128xf32, #tpu.memory_space<vmem>>
      %dma_start3A_54 = arith.constant 0 : i32
      %dma_start3A_55 = tpu.memref_slice %arg2[%add3A_36, %dma_start3A_54] : memref<160000x128xf32, #tpu.memory_space<hbm>> -> memref<128x128xf32, #tpu.memory_space<hbm>>
      tpu.enqueue_dma source(%dma_start3A_55 : memref<128x128xf32, #tpu.memory_space<hbm>>) target(%dma_start3A_53 : memref<128x128xf32, #tpu.memory_space<vmem>>) target_semaphore(%run_scoped3A : memref<!tpu.dma_semaphore, #tpu.memory_space<semaphore_mem>>)
      %dma_wait3A = arith.constant 0 : i32
      %dma_wait3A_56 = arith.constant 0 : i32
      %dma_wait3A_57 = tpu.memref_slice %arg8[%dma_wait3A, %dma_wait3A_56] : memref<128x128xf32, #tpu.memory_space<vmem>> -> memref<128x128xf32, #tpu.memory_space<vmem>>
      %dma_wait3A_58 = arith.constant 0 : i32
      %dma_wait3A_59 = tpu.memref_slice %arg2[%add3A_36, %dma_wait3A_58] : memref<160000x128xf32, #tpu.memory_space<hbm>> -> memref<128x128xf32, #tpu.memory_space<hbm>>
      %dma_wait3A_60 = arith.constant 0 : i32
      %dma_wait3A_61 = arith.constant 0 : i32
      %dma_wait3A_62 = tpu.memref_slice %arg8[%dma_wait3A_60, %dma_wait3A_61] : memref<128x128xf32, #tpu.memory_space<vmem>> -> memref<128x128xf32, #tpu.memory_space<vmem>>
      %dma_wait3A_63 = arith.constant 0 : i32
      %dma_wait3A_64 = tpu.memref_slice %arg2[%add3A_36, %dma_wait3A_63] : memref<160000x128xf32, #tpu.memory_space<hbm>> -> memref<128x128xf32, #tpu.memory_space<hbm>>
      tpu.wait_dma2 semaphore(%run_scoped3A : memref<!tpu.dma_semaphore, #tpu.memory_space<semaphore_mem>>) src(%dma_wait3A_64 : memref<128x128xf32, #tpu.memory_space<hbm>>) dst(%dma_wait3A_62 : memref<128x128xf32, #tpu.memory_space<vmem>>)
      tpu.yield
    }) : () -> ()
    "tpu.region"() ({
      %run_scoped3A = tpu.sem_alloc : memref<!tpu.dma_semaphore, #tpu.memory_space<semaphore_mem>>
      %dma_start3A_46 = arith.constant 0 : i32
      %dma_start3A_47 = arith.constant 0 : i32
      %dma_start3A_48 = tpu.memref_slice %arg8[%dma_start3A_46, %dma_start3A_47] : memref<128x128xf32, #tpu.memory_space<vmem>> -> memref<128x128xf32, #tpu.memory_space<vmem>>
      %dma_start3A_49 = arith.constant 0 : i32
      %dma_start3A_50 = arith.constant 0 : i32
      %dma_start3A_51 = tpu.memref_slice %arg10[%dma_start3A_49, %dma_start3A_50] : memref<10112x128xf32, #tpu.memory_space<vmem_shared>> -> memref<10112x128xf32, #tpu.memory_space<vmem_shared>>
      tpu.enqueue_indirect_dma source(%dma_start3A_48 : memref<128x128xf32, #tpu.memory_space<vmem>>) target(%dma_start3A_51 : memref<10112x128xf32, #tpu.memory_space<vmem_shared>>) offsets(%arg13 : memref<128xi32, #tpu.memory_space<vmem>>) semaphore(%run_scoped3A : memref<!tpu.dma_semaphore, #tpu.memory_space<semaphore_mem>>) {add = true}
      %dma_wait3A = arith.constant 0 : i32
      %dma_wait3A_52 = arith.constant 0 : i32
      %dma_wait3A_53 = tpu.memref_slice %arg8[%dma_wait3A, %dma_wait3A_52] : memref<128x128xf32, #tpu.memory_space<vmem>> -> memref<128x128xf32, #tpu.memory_space<vmem>>
      %dma_wait3A_54 = arith.constant 0 : i32
      %dma_wait3A_55 = arith.constant 0 : i32
      %dma_wait3A_56 = tpu.memref_slice %arg10[%dma_wait3A_54, %dma_wait3A_55] : memref<10112x128xf32, #tpu.memory_space<vmem_shared>> -> memref<10112x128xf32, #tpu.memory_space<vmem_shared>>
      tpu.wait_indirect_dma semaphore(%run_scoped3A : memref<!tpu.dma_semaphore, #tpu.memory_space<semaphore_mem>>) src(%dma_wait3A_53 : memref<128x128xf32, #tpu.memory_space<vmem>>) dst(%dma_wait3A_56 : memref<10112x128xf32, #tpu.memory_space<vmem_shared>>)
      tpu.yield
    }) : () -> ()
    %add3A_37 = arith.constant 4992 : i32
    %add3A_38 = arith.addi %add3A_4, %add3A_37 : i32
    "tpu.region"() ({
      %run_scoped3A = tpu.sem_alloc : memref<!tpu.dma_semaphore, #tpu.memory_space<semaphore_mem>>
      %dma_start3A_46 = tpu.memref_slice %arg3[%add3A_38] : memref<320000xi32, #tpu.memory_space<hbm>> -> memref<8xi32, #tpu.memory_space<hbm>>
      %dma_start3A_47 = tpu.memref_slice %arg3[%add3A_38] : memref<320000xi32, #tpu.memory_space<hbm>> -> memref<8xi32, #tpu.memory_space<hbm>>
      tpu.enqueue_dma source(%dma_start3A_47 : memref<8xi32, #tpu.memory_space<hbm>>) target(%arg14 : memref<8xi32, #tpu.memory_space<vmem>>) target_semaphore(%run_scoped3A : memref<!tpu.dma_semaphore, #tpu.memory_space<semaphore_mem>>)
      %dma_wait3A = tpu.memref_slice %arg3[%add3A_38] : memref<320000xi32, #tpu.memory_space<hbm>> -> memref<8xi32, #tpu.memory_space<hbm>>
      %dma_wait3A_48 = tpu.memref_slice %arg3[%add3A_38] : memref<320000xi32, #tpu.memory_space<hbm>> -> memref<8xi32, #tpu.memory_space<hbm>>
      tpu.wait_dma2 semaphore(%run_scoped3A : memref<!tpu.dma_semaphore, #tpu.memory_space<semaphore_mem>>) src(%dma_wait3A_48 : memref<8xi32, #tpu.memory_space<hbm>>) dst(%arg14 : memref<8xi32, #tpu.memory_space<vmem>>)
      tpu.yield
    }) : () -> ()
    %add3A_39 = arith.constant 4992 : i32
    %add3A_40 = arith.addi %mul3A_2, %add3A_39 : i32
    "tpu.region"() ({
      %run_scoped3A = tpu.sem_alloc : memref<!tpu.dma_semaphore, #tpu.memory_space<semaphore_mem>>
      %dma_start3A_46 = arith.constant 0 : i32
      %dma_start3A_47 = arith.constant 0 : i32
      %dma_start3A_48 = tpu.memref_slice %arg8[%dma_start3A_46, %dma_start3A_47] : memref<128x128xf32, #tpu.memory_space<vmem>> -> memref<8x128xf32, #tpu.memory_space<vmem>>
      %dma_start3A_49 = arith.constant 0 : i32
      %dma_start3A_50 = tpu.memref_slice %arg2[%add3A_40, %dma_start3A_49] : memref<160000x128xf32, #tpu.memory_space<hbm>> -> memref<8x128xf32, #tpu.memory_space<hbm>>
      %dma_start3A_51 = arith.constant 0 : i32
      %dma_start3A_52 = arith.constant 0 : i32
      %dma_start3A_53 = tpu.memref_slice %arg8[%dma_start3A_51, %dma_start3A_52] : memref<128x128xf32, #tpu.memory_space<vmem>> -> memref<8x128xf32, #tpu.memory_space<vmem>>
      %dma_start3A_54 = arith.constant 0 : i32
      %dma_start3A_55 = tpu.memref_slice %arg2[%add3A_40, %dma_start3A_54] : memref<160000x128xf32, #tpu.memory_space<hbm>> -> memref<8x128xf32, #tpu.memory_space<hbm>>
      tpu.enqueue_dma source(%dma_start3A_55 : memref<8x128xf32, #tpu.memory_space<hbm>>) target(%dma_start3A_53 : memref<8x128xf32, #tpu.memory_space<vmem>>) target_semaphore(%run_scoped3A : memref<!tpu.dma_semaphore, #tpu.memory_space<semaphore_mem>>)
      %dma_wait3A = arith.constant 0 : i32
      %dma_wait3A_56 = arith.constant 0 : i32
      %dma_wait3A_57 = tpu.memref_slice %arg8[%dma_wait3A, %dma_wait3A_56] : memref<128x128xf32, #tpu.memory_space<vmem>> -> memref<8x128xf32, #tpu.memory_space<vmem>>
      %dma_wait3A_58 = arith.constant 0 : i32
      %dma_wait3A_59 = tpu.memref_slice %arg2[%add3A_40, %dma_wait3A_58] : memref<160000x128xf32, #tpu.memory_space<hbm>> -> memref<8x128xf32, #tpu.memory_space<hbm>>
      %dma_wait3A_60 = arith.constant 0 : i32
      %dma_wait3A_61 = arith.constant 0 : i32
      %dma_wait3A_62 = tpu.memref_slice %arg8[%dma_wait3A_60, %dma_wait3A_61] : memref<128x128xf32, #tpu.memory_space<vmem>> -> memref<8x128xf32, #tpu.memory_space<vmem>>
      %dma_wait3A_63 = arith.constant 0 : i32
      %dma_wait3A_64 = tpu.memref_slice %arg2[%add3A_40, %dma_wait3A_63] : memref<160000x128xf32, #tpu.memory_space<hbm>> -> memref<8x128xf32, #tpu.memory_space<hbm>>
      tpu.wait_dma2 semaphore(%run_scoped3A : memref<!tpu.dma_semaphore, #tpu.memory_space<semaphore_mem>>) src(%dma_wait3A_64 : memref<8x128xf32, #tpu.memory_space<hbm>>) dst(%dma_wait3A_62 : memref<8x128xf32, #tpu.memory_space<vmem>>)
      tpu.yield
    }) : () -> ()
    "tpu.region"() ({
      %run_scoped3A = tpu.sem_alloc : memref<!tpu.dma_semaphore, #tpu.memory_space<semaphore_mem>>
      %dma_start3A_46 = arith.constant 0 : i32
      %dma_start3A_47 = arith.constant 0 : i32
      %dma_start3A_48 = tpu.memref_slice %arg8[%dma_start3A_46, %dma_start3A_47] : memref<128x128xf32, #tpu.memory_space<vmem>> -> memref<8x128xf32, #tpu.memory_space<vmem>>
      %dma_start3A_49 = arith.constant 0 : i32
      %dma_start3A_50 = arith.constant 0 : i32
      %dma_start3A_51 = tpu.memref_slice %arg10[%dma_start3A_49, %dma_start3A_50] : memref<10112x128xf32, #tpu.memory_space<vmem_shared>> -> memref<10112x128xf32, #tpu.memory_space<vmem_shared>>
      tpu.enqueue_indirect_dma source(%dma_start3A_48 : memref<8x128xf32, #tpu.memory_space<vmem>>) target(%dma_start3A_51 : memref<10112x128xf32, #tpu.memory_space<vmem_shared>>) offsets(%arg14 : memref<8xi32, #tpu.memory_space<vmem>>) semaphore(%run_scoped3A : memref<!tpu.dma_semaphore, #tpu.memory_space<semaphore_mem>>) {add = true}
      %dma_wait3A = arith.constant 0 : i32
      %dma_wait3A_52 = arith.constant 0 : i32
      %dma_wait3A_53 = tpu.memref_slice %arg8[%dma_wait3A, %dma_wait3A_52] : memref<128x128xf32, #tpu.memory_space<vmem>> -> memref<8x128xf32, #tpu.memory_space<vmem>>
      %dma_wait3A_54 = arith.constant 0 : i32
      %dma_wait3A_55 = arith.constant 0 : i32
      %dma_wait3A_56 = tpu.memref_slice %arg10[%dma_wait3A_54, %dma_wait3A_55] : memref<10112x128xf32, #tpu.memory_space<vmem_shared>> -> memref<10112x128xf32, #tpu.memory_space<vmem_shared>>
      tpu.wait_indirect_dma semaphore(%run_scoped3A : memref<!tpu.dma_semaphore, #tpu.memory_space<semaphore_mem>>) src(%dma_wait3A_53 : memref<8x128xf32, #tpu.memory_space<vmem>>) dst(%dma_wait3A_56 : memref<10112x128xf32, #tpu.memory_space<vmem_shared>>)
      tpu.yield
    }) : () -> ()
    %barrier3A_41 = arith.constant 0 : index
    tpu.barrier barrier_id(%barrier3A_41)
    %mul3A_42 = arith.constant 632 : i32
    %mul3A_43 = arith.muli %arg1, %mul3A_42 : i32
    %mul3A_44 = arith.constant 632 : i32
    %mul3A_45 = arith.muli %arg1, %mul3A_44 : i32
    "tpu.region"() ({
      %run_scoped3A = tpu.sem_alloc : memref<!tpu.dma_semaphore, #tpu.memory_space<semaphore_mem>>
      %dma_start3A_46 = arith.constant 0 : i32
      %dma_start3A_47 = arith.constant 0 : i32
      %dma_start3A_48 = tpu.memref_slice %arg5[%arg0, %dma_start3A_46, %dma_start3A_47] : memref<2x10112x128xf32, #tpu.memory_space<hbm>> -> memref<1x10112x128xf32, #tpu.memory_space<hbm>>
      %dma_start3A_49 = tpu.memref_squeeze %dma_start3A_48 : memref<1x10112x128xf32, #tpu.memory_space<hbm>> -> memref<10112x128xf32, #tpu.memory_space<hbm>>
      %dma_start3A_50 = arith.constant 0 : i32
      %dma_start3A_51 = tpu.memref_slice %dma_start3A_49[%mul3A_45, %dma_start3A_50] : memref<10112x128xf32, #tpu.memory_space<hbm>> -> memref<632x128xf32, #tpu.memory_space<hbm>>
      %dma_start3A_52 = arith.constant 0 : i32
      %dma_start3A_53 = tpu.memref_slice %arg10[%mul3A_43, %dma_start3A_52] : memref<10112x128xf32, #tpu.memory_space<vmem_shared>> -> memref<632x128xf32, #tpu.memory_space<vmem_shared>>
      tpu.enqueue_dma source(%dma_start3A_53 : memref<632x128xf32, #tpu.memory_space<vmem_shared>>) target(%dma_start3A_51 : memref<632x128xf32, #tpu.memory_space<hbm>>) target_semaphore(%run_scoped3A : memref<!tpu.dma_semaphore, #tpu.memory_space<semaphore_mem>>)
      %dma_wait3A = arith.constant 0 : i32
      %dma_wait3A_54 = arith.constant 0 : i32
      %dma_wait3A_55 = tpu.memref_slice %arg5[%arg0, %dma_wait3A, %dma_wait3A_54] : memref<2x10112x128xf32, #tpu.memory_space<hbm>> -> memref<1x10112x128xf32, #tpu.memory_space<hbm>>
      %dma_wait3A_56 = tpu.memref_squeeze %dma_wait3A_55 : memref<1x10112x128xf32, #tpu.memory_space<hbm>> -> memref<10112x128xf32, #tpu.memory_space<hbm>>
      %dma_wait3A_57 = arith.constant 0 : i32
      %dma_wait3A_58 = tpu.memref_slice %dma_wait3A_56[%mul3A_45, %dma_wait3A_57] : memref<10112x128xf32, #tpu.memory_space<hbm>> -> memref<632x128xf32, #tpu.memory_space<hbm>>
      %dma_wait3A_59 = arith.constant 0 : i32
      %dma_wait3A_60 = tpu.memref_slice %arg10[%mul3A_43, %dma_wait3A_59] : memref<10112x128xf32, #tpu.memory_space<vmem_shared>> -> memref<632x128xf32, #tpu.memory_space<vmem_shared>>
      tpu.wait_dma2 semaphore(%run_scoped3A : memref<!tpu.dma_semaphore, #tpu.memory_space<semaphore_mem>>) src(%dma_wait3A_60 : memref<632x128xf32, #tpu.memory_space<vmem_shared>>) dst(%dma_wait3A_58 : memref<632x128xf32, #tpu.memory_space<hbm>>)
      tpu.yield
    }) : () -> ()
    return
  }
}

module attributes {stable_mosaic.version = 14 : i64} {
  func.func @_edge_body(%arg0: i32, %arg1: memref<3200x128xf32, #tpu.memory_space<vmem>>, %arg2: memref<3200x128xf32, #tpu.memory_space<vmem>>, %arg3: memref<128x128xf32, #tpu.memory_space<vmem>>, %arg4: memref<128x128xf32, #tpu.memory_space<vmem>>, %arg5: memref<1x128xf32, #tpu.memory_space<vmem>>, %arg6: memref<3200x128xf32, #tpu.memory_space<vmem>>, %arg7: memref<3200x128xf32, #tpu.memory_space<vmem>>) attributes {dimension_semantics = [#tpu.dimension_semantics<arbitrary>], iteration_bounds = array<i64: 50>, scalar_prefetch = 0 : i64, scratch_operands = 0 : i64, tpu.core_type = #tpu.core_type<tc>, window_params = [{transform_indices = @transform_0, window_bounds = array<i64: 3200, 128>}, {transform_indices = @transform_1, window_bounds = array<i64: 3200, 128>}, {transform_indices = @transform_2, window_bounds = array<i64: 128, 128>}, {pipeline_mode = #tpu.pipeline_mode<synchronous>, transform_indices = @transform_3, window_bounds = array<i64: 128, 128>}, {pipeline_mode = #tpu.pipeline_mode<synchronous>, transform_indices = @transform_4, window_bounds = array<i64: 1, 128>}, {transform_indices = @transform_5, window_bounds = array<i64: 3200, 128>}, {transform_indices = @transform_6, window_bounds = array<i64: 3200, 128>}]} {
    %get3A = arith.constant 0 : index
    %get3A_0 = arith.constant 0 : index
    %get3A_1 = vector.load %arg1[%get3A, %get3A_0] : memref<3200x128xf32, #tpu.memory_space<vmem>>, vector<3200x128xf32>
    %get3A_2 = arith.constant 0 : index
    %get3A_3 = arith.constant 0 : index
    %get3A_4 = vector.load %arg3[%get3A_2, %get3A_3] : memref<128x128xf32, #tpu.memory_space<vmem>>, vector<128x128xf32>
    %dot_general3A = arith.constant dense<0.000000e+00> : vector<3200x128xf32>
    %dot_general3A_5 = tpu.matmul %get3A_1, %get3A_4, %dot_general3A {dimension_numbers = #tpu.dot_dimension_numbers<[1], [0], [0], [1], [0, 0, 1, 1], [], []>, transpose_lhs_hint = false} : vector<3200x128xf32>, vector<128x128xf32>, vector<3200x128xf32> -> vector<3200x128xf32>
    %get3A_6 = arith.constant 0 : index
    %get3A_7 = arith.constant 0 : index
    %get3A_8 = vector.load %arg2[%get3A_6, %get3A_7] : memref<3200x128xf32, #tpu.memory_space<vmem>>, vector<3200x128xf32>
    %add3A = arith.addf %dot_general3A_5, %get3A_8 : vector<3200x128xf32>
    %max3A = arith.constant 0.000000e+00 : f32
    %max3A_9 = vector.broadcast %max3A : f32 to vector<3200x128xf32>
    %max3A_10 = arith.maximumf %add3A, %max3A_9 : vector<3200x128xf32>
    %get3A_11 = arith.constant 0 : index
    %get3A_12 = arith.constant 0 : index
    %get3A_13 = vector.load %arg4[%get3A_11, %get3A_12] : memref<128x128xf32, #tpu.memory_space<vmem>>, vector<128x128xf32>
    %dot_general3A_14 = arith.constant dense<0.000000e+00> : vector<3200x128xf32>
    %dot_general3A_15 = tpu.matmul %max3A_10, %get3A_13, %dot_general3A_14 {dimension_numbers = #tpu.dot_dimension_numbers<[1], [0], [0], [1], [0, 0, 1, 1], [], []>, transpose_lhs_hint = false} : vector<3200x128xf32>, vector<128x128xf32>, vector<3200x128xf32> -> vector<3200x128xf32>
    %get3A_16 = arith.constant 0 : index
    %get3A_17 = arith.constant 0 : index
    %get3A_18 = vector.load %arg5[%get3A_16, %get3A_17] : memref<1x128xf32, #tpu.memory_space<vmem>>, vector<1x128xf32>
    %add3A_19 = vector.broadcast %get3A_18 : vector<1x128xf32> to vector<3200x128xf32>
    %add3A_20 = arith.addf %dot_general3A_15, %add3A_19 : vector<3200x128xf32>
    %swap3A = arith.constant 0 : index
    %swap3A_21 = arith.constant 0 : index
    %swap3A_22 = vector.load %arg7[%swap3A, %swap3A_21] : memref<3200x128xf32, #tpu.memory_space<vmem>>, vector<3200x128xf32>
    tpu.vector_store %arg7[%swap3A, %swap3A_21], %add3A_20 {strides = array<i32>} : memref<3200x128xf32, #tpu.memory_space<vmem>>, vector<3200x128xf32>,
    %add3A_23 = arith.addf %get3A_1, %add3A_20 : vector<3200x128xf32>
    %swap3A_24 = arith.constant 0 : index
    %swap3A_25 = arith.constant 0 : index
    %swap3A_26 = vector.load %arg6[%swap3A_24, %swap3A_25] : memref<3200x128xf32, #tpu.memory_space<vmem>>, vector<3200x128xf32>
    tpu.vector_store %arg6[%swap3A_24, %swap3A_25], %add3A_23 {strides = array<i32>} : memref<3200x128xf32, #tpu.memory_space<vmem>>, vector<3200x128xf32>,
    return
  }
  func.func @transform_0(%arg0: i32) -> (i32, i32) {
    %add3A = arith.constant 0 : i32
    %add3A_0 = arith.addi %arg0, %add3A : i32
    %c0_i32 = arith.constant 0 : i32
    %c0_i32_1 = arith.constant 0 : i32
    return %add3A_0, %c0_i32 : i32, i32
  }
  func.func @transform_1(%arg0: i32) -> (i32, i32) {
    %c0_i32 = arith.constant 0 : i32
    %c0_i32_0 = arith.constant 0 : i32
    return %arg0, %c0_i32 : i32, i32
  }
  func.func @transform_2(%arg0: i32) -> (i32, i32) {
    %c0_i32 = arith.constant 0 : i32
    %c0_i32_0 = arith.constant 0 : i32
    %c0_i32_1 = arith.constant 0 : i32
    return %c0_i32, %c0_i32_0 : i32, i32
  }
  func.func @transform_3(%arg0: i32) -> (i32, i32) {
    %c0_i32 = arith.constant 0 : i32
    %c0_i32_0 = arith.constant 0 : i32
    %c0_i32_1 = arith.constant 0 : i32
    return %c0_i32, %c0_i32_0 : i32, i32
  }
  func.func @transform_4(%arg0: i32) -> (i32, i32) {
    %c0_i32 = arith.constant 0 : i32
    %c0_i32_0 = arith.constant 0 : i32
    %c0_i32_1 = arith.constant 0 : i32
    return %c0_i32, %c0_i32_0 : i32, i32
  }
  func.func @transform_5(%arg0: i32) -> (i32, i32) {
    %add3A = arith.constant 0 : i32
    %add3A_0 = arith.addi %arg0, %add3A : i32
    %c0_i32 = arith.constant 0 : i32
    %c0_i32_1 = arith.constant 0 : i32
    return %add3A_0, %c0_i32 : i32, i32
  }
  func.func @transform_6(%arg0: i32) -> (i32, i32) {
    %c0_i32 = arith.constant 0 : i32
    %c0_i32_0 = arith.constant 0 : i32
    return %arg0, %c0_i32 : i32, i32
  }
}

module attributes {stable_mosaic.version = 14 : i64} {
  func.func @_pre_body(%arg0: i32, %arg1: memref<1000x128xf32, #tpu.memory_space<vmem>>, %arg2: memref<128x128xf32, #tpu.memory_space<vmem>>, %arg3: memref<128x128xf32, #tpu.memory_space<vmem>>, %arg4: memref<1x128xf32, #tpu.memory_space<vmem>>, %arg5: memref<1000x128xf32, #tpu.memory_space<vmem>>, %arg6: memref<1000x128xf32, #tpu.memory_space<vmem>>) attributes {dimension_semantics = [#tpu.dimension_semantics<arbitrary>], iteration_bounds = array<i64: 10>, scalar_prefetch = 0 : i64, scratch_operands = 0 : i64, tpu.core_type = #tpu.core_type<tc>, window_params = [{transform_indices = @transform_0, window_bounds = array<i64: 1000, 128>}, {transform_indices = @transform_1, window_bounds = array<i64: 128, 128>}, {transform_indices = @transform_2, window_bounds = array<i64: 128, 128>}, {pipeline_mode = #tpu.pipeline_mode<synchronous>, transform_indices = @transform_3, window_bounds = array<i64: 1, 128>}, {transform_indices = @transform_4, window_bounds = array<i64: 1000, 128>}, {transform_indices = @transform_5, window_bounds = array<i64: 1000, 128>}]} {
    %get3A = arith.constant 0 : index
    %get3A_0 = arith.constant 0 : index
    %get3A_1 = vector.load %arg1[%get3A, %get3A_0] : memref<1000x128xf32, #tpu.memory_space<vmem>>, vector<1000x128xf32>
    %get3A_2 = arith.constant 0 : index
    %get3A_3 = arith.constant 0 : index
    %get3A_4 = vector.load %arg2[%get3A_2, %get3A_3] : memref<128x128xf32, #tpu.memory_space<vmem>>, vector<128x128xf32>
    %dot_general3A = arith.constant dense<0.000000e+00> : vector<1000x128xf32>
    %dot_general3A_5 = tpu.matmul %get3A_1, %get3A_4, %dot_general3A {dimension_numbers = #tpu.dot_dimension_numbers<[1], [0], [0], [1], [0, 0, 1, 1], [], []>, transpose_lhs_hint = false} : vector<1000x128xf32>, vector<128x128xf32>, vector<1000x128xf32> -> vector<1000x128xf32>
    %swap3A = arith.constant 0 : index
    %swap3A_6 = arith.constant 0 : index
    %swap3A_7 = vector.load %arg5[%swap3A, %swap3A_6] : memref<1000x128xf32, #tpu.memory_space<vmem>>, vector<1000x128xf32>
    tpu.vector_store %arg5[%swap3A, %swap3A_6], %dot_general3A_5 {strides = array<i32>} : memref<1000x128xf32, #tpu.memory_space<vmem>>, vector<1000x128xf32>,
    %get3A_8 = arith.constant 0 : index
    %get3A_9 = arith.constant 0 : index
    %get3A_10 = vector.load %arg3[%get3A_8, %get3A_9] : memref<128x128xf32, #tpu.memory_space<vmem>>, vector<128x128xf32>
    %dot_general3A_11 = arith.constant dense<0.000000e+00> : vector<1000x128xf32>
    %dot_general3A_12 = tpu.matmul %get3A_1, %get3A_10, %dot_general3A_11 {dimension_numbers = #tpu.dot_dimension_numbers<[1], [0], [0], [1], [0, 0, 1, 1], [], []>, transpose_lhs_hint = false} : vector<1000x128xf32>, vector<128x128xf32>, vector<1000x128xf32> -> vector<1000x128xf32>
    %get3A_13 = arith.constant 0 : index
    %get3A_14 = arith.constant 0 : index
    %get3A_15 = vector.load %arg4[%get3A_13, %get3A_14] : memref<1x128xf32, #tpu.memory_space<vmem>>, vector<1x128xf32>
    %add3A = vector.broadcast %get3A_15 : vector<1x128xf32> to vector<1000x128xf32>
    %add3A_16 = arith.addf %dot_general3A_12, %add3A : vector<1000x128xf32>
    %swap3A_17 = arith.constant 0 : index
    %swap3A_18 = arith.constant 0 : index
    %swap3A_19 = vector.load %arg6[%swap3A_17, %swap3A_18] : memref<1000x128xf32, #tpu.memory_space<vmem>>, vector<1000x128xf32>
    tpu.vector_store %arg6[%swap3A_17, %swap3A_18], %add3A_16 {strides = array<i32>} : memref<1000x128xf32, #tpu.memory_space<vmem>>, vector<1000x128xf32>,
    return
  }
  func.func @transform_0(%arg0: i32) -> (i32, i32) {
    %c0_i32 = arith.constant 0 : i32
    %c0_i32_0 = arith.constant 0 : i32
    return %arg0, %c0_i32 : i32, i32
  }
  func.func @transform_1(%arg0: i32) -> (i32, i32) {
    %c1_i32 = arith.constant 1 : i32
    %c0_i32 = arith.constant 0 : i32
    %c0_i32_0 = arith.constant 0 : i32
    return %c1_i32, %c0_i32 : i32, i32
  }
  func.func @transform_2(%arg0: i32) -> (i32, i32) {
    %c2_i32 = arith.constant 2 : i32
    %c0_i32 = arith.constant 0 : i32
    %c0_i32_0 = arith.constant 0 : i32
    return %c2_i32, %c0_i32 : i32, i32
  }
  func.func @transform_3(%arg0: i32) -> (i32, i32) {
    %c0_i32 = arith.constant 0 : i32
    %c0_i32_0 = arith.constant 0 : i32
    %c0_i32_1 = arith.constant 0 : i32
    return %c0_i32, %c0_i32_0 : i32, i32
  }
  func.func @transform_4(%arg0: i32) -> (i32, i32) {
    %c0_i32 = arith.constant 0 : i32
    %c0_i32_0 = arith.constant 0 : i32
    return %arg0, %c0_i32 : i32, i32
  }
  func.func @transform_5(%arg0: i32) -> (i32, i32) {
    %c0_i32 = arith.constant 0 : i32
    %c0_i32_0 = arith.constant 0 : i32
    return %arg0, %c0_i32 : i32, i32
  }
}

module attributes {stable_mosaic.version = 14 : i64} {
  func.func @_edge_body_alias(%arg0: i32, %arg1: memref<3200x128xf32, #tpu.memory_space<vmem>>, %arg2: memref<3200x128xf32, #tpu.memory_space<vmem>>, %arg3: memref<128x128xf32, #tpu.memory_space<vmem>>, %arg4: memref<128x128xf32, #tpu.memory_space<vmem>>, %arg5: memref<1x128xf32, #tpu.memory_space<vmem>>, %arg6: memref<320000x128xf32, #tpu.memory_space<any>>, %arg7: memref<3200x128xf32, #tpu.memory_space<vmem>>, %arg8: memref<3200x128xf32, #tpu.memory_space<vmem>>) attributes {dimension_semantics = [#tpu.dimension_semantics<arbitrary>], iteration_bounds = array<i64: 50>, scalar_prefetch = 0 : i64, scratch_operands = 0 : i64, tpu.core_type = #tpu.core_type<tc>, window_params = [{transform_indices = @transform_0, window_bounds = array<i64: 3200, 128>}, {transform_indices = @transform_1, window_bounds = array<i64: 3200, 128>}, {transform_indices = @transform_2, window_bounds = array<i64: 128, 128>}, {pipeline_mode = #tpu.pipeline_mode<synchronous>, transform_indices = @transform_3, window_bounds = array<i64: 128, 128>}, {pipeline_mode = #tpu.pipeline_mode<synchronous>, transform_indices = @transform_4, window_bounds = array<i64: 1, 128>}, {}, {transform_indices = @transform_6, window_bounds = array<i64: 3200, 128>}, {transform_indices = @transform_7, window_bounds = array<i64: 3200, 128>}]} {
    %get3A = arith.constant 0 : index
    %get3A_0 = arith.constant 0 : index
    %get3A_1 = vector.load %arg1[%get3A, %get3A_0] : memref<3200x128xf32, #tpu.memory_space<vmem>>, vector<3200x128xf32>
    %get3A_2 = arith.constant 0 : index
    %get3A_3 = arith.constant 0 : index
    %get3A_4 = vector.load %arg3[%get3A_2, %get3A_3] : memref<128x128xf32, #tpu.memory_space<vmem>>, vector<128x128xf32>
    %dot_general3A = arith.constant dense<0.000000e+00> : vector<3200x128xf32>
    %dot_general3A_5 = tpu.matmul %get3A_1, %get3A_4, %dot_general3A {dimension_numbers = #tpu.dot_dimension_numbers<[1], [0], [0], [1], [0, 0, 1, 1], [], []>, transpose_lhs_hint = false} : vector<3200x128xf32>, vector<128x128xf32>, vector<3200x128xf32> -> vector<3200x128xf32>
    %get3A_6 = arith.constant 0 : index
    %get3A_7 = arith.constant 0 : index
    %get3A_8 = vector.load %arg2[%get3A_6, %get3A_7] : memref<3200x128xf32, #tpu.memory_space<vmem>>, vector<3200x128xf32>
    %add3A = arith.addf %dot_general3A_5, %get3A_8 : vector<3200x128xf32>
    %max3A = arith.constant 0.000000e+00 : f32
    %max3A_9 = vector.broadcast %max3A : f32 to vector<3200x128xf32>
    %max3A_10 = arith.maximumf %add3A, %max3A_9 : vector<3200x128xf32>
    %get3A_11 = arith.constant 0 : index
    %get3A_12 = arith.constant 0 : index
    %get3A_13 = vector.load %arg4[%get3A_11, %get3A_12] : memref<128x128xf32, #tpu.memory_space<vmem>>, vector<128x128xf32>
    %dot_general3A_14 = arith.constant dense<0.000000e+00> : vector<3200x128xf32>
    %dot_general3A_15 = tpu.matmul %max3A_10, %get3A_13, %dot_general3A_14 {dimension_numbers = #tpu.dot_dimension_numbers<[1], [0], [0], [1], [0, 0, 1, 1], [], []>, transpose_lhs_hint = false} : vector<3200x128xf32>, vector<128x128xf32>, vector<3200x128xf32> -> vector<3200x128xf32>
    %get3A_16 = arith.constant 0 : index
    %get3A_17 = arith.constant 0 : index
    %get3A_18 = vector.load %arg5[%get3A_16, %get3A_17] : memref<1x128xf32, #tpu.memory_space<vmem>>, vector<1x128xf32>
    %add3A_19 = vector.broadcast %get3A_18 : vector<1x128xf32> to vector<3200x128xf32>
    %add3A_20 = arith.addf %dot_general3A_15, %add3A_19 : vector<3200x128xf32>
    %swap3A = arith.constant 0 : index
    %swap3A_21 = arith.constant 0 : index
    %swap3A_22 = vector.load %arg8[%swap3A, %swap3A_21] : memref<3200x128xf32, #tpu.memory_space<vmem>>, vector<3200x128xf32>
    tpu.vector_store %arg8[%swap3A, %swap3A_21], %add3A_20 {strides = array<i32>} : memref<3200x128xf32, #tpu.memory_space<vmem>>, vector<3200x128xf32>,
    %add3A_23 = arith.addf %get3A_1, %add3A_20 : vector<3200x128xf32>
    %swap3A_24 = arith.constant 0 : index
    %swap3A_25 = arith.constant 0 : index
    %swap3A_26 = vector.load %arg7[%swap3A_24, %swap3A_25] : memref<3200x128xf32, #tpu.memory_space<vmem>>, vector<3200x128xf32>
    tpu.vector_store %arg7[%swap3A_24, %swap3A_25], %add3A_23 {strides = array<i32>} : memref<3200x128xf32, #tpu.memory_space<vmem>>, vector<3200x128xf32>,
    return
  }
  func.func @transform_0(%arg0: i32) -> (i32, i32) {
    %add3A = arith.constant 50 : i32
    %add3A_0 = arith.addi %arg0, %add3A : i32
    %c0_i32 = arith.constant 0 : i32
    %c0_i32_1 = arith.constant 0 : i32
    return %add3A_0, %c0_i32 : i32, i32
  }
  func.func @transform_1(%arg0: i32) -> (i32, i32) {
    %c0_i32 = arith.constant 0 : i32
    %c0_i32_0 = arith.constant 0 : i32
    return %arg0, %c0_i32 : i32, i32
  }
  func.func @transform_2(%arg0: i32) -> (i32, i32) {
    %c0_i32 = arith.constant 0 : i32
    %c0_i32_0 = arith.constant 0 : i32
    %c0_i32_1 = arith.constant 0 : i32
    return %c0_i32, %c0_i32_0 : i32, i32
  }
  func.func @transform_3(%arg0: i32) -> (i32, i32) {
    %c0_i32 = arith.constant 0 : i32
    %c0_i32_0 = arith.constant 0 : i32
    %c0_i32_1 = arith.constant 0 : i32
    return %c0_i32, %c0_i32_0 : i32, i32
  }
  func.func @transform_4(%arg0: i32) -> (i32, i32) {
    %c0_i32 = arith.constant 0 : i32
    %c0_i32_0 = arith.constant 0 : i32
    %c0_i32_1 = arith.constant 0 : i32
    return %c0_i32, %c0_i32_0 : i32, i32
  }
  func.func @transform_6(%arg0: i32) -> (i32, i32) {
    %add3A = arith.constant 50 : i32
    %add3A_0 = arith.addi %arg0, %add3A : i32
    %c0_i32 = arith.constant 0 : i32
    %c0_i32_1 = arith.constant 0 : i32
    return %add3A_0, %c0_i32 : i32, i32
  }
  func.func @transform_7(%arg0: i32) -> (i32, i32) {
    %c0_i32 = arith.constant 0 : i32
    %c0_i32_0 = arith.constant 0 : i32
    return %arg0, %c0_i32 : i32, i32
  }
}

module attributes {stable_mosaic.version = 14 : i64} {
  func.func @body(%arg0: i32, %arg1: memref<1000x128xf32, #tpu.memory_space<vmem>>, %arg2: memref<1x1000x128xf32, #tpu.memory_space<vmem>>, %arg3: memref<1x1000x128xf32, #tpu.memory_space<vmem>>, %arg4: memref<1x1000x128xf32, #tpu.memory_space<vmem>>, %arg5: memref<1x1000x128xf32, #tpu.memory_space<vmem>>, %arg6: memref<128x128xf32, #tpu.memory_space<vmem>>, %arg7: memref<128x128xf32, #tpu.memory_space<vmem>>, %arg8: memref<1x128xf32, #tpu.memory_space<vmem>>, %arg9: memref<128x128xf32, #tpu.memory_space<vmem>>, %arg10: memref<1x128xf32, #tpu.memory_space<vmem>>, %arg11: memref<1000x128xf32, #tpu.memory_space<vmem>>) attributes {dimension_semantics = [#tpu.dimension_semantics<arbitrary>], iteration_bounds = array<i64: 10>, scalar_prefetch = 0 : i64, scratch_operands = 0 : i64, tpu.core_type = #tpu.core_type<tc>, window_params = [{transform_indices = @transform_0, window_bounds = array<i64: 1000, 128>}, {transform_indices = @transform_1, window_bounds = array<i64: 1, 1000, 128>}, {transform_indices = @transform_2, window_bounds = array<i64: 1, 1000, 128>}, {transform_indices = @transform_3, window_bounds = array<i64: 1, 1000, 128>}, {transform_indices = @transform_4, window_bounds = array<i64: 1, 1000, 128>}, {transform_indices = @transform_5, window_bounds = array<i64: 128, 128>}, {transform_indices = @transform_6, window_bounds = array<i64: 128, 128>}, {pipeline_mode = #tpu.pipeline_mode<synchronous>, transform_indices = @transform_7, window_bounds = array<i64: 1, 128>}, {pipeline_mode = #tpu.pipeline_mode<synchronous>, transform_indices = @transform_8, window_bounds = array<i64: 128, 128>}, {pipeline_mode = #tpu.pipeline_mode<synchronous>, transform_indices = @transform_9, window_bounds = array<i64: 1, 128>}, {transform_indices = @transform_10, window_bounds = array<i64: 1000, 128>}]} {
    %get3A = arith.constant 0 : index
    %get3A_0 = arith.constant 0 : index
    %get3A_1 = vector.load %arg1[%get3A, %get3A_0] : memref<1000x128xf32, #tpu.memory_space<vmem>>, vector<1000x128xf32>
    %get3A_2 = arith.constant 0 : index
    %get3A_3 = arith.constant 0 : index
    %get3A_4 = arith.constant 0 : index
    %get3A_5 = vector.load %arg2[%get3A_2, %get3A_3, %get3A_4] : memref<1x1000x128xf32, #tpu.memory_space<vmem>>, vector<1x1000x128xf32>
    %get3A_6 = vector.shape_cast %get3A_5 : vector<1x1000x128xf32> to vector<1000x128xf32>
    %get3A_7 = arith.constant 0 : index
    %get3A_8 = arith.constant 0 : index
    %get3A_9 = arith.constant 0 : index
    %get3A_10 = vector.load %arg3[%get3A_7, %get3A_8, %get3A_9] : memref<1x1000x128xf32, #tpu.memory_space<vmem>>, vector<1x1000x128xf32>
    %get3A_11 = vector.shape_cast %get3A_10 : vector<1x1000x128xf32> to vector<1000x128xf32>
    %add3A = arith.addf %get3A_6, %get3A_11 : vector<1000x128xf32>
    %get3A_12 = arith.constant 0 : index
    %get3A_13 = arith.constant 0 : index
    %get3A_14 = arith.constant 0 : index
    %get3A_15 = vector.load %arg4[%get3A_12, %get3A_13, %get3A_14] : memref<1x1000x128xf32, #tpu.memory_space<vmem>>, vector<1x1000x128xf32>
    %get3A_16 = vector.shape_cast %get3A_15 : vector<1x1000x128xf32> to vector<1000x128xf32>
    %add3A_17 = arith.addf %add3A, %get3A_16 : vector<1000x128xf32>
    %get3A_18 = arith.constant 0 : index
    %get3A_19 = arith.constant 0 : index
    %get3A_20 = arith.constant 0 : index
    %get3A_21 = vector.load %arg5[%get3A_18, %get3A_19, %get3A_20] : memref<1x1000x128xf32, #tpu.memory_space<vmem>>, vector<1x1000x128xf32>
    %get3A_22 = vector.shape_cast %get3A_21 : vector<1x1000x128xf32> to vector<1000x128xf32>
    %add3A_23 = arith.addf %add3A_17, %get3A_22 : vector<1000x128xf32>
    %get3A_24 = arith.constant 0 : index
    %get3A_25 = arith.constant 0 : index
    %get3A_26 = vector.load %arg6[%get3A_24, %get3A_25] : memref<128x128xf32, #tpu.memory_space<vmem>>, vector<128x128xf32>
    %dot_general3A = arith.constant dense<0.000000e+00> : vector<1000x128xf32>
    %dot_general3A_27 = tpu.matmul %get3A_1, %get3A_26, %dot_general3A {dimension_numbers = #tpu.dot_dimension_numbers<[1], [0], [0], [1], [0, 0, 1, 1], [], []>, transpose_lhs_hint = false} : vector<1000x128xf32>, vector<128x128xf32>, vector<1000x128xf32> -> vector<1000x128xf32>
    %get3A_28 = arith.constant 0 : index
    %get3A_29 = arith.constant 0 : index
    %get3A_30 = vector.load %arg7[%get3A_28, %get3A_29] : memref<128x128xf32, #tpu.memory_space<vmem>>, vector<128x128xf32>
    %dot_general3A_31 = arith.constant dense<0.000000e+00> : vector<1000x128xf32>
    %dot_general3A_32 = tpu.matmul %add3A_23, %get3A_30, %dot_general3A_31 {dimension_numbers = #tpu.dot_dimension_numbers<[1], [0], [0], [1], [0, 0, 1, 1], [], []>, transpose_lhs_hint = false} : vector<1000x128xf32>, vector<128x128xf32>, vector<1000x128xf32> -> vector<1000x128xf32>
    %add3A_33 = arith.addf %dot_general3A_27, %dot_general3A_32 : vector<1000x128xf32>
    %get3A_34 = arith.constant 0 : index
    %get3A_35 = arith.constant 0 : index
    %get3A_36 = vector.load %arg8[%get3A_34, %get3A_35] : memref<1x128xf32, #tpu.memory_space<vmem>>, vector<1x128xf32>
    %add3A_37 = vector.broadcast %get3A_36 : vector<1x128xf32> to vector<1000x128xf32>
    %add3A_38 = arith.addf %add3A_33, %add3A_37 : vector<1000x128xf32>
    %max3A = arith.constant 0.000000e+00 : f32
    %max3A_39 = vector.broadcast %max3A : f32 to vector<1000x128xf32>
    %max3A_40 = arith.maximumf %add3A_38, %max3A_39 : vector<1000x128xf32>
    %get3A_41 = arith.constant 0 : index
    %get3A_42 = arith.constant 0 : index
    %get3A_43 = vector.load %arg9[%get3A_41, %get3A_42] : memref<128x128xf32, #tpu.memory_space<vmem>>, vector<128x128xf32>
    %dot_general3A_44 = arith.constant dense<0.000000e+00> : vector<1000x128xf32>
    %dot_general3A_45 = tpu.matmul %max3A_40, %get3A_43, %dot_general3A_44 {dimension_numbers = #tpu.dot_dimension_numbers<[1], [0], [0], [1], [0, 0, 1, 1], [], []>, transpose_lhs_hint = false} : vector<1000x128xf32>, vector<128x128xf32>, vector<1000x128xf32> -> vector<1000x128xf32>
    %add3A_46 = arith.addf %get3A_1, %dot_general3A_45 : vector<1000x128xf32>
    %get3A_47 = arith.constant 0 : index
    %get3A_48 = arith.constant 0 : index
    %get3A_49 = vector.load %arg10[%get3A_47, %get3A_48] : memref<1x128xf32, #tpu.memory_space<vmem>>, vector<1x128xf32>
    %add3A_50 = vector.broadcast %get3A_49 : vector<1x128xf32> to vector<1000x128xf32>
    %add3A_51 = arith.addf %add3A_46, %add3A_50 : vector<1000x128xf32>
    %swap3A = arith.constant 0 : index
    %swap3A_52 = arith.constant 0 : index
    %swap3A_53 = vector.load %arg11[%swap3A, %swap3A_52] : memref<1000x128xf32, #tpu.memory_space<vmem>>, vector<1000x128xf32>
    tpu.vector_store %arg11[%swap3A, %swap3A_52], %add3A_51 {strides = array<i32>} : memref<1000x128xf32, #tpu.memory_space<vmem>>, vector<1000x128xf32>,
    return
  }
  func.func @transform_0(%arg0: i32) -> (i32, i32) {
    %c0_i32 = arith.constant 0 : i32
    %c0_i32_0 = arith.constant 0 : i32
    return %arg0, %c0_i32 : i32, i32
  }
  func.func @transform_1(%arg0: i32) -> (i32, i32, i32) {
    %c0_i32 = arith.constant 0 : i32
    %c0_i32_0 = arith.constant 0 : i32
    %c0_i32_1 = arith.constant 0 : i32
    return %c0_i32, %arg0, %c0_i32_0 : i32, i32, i32
  }
  func.func @transform_2(%arg0: i32) -> (i32, i32, i32) {
    %c1_i32 = arith.constant 1 : i32
    %c0_i32 = arith.constant 0 : i32
    %c0_i32_0 = arith.constant 0 : i32
    return %c1_i32, %arg0, %c0_i32 : i32, i32, i32
  }
  func.func @transform_3(%arg0: i32) -> (i32, i32, i32) {
    %c0_i32 = arith.constant 0 : i32
    %c0_i32_0 = arith.constant 0 : i32
    %c0_i32_1 = arith.constant 0 : i32
    return %c0_i32, %arg0, %c0_i32_0 : i32, i32, i32
  }
  func.func @transform_4(%arg0: i32) -> (i32, i32, i32) {
    %c1_i32 = arith.constant 1 : i32
    %c0_i32 = arith.constant 0 : i32
    %c0_i32_0 = arith.constant 0 : i32
    return %c1_i32, %arg0, %c0_i32 : i32, i32, i32
  }
  func.func @transform_5(%arg0: i32) -> (i32, i32) {
    %c0_i32 = arith.constant 0 : i32
    %c0_i32_0 = arith.constant 0 : i32
    %c0_i32_1 = arith.constant 0 : i32
    return %c0_i32, %c0_i32_0 : i32, i32
  }
  func.func @transform_6(%arg0: i32) -> (i32, i32) {
    %c1_i32 = arith.constant 1 : i32
    %c0_i32 = arith.constant 0 : i32
    %c0_i32_0 = arith.constant 0 : i32
    return %c1_i32, %c0_i32 : i32, i32
  }
  func.func @transform_7(%arg0: i32) -> (i32, i32) {
    %c0_i32 = arith.constant 0 : i32
    %c0_i32_0 = arith.constant 0 : i32
    %c0_i32_1 = arith.constant 0 : i32
    return %c0_i32, %c0_i32_0 : i32, i32
  }
  func.func @transform_8(%arg0: i32) -> (i32, i32) {
    %c0_i32 = arith.constant 0 : i32
    %c0_i32_0 = arith.constant 0 : i32
    %c0_i32_1 = arith.constant 0 : i32
    return %c0_i32, %c0_i32_0 : i32, i32
  }
  func.func @transform_9(%arg0: i32) -> (i32, i32) {
    %c0_i32 = arith.constant 0 : i32
    %c0_i32_0 = arith.constant 0 : i32
    %c0_i32_1 = arith.constant 0 : i32
    return %c0_i32, %c0_i32_0 : i32, i32
  }
  func.func @transform_10(%arg0: i32) -> (i32, i32) {
    %c0_i32 = arith.constant 0 : i32
    %c0_i32_0 = arith.constant 0 : i32
    return %arg0, %c0_i32 : i32, i32
  }
}

</mosaic_0001>

<sc_bundles>
// kernel: kernel.10.cloned.1.call-start
scs
__scs_entry_jumppad:
0x0: {  	(pc) =	sbr.rel $0x88, $3  }
0x1: {  	(tag) =	ssettag $0x0;
	lr =	simm.s32 $0x1  }
0x2: {  	[smem:$0x3F96] =	sst lr;
	_ =	strace $0xD0000000  }
0x3: {  	_ = 	snop  }
0x4: {  	_ = 	snop  }
0x5: {  	_ = 	snop  }
0x6: {  	_ = 	snop  }
0x7: {  	_ = 	snop  }
__scs_overlays_trampoline_lowered:
0x8: {  	[smem:$0x3FA5] =	sst s0  }
0x9: {  	[smem:$0x3FA6] =	sst s1  }
0xa: {  	[smem:$0x3FA7] =	sst s2  }
0xb: {  	[smem:$0x3FA8] =	sst s3  }
0xc: {  	[smem:$0x3FA9] =	sst s4  }
0xd: {  	[smem:$0x3FAA] =	sst s5  }
0xe: {  	[smem:$0x3FAB] =	sst s6  }
0xf: {  	[smem:$0x3FAC] =	sst s7  }
0x10: {  	[smem:$0x3FAD] =	sst s8  }
0x11: {  	[smem:$0x3FAE] =	sst s9;
	s0 =	simm.s32 @!p0 $0x0  }
0x12: {  	s1 =	sld [smem:$0x3F94];
	s0 =	simm.s32 @p0 $0x1  }
0x13: {  	[smem:$0x3FAF] =	sst s0;
	s0 =	simm.s32 @!p1 $0x0  }
0x14: {  	s2 =	sld [smem:$0x3F93];
	s0 =	simm.s32 @p1 $0x1  }
0x15: {  	[smem:$0x3FB0] =	sst s0;
	s0 =	simm.s32 @!p2 $0x0  }
0x16: {  	s3 =	sld [smem:$0x3FDB];
	s0 =	simm.s32 @p2 $0x1  }
0x17: {  	s4 =	simm.s32 $0x1BF5;
	[smem:$0x3FB2] =	sst s0  }
0x18: {  	s0 =	sld [smem:$0x3F95];
	_ =	swait.ge [sflag:s4], $0x0  }
0x19: {  	s7 =	sld [smem:$0x3F96]  }
0x1a: {  	s8 =	sadd.s32 $0xFFFFE003, lr  }
0x1b: {  	s9 =	sadd.s32 $0xFFFFFEF7, lr;
	s5 =	simm.s32 $0xFFFFFFFF;
	p2 =	slt.u32 s8, $0xFFFFF086  }
0x1c: {  	p1 =	slt.u32 s9, $0xF7A;
	s5 =	simm.s32 @!p2 $0x0  }
0x1d: {  	s5 =	simm.s32 @p1 $0x1;
	p0 =	seq.s32 s7, s2  }
0x1e: {  	s7 =	smul.u32 @!p0 $0xF7A, s2;
	p2 =	seq.s32 @!p0 s5, $0x0  }
0x1f: {  	s9 =	smul.u32 $0xF7A, s1;
	s8 =	simm.s32 @!p0 $0x1BF5;
	p2 =	por !p2, p0  }
0x20: {  	[sflag:s8] =	ssyncset.s32 @!p0 $0xFFFFF086;
	s6 =	sadd.s32 @!p0 s3, s7;
	s7 =	simm.s32 @!p0 $0x108  }
0x21: {  	s3 =	sadd.s32 s3, s9;
	s6 =	sadd.s32 @!p0 $0x88, s6;
	s7 =	simm.s32 @p2 $0x1082  }
0x22: {  	[simem:s7], [sflag:s8] =	dma.local @!p0 [hbm:s6], $0xF7A  }
0x23: {  	s9 =	sor.u32 $0xD0000000, s2;
	s6 =	simm.s32 $0x108;
	_ =	swait.ge @!p0 [sflag:s8], $0x0  }
0x24: {  	s3 =	sadd.s32 $0x88, s3;
	s6 =	simm.s32 @!p1 $0x1082;
	[sflag:s4] =	ssyncset.s32 $0xFFFFF086  }
0x25: {  	[simem:s6], [sflag:s4] =	dma.local [hbm:s3], $0xF7A  }
0x26: {  	[smem:$0x3F96] =	sst s1;
	(tag) =	ssettag s2;
	_ =	strace s9  }
0x27: {  	s1 =	sld [smem:$0x3FA6]  }
0x28: {  	s2 =	sld [smem:$0x3FA7]  }
0x29: {  	s4 =	sld [smem:$0x3FA9]  }
0x2a: {  	p0 =	seq.s32 s5, $0x0;
	s5 =	sld [smem:$0x3FAA]  }
0x2b: {  	s6 =	sld [smem:$0x3FAB]  }
0x2c: {  	s7 =	sld [smem:$0x3FAC]  }
0x2d: {  	s3 =	simm.s32 $0x108;
	s8 =	sld [smem:$0x3FAD]  }
0x2e: {  	s3 =	simm.s32 @!p0 $0x1082;
	s9 =	sld [smem:$0x3FAE]  }
0x2f: {  	lr =	sadd.s32 s0, s3;
	s0 =	sld [smem:$0x3FA5]  }
0x30: {  	s3 =	sld [smem:$0x3FA8]  }
0x31: {  	[smem:$0x3FB1] =	sst s10  }
0x32: {  	s10 =	sld [smem:$0x3FAF];
	_ =	sdelay $0x3  }
0x33: {  	p0 =	seq.s32 s10, $0x1;
	s10 =	sld [smem:$0x3FB1];
	_ =	sdelay $0x3  }
0x34: {  	[smem:$0x3FB1] =	sst s10  }
0x35: {  	s10 =	sld [smem:$0x3FB0];
	_ =	sdelay $0x3  }
0x36: {  	p1 =	seq.s32 s10, $0x1;
	s10 =	sld [smem:$0x3FB1];
	_ =	sdelay $0x3  }
0x37: {  	[smem:$0x3FB1] =	sst s10  }
0x38: {  	s10 =	sld [smem:$0x3FB2]  }
0x39: {  	_ = 	snop;
	(pc) =	sbr.ind lr, $3  }
0x3a: {  	_ = 	snop  }
0x3b: {  	_ = 	snop  }
0x3c: {  	p2 =	seq.s32 s10, $0x1;
	s10 =	sld [smem:$0x3FB1]  }
0x3d: {  	_ =	shalt  }
0x3e: {  	_ =	shalt  }
0x3f: {  	_ =	shalt  }
0x40: {  	_ =	shalt  }
0x41: {  	_ =	shalt  }
0x42: {  	_ =	shalt  }
0x43: {  	_ =	shalt  }
0x44: {  	_ =	shalt  }
0x45: {  	_ =	shalt  }
0x46: {  	_ =	shalt  }
0x47: {  	_ =	shalt  }
0x48: {  	_ =	shalt  }
0x49: {  	_ =	shalt  }
0x4a: {  	_ =	shalt  }
0x4b: {  	_ =	shalt  }
0x4c: {  	_ =	shalt  }
0x4d: {  	_ =	shalt  }
0x4e: {  	_ =	shalt  }
0x4f: {  	_ =	shalt  }
0x50: {  	_ =	shalt  }
0x51: {  	_ =	shalt  }
0x52: {  	_ =	shalt  }
0x53: {  	_ =	shalt  }
0x54: {  	_ =	shalt  }
0x55: {  	_ =	shalt  }
0x56: {  	_ =	shalt  }
0x57: {  	_ =	shalt  }
0x58: {  	_ =	shalt  }
0x59: {  	_ =	shalt  }
0x5a: {  	_ =	shalt  }
0x5b: {  	_ =	shalt  }
0x5c: {  	_ =	shalt  }
0x5d: {  	_ =	shalt  }
0x5e: {  	_ =	shalt  }
0x5f: {  	_ =	shalt  }
0x60: {  	_ =	shalt  }
0x61: {  	_ =	shalt  }
0x62: {  	_ =	shalt  }
0x63: {  	_ =	shalt  }
0x64: {  	_ =	shalt  }
0x65: {  	_ =	shalt  }
0x66: {  	_ =	shalt  }
0x67: {  	_ =	shalt  }
0x68: {  	_ =	shalt  }
0x69: {  	_ =	shalt  }
0x6a: {  	_ =	shalt  }
0x6b: {  	_ =	shalt  }
0x6c: {  	_ =	shalt  }
0x6d: {  	_ =	shalt  }
0x6e: {  	_ =	shalt  }
0x6f: {  	_ =	shalt  }
0x70: {  	_ =	shalt  }
0x71: {  	_ =	shalt  }
0x72: {  	_ =	shalt  }
0x73: {  	_ =	shalt  }
0x74: {  	_ =	shalt  }
0x75: {  	_ =	shalt  }
0x76: {  	_ =	shalt  }
0x77: {  	_ =	shalt  }
0x78: {  	_ =	shalt  }
0x79: {  	_ =	shalt  }
0x7a: {  	_ =	shalt  }
0x7b: {  	_ =	shalt  }
0x7c: {  	_ =	shalt  }
0x7d: {  	_ =	shalt  }
0x7e: {  	_ =	shalt  }
0x7f: {  	_ =	shalt  }
0x80: {  	_ =	shalt  }
0x81: {  	_ =	shalt  }
0x82: {  	_ =	shalt  }
0x83: {  	_ =	shalt  }
0x84: {  	_ =	shalt  }
0x85: {  	_ =	shalt  }
0x86: {  	_ =	shalt  }
0x87: {  	_ =	shalt  }
.Lfunc_end0:
.L_simem_size_0:
called_computation_lowered:
.L_overlay_start_0:
0x88: {  	s2 =	sld [smem:$0x3FD9]  }
0x89: {  	s3 =	sld [smem:$0x3FFE];
	_ =	sdelay $0x1  }
0x8a: {  	s1 =	srdreg.scid  }
0x8b: {  	s0 =	sand.u32 $0x1, s1  }
0x8c: {  	s14 =	sshll.u32 s0, $0xA;
	s2 =	sadd.s32 s3, s2  }
0x8d: {  	s2 =	sadd.s32 s2, s14  }
0x8e: {  	[smem:$0x3FBD] =	sst s2  }
0x8f: {  	_ = 	snop  }
0x90: {  	s2 =	sld [smem:$0x3FD0];
	_ =	sdelay $0x2  }
0x91: {  	s15 =	simm.s32 $0xB;
	s4 =	simm.s32 $0x10  }
0x92: {  	[smem:s4], [sflag:s15] =	dma.local [hbm:s2], $0x1  }
0x93: {  	_ =	swait.eq [sflag:s15], $0x1  }
0x94: {  	[sflag:s15] =	ssyncset.done $0x0  }
0x95: {  	[sflag:s15] =	ssyncadd.s32 $0xFFFFFFFF  }
0x96: {  	s16 =	sld [smem:$0x10];
	(tm) =	ssettm $0x1  }
0x97: {  	s17 =	sld [smem:$0x3FFB];
	_ =	sdelay $0x3  }
0x98: {  	_ =	strace s17  }
0x99: {  	s3 =	sld [smem:$0x3FFC];
	_ =	sdelay $0x3  }
0x9a: {  	_ =	strace s3  }
0x9b: {  	s3 =	sld [smem:$0x3FFD];
	_ =	sdelay $0x3  }
0x9c: {  	_ =	strace s3  }
0x9d: {  	_ =	strace $0x8FFFFFFF  }
0x9e: {  	s18 =	sld [smem:$0x3FDB];
	_ =	sdelay $0x1  }
0x9f: {  	s19 =	simm.s32 $_scs_section_size  }
0xa0: {  	s5 =	simm.s32 $_size__tile_overlayer_lowered;
	s6 =	simm.s32 $_tile_overlayer_lowered  }
0xa1: {  	s22 =	simm.s32 $0x1BFF;
	s21 =	sshll.u32 s6, $0x1;
	s3 =	sadd.s32 s19, s18  }
0xa2: {  	s7 =	simm.s32 $0x0;
	s20 =	sshll.u32 s5, $0x1;
	s5 =	sadd.s32 s21, s3  }
0xa3: {  	[timem:s7], [sflag:s22] =	dma.local [hbm:s5], s20  }
0xa4: {  	_ =	swait.ge [sflag:s22], s20  }
0xa5: {  	s4 =	ssub.s32 $0x0, s20;
	[sflag:s22] =	ssyncset.done $0x0  }
0xa6: {  	[sflag:s22] =	ssyncadd.s32 s4;
	_ =	sdelay $0x1  }
0xa7: {  	s23 =	simm.s32 $0x1B8B  }
0xa8: {  	_ =	swait.ge [sflag:s23], $0x1  }
0xa9: {  	[sflag:s23] =	ssyncset.done $0x0  }
0xaa: {  	s25 =	simm.s32 $0x1B8E;
	s24 =	sld [smem:$0x3FFE];
	[sflag:s23] =	ssyncadd.s32 $0xFFFFFFFF  }
0xab: {  	s26 =	simm.s32 $execute0_lowered;
	[smem:$0x3FD2] =	sst s25  }
0xac: {  	s5 =	sshll.u32 s26, $0x1;
	_ =	strace $0x80000046;
	[dreg:$0x1] =	wrdreg $0xFFFFFFFF  }
0xad: {  	s28 =	simm.s32 $_size_execute0_lowered;
	s3 =	sadd.s32 s3, s5;
	[dreg:$0x0] =	wrdreg $0x0  }
0xae: {  	s5 =	sshll.u32 s28, $0x1;
	[dreg:$0x2] =	wrdreg s3  }
0xaf: {  	[dreg:$0x3] =	wrdreg s5  }
0xb0: {  	[dreg:$0x4] =	wrdreg $0xC0  }
0xb1: {  	_ =	task [dreg:s7], $0x5FFFF  }
0xb2: {  	[dreg:$0x1] =	wrdreg $0xFFFFFFFF  }
0xb3: {  	[dreg:$0x0] =	wrdreg $0x60  }
0xb4: {  	[dreg:$0x2] =	wrdreg s16  }
0xb5: {  	[dreg:$0x3] =	wrdreg s24  }
0xb6: {  	[dreg:$0x4] =	wrdreg $0xA  }
0xb7: {  	_ =	task.clear_ibuf [dreg:s7], $0x5FFFF;
	_ =	strace $0x90000046  }
0xb8: {  	s29 =	simm.s32 $0xA;
	_ =	strace $0x80000048  }
0xb9: {  	_ =	swait.ge [sflag:s29], $0x1  }
0xba: {  	[sflag:s29] =	ssyncadd.s32 $0xFFFFFFFF  }
0xbb: {  	_ =	strace $0x90000048  }
0xbc: {  	_ =	sfence  }
0xbd: {  	s30 =	sld [smem:$0x0];
	_ =	sdelay $0x2  }
0xbe: {  	s31 =	sshll.u32 s1, $0xD;
	s1 =	sshrl.u32 s1, $0x2  }
0xbf: {  	s3 =	sand.u32 $0x4000, s31;
	s1 =	sadd.s32 s1, s30  }
0xc0: {  	s0 =	sor.u32 s3, s0;
	s1 =	sshll.u32 s1, $0x11  }
0xc1: {  	s0 =	sor.u32 s1, s0  }
0xc2: {  	s0 =	sadd.s32 $0x8F2B, s0  }
0xc3: {  	[sflag:s0] =	ssyncadd.remote.s32 $0x1  }
0xc4: {  	_ =	sfence.sel $0xFFFF  }
0xc5: {  	[dreg:$0x0] =	wrdreg $0xFFFFFFFF;
	(pc) =	sbr.abs _section_cstart, $3  }
0xc6: {  	[dreg:$0x1] =	wrdreg $0xFFFFFFFF  }
0xc7: {  	_ =	task.clear_ibuf [dreg:s7], $0x2FFFF;
	_ =	strace $0x9FFFFFFF  }
0xc8: {  	(tm) =	ssettm $0x7FFFFFFF  }
0xc9: {  	_ =	shalt  }
tec
execute0_lowered:
.L_overlay_start_1:
0x0: {  	(tag) =	ssettag $0x1  }
0x1: {  	s2 =	rddreg [dreg:$0x0]  }
0x2: {  	s0 =	rddreg [dreg:$0x1]  }
0x3: {  	s1 =	srdreg.scid;
	s4 =	stileid.u32  }
0x4: {  	s3 =	simm.s32 $0x0;
	s28 =	simm.s32 $0x200;
	s29 =	simm.s32 $0x8200  }
0x5: {  	s30 =	simm.s32 $0x2;
	s31 =	simm.s32 $0x4200;
	s1 =	sand.u32 $0x1, s1  }
0x6: {  	s4 =	sshll.u32 s4, $0x1;
	[smem:$0x7FF] =	sst s3;
	s5 =	sadd.s32 $0x2A00, s0  }
0x7: {  	s6 =	sadd.s32 $0xC800, s0;
	s7 =	sadd.s32 $0x3D800, s0;
	s9 =	sor.u32 s1, s4  }
0x8: {  	_ =	strace $0x80000047;
	s1 =	ssub.s32 $0x2, s1;
	s10 =	smul.u32 $0x1388, s9  }
0x9: {  	s4 =	sadd.s32 $0x16600, s0;
	s17 =	sshrl.u32 s1, $0x1;
	s13 =	smul.u32 $0x9C400, s9  }
0xa: {  	s0 =	ssub.s32 s1, s17;
	s17 =	simm.s32 $0x0;
	s8 =	sadd.s32 $0x80, s10  }
0xb: {  	s18 =	sshrl.u32 s10, $0x3;
	s21 =	sadd.s32 $0x1300, s10;
	s14 =	sadd.s32 $0x100, s10  }
0xc: {  	s15 =	sadd.s32 $0x180, s10;
	s10 =	sadd.s32 $0x1380, s10;
	s0 =	smax.u32 s0, $0x1  }
0xd: {  	s11 =	sshrl.u32 s8, $0x3;
	s12 =	sadd.s32 s5, s18;
	s1 =	sadd.s32 s6, s18  }
0xe: {  	s22 =	sshrl.u32 s21, $0x3;
	s24 =	sshrl.u32 s10, $0x3;
	[dreg:$0xd] =	wrdreg s0  }
0xf: {  	s26 =	sshll.u32 s10, $0x4;
	s0 =	simm.s32 $0xC200;
	[dreg:$0x3] =	wrdreg s12  }
0x10: {  	s10 =	simm.s32 $0x5;
	[dreg:$0x4] =	wrdreg s1;
	s19 =	sadd.s32 s5, s11  }
0x11: {  	s20 =	sadd.s32 s6, s11;
	s23 =	sadd.s32 s5, s22;
	[dreg:$0x5] =	wrdreg s19  }
0x12: {  	s1 =	sshll.u32 s21, $0x4;
	s9 =	sadd.s32 s6, s22;
	[dreg:$0x6] =	wrdreg s20  }
0x13: {  	s25 =	sadd.s32 s5, s24;
	s11 =	simm.s32 $0x6;
	[dreg:$0x7] =	wrdreg s23  }
0x14: {  	s12 =	simm.s32 $0x7;
	[dreg:$0x8] =	wrdreg s9;
	s1 =	sadd.s32 s7, s1  }
0x15: {  	[dreg:$0xa] =	wrdreg s25;
	s23 =	simm.s32 $0x100;
	s25 =	simm.s32 $0x180  }
0x16: {  	s9 =	simm.s32 $0x4;
	[dreg:$0x9] =	wrdreg s1;
	s1 =	sadd.s32 s6, s24  }
0x17: {  	s24 =	simm.s32 $0x80;
	[dreg:$0xb] =	wrdreg s1;
	s1 =	sadd.s32 s7, s26  }
0x18: {  	s26 =	simm.s32 $0x1;
	[dreg:$0xc] =	wrdreg s1;
	s1 =	simm.s32 $0x3  }
.LBB2_1:
0x19: {  	s16 =	rddreg [dreg:$0x3]  }
0x1a: {  	[tilespmem:s3], [sflag:$0x1] =	stream.linear.gather [hbm4b:s16+s3], $0x80, $0x38;
	[tilespmem:$0x10200] =	vst v63  }
0x1b: {  	s20 =	rddreg [dreg:$0x4]  }
0x1c: {  	[tilespmem:s23], [sflag:$0x1] =	stream.linear.gather [hbm4b:s20+s3], $0x80, $0x38;
	[tilespmem:$0x10200] =	vst v63  }
0x1d: {  	s21 =	rddreg [dreg:$0x5]  }
0x1e: {  	[tilespmem:s24], [sflag:$0x2] =	stream.linear.gather [hbm4b:s21+s3], $0x80, $0x38;
	[tilespmem:$0x10200] =	vst v63  }
0x1f: {  	s22 =	rddreg [dreg:$0x6];
	s18 =	simm.s32 $0x0  }
0x20: {  	[tilespmem:s25], [sflag:$0x2] =	stream.linear.gather [hbm4b:s22+s3], $0x80, $0x38;
	[tilespmem:$0x10200] =	vst v63  }
.LBB2_2:
0x21: {  	_ =	swait.ge [sflag:s26], $0x80  }
0x22: {  	[sflag:s26] =	ssyncset.done $0x0  }
0x23: {  	[sflag:s26] =	ssyncadd.s32 $0xFFFFFF80  }
0x24: {  	_ =	swait.ge [sflag:s26], $0x80  }
0x25: {  	p0 =	seq.s32 s18, $0x0;
	[sflag:s26] =	ssyncset.done $0x0  }
0x26: {  	s19 =	simm.s32 @!p0 $0x5;
	[sflag:s26] =	ssyncadd.s32 $0xFFFFFF80  }
0x27: {  	_ =	swait.ge @!p0 [sflag:s19], $0x4000  }
0x28: {  	[sflag:s19] =	ssyncset.done @!p0 $0x0  }
0x29: {  	[sflag:s19] =	ssyncadd.s32 @!p0 $0xFFFFC000  }
0x2a: {  	[tilespmem:s28], [sflag:$0x3] =	stream.indirect.gather [hbm4b:s2+s24], $0x80, s3, s24, $0xb8;
	[tilespmem:$0x10200] =	vst v63  }
0x2b: {  	_ = 	snop  }
0x2c: {  	[tilespmem:s29], [sflag:$0x3] =	stream.indirect.gather [hbm4b:s4+s24], $0x80, s23, s24, $0xb8;
	[tilespmem:$0x10200] =	vst v63  }
0x2d: {  	_ =	swait.ge [sflag:s30], $0x80  }
0x2e: {  	[sflag:s30] =	ssyncset.done $0x0  }
0x2f: {  	[sflag:s30] =	ssyncadd.s32 $0xFFFFFF80  }
0x30: {  	_ =	swait.ge [sflag:s30], $0x80  }
0x31: {  	[sflag:s30] =	ssyncset.done $0x0  }
0x32: {  	s19 =	simm.s32 @!p0 $0x6;
	[sflag:s30] =	ssyncadd.s32 $0xFFFFFF80  }
0x33: {  	_ =	swait.ge @!p0 [sflag:s19], $0x4000  }
0x34: {  	[sflag:s19] =	ssyncset.done @!p0 $0x0  }
0x35: {  	[sflag:s19] =	ssyncadd.s32 @!p0 $0xFFFFC000  }
0x36: {  	[tilespmem:s31], [sflag:$0x4] =	stream.indirect.gather [hbm4b:s2+s24], $0x80, s24, s24, $0xb8;
	[tilespmem:$0x10200] =	vst v63  }
0x37: {  	_ = 	snop  }
0x38: {  	[tilespmem:s0], [sflag:$0x4] =	stream.indirect.gather [hbm4b:s4+s24], $0x80, s25, s24, $0xb8;
	[tilespmem:$0x10200] =	vst v63  }
0x39: {  	_ =	swait.ge [sflag:s1], $0x4000  }
0x3a: {  	[sflag:s1] =	ssyncset.done $0x0  }
0x3b: {  	[sflag:s1] =	ssyncadd.s32 $0xFFFFC000  }
0x3c: {  	_ =	swait.ge [sflag:s1], $0x4000  }
0x3d: {  	s21 =	simm.s32 $0x0;
	s19 =	sshll.u32 s18, $0x8;
	[sflag:s1] =	ssyncset.done $0x0  }
0x3e: {  	s22 =	simm.s32 $0x200;
	s20 =	sadd.s32 s19, s8;
	[sflag:s1] =	ssyncadd.s32 $0xFFFFC000  }
.LBB2_3:
0x3f: {  	p0 =	sne.s32 s22, $0xFE00;
	v0 =	vld [tilespmem:s21+$0x8270]  }
0x40: {  	v1 =	vld [tilespmem:s21+$0x8200]  }
0x41: {  	v2 =	vld [tilespmem:s21+$0x8210]  }
0x42: {  	v3 =	vld [tilespmem:s21+$0x8220]  }
0x43: {  	v4 =	vld [tilespmem:s21+$0x8230]  }
0x44: {  	[tilespmem:s21+$0x270] =	vst.add.f32.msk $0xffff, v0  }
0x45: {  	v0 =	vld [tilespmem:s21+$0x8240]  }
0x46: {  	v5 =	vld [tilespmem:s21+$0x8250]  }
0x47: {  	v6 =	vld [tilespmem:s21+$0x8260]  }
0x48: {  	[tilespmem:s21+$0x200] =	vst.add.f32.msk $0xffff, v1  }
0x49: {  	[tilespmem:s21+$0x210] =	vst.add.f32.msk $0xffff, v2  }
.Ltmp0:
0x4a: {  	[tilespmem:s21+$0x220] =	vst.add.f32.msk $0xffff, v3;
	(pc) =	sbr.rel @p0 .LBB2_3-.Ltmp0, $4  }
0x4b: {  	[tilespmem:s21+$0x230] =	vst.add.f32.msk $0xffff, v4  }
0x4c: {  	[tilespmem:s21+$0x240] =	vst.add.f32.msk $0xffff, v0  }
0x4d: {  	[tilespmem:s21+$0x250] =	vst.add.f32.msk $0xffff, v5  }
0x4e: {  	[tilespmem:s21+$0x260] =	vst.add.f32.msk $0xffff, v6;
	s21 =	sshra.s32 s22, $0x2;
	s22 =	sadd.s32 $0x200, s22  }
0x4f: {  	v0 =	vld [tilespmem:s21+$0x8270]  }
0x50: {  	v1 =	vld [tilespmem:s21+$0x8200]  }
0x51: {  	v2 =	vld [tilespmem:s21+$0x8210]  }
0x52: {  	v3 =	vld [tilespmem:s21+$0x8220]  }
0x53: {  	v4 =	vld [tilespmem:s21+$0x8230]  }
0x54: {  	v63 =	vld [tilespmem:s21+$0x8240]  }
0x55: {  	v5 =	vld [tilespmem:s21+$0x8250]  }
0x56: {  	v6 =	vld [tilespmem:s21+$0x8260]  }
0x57: {  	[tilespmem:s21+$0x270] =	vst.add.f32.msk $0xffff, v0  }
0x58: {  	[tilespmem:s21+$0x200] =	vst.add.f32.msk $0xffff, v1  }
0x59: {  	[tilespmem:s21+$0x210] =	vst.add.f32.msk $0xffff, v2  }
0x5a: {  	[tilespmem:s21+$0x220] =	vst.add.f32.msk $0xffff, v3  }
0x5b: {  	s22 =	sshll.u32 s18, $0xF;
	[tilespmem:s21+$0x230] =	vst.add.f32.msk $0xffff, v4  }
0x5c: {  	s22 =	sadd.s32 s13, s22;
	[tilespmem:s21+$0x240] =	vst.add.f32.msk $0xffff, v63  }
0x5d: {  	p0 =	seq.s32 s18, $0x12;
	s22 =	sshrl.u32 s22, $0x3;
	[tilespmem:s21+$0x250] =	vst.add.f32.msk $0xffff, v5  }
0x5e: {  	s22 =	sadd.s32 s7, s22;
	[tilespmem:s21+$0x260] =	vst.add.f32.msk $0xffff, v6;
	s21 =	sadd.s32 @!p0 s19, s14  }
0x5f: {  	[hbm4b:s22+s3] =	stream.linear.scatter [tilespmem:s28], [sflag:$0x5], $0x4000, $0x38;
	[tilespmem:$0x10200] =	vst v63  }
0x60: {  	s21 =	sshrl.u32 @!p0 s21, $0x3  }
0x61: {  	s16 =	simm.s32 @!p0 $0x0;
	s22 =	sadd.s32 @!p0 s5, s21  }
0x62: {  	[tilespmem:s16], [sflag:$0x1] =	stream.linear.gather @!p0 [hbm4b:s22+s16], $0x80, $0x38;
	[tilespmem:$0x10200] =	vst v63  }
0x63: {  	s21 =	sadd.s32 @!p0 s6, s21;
	s22 =	simm.s32 @!p0 $0x100  }
0x64: {  	[tilespmem:s22], [sflag:$0x1] =	stream.linear.gather @!p0 [hbm4b:s21+s16], $0x80, $0x38;
	[tilespmem:$0x10200] =	vst v63  }
0x65: {  	_ =	swait.ge [sflag:s9], $0x4000  }
0x66: {  	[sflag:s9] =	ssyncset.done $0x0  }
0x67: {  	[sflag:s9] =	ssyncadd.s32 $0xFFFFC000  }
0x68: {  	_ =	swait.ge [sflag:s9], $0x4000  }
0x69: {  	[sflag:s9] =	ssyncset.done $0x0  }
0x6a: {  	s21 =	simm.s32 $0x0;
	s22 =	simm.s32 $0x200;
	[sflag:s9] =	ssyncadd.s32 $0xFFFFC000  }
.LBB2_5:
0x6b: {  	p1 =	sne.s32 s22, $0xFE00;
	v0 =	vld [tilespmem:s21+$0xC270]  }
0x6c: {  	v1 =	vld [tilespmem:s21+$0xC200]  }
0x6d: {  	v2 =	vld [tilespmem:s21+$0xC210]  }
0x6e: {  	v3 =	vld [tilespmem:s21+$0xC220]  }
0x6f: {  	v4 =	vld [tilespmem:s21+$0xC230]  }
0x70: {  	[tilespmem:s21+$0x4270] =	vst.add.f32.msk $0xffff, v0  }
0x71: {  	v0 =	vld [tilespmem:s21+$0xC240]  }
0x72: {  	v5 =	vld [tilespmem:s21+$0xC250]  }
0x73: {  	v6 =	vld [tilespmem:s21+$0xC260]  }
0x74: {  	[tilespmem:s21+$0x4200] =	vst.add.f32.msk $0xffff, v1  }
0x75: {  	[tilespmem:s21+$0x4210] =	vst.add.f32.msk $0xffff, v2  }
.Ltmp1:
0x76: {  	[tilespmem:s21+$0x4220] =	vst.add.f32.msk $0xffff, v3;
	(pc) =	sbr.rel @p1 .LBB2_5-.Ltmp1, $4  }
0x77: {  	[tilespmem:s21+$0x4230] =	vst.add.f32.msk $0xffff, v4  }
0x78: {  	[tilespmem:s21+$0x4240] =	vst.add.f32.msk $0xffff, v0  }
0x79: {  	[tilespmem:s21+$0x4250] =	vst.add.f32.msk $0xffff, v5  }
0x7a: {  	[tilespmem:s21+$0x4260] =	vst.add.f32.msk $0xffff, v6;
	s21 =	sshra.s32 s22, $0x2;
	s22 =	sadd.s32 $0x200, s22  }
0x7b: {  	v0 =	vld [tilespmem:s21+$0xC270]  }
0x7c: {  	v1 =	vld [tilespmem:s21+$0xC200]  }
0x7d: {  	v2 =	vld [tilespmem:s21+$0xC210]  }
0x7e: {  	v3 =	vld [tilespmem:s21+$0xC220]  }
0x7f: {  	v4 =	vld [tilespmem:s21+$0xC230]  }
0x80: {  	v63 =	vld [tilespmem:s21+$0xC240]  }
0x81: {  	v5 =	vld [tilespmem:s21+$0xC250]  }
0x82: {  	v6 =	vld [tilespmem:s21+$0xC260]  }
0x83: {  	[tilespmem:s21+$0x4270] =	vst.add.f32.msk $0xffff, v0  }
0x84: {  	[tilespmem:s21+$0x4200] =	vst.add.f32.msk $0xffff, v1  }
0x85: {  	[tilespmem:s21+$0x4210] =	vst.add.f32.msk $0xffff, v2  }
0x86: {  	[tilespmem:s21+$0x4220] =	vst.add.f32.msk $0xffff, v3  }
.Ltmp2:
0x87: {  	[tilespmem:s21+$0x4230] =	vst.add.f32.msk $0xffff, v4;
	(pc) =	sbr.rel @p0 .LBB2_8-.Ltmp2, $4  }
0x88: {  	[tilespmem:s21+$0x4240] =	vst.add.f32.msk $0xffff, v63  }
0x89: {  	s16 =	sshll.u32 s20, $0x4;
	[tilespmem:s21+$0x4250] =	vst.add.f32.msk $0xffff, v5  }
0x8a: {  	s16 =	sadd.s32 s7, s16;
	[tilespmem:s21+$0x4260] =	vst.add.f32.msk $0xffff, v6  }
0x8b: {  	[hbm4b:s16+s3] =	stream.linear.scatter [tilespmem:s31], [sflag:$0x6], $0x4000, $0x38;
	[tilespmem:$0x10200] =	vst v63  }
0x8c: {  	s16 =	sadd.s32 s19, s15  }
.Ltmp3:
0x8d: {  	s16 =	sshrl.u32 s16, $0x3;
	(pc) =	sbr.rel .LBB2_2-.Ltmp3, $4  }
0x8e: {  	s22 =	sadd.s32 s5, s16  }
0x8f: {  	[tilespmem:s24], [sflag:$0x2] =	stream.linear.gather [hbm4b:s22+s3], $0x80, $0x38;
	[tilespmem:$0x10200] =	vst v63  }
0x90: {  	s18 =	sadd.s32 $0x1, s18;
	s16 =	sadd.s32 s6, s16  }
0x91: {  	[tilespmem:s25], [sflag:$0x2] =	stream.linear.gather [hbm4b:s16+s3], $0x80, $0x38;
	[tilespmem:$0x10200] =	vst v63  }
.LBB2_8:
0x92: {  	_ =	swait.ge [sflag:s10], $0x4000  }
0x93: {  	[sflag:s10] =	ssyncset.done $0x0  }
0x94: {  	[sflag:s10] =	ssyncadd.s32 $0xFFFFC000  }
0x95: {  	_ =	swait.ge [sflag:s11], $0x4000  }
0x96: {  	[sflag:s11] =	ssyncset.done $0x0  }
0x97: {  	s16 =	simm.s32 $0x0;
	s18 =	rddreg [dreg:$0x7];
	[sflag:s11] =	ssyncadd.s32 $0xFFFFC000  }
0x98: {  	[tilespmem:s16], [sflag:$0x7] =	stream.linear.gather [hbm4b:s18+s16], $0x80, $0x38;
	[tilespmem:$0x10200] =	vst v63  }
0x99: {  	_ =	swait.ge [sflag:s12], $0x80  }
0x9a: {  	[sflag:s12] =	ssyncset.done $0x0  }
0x9b: {  	s22 =	rddreg [dreg:$0x8];
	[sflag:s12] =	ssyncadd.s32 $0xFFFFFF80  }
0x9c: {  	[tilespmem:s23], [sflag:$0x7] =	stream.linear.gather [hbm4b:s22+s16], $0x80, $0x38;
	[tilespmem:$0x10200] =	vst v63  }
0x9d: {  	_ =	swait.ge [sflag:s12], $0x80  }
0x9e: {  	[sflag:s12] =	ssyncset.done $0x0  }
0x9f: {  	[sflag:s12] =	ssyncadd.s32 $0xFFFFFF80  }
0xa0: {  	[tilespmem:s28], [sflag:$0x3] =	stream.indirect.gather [hbm4b:s2+s24], $0x80, s16, s24, $0xb8;
	[tilespmem:$0x10200] =	vst v63  }
0xa1: {  	_ = 	snop  }
0xa2: {  	[tilespmem:s29], [sflag:$0x4] =	stream.indirect.gather [hbm4b:s4+s24], $0x80, s23, s24, $0xb8;
	[tilespmem:$0x10200] =	vst v63  }
0xa3: {  	_ =	swait.ge [sflag:s1], $0x4000  }
0xa4: {  	[sflag:s1] =	ssyncset.done $0x0  }
0xa5: {  	[sflag:s1] =	ssyncadd.s32 $0xFFFFC000  }
0xa6: {  	_ =	swait.ge [sflag:s9], $0x4000  }
0xa7: {  	[sflag:s9] =	ssyncset.done $0x0  }
0xa8: {  	s19 =	simm.s32 $0x200;
	s18 =	simm.s32 $0x0;
	[sflag:s9] =	ssyncadd.s32 $0xFFFFC000  }
.LBB2_9:
0xa9: {  	p0 =	sne.s32 s19, $0xFE00;
	v0 =	vld [tilespmem:s18+$0x8270]  }
0xaa: {  	v1 =	vld [tilespmem:s18+$0x8200]  }
0xab: {  	v2 =	vld [tilespmem:s18+$0x8210]  }
0xac: {  	v3 =	vld [tilespmem:s18+$0x8220]  }
0xad: {  	v4 =	vld [tilespmem:s18+$0x8230]  }
0xae: {  	[tilespmem:s18+$0x270] =	vst.add.f32.msk $0xffff, v0  }
0xaf: {  	v0 =	vld [tilespmem:s18+$0x8240]  }
0xb0: {  	v5 =	vld [tilespmem:s18+$0x8250]  }
0xb1: {  	v6 =	vld [tilespmem:s18+$0x8260]  }
0xb2: {  	[tilespmem:s18+$0x200] =	vst.add.f32.msk $0xffff, v1  }
0xb3: {  	[tilespmem:s18+$0x210] =	vst.add.f32.msk $0xffff, v2  }
.Ltmp4:
0xb4: {  	[tilespmem:s18+$0x220] =	vst.add.f32.msk $0xffff, v3;
	(pc) =	sbr.rel @p0 .LBB2_9-.Ltmp4, $4  }
0xb5: {  	[tilespmem:s18+$0x230] =	vst.add.f32.msk $0xffff, v4  }
0xb6: {  	[tilespmem:s18+$0x240] =	vst.add.f32.msk $0xffff, v0  }
0xb7: {  	[tilespmem:s18+$0x250] =	vst.add.f32.msk $0xffff, v5  }
0xb8: {  	[tilespmem:s18+$0x260] =	vst.add.f32.msk $0xffff, v6;
	s18 =	sshra.s32 s19, $0x2;
	s19 =	sadd.s32 $0x200, s19  }
0xb9: {  	v0 =	vld [tilespmem:s18+$0x8270]  }
0xba: {  	v1 =	vld [tilespmem:s18+$0x8200]  }
0xbb: {  	v2 =	vld [tilespmem:s18+$0x8210]  }
0xbc: {  	v3 =	vld [tilespmem:s18+$0x8220]  }
0xbd: {  	v4 =	vld [tilespmem:s18+$0x8230]  }
0xbe: {  	v62 =	vld [tilespmem:s18+$0x8240]  }
0xbf: {  	v5 =	vld [tilespmem:s18+$0x8250]  }
0xc0: {  	v6 =	vld [tilespmem:s18+$0x8260]  }
0xc1: {  	[tilespmem:s18+$0x270] =	vst.add.f32.msk $0xffff, v0  }
0xc2: {  	[tilespmem:s18+$0x200] =	vst.add.f32.msk $0xffff, v1  }
0xc3: {  	[tilespmem:s18+$0x210] =	vst.add.f32.msk $0xffff, v2  }
0xc4: {  	[tilespmem:s18+$0x220] =	vst.add.f32.msk $0xffff, v3  }
0xc5: {  	[tilespmem:s18+$0x230] =	vst.add.f32.msk $0xffff, v4  }
0xc6: {  	[tilespmem:s18+$0x240] =	vst.add.f32.msk $0xffff, v62  }
0xc7: {  	[tilespmem:s18+$0x250] =	vst.add.f32.msk $0xffff, v5  }
0xc8: {  	s16 =	rddreg [dreg:$0x9];
	[tilespmem:s18+$0x260] =	vst.add.f32.msk $0xffff, v6  }
0xc9: {  	[hbm4b:s16+s3] =	stream.linear.scatter [tilespmem:s28], [sflag:$0x7], $0x4000, $0x38;
	[tilespmem:$0x10200] =	vst v63  }
0xca: {  	_ =	swait.ge [sflag:s12], $0x4000  }
0xcb: {  	[sflag:s12] =	ssyncset.done $0x0  }
0xcc: {  	s20 =	rddreg [dreg:$0xa];
	[sflag:s12] =	ssyncadd.s32 $0xFFFFC000  }
0xcd: {  	[tilespmem:s3], [sflag:$0x7] =	stream.linear.gather [hbm4b:s20+s3], $0x8, $0x38;
	[tilespmem:$0x10200] =	vst v63  }
0xce: {  	_ =	swait.ge [sflag:s12], $0x8  }
0xcf: {  	[sflag:s12] =	ssyncset.done $0x0  }
0xd0: {  	s21 =	rddreg [dreg:$0xb];
	[sflag:s12] =	ssyncadd.s32 $0xFFFFFFF8  }
0xd1: {  	[tilespmem:s23], [sflag:$0x7] =	stream.linear.gather [hbm4b:s21+s3], $0x8, $0x38;
	[tilespmem:$0x10200] =	vst v63  }
0xd2: {  	_ =	swait.ge [sflag:s12], $0x8  }
0xd3: {  	[sflag:s12] =	ssyncset.done $0x0  }
0xd4: {  	s22 =	simm.s32 $0x8;
	[sflag:s12] =	ssyncadd.s32 $0xFFFFFFF8  }
0xd5: {  	[tilespmem:s28], [sflag:$0x3] =	stream.indirect.gather [hbm4b:s2+s22], $0x80, s3, s22, $0xb8;
	[tilespmem:$0x10200] =	vst v63  }
0xd6: {  	_ = 	snop  }
0xd7: {  	[tilespmem:s29], [sflag:$0x4] =	stream.indirect.gather [hbm4b:s4+s22], $0x80, s23, s22, $0xb8;
	[tilespmem:$0x10200] =	vst v63  }
0xd8: {  	_ =	swait.ge [sflag:s1], $0x400  }
0xd9: {  	[sflag:s1] =	ssyncset.done $0x0  }
0xda: {  	[sflag:s1] =	ssyncadd.s32 $0xFFFFFC00  }
0xdb: {  	_ =	swait.ge [sflag:s9], $0x400  }
0xdc: {  	[sflag:s9] =	ssyncset.done $0x0  }
0xdd: {  	[sflag:s9] =	ssyncadd.s32 $0xFFFFFC00  }
0xde: {  	v63 =	vld [tilespmem:$0x8200];
	_ =	sdelay $0x4  }
0xdf: {  	[tilespmem:s28+$0x0] =	vst.add.f32.msk $0xffff, v63  }
0xe0: {  	v0 =	vld [tilespmem:$0x8210];
	_ =	sdelay $0x3  }
0xe1: {  	s18 =	simm.s32 $0x210  }
0xe2: {  	[tilespmem:s18+$0x0] =	vst.add.f32.msk $0xffff, v0  }
0xe3: {  	v0 =	vld [tilespmem:$0x8220];
	_ =	sdelay $0x3  }
0xe4: {  	s19 =	simm.s32 $0x220  }
0xe5: {  	[tilespmem:s19+$0x0] =	vst.add.f32.msk $0xffff, v0  }
0xe6: {  	v0 =	vld [tilespmem:$0x8230];
	_ =	sdelay $0x3  }
0xe7: {  	s20 =	simm.s32 $0x230  }
0xe8: {  	[tilespmem:s20+$0x0] =	vst.add.f32.msk $0xffff, v0  }
0xe9: {  	v0 =	vld [tilespmem:$0x8240];
	_ =	sdelay $0x3  }
0xea: {  	s21 =	simm.s32 $0x240  }
0xeb: {  	[tilespmem:s21+$0x0] =	vst.add.f32.msk $0xffff, v0  }
0xec: {  	v0 =	vld [tilespmem:$0x8250];
	_ =	sdelay $0x3  }
0xed: {  	s22 =	simm.s32 $0x250  }
0xee: {  	[tilespmem:s22+$0x0] =	vst.add.f32.msk $0xffff, v0  }
0xef: {  	v0 =	vld [tilespmem:$0x8260];
	_ =	sdelay $0x3  }
0xf0: {  	s18 =	simm.s32 $0x260  }
0xf1: {  	[tilespmem:s18+$0x0] =	vst.add.f32.msk $0xffff, v0  }
0xf2: {  	v0 =	vld [tilespmem:$0x8270];
	_ =	sdelay $0x3  }
0xf3: {  	s19 =	simm.s32 $0x270  }
0xf4: {  	[tilespmem:s19+$0x0] =	vst.add.f32.msk $0xffff, v0  }
0xf5: {  	v0 =	vld [tilespmem:$0x8280];
	_ =	sdelay $0x3  }
0xf6: {  	s20 =	simm.s32 $0x280  }
0xf7: {  	[tilespmem:s20+$0x0] =	vst.add.f32.msk $0xffff, v0  }
0xf8: {  	v0 =	vld [tilespmem:$0x8290];
	_ =	sdelay $0x3  }
0xf9: {  	s21 =	simm.s32 $0x290  }
0xfa: {  	[tilespmem:s21+$0x0] =	vst.add.f32.msk $0xffff, v0  }
0xfb: {  	v0 =	vld [tilespmem:$0x82A0];
	_ =	sdelay $0x3  }
0xfc: {  	s22 =	simm.s32 $0x2A0  }
0xfd: {  	[tilespmem:s22+$0x0] =	vst.add.f32.msk $0xffff, v0  }
0xfe: {  	v0 =	vld [tilespmem:$0x82B0];
	_ =	sdelay $0x3  }
0xff: {  	s18 =	simm.s32 $0x2B0  }
0x100: {  	[tilespmem:s18+$0x0] =	vst.add.f32.msk $0xffff, v0  }
0x101: {  	v0 =	vld [tilespmem:$0x82C0];
	_ =	sdelay $0x3  }
0x102: {  	s19 =	simm.s32 $0x2C0  }
0x103: {  	[tilespmem:s19+$0x0] =	vst.add.f32.msk $0xffff, v0  }
0x104: {  	v0 =	vld [tilespmem:$0x82D0];
	_ =	sdelay $0x3  }
0x105: {  	s20 =	simm.s32 $0x2D0  }
0x106: {  	[tilespmem:s20+$0x0] =	vst.add.f32.msk $0xffff, v0  }
0x107: {  	v0 =	vld [tilespmem:$0x82E0];
	_ =	sdelay $0x3  }
0x108: {  	s21 =	simm.s32 $0x2E0  }
0x109: {  	[tilespmem:s21+$0x0] =	vst.add.f32.msk $0xffff, v0  }
0x10a: {  	v0 =	vld [tilespmem:$0x82F0];
	_ =	sdelay $0x3  }
0x10b: {  	s22 =	simm.s32 $0x2F0  }
0x10c: {  	[tilespmem:s22+$0x0] =	vst.add.f32.msk $0xffff, v0  }
0x10d: {  	v0 =	vld [tilespmem:$0x8300];
	_ =	sdelay $0x3  }
0x10e: {  	s18 =	simm.s32 $0x300  }
0x10f: {  	[tilespmem:s18+$0x0] =	vst.add.f32.msk $0xffff, v0  }
0x110: {  	v0 =	vld [tilespmem:$0x8310];
	_ =	sdelay $0x3  }
0x111: {  	s19 =	simm.s32 $0x310  }
0x112: {  	[tilespmem:s19+$0x0] =	vst.add.f32.msk $0xffff, v0  }
0x113: {  	v0 =	vld [tilespmem:$0x8320];
	_ =	sdelay $0x3  }
0x114: {  	s20 =	simm.s32 $0x320  }
0x115: {  	[tilespmem:s20+$0x0] =	vst.add.f32.msk $0xffff, v0  }
0x116: {  	v0 =	vld [tilespmem:$0x8330];
	_ =	sdelay $0x3  }
0x117: {  	s21 =	simm.s32 $0x330  }
0x118: {  	[tilespmem:s21+$0x0] =	vst.add.f32.msk $0xffff, v0  }
0x119: {  	v0 =	vld [tilespmem:$0x8340];
	_ =	sdelay $0x3  }
0x11a: {  	s22 =	simm.s32 $0x340  }
0x11b: {  	[tilespmem:s22+$0x0] =	vst.add.f32.msk $0xffff, v0  }
0x11c: {  	v0 =	vld [tilespmem:$0x8350];
	_ =	sdelay $0x3  }
0x11d: {  	s18 =	simm.s32 $0x350  }
0x11e: {  	[tilespmem:s18+$0x0] =	vst.add.f32.msk $0xffff, v0  }
0x11f: {  	v0 =	vld [tilespmem:$0x8360];
	_ =	sdelay $0x3  }
0x120: {  	s19 =	simm.s32 $0x360  }
0x121: {  	[tilespmem:s19+$0x0] =	vst.add.f32.msk $0xffff, v0  }
0x122: {  	v0 =	vld [tilespmem:$0x8370];
	_ =	sdelay $0x3  }
0x123: {  	s20 =	simm.s32 $0x370  }
0x124: {  	[tilespmem:s20+$0x0] =	vst.add.f32.msk $0xffff, v0  }
0x125: {  	v0 =	vld [tilespmem:$0x8380];
	_ =	sdelay $0x3  }
0x126: {  	s21 =	simm.s32 $0x380  }
0x127: {  	[tilespmem:s21+$0x0] =	vst.add.f32.msk $0xffff, v0  }
0x128: {  	v0 =	vld [tilespmem:$0x8390];
	_ =	sdelay $0x3  }
0x129: {  	s22 =	simm.s32 $0x390  }
0x12a: {  	[tilespmem:s22+$0x0] =	vst.add.f32.msk $0xffff, v0  }
0x12b: {  	v0 =	vld [tilespmem:$0x83A0];
	_ =	sdelay $0x3  }
0x12c: {  	s18 =	simm.s32 $0x3A0  }
0x12d: {  	[tilespmem:s18+$0x0] =	vst.add.f32.msk $0xffff, v0  }
0x12e: {  	v0 =	vld [tilespmem:$0x83B0];
	_ =	sdelay $0x3  }
0x12f: {  	s19 =	simm.s32 $0x3B0  }
0x130: {  	[tilespmem:s19+$0x0] =	vst.add.f32.msk $0xffff, v0  }
0x131: {  	v0 =	vld [tilespmem:$0x83C0];
	_ =	sdelay $0x3  }
0x132: {  	s20 =	simm.s32 $0x3C0  }
0x133: {  	[tilespmem:s20+$0x0] =	vst.add.f32.msk $0xffff, v0  }
0x134: {  	v0 =	vld [tilespmem:$0x83D0];
	_ =	sdelay $0x3  }
0x135: {  	s21 =	simm.s32 $0x3D0  }
0x136: {  	[tilespmem:s21+$0x0] =	vst.add.f32.msk $0xffff, v0  }
0x137: {  	v0 =	vld [tilespmem:$0x83E0];
	_ =	sdelay $0x3  }
0x138: {  	s22 =	simm.s32 $0x3E0  }
0x139: {  	[tilespmem:s22+$0x0] =	vst.add.f32.msk $0xffff, v0  }
0x13a: {  	v0 =	vld [tilespmem:$0x83F0];
	_ =	sdelay $0x3  }
0x13b: {  	s18 =	simm.s32 $0x3F0  }
0x13c: {  	[tilespmem:s18+$0x0] =	vst.add.f32.msk $0xffff, v0  }
0x13d: {  	v0 =	vld [tilespmem:$0x8400];
	_ =	sdelay $0x3  }
0x13e: {  	s19 =	simm.s32 $0x400  }
0x13f: {  	[tilespmem:s19+$0x0] =	vst.add.f32.msk $0xffff, v0  }
0x140: {  	v0 =	vld [tilespmem:$0x8410];
	_ =	sdelay $0x3  }
0x141: {  	s20 =	simm.s32 $0x410  }
0x142: {  	[tilespmem:s20+$0x0] =	vst.add.f32.msk $0xffff, v0  }
0x143: {  	v0 =	vld [tilespmem:$0x8420];
	_ =	sdelay $0x3  }
0x144: {  	s21 =	simm.s32 $0x420  }
0x145: {  	[tilespmem:s21+$0x0] =	vst.add.f32.msk $0xffff, v0  }
0x146: {  	v0 =	vld [tilespmem:$0x8430];
	_ =	sdelay $0x3  }
0x147: {  	s22 =	simm.s32 $0x430  }
0x148: {  	[tilespmem:s22+$0x0] =	vst.add.f32.msk $0xffff, v0  }
0x149: {  	v0 =	vld [tilespmem:$0x8440];
	_ =	sdelay $0x3  }
0x14a: {  	s18 =	simm.s32 $0x440  }
0x14b: {  	[tilespmem:s18+$0x0] =	vst.add.f32.msk $0xffff, v0  }
0x14c: {  	v0 =	vld [tilespmem:$0x8450];
	_ =	sdelay $0x3  }
0x14d: {  	s19 =	simm.s32 $0x450  }
0x14e: {  	[tilespmem:s19+$0x0] =	vst.add.f32.msk $0xffff, v0  }
0x14f: {  	v0 =	vld [tilespmem:$0x8460];
	_ =	sdelay $0x3  }
0x150: {  	s20 =	simm.s32 $0x460  }
0x151: {  	[tilespmem:s20+$0x0] =	vst.add.f32.msk $0xffff, v0  }
0x152: {  	v0 =	vld [tilespmem:$0x8470];
	_ =	sdelay $0x3  }
0x153: {  	s21 =	simm.s32 $0x470  }
0x154: {  	[tilespmem:s21+$0x0] =	vst.add.f32.msk $0xffff, v0  }
0x155: {  	v0 =	vld [tilespmem:$0x8480];
	_ =	sdelay $0x3  }
0x156: {  	s22 =	simm.s32 $0x480  }
0x157: {  	[tilespmem:s22+$0x0] =	vst.add.f32.msk $0xffff, v0  }
0x158: {  	v0 =	vld [tilespmem:$0x8490];
	_ =	sdelay $0x3  }
0x159: {  	s18 =	simm.s32 $0x490  }
0x15a: {  	[tilespmem:s18+$0x0] =	vst.add.f32.msk $0xffff, v0  }
0x15b: {  	v0 =	vld [tilespmem:$0x84A0];
	_ =	sdelay $0x3  }
0x15c: {  	s19 =	simm.s32 $0x4A0  }
0x15d: {  	[tilespmem:s19+$0x0] =	vst.add.f32.msk $0xffff, v0  }
0x15e: {  	v0 =	vld [tilespmem:$0x84B0];
	_ =	sdelay $0x3  }
0x15f: {  	s20 =	simm.s32 $0x4B0  }
0x160: {  	[tilespmem:s20+$0x0] =	vst.add.f32.msk $0xffff, v0  }
0x161: {  	v0 =	vld [tilespmem:$0x84C0];
	_ =	sdelay $0x3  }
0x162: {  	s21 =	simm.s32 $0x4C0  }
0x163: {  	[tilespmem:s21+$0x0] =	vst.add.f32.msk $0xffff, v0  }
0x164: {  	v0 =	vld [tilespmem:$0x84D0];
	_ =	sdelay $0x3  }
0x165: {  	s22 =	simm.s32 $0x4D0  }
0x166: {  	[tilespmem:s22+$0x0] =	vst.add.f32.msk $0xffff, v0  }
0x167: {  	v0 =	vld [tilespmem:$0x84E0];
	_ =	sdelay $0x3  }
0x168: {  	s18 =	simm.s32 $0x4E0  }
0x169: {  	[tilespmem:s18+$0x0] =	vst.add.f32.msk $0xffff, v0  }
0x16a: {  	v0 =	vld [tilespmem:$0x84F0];
	_ =	sdelay $0x3  }
0x16b: {  	s19 =	simm.s32 $0x4F0  }
0x16c: {  	[tilespmem:s19+$0x0] =	vst.add.f32.msk $0xffff, v0  }
0x16d: {  	v0 =	vld [tilespmem:$0x8500];
	_ =	sdelay $0x3  }
0x16e: {  	s20 =	simm.s32 $0x500  }
0x16f: {  	[tilespmem:s20+$0x0] =	vst.add.f32.msk $0xffff, v0  }
0x170: {  	v0 =	vld [tilespmem:$0x8510];
	_ =	sdelay $0x3  }
0x171: {  	s21 =	simm.s32 $0x510  }
0x172: {  	[tilespmem:s21+$0x0] =	vst.add.f32.msk $0xffff, v0  }
0x173: {  	v0 =	vld [tilespmem:$0x8520];
	_ =	sdelay $0x3  }
0x174: {  	s22 =	simm.s32 $0x520  }
0x175: {  	[tilespmem:s22+$0x0] =	vst.add.f32.msk $0xffff, v0  }
0x176: {  	v0 =	vld [tilespmem:$0x8530];
	_ =	sdelay $0x3  }
0x177: {  	s18 =	simm.s32 $0x530  }
0x178: {  	[tilespmem:s18+$0x0] =	vst.add.f32.msk $0xffff, v0  }
0x179: {  	v0 =	vld [tilespmem:$0x8540];
	_ =	sdelay $0x3  }
0x17a: {  	s19 =	simm.s32 $0x540  }
0x17b: {  	[tilespmem:s19+$0x0] =	vst.add.f32.msk $0xffff, v0  }
0x17c: {  	v0 =	vld [tilespmem:$0x8550];
	_ =	sdelay $0x3  }
0x17d: {  	s20 =	simm.s32 $0x550  }
0x17e: {  	[tilespmem:s20+$0x0] =	vst.add.f32.msk $0xffff, v0  }
0x17f: {  	v0 =	vld [tilespmem:$0x8560];
	_ =	sdelay $0x3  }
0x180: {  	s21 =	simm.s32 $0x560  }
0x181: {  	[tilespmem:s21+$0x0] =	vst.add.f32.msk $0xffff, v0  }
0x182: {  	v0 =	vld [tilespmem:$0x8570];
	_ =	sdelay $0x3  }
0x183: {  	s22 =	simm.s32 $0x570  }
0x184: {  	[tilespmem:s22+$0x0] =	vst.add.f32.msk $0xffff, v0  }
0x185: {  	v0 =	vld [tilespmem:$0x8580];
	_ =	sdelay $0x3  }
0x186: {  	s18 =	simm.s32 $0x580  }
0x187: {  	[tilespmem:s18+$0x0] =	vst.add.f32.msk $0xffff, v0  }
0x188: {  	v0 =	vld [tilespmem:$0x8590];
	_ =	sdelay $0x3  }
0x189: {  	s19 =	simm.s32 $0x590  }
0x18a: {  	[tilespmem:s19+$0x0] =	vst.add.f32.msk $0xffff, v0  }
0x18b: {  	v0 =	vld [tilespmem:$0x85A0];
	_ =	sdelay $0x3  }
0x18c: {  	s20 =	simm.s32 $0x5A0  }
0x18d: {  	[tilespmem:s20+$0x0] =	vst.add.f32.msk $0xffff, v0  }
0x18e: {  	v0 =	vld [tilespmem:$0x85B0];
	_ =	sdelay $0x3  }
0x18f: {  	s21 =	simm.s32 $0x5B0  }
0x190: {  	[tilespmem:s21+$0x0] =	vst.add.f32.msk $0xffff, v0  }
0x191: {  	v0 =	vld [tilespmem:$0x85C0];
	_ =	sdelay $0x3  }
0x192: {  	s22 =	simm.s32 $0x5C0  }
0x193: {  	[tilespmem:s22+$0x0] =	vst.add.f32.msk $0xffff, v0  }
0x194: {  	v0 =	vld [tilespmem:$0x85D0];
	_ =	sdelay $0x3  }
0x195: {  	s18 =	simm.s32 $0x5D0  }
0x196: {  	[tilespmem:s18+$0x0] =	vst.add.f32.msk $0xffff, v0  }
0x197: {  	v0 =	vld [tilespmem:$0x85E0];
	_ =	sdelay $0x3  }
0x198: {  	s19 =	simm.s32 $0x5E0  }
0x199: {  	[tilespmem:s19+$0x0] =	vst.add.f32.msk $0xffff, v0  }
0x19a: {  	v0 =	vld [tilespmem:$0x85F0];
	_ =	sdelay $0x3  }
0x19b: {  	s20 =	simm.s32 $0x5F0  }
0x19c: {  	s21 =	rddreg [dreg:$0xc];
	[tilespmem:s20+$0x0] =	vst.add.f32.msk $0xffff, v0  }
0x19d: {  	[hbm4b:s21+s3] =	stream.linear.scatter [tilespmem:s28], [sflag:$0x7], $0x400, $0x38;
	[tilespmem:$0x10200] =	vst v63  }
0x19e: {  	_ =	swait.ge [sflag:s12], $0x400  }
0x19f: {  	s17 =	sadd.s32 $0x1, s17;
	s22 =	rddreg [dreg:$0xd]  }
0x1a0: {  	p0 =	sne.s32 s17, s22  }
.Ltmp5:
0x1a1: {  	_ = 	snop;
	(pc) =	sbr.rel @p0 .LBB2_1-.Ltmp5, $3  }
0x1a2: {  	_ =	sdelay $0x1  }
0x1a3: {  	[sflag:s12] =	ssyncset.done $0x0  }
0x1a4: {  	[sflag:s12] =	ssyncadd.s32 $0xFFFFFC00  }
0x1a5: {  	_ =	sfence.sel $0x180000  }
0x1a6: {  	[bflag:$0x0] =	sbarrier.arrive $0xFFFF  }
0x1a7: {  	_ =	strace $0x90000047  }
0x1a8: {  	s0 =	stileid.u32;
	[bflag:$0x2] =	sbarrier.arrive $0xFFFF  }
0x1a9: {  	p0 =	sne.s32 s0, $0x0;
	s0 =	rddreg [dreg:$0x2]  }
0x1aa: {  	s0 =	sadd.s32 @!p0 $0x100000, s0  }
0x1ab: {  	[sflag:s0] =	ssyncadd.tile.s32 @!p0 $0x1;
	_ =	shalt  }
.Lfunc_end2:
_tile_overlayer_lowered:
.L_overlay_start_2:
0x1ac: {  	(tag) =	ssettag $0x2  }
0x1ad: {  	s0 =	rddreg [dreg:$0x0];
	s2 =	stileid.u32  }
0x1ae: {  	s1 =	rddreg [dreg:$0x1];
	p0 =	sne.s32 s2, $0x0  }
0x1af: {  	s3 =	rddreg [dreg:$0x2];
	[bflag:$0x3] =	sbarrier.arrive $0xFFFF;
	s2 =	simm.s32 @!p0 $0x1C07  }
0x1b0: {  	[timem:s3], [sflag:s2] =	dma.local @!p0 [hbm:s0], s1  }
0x1b1: {  	s0 =	simm.s32 @!p0 $0x7  }
0x1b2: {  	_ =	swait.ge @!p0 [sflag:s0], s1  }
0x1b3: {  	s1 =	ssub.s32 @!p0 $0x0, s1;
	[sflag:s0] =	ssyncset.done @!p0 $0x0  }
0x1b4: {  	[sflag:s0] =	ssyncadd.s32 @!p0 s1  }
0x1b5: {  	[bflag:$0x3] =	sbarrier.arrive $0xFFFF  }
0x1b6: {  	_ =	shalt  }

// kernel: kernel.13.cloned.1.call-start
scs
__scs_entry_jumppad:
0x0: {  	(pc) =	sbr.rel $0x88, $3  }
0x1: {  	(tag) =	ssettag $0x0;
	lr =	simm.s32 $0x1  }
0x2: {  	[smem:$0x3F96] =	sst lr;
	_ =	strace $0xD0000000  }
0x3: {  	_ = 	snop  }
0x4: {  	_ = 	snop  }
0x5: {  	_ = 	snop  }
0x6: {  	_ = 	snop  }
0x7: {  	_ = 	snop  }
__scs_overlays_trampoline_lowered:
0x8: {  	[smem:$0x3FA5] =	sst s0  }
0x9: {  	[smem:$0x3FA6] =	sst s1  }
0xa: {  	[smem:$0x3FA7] =	sst s2  }
0xb: {  	[smem:$0x3FA8] =	sst s3  }
0xc: {  	[smem:$0x3FA9] =	sst s4  }
0xd: {  	[smem:$0x3FAA] =	sst s5  }
0xe: {  	[smem:$0x3FAB] =	sst s6  }
0xf: {  	[smem:$0x3FAC] =	sst s7  }
0x10: {  	[smem:$0x3FAD] =	sst s8  }
0x11: {  	[smem:$0x3FAE] =	sst s9;
	s0 =	simm.s32 @!p0 $0x0  }
0x12: {  	s1 =	sld [smem:$0x3F94];
	s0 =	simm.s32 @p0 $0x1  }
0x13: {  	[smem:$0x3FAF] =	sst s0;
	s0 =	simm.s32 @!p1 $0x0  }
0x14: {  	s2 =	sld [smem:$0x3F93];
	s0 =	simm.s32 @p1 $0x1  }
0x15: {  	[smem:$0x3FB0] =	sst s0;
	s0 =	simm.s32 @!p2 $0x0  }
0x16: {  	s3 =	sld [smem:$0x3FDB];
	s0 =	simm.s32 @p2 $0x1  }
0x17: {  	s4 =	simm.s32 $0x1BF5;
	[smem:$0x3FB2] =	sst s0  }
0x18: {  	s0 =	sld [smem:$0x3F95];
	_ =	swait.ge [sflag:s4], $0x0  }
0x19: {  	s7 =	sld [smem:$0x3F96]  }
0x1a: {  	s8 =	sadd.s32 $0xFFFFE003, lr  }
0x1b: {  	s9 =	sadd.s32 $0xFFFFFEF7, lr;
	s5 =	simm.s32 $0xFFFFFFFF;
	p2 =	slt.u32 s8, $0xFFFFF086  }
0x1c: {  	p1 =	slt.u32 s9, $0xF7A;
	s5 =	simm.s32 @!p2 $0x0  }
0x1d: {  	s5 =	simm.s32 @p1 $0x1;
	p0 =	seq.s32 s7, s2  }
0x1e: {  	s7 =	smul.u32 @!p0 $0xF7A, s2;
	p2 =	seq.s32 @!p0 s5, $0x0  }
0x1f: {  	s9 =	smul.u32 $0xF7A, s1;
	s8 =	simm.s32 @!p0 $0x1BF5;
	p2 =	por !p2, p0  }
0x20: {  	[sflag:s8] =	ssyncset.s32 @!p0 $0xFFFFF086;
	s6 =	sadd.s32 @!p0 s3, s7;
	s7 =	simm.s32 @!p0 $0x108  }
0x21: {  	s3 =	sadd.s32 s3, s9;
	s6 =	sadd.s32 @!p0 $0x88, s6;
	s7 =	simm.s32 @p2 $0x1082  }
0x22: {  	[simem:s7], [sflag:s8] =	dma.local @!p0 [hbm:s6], $0xF7A  }
0x23: {  	s9 =	sor.u32 $0xD0000000, s2;
	s6 =	simm.s32 $0x108;
	_ =	swait.ge @!p0 [sflag:s8], $0x0  }
0x24: {  	s3 =	sadd.s32 $0x88, s3;
	s6 =	simm.s32 @!p1 $0x1082;
	[sflag:s4] =	ssyncset.s32 $0xFFFFF086  }
0x25: {  	[simem:s6], [sflag:s4] =	dma.local [hbm:s3], $0xF7A  }
0x26: {  	[smem:$0x3F96] =	sst s1;
	(tag) =	ssettag s2;
	_ =	strace s9  }
0x27: {  	s1 =	sld [smem:$0x3FA6]  }
0x28: {  	s2 =	sld [smem:$0x3FA7]  }
0x29: {  	s4 =	sld [smem:$0x3FA9]  }
0x2a: {  	p0 =	seq.s32 s5, $0x0;
	s5 =	sld [smem:$0x3FAA]  }
0x2b: {  	s6 =	sld [smem:$0x3FAB]  }
0x2c: {  	s7 =	sld [smem:$0x3FAC]  }
0x2d: {  	s3 =	simm.s32 $0x108;
	s8 =	sld [smem:$0x3FAD]  }
0x2e: {  	s3 =	simm.s32 @!p0 $0x1082;
	s9 =	sld [smem:$0x3FAE]  }
0x2f: {  	lr =	sadd.s32 s0, s3;
	s0 =	sld [smem:$0x3FA5]  }
0x30: {  	s3 =	sld [smem:$0x3FA8]  }
0x31: {  	[smem:$0x3FB1] =	sst s10  }
0x32: {  	s10 =	sld [smem:$0x3FAF];
	_ =	sdelay $0x3  }
0x33: {  	p0 =	seq.s32 s10, $0x1;
	s10 =	sld [smem:$0x3FB1];
	_ =	sdelay $0x3  }
0x34: {  	[smem:$0x3FB1] =	sst s10  }
0x35: {  	s10 =	sld [smem:$0x3FB0];
	_ =	sdelay $0x3  }
0x36: {  	p1 =	seq.s32 s10, $0x1;
	s10 =	sld [smem:$0x3FB1];
	_ =	sdelay $0x3  }
0x37: {  	[smem:$0x3FB1] =	sst s10  }
0x38: {  	s10 =	sld [smem:$0x3FB2]  }
0x39: {  	_ = 	snop;
	(pc) =	sbr.ind lr, $3  }
0x3a: {  	_ = 	snop  }
0x3b: {  	_ = 	snop  }
0x3c: {  	p2 =	seq.s32 s10, $0x1;
	s10 =	sld [smem:$0x3FB1]  }
0x3d: {  	_ =	shalt  }
0x3e: {  	_ =	shalt  }
0x3f: {  	_ =	shalt  }
0x40: {  	_ =	shalt  }
0x41: {  	_ =	shalt  }
0x42: {  	_ =	shalt  }
0x43: {  	_ =	shalt  }
0x44: {  	_ =	shalt  }
0x45: {  	_ =	shalt  }
0x46: {  	_ =	shalt  }
0x47: {  	_ =	shalt  }
0x48: {  	_ =	shalt  }
0x49: {  	_ =	shalt  }
0x4a: {  	_ =	shalt  }
0x4b: {  	_ =	shalt  }
0x4c: {  	_ =	shalt  }
0x4d: {  	_ =	shalt  }
0x4e: {  	_ =	shalt  }
0x4f: {  	_ =	shalt  }
0x50: {  	_ =	shalt  }
0x51: {  	_ =	shalt  }
0x52: {  	_ =	shalt  }
0x53: {  	_ =	shalt  }
0x54: {  	_ =	shalt  }
0x55: {  	_ =	shalt  }
0x56: {  	_ =	shalt  }
0x57: {  	_ =	shalt  }
0x58: {  	_ =	shalt  }
0x59: {  	_ =	shalt  }
0x5a: {  	_ =	shalt  }
0x5b: {  	_ =	shalt  }
0x5c: {  	_ =	shalt  }
0x5d: {  	_ =	shalt  }
0x5e: {  	_ =	shalt  }
0x5f: {  	_ =	shalt  }
0x60: {  	_ =	shalt  }
0x61: {  	_ =	shalt  }
0x62: {  	_ =	shalt  }
0x63: {  	_ =	shalt  }
0x64: {  	_ =	shalt  }
0x65: {  	_ =	shalt  }
0x66: {  	_ =	shalt  }
0x67: {  	_ =	shalt  }
0x68: {  	_ =	shalt  }
0x69: {  	_ =	shalt  }
0x6a: {  	_ =	shalt  }
0x6b: {  	_ =	shalt  }
0x6c: {  	_ =	shalt  }
0x6d: {  	_ =	shalt  }
0x6e: {  	_ =	shalt  }
0x6f: {  	_ =	shalt  }
0x70: {  	_ =	shalt  }
0x71: {  	_ =	shalt  }
0x72: {  	_ =	shalt  }
0x73: {  	_ =	shalt  }
0x74: {  	_ =	shalt  }
0x75: {  	_ =	shalt  }
0x76: {  	_ =	shalt  }
0x77: {  	_ =	shalt  }
0x78: {  	_ =	shalt  }
0x79: {  	_ =	shalt  }
0x7a: {  	_ =	shalt  }
0x7b: {  	_ =	shalt  }
0x7c: {  	_ =	shalt  }
0x7d: {  	_ =	shalt  }
0x7e: {  	_ =	shalt  }
0x7f: {  	_ =	shalt  }
0x80: {  	_ =	shalt  }
0x81: {  	_ =	shalt  }
0x82: {  	_ =	shalt  }
0x83: {  	_ =	shalt  }
0x84: {  	_ =	shalt  }
0x85: {  	_ =	shalt  }
0x86: {  	_ =	shalt  }
0x87: {  	_ =	shalt  }
.Lfunc_end0:
.L_simem_size_0:
called_computation.1_lowered:
.L_overlay_start_0:
0x88: {  	s2 =	sld [smem:$0x3FD9]  }
0x89: {  	s3 =	sld [smem:$0x3FFE];
	_ =	sdelay $0x1  }
0x8a: {  	s1 =	srdreg.scid  }
0x8b: {  	s0 =	sand.u32 $0x1, s1  }
0x8c: {  	s15 =	sshll.u32 s0, $0xA;
	s2 =	sadd.s32 s3, s2  }
0x8d: {  	s2 =	sadd.s32 s2, s15  }
0x8e: {  	[smem:$0x3FBD] =	sst s2  }
0x8f: {  	_ = 	snop  }
0x90: {  	s2 =	sld [smem:$0x3FD0];
	_ =	sdelay $0x2  }
0x91: {  	s16 =	simm.s32 $0xB;
	s4 =	simm.s32 $0x10  }
0x92: {  	[smem:s4], [sflag:s16] =	dma.local [hbm:s2], $0x1  }
0x93: {  	_ =	swait.eq [sflag:s16], $0x1  }
0x94: {  	[sflag:s16] =	ssyncset.done $0x0  }
0x95: {  	[sflag:s16] =	ssyncadd.s32 $0xFFFFFFFF  }
0x96: {  	s17 =	sld [smem:$0x10];
	(tm) =	ssettm $0x1  }
0x97: {  	s18 =	sld [smem:$0x3FFB];
	_ =	sdelay $0x3  }
0x98: {  	_ =	strace s18  }
0x99: {  	s2 =	sld [smem:$0x3FFC];
	_ =	sdelay $0x3  }
0x9a: {  	_ =	strace s2  }
0x9b: {  	s2 =	sld [smem:$0x3FFD];
	_ =	sdelay $0x3  }
0x9c: {  	_ =	strace s2  }
0x9d: {  	_ =	strace $0x8FFFFFFF  }
0x9e: {  	s19 =	sld [smem:$0x3FDB];
	_ =	sdelay $0x1  }
0x9f: {  	s20 =	simm.s32 $_scs_section_size  }
0xa0: {  	s5 =	simm.s32 $_size__tile_overlayer_lowered;
	s6 =	simm.s32 $_tile_overlayer_lowered  }
0xa1: {  	s7 =	simm.s32 $0x1BFF;
	s21 =	sshll.u32 s6, $0x1;
	s4 =	sadd.s32 s20, s19  }
0xa2: {  	s22 =	simm.s32 $0x0;
	s5 =	sshll.u32 s5, $0x1;
	s6 =	sadd.s32 s21, s4  }
0xa3: {  	[timem:s22], [sflag:s7] =	dma.local [hbm:s6], s5  }
0xa4: {  	_ =	swait.ge [sflag:s7], s5  }
0xa5: {  	s5 =	ssub.s32 $0x0, s5;
	[sflag:s7] =	ssyncset.done $0x0  }
0xa6: {  	[sflag:s7] =	ssyncadd.s32 s5;
	_ =	sdelay $0x1  }
0xa7: {  	s23 =	simm.s32 $0x1B8B  }
0xa8: {  	_ =	swait.ge [sflag:s23], $0x1  }
0xa9: {  	[sflag:s23] =	ssyncset.done $0x0  }
0xaa: {  	[sflag:s23] =	ssyncadd.s32 $0xFFFFFFFF  }
0xab: {  	s5 =	sld [smem:$0x0]  }
0xac: {  	s6 =	sand.u32 $0xFFFFFFFE, s1  }
0xad: {  	p0 =	sne.s32 s1, s6  }
0xae: {  	s6 =	sshll.u32 @p0 s6, $0xE  }
0xaf: {  	s6 =	sadd.s32 @p0 $0x11B8D, s6;
	s7 =	sshll.u32 @p0 s5, $0x11  }
0xb0: {  	s6 =	sor.u32 @p0 s7, s6  }
0xb1: {  	[sflag:s6] =	ssyncadd.remote.s32 @p0 $0x1;
	_ =	sdelay $0x1  }
0xb2: {  	s6 =	simm.s32 @p0 $0x1B8D  }
0xb3: {  	_ =	swait.eq @p0 [sflag:s6], $0x1  }
0xb4: {  	[sflag:s6] =	ssyncadd.s32 @p0 $0xFFFFFFFF  }
0xb5: {  	s7 =	sshll.u32 @!p0 s1, $0xE  }
0xb6: {  	s7 =	sor.u32 @!p0 $0x4000, s7;
	s6 =	simm.s32 @!p0 $0x1B8D  }
0xb7: {  	s5 =	sshll.u32 @!p0 s5, $0x11;
	s7 =	sadd.s32 @!p0 $0x11B8D, s7;
	_ =	swait.eq @!p0 [sflag:s6], $0x1  }
0xb8: {  	s5 =	sor.u32 @!p0 s5, s7;
	[sflag:s6] =	ssyncadd.s32 @!p0 $0xFFFFFFFF  }
0xb9: {  	s25 =	simm.s32 $0x1B8E;
	s24 =	sld [smem:$0x3FFE];
	[sflag:s5] =	ssyncadd.remote.s32 @!p0 $0x1  }
0xba: {  	s26 =	simm.s32 $execute0_lowered;
	[smem:$0x3FD2] =	sst s25  }
0xbb: {  	s6 =	sshll.u32 s26, $0x1;
	_ =	strace $0x80000049;
	[dreg:$0x1] =	wrdreg $0xFFFFFFFF  }
0xbc: {  	s28 =	simm.s32 $_size_execute0_lowered;
	s4 =	sadd.s32 s4, s6;
	[dreg:$0x0] =	wrdreg $0x0  }
0xbd: {  	s6 =	sshll.u32 s28, $0x1;
	[dreg:$0x2] =	wrdreg s4  }
0xbe: {  	[dreg:$0x3] =	wrdreg s6  }
0xbf: {  	[dreg:$0x4] =	wrdreg $0xC0  }
0xc0: {  	_ =	task [dreg:s22], $0x5FFFF  }
0xc1: {  	[dreg:$0x1] =	wrdreg $0xFFFFFFFF  }
0xc2: {  	[dreg:$0x0] =	wrdreg $0x60  }
0xc3: {  	[dreg:$0x2] =	wrdreg s17  }
0xc4: {  	[dreg:$0x3] =	wrdreg s24  }
0xc5: {  	[dreg:$0x4] =	wrdreg $0x9  }
0xc6: {  	_ =	task.clear_ibuf [dreg:s22], $0x5FFFF;
	_ =	strace $0x90000049  }
0xc7: {  	s29 =	simm.s32 $0x9;
	_ =	strace $0x8000004B  }
0xc8: {  	_ =	swait.ge [sflag:s29], $0x1  }
0xc9: {  	[sflag:s29] =	ssyncadd.s32 $0xFFFFFFFF  }
0xca: {  	_ =	strace $0x9000004B  }
0xcb: {  	_ =	sfence  }
0xcc: {  	s30 =	sld [smem:$0x0];
	_ =	sdelay $0x2  }
0xcd: {  	s31 =	sshll.u32 s1, $0xD;
	s1 =	sshrl.u32 s1, $0x2  }
0xce: {  	s4 =	sand.u32 $0x4000, s31;
	s1 =	sadd.s32 s1, s30  }
0xcf: {  	s0 =	sor.u32 s4, s0;
	s1 =	sshll.u32 s1, $0x11  }
0xd0: {  	s0 =	sor.u32 s1, s0  }
0xd1: {  	s0 =	sadd.s32 $0x8F2B, s0  }
0xd2: {  	[sflag:s0] =	ssyncadd.remote.s32 $0x1  }
0xd3: {  	_ =	sfence.sel $0xFFFF  }
0xd4: {  	[dreg:$0x0] =	wrdreg $0xFFFFFFFF;
	(pc) =	sbr.abs _section_cstart, $3  }
0xd5: {  	[dreg:$0x1] =	wrdreg $0xFFFFFFFF  }
0xd6: {  	_ =	task.clear_ibuf [dreg:s22], $0x2FFFF;
	_ =	strace $0x9FFFFFFF  }
0xd7: {  	(tm) =	ssettm $0x7FFFFFFF  }
tec
execute0_lowered:
.L_overlay_start_1:
0x0: {  	(tag) =	ssettag $0x1  }
0x1: {  	s2 =	rddreg [dreg:$0x0];
	s0 =	srdreg.scid  }
0x2: {  	s3 =	stileid.u32;
	s1 =	rddreg [dreg:$0x1];
	s28 =	simm.s32 $0x4200  }
0x3: {  	s29 =	simm.s32 $0xC200;
	s30 =	simm.s32 $0x3;
	s31 =	simm.s32 $0x200  }
0x4: {  	s12 =	simm.s32 $0x8;
	s0 =	sand.u32 $0x1, s0;
	s4 =	sshll.u32 s3, $0x1  }
0x5: {  	s3 =	simm.s32 $0x0;
	s5 =	sadd.s32 $0x2A00, s1;
	s6 =	sadd.s32 $0xC800, s1  }
0x6: {  	s7 =	sadd.s32 $0x2AE800, s1;
	s8 =	sor.u32 s0, s4;
	s0 =	ssub.s32 $0x2, s0  }
0x7: {  	[smem:$0x7FF] =	sst s3;
	s9 =	smul.u32 $0x1388, s8;
	s16 =	sshrl.u32 s0, $0x1  }
0x8: {  	s4 =	sadd.s32 $0x16600, s1;
	_ =	strace $0x8000004A;
	s0 =	ssub.s32 s0, s16  }
0x9: {  	s16 =	simm.s32 $0x0;
	s10 =	sshrl.u32 s9, $0x3;
	s13 =	sadd.s32 $0x27200, s9  }
0xa: {  	s14 =	sadd.s32 $0x80, s9;
	s15 =	sadd.s32 $0x27280, s9;
	s11 =	sadd.s32 $0x4E20, s10  }
0xb: {  	s9 =	simm.s32 $0x7;
	s18 =	sadd.s32 $0x4E30, s10;
	s17 =	sadd.s32 s5, s11  }
0xc: {  	s20 =	sadd.s32 $0x5080, s10;
	s11 =	sadd.s32 s6, s11;
	[dreg:$0x3] =	wrdreg s17  }
0xd: {  	s22 =	sadd.s32 $0x5090, s10;
	s19 =	sadd.s32 s5, s18;
	[dreg:$0x4] =	wrdreg s11  }
0xe: {  	s10 =	simm.s32 $0x8200;
	s1 =	sadd.s32 s6, s18;
	[dreg:$0x5] =	wrdreg s19  }
0xf: {  	s21 =	sadd.s32 s5, s20;
	s24 =	sadd.s32 s5, s22;
	[dreg:$0x6] =	wrdreg s1  }
0x10: {  	s25 =	sadd.s32 s6, s22;
	s11 =	smul.u32 $0x9C400, s8;
	[dreg:$0x7] =	wrdreg s21  }
0x11: {  	s22 =	smax.u32 s0, $0x1;
	s0 =	simm.s32 $0x5;
	[dreg:$0xa] =	wrdreg s24  }
0x12: {  	s1 =	sadd.s32 s6, s20;
	[dreg:$0xb] =	wrdreg s25;
	s8 =	sshrl.u32 s11, $0x3  }
0x13: {  	s24 =	simm.s32 $0x80;
	s25 =	simm.s32 $0x180;
	s8 =	sadd.s32 s7, s8  }
0x14: {  	[dreg:$0x8] =	wrdreg s1;
	s1 =	simm.s32 $0x4;
	s23 =	sadd.s32 $0x13000, s8  }
0x15: {  	s26 =	sadd.s32 $0x13800, s8;
	s8 =	simm.s32 $0x6;
	[dreg:$0x9] =	wrdreg s23  }
0x16: {  	[dreg:$0xc] =	wrdreg s26;
	s23 =	simm.s32 $0x100;
	s26 =	simm.s32 $0x1  }
.LBB2_1:
0x17: {  	s17 =	rddreg [dreg:$0x3]  }
0x18: {  	[tilespmem:s3], [sflag:$0x1] =	stream.linear.gather [hbm4b:s17+s3], $0x80, $0x38;
	[tilespmem:$0x10200] =	vst v63  }
0x19: {  	s19 =	rddreg [dreg:$0x4]  }
0x1a: {  	[tilespmem:s23], [sflag:$0x1] =	stream.linear.gather [hbm4b:s19+s3], $0x80, $0x38;
	[tilespmem:$0x10200] =	vst v63  }
0x1b: {  	s20 =	rddreg [dreg:$0x5]  }
0x1c: {  	[tilespmem:s24], [sflag:$0x2] =	stream.linear.gather [hbm4b:s20+s3], $0x80, $0x38;
	[tilespmem:$0x10200] =	vst v63  }
0x1d: {  	s21 =	rddreg [dreg:$0x6];
	s17 =	simm.s32 $0x0  }
0x1e: {  	[tilespmem:s25], [sflag:$0x2] =	stream.linear.gather [hbm4b:s21+s3], $0x80, $0x38;
	[tilespmem:$0x10200] =	vst v63  }
.LBB2_2:
0x1f: {  	_ =	swait.ge [sflag:s26], $0x80  }
0x20: {  	[sflag:s26] =	ssyncset.done $0x0  }
0x21: {  	[sflag:s26] =	ssyncadd.s32 $0xFFFFFF80  }
0x22: {  	p0 =	seq.s32 s17, $0x0;
	_ =	swait.ge [sflag:s26], $0x80  }
0x23: {  	s18 =	simm.s32 @p0 $0x80;
	[sflag:s26] =	ssyncset.done $0x0  }
0x24: {  	s19 =	simm.s32 @p0 $0x0;
	s20 =	simm.s32 @p0 $0x200;
	[sflag:s26] =	ssyncadd.s32 $0xFFFFFF80  }
0x25: {  	[tilespmem:s20], [sflag:$0x3] =	stream.indirect.gather @p0 [hbm4b:s2+s18], $0x80, s19, s18, $0xb8;
	[tilespmem:$0x10200] =	vst v63  }
0x26: {  	s19 =	simm.s32 @p0 $0x100;
	s20 =	simm.s32 @p0 $0x8200  }
0x27: {  	[tilespmem:s20], [sflag:$0x3] =	stream.indirect.gather @p0 [hbm4b:s4+s18], $0x80, s19, s18, $0xb8;
	[tilespmem:$0x10200] =	vst v63  }
0x28: {  	s18 =	simm.s32 @p0 $0x2  }
0x29: {  	_ =	swait.ge @p0 [sflag:s18], $0x80  }
0x2a: {  	[sflag:s18] =	ssyncset.done @p0 $0x0  }
0x2b: {  	[sflag:s18] =	ssyncadd.s32 @p0 $0xFFFFFF80  }
0x2c: {  	_ =	swait.ge @p0 [sflag:s18], $0x80  }
0x2d: {  	[sflag:s18] =	ssyncset.done @p0 $0x0  }
0x2e: {  	[sflag:s18] =	ssyncadd.s32 @p0 $0xFFFFFF80;
	s18 =	simm.s32 @!p0 $0x5  }
0x2f: {  	_ =	swait.ge @!p0 [sflag:s18], $0x4000  }
0x30: {  	s19 =	simm.s32 @!p0 $0x0;
	[sflag:s18] =	ssyncset.done @!p0 $0x0  }
0x31: {  	s20 =	simm.s32 @!p0 $0x200;
	[sflag:s18] =	ssyncadd.s32 @!p0 $0xFFFFC000;
	s18 =	simm.s32 @!p0 $0x80  }
0x32: {  	[tilespmem:s20], [sflag:$0x3] =	stream.indirect.gather @!p0 [hbm4b:s2+s18], $0x80, s19, s18, $0xb8;
	[tilespmem:$0x10200] =	vst v63  }
0x33: {  	s19 =	simm.s32 @!p0 $0x100;
	s20 =	simm.s32 @!p0 $0x8200  }
0x34: {  	[tilespmem:s20], [sflag:$0x3] =	stream.indirect.gather @!p0 [hbm4b:s4+s18], $0x80, s19, s18, $0xb8;
	[tilespmem:$0x10200] =	vst v63  }
0x35: {  	s18 =	simm.s32 @!p0 $0x2  }
0x36: {  	_ =	swait.ge @!p0 [sflag:s18], $0x80  }
0x37: {  	[sflag:s18] =	ssyncset.done @!p0 $0x0  }
0x38: {  	[sflag:s18] =	ssyncadd.s32 @!p0 $0xFFFFFF80  }
0x39: {  	_ =	swait.ge @!p0 [sflag:s18], $0x80  }
0x3a: {  	[sflag:s18] =	ssyncset.done @!p0 $0x0  }
0x3b: {  	[sflag:s18] =	ssyncadd.s32 @!p0 $0xFFFFFF80;
	s18 =	simm.s32 @!p0 $0x6  }
0x3c: {  	_ =	swait.ge @!p0 [sflag:s18], $0x4000  }
0x3d: {  	[sflag:s18] =	ssyncset.done @!p0 $0x0  }
0x3e: {  	[sflag:s18] =	ssyncadd.s32 @!p0 $0xFFFFC000  }
0x3f: {  	[tilespmem:s28], [sflag:$0x4] =	stream.indirect.gather [hbm4b:s2+s24], $0x80, s24, s24, $0xb8;
	[tilespmem:$0x10200] =	vst v63  }
0x40: {  	_ = 	snop  }
0x41: {  	[tilespmem:s29], [sflag:$0x4] =	stream.indirect.gather [hbm4b:s4+s24], $0x80, s25, s24, $0xb8;
	[tilespmem:$0x10200] =	vst v63  }
0x42: {  	_ =	swait.ge [sflag:s30], $0x4000  }
0x43: {  	[sflag:s30] =	ssyncset.done $0x0  }
0x44: {  	[sflag:s30] =	ssyncadd.s32 $0xFFFFC000  }
0x45: {  	_ =	swait.ge [sflag:s30], $0x4000  }
0x46: {  	s19 =	simm.s32 $0x0;
	[sflag:s30] =	ssyncset.done $0x0  }
0x47: {  	s20 =	simm.s32 $0x200;
	s18 =	sshll.u32 s17, $0x8;
	[sflag:s30] =	ssyncadd.s32 $0xFFFFC000  }
.LBB2_3:
0x48: {  	p0 =	sne.s32 s20, $0xFE00;
	v0 =	vld [tilespmem:s19+$0x8270]  }
0x49: {  	v1 =	vld [tilespmem:s19+$0x8200]  }
0x4a: {  	v2 =	vld [tilespmem:s19+$0x8210]  }
0x4b: {  	v3 =	vld [tilespmem:s19+$0x8220]  }
0x4c: {  	v4 =	vld [tilespmem:s19+$0x8230]  }
0x4d: {  	[tilespmem:s19+$0x270] =	vst.add.f32.msk $0xffff, v0  }
0x4e: {  	v0 =	vld [tilespmem:s19+$0x8240]  }
0x4f: {  	v5 =	vld [tilespmem:s19+$0x8250]  }
0x50: {  	v6 =	vld [tilespmem:s19+$0x8260]  }
0x51: {  	[tilespmem:s19+$0x200] =	vst.add.f32.msk $0xffff, v1  }
0x52: {  	[tilespmem:s19+$0x210] =	vst.add.f32.msk $0xffff, v2  }
.Ltmp0:
0x53: {  	[tilespmem:s19+$0x220] =	vst.add.f32.msk $0xffff, v3;
	(pc) =	sbr.rel @p0 .LBB2_3-.Ltmp0, $4  }
0x54: {  	[tilespmem:s19+$0x230] =	vst.add.f32.msk $0xffff, v4  }
0x55: {  	[tilespmem:s19+$0x240] =	vst.add.f32.msk $0xffff, v0  }
0x56: {  	[tilespmem:s19+$0x250] =	vst.add.f32.msk $0xffff, v5  }
0x57: {  	[tilespmem:s19+$0x260] =	vst.add.f32.msk $0xffff, v6;
	s19 =	sshra.s32 s20, $0x2;
	s20 =	sadd.s32 $0x200, s20  }
0x58: {  	v0 =	vld [tilespmem:s19+$0x8270]  }
0x59: {  	v1 =	vld [tilespmem:s19+$0x8200]  }
0x5a: {  	v2 =	vld [tilespmem:s19+$0x8210]  }
0x5b: {  	v3 =	vld [tilespmem:s19+$0x8220]  }
0x5c: {  	v4 =	vld [tilespmem:s19+$0x8230]  }
0x5d: {  	v63 =	vld [tilespmem:s19+$0x8240]  }
0x5e: {  	v5 =	vld [tilespmem:s19+$0x8250]  }
0x5f: {  	v6 =	vld [tilespmem:s19+$0x8260]  }
0x60: {  	[tilespmem:s19+$0x270] =	vst.add.f32.msk $0xffff, v0  }
0x61: {  	[tilespmem:s19+$0x200] =	vst.add.f32.msk $0xffff, v1  }
0x62: {  	[tilespmem:s19+$0x210] =	vst.add.f32.msk $0xffff, v2  }
0x63: {  	[tilespmem:s19+$0x220] =	vst.add.f32.msk $0xffff, v3  }
0x64: {  	s20 =	sshll.u32 s17, $0xF;
	[tilespmem:s19+$0x230] =	vst.add.f32.msk $0xffff, v4  }
0x65: {  	s20 =	sadd.s32 s11, s20;
	[tilespmem:s19+$0x240] =	vst.add.f32.msk $0xffff, v63  }
0x66: {  	p0 =	seq.s32 s17, $0x12;
	s20 =	sshrl.u32 s20, $0x3;
	[tilespmem:s19+$0x250] =	vst.add.f32.msk $0xffff, v5  }
0x67: {  	s21 =	sadd.s32 s7, s20;
	[tilespmem:s19+$0x260] =	vst.add.f32.msk $0xffff, v6;
	s19 =	sadd.s32 @!p0 s18, s13  }
0x68: {  	[hbm4b:s21+s3] =	stream.linear.scatter [tilespmem:s31], [sflag:$0x5], $0x4000, $0x38;
	[tilespmem:$0x10200] =	vst v63  }
0x69: {  	s19 =	sshrl.u32 @!p0 s19, $0x3  }
0x6a: {  	s21 =	simm.s32 @!p0 $0x0;
	s20 =	sadd.s32 @!p0 s5, s19  }
0x6b: {  	[tilespmem:s21], [sflag:$0x1] =	stream.linear.gather @!p0 [hbm4b:s20+s21], $0x80, $0x38;
	[tilespmem:$0x10200] =	vst v63  }
0x6c: {  	s19 =	sadd.s32 @!p0 s6, s19;
	s20 =	simm.s32 @!p0 $0x100  }
0x6d: {  	[tilespmem:s20], [sflag:$0x1] =	stream.linear.gather @!p0 [hbm4b:s19+s21], $0x80, $0x38;
	[tilespmem:$0x10200] =	vst v63  }
0x6e: {  	_ =	swait.ge [sflag:s1], $0x4000  }
0x6f: {  	[sflag:s1] =	ssyncset.done $0x0  }
0x70: {  	[sflag:s1] =	ssyncadd.s32 $0xFFFFC000  }
0x71: {  	_ =	swait.ge [sflag:s1], $0x4000  }
0x72: {  	[sflag:s1] =	ssyncset.done $0x0  }
0x73: {  	s19 =	simm.s32 $0x0;
	s20 =	simm.s32 $0x200;
	[sflag:s1] =	ssyncadd.s32 $0xFFFFC000  }
.LBB2_5:
0x74: {  	p1 =	sne.s32 s20, $0xFE00;
	v0 =	vld [tilespmem:s19+$0xC270]  }
0x75: {  	v1 =	vld [tilespmem:s19+$0xC200]  }
0x76: {  	v2 =	vld [tilespmem:s19+$0xC210]  }
0x77: {  	v3 =	vld [tilespmem:s19+$0xC220]  }
0x78: {  	v4 =	vld [tilespmem:s19+$0xC230]  }
0x79: {  	[tilespmem:s19+$0x4270] =	vst.add.f32.msk $0xffff, v0  }
0x7a: {  	v0 =	vld [tilespmem:s19+$0xC240]  }
0x7b: {  	v5 =	vld [tilespmem:s19+$0xC250]  }
0x7c: {  	v6 =	vld [tilespmem:s19+$0xC260]  }
0x7d: {  	[tilespmem:s19+$0x4200] =	vst.add.f32.msk $0xffff, v1  }
0x7e: {  	[tilespmem:s19+$0x4210] =	vst.add.f32.msk $0xffff, v2  }
.Ltmp1:
0x7f: {  	[tilespmem:s19+$0x4220] =	vst.add.f32.msk $0xffff, v3;
	(pc) =	sbr.rel @p1 .LBB2_5-.Ltmp1, $4  }
0x80: {  	[tilespmem:s19+$0x4230] =	vst.add.f32.msk $0xffff, v4  }
0x81: {  	[tilespmem:s19+$0x4240] =	vst.add.f32.msk $0xffff, v0  }
0x82: {  	[tilespmem:s19+$0x4250] =	vst.add.f32.msk $0xffff, v5  }
0x83: {  	[tilespmem:s19+$0x4260] =	vst.add.f32.msk $0xffff, v6;
	s19 =	sshra.s32 s20, $0x2;
	s20 =	sadd.s32 $0x200, s20  }
0x84: {  	v0 =	vld [tilespmem:s19+$0xC270]  }
0x85: {  	v1 =	vld [tilespmem:s19+$0xC200]  }
0x86: {  	v2 =	vld [tilespmem:s19+$0xC210]  }
0x87: {  	v3 =	vld [tilespmem:s19+$0xC220]  }
0x88: {  	v4 =	vld [tilespmem:s19+$0xC230]  }
0x89: {  	v63 =	vld [tilespmem:s19+$0xC240]  }
0x8a: {  	v5 =	vld [tilespmem:s19+$0xC250]  }
0x8b: {  	v6 =	vld [tilespmem:s19+$0xC260]  }
0x8c: {  	[tilespmem:s19+$0x4270] =	vst.add.f32.msk $0xffff, v0  }
0x8d: {  	[tilespmem:s19+$0x4200] =	vst.add.f32.msk $0xffff, v1  }
0x8e: {  	[tilespmem:s19+$0x4210] =	vst.add.f32.msk $0xffff, v2  }
0x8f: {  	[tilespmem:s19+$0x4220] =	vst.add.f32.msk $0xffff, v3  }
.Ltmp2:
0x90: {  	[tilespmem:s19+$0x4230] =	vst.add.f32.msk $0xffff, v4;
	(pc) =	sbr.rel @p0 .LBB2_8-.Ltmp2, $4  }
0x91: {  	s20 =	sadd.s32 s18, s14;
	[tilespmem:s19+$0x4240] =	vst.add.f32.msk $0xffff, v63  }
0x92: {  	s20 =	sshll.u32 s20, $0x4;
	[tilespmem:s19+$0x4250] =	vst.add.f32.msk $0xffff, v5  }
0x93: {  	s21 =	sadd.s32 s7, s20;
	[tilespmem:s19+$0x4260] =	vst.add.f32.msk $0xffff, v6  }
0x94: {  	[hbm4b:s21+s3] =	stream.linear.scatter [tilespmem:s28], [sflag:$0x6], $0x4000, $0x38;
	[tilespmem:$0x10200] =	vst v63  }
0x95: {  	s18 =	sadd.s32 s18, s15  }
.Ltmp3:
0x96: {  	s18 =	sshrl.u32 s18, $0x3;
	(pc) =	sbr.rel .LBB2_2-.Ltmp3, $4  }
0x97: {  	s19 =	sadd.s32 s5, s18  }
0x98: {  	[tilespmem:s24], [sflag:$0x2] =	stream.linear.gather [hbm4b:s19+s3], $0x80, $0x38;
	[tilespmem:$0x10200] =	vst v63  }
0x99: {  	s17 =	sadd.s32 $0x1, s17;
	s18 =	sadd.s32 s6, s18  }
0x9a: {  	[tilespmem:s25], [sflag:$0x2] =	stream.linear.gather [hbm4b:s18+s3], $0x80, $0x38;
	[tilespmem:$0x10200] =	vst v63  }
.LBB2_8:
0x9b: {  	_ =	swait.ge [sflag:s0], $0x4000  }
0x9c: {  	[sflag:s0] =	ssyncset.done $0x0  }
0x9d: {  	[sflag:s0] =	ssyncadd.s32 $0xFFFFC000  }
0x9e: {  	_ =	swait.ge [sflag:s8], $0x4000  }
0x9f: {  	[sflag:s8] =	ssyncset.done $0x0  }
0xa0: {  	s17 =	simm.s32 $0x0;
	s18 =	rddreg [dreg:$0x7];
	[sflag:s8] =	ssyncadd.s32 $0xFFFFC000  }
0xa1: {  	[tilespmem:s17], [sflag:$0x7] =	stream.linear.gather [hbm4b:s18+s17], $0x80, $0x38;
	[tilespmem:$0x10200] =	vst v63  }
0xa2: {  	_ =	swait.ge [sflag:s9], $0x80  }
0xa3: {  	[sflag:s9] =	ssyncset.done $0x0  }
0xa4: {  	s21 =	rddreg [dreg:$0x8];
	[sflag:s9] =	ssyncadd.s32 $0xFFFFFF80  }
0xa5: {  	[tilespmem:s23], [sflag:$0x7] =	stream.linear.gather [hbm4b:s21+s17], $0x80, $0x38;
	[tilespmem:$0x10200] =	vst v63  }
0xa6: {  	_ =	swait.ge [sflag:s9], $0x80  }
0xa7: {  	[sflag:s9] =	ssyncset.done $0x0  }
0xa8: {  	[sflag:s9] =	ssyncadd.s32 $0xFFFFFF80  }
0xa9: {  	[tilespmem:s31], [sflag:$0x3] =	stream.indirect.gather [hbm4b:s2+s24], $0x80, s17, s24, $0xb8;
	[tilespmem:$0x10200] =	vst v63  }
0xaa: {  	_ = 	snop  }
0xab: {  	[tilespmem:s10], [sflag:$0x4] =	stream.indirect.gather [hbm4b:s4+s24], $0x80, s23, s24, $0xb8;
	[tilespmem:$0x10200] =	vst v63  }
0xac: {  	_ =	swait.ge [sflag:s30], $0x4000  }
0xad: {  	[sflag:s30] =	ssyncset.done $0x0  }
0xae: {  	[sflag:s30] =	ssyncadd.s32 $0xFFFFC000  }
0xaf: {  	_ =	swait.ge [sflag:s1], $0x4000  }
0xb0: {  	[sflag:s1] =	ssyncset.done $0x0  }
0xb1: {  	s18 =	simm.s32 $0x200;
	s17 =	simm.s32 $0x0;
	[sflag:s1] =	ssyncadd.s32 $0xFFFFC000  }
.LBB2_9:
0xb2: {  	p0 =	sne.s32 s18, $0xFE00;
	v0 =	vld [tilespmem:s17+$0x8270]  }
0xb3: {  	v1 =	vld [tilespmem:s17+$0x8200]  }
0xb4: {  	v2 =	vld [tilespmem:s17+$0x8210]  }
0xb5: {  	v3 =	vld [tilespmem:s17+$0x8220]  }
0xb6: {  	v4 =	vld [tilespmem:s17+$0x8230]  }
0xb7: {  	[tilespmem:s17+$0x270] =	vst.add.f32.msk $0xffff, v0  }
0xb8: {  	v0 =	vld [tilespmem:s17+$0x8240]  }
0xb9: {  	v5 =	vld [tilespmem:s17+$0x8250]  }
0xba: {  	v6 =	vld [tilespmem:s17+$0x8260]  }
0xbb: {  	[tilespmem:s17+$0x200] =	vst.add.f32.msk $0xffff, v1  }
0xbc: {  	[tilespmem:s17+$0x210] =	vst.add.f32.msk $0xffff, v2  }
.Ltmp4:
0xbd: {  	[tilespmem:s17+$0x220] =	vst.add.f32.msk $0xffff, v3;
	(pc) =	sbr.rel @p0 .LBB2_9-.Ltmp4, $4  }
0xbe: {  	[tilespmem:s17+$0x230] =	vst.add.f32.msk $0xffff, v4  }
0xbf: {  	[tilespmem:s17+$0x240] =	vst.add.f32.msk $0xffff, v0  }
0xc0: {  	[tilespmem:s17+$0x250] =	vst.add.f32.msk $0xffff, v5  }
0xc1: {  	[tilespmem:s17+$0x260] =	vst.add.f32.msk $0xffff, v6;
	s17 =	sshra.s32 s18, $0x2;
	s18 =	sadd.s32 $0x200, s18  }
0xc2: {  	v0 =	vld [tilespmem:s17+$0x8270]  }
0xc3: {  	v1 =	vld [tilespmem:s17+$0x8200]  }
0xc4: {  	v2 =	vld [tilespmem:s17+$0x8210]  }
0xc5: {  	v3 =	vld [tilespmem:s17+$0x8220]  }
0xc6: {  	v4 =	vld [tilespmem:s17+$0x8230]  }
0xc7: {  	v62 =	vld [tilespmem:s17+$0x8240]  }
0xc8: {  	v5 =	vld [tilespmem:s17+$0x8250]  }
0xc9: {  	v6 =	vld [tilespmem:s17+$0x8260]  }
0xca: {  	[tilespmem:s17+$0x270] =	vst.add.f32.msk $0xffff, v0  }
0xcb: {  	[tilespmem:s17+$0x200] =	vst.add.f32.msk $0xffff, v1  }
0xcc: {  	[tilespmem:s17+$0x210] =	vst.add.f32.msk $0xffff, v2  }
0xcd: {  	[tilespmem:s17+$0x220] =	vst.add.f32.msk $0xffff, v3  }
0xce: {  	[tilespmem:s17+$0x230] =	vst.add.f32.msk $0xffff, v4  }
0xcf: {  	[tilespmem:s17+$0x240] =	vst.add.f32.msk $0xffff, v62  }
0xd0: {  	[tilespmem:s17+$0x250] =	vst.add.f32.msk $0xffff, v5  }
0xd1: {  	s19 =	rddreg [dreg:$0x9];
	[tilespmem:s17+$0x260] =	vst.add.f32.msk $0xffff, v6  }
0xd2: {  	[hbm4b:s19+s3] =	stream.linear.scatter [tilespmem:s31], [sflag:$0x7], $0x4000, $0x38;
	[tilespmem:$0x10200] =	vst v63  }
0xd3: {  	_ =	swait.ge [sflag:s9], $0x4000  }
0xd4: {  	[sflag:s9] =	ssyncset.done $0x0  }
0xd5: {  	s20 =	rddreg [dreg:$0xa];
	[sflag:s9] =	ssyncadd.s32 $0xFFFFC000  }
0xd6: {  	[tilespmem:s3], [sflag:$0x7] =	stream.linear.gather [hbm4b:s20+s3], $0x8, $0x38;
	[tilespmem:$0x10200] =	vst v63  }
0xd7: {  	_ =	swait.ge [sflag:s9], $0x8  }
0xd8: {  	[sflag:s9] =	ssyncset.done $0x0  }
0xd9: {  	s21 =	rddreg [dreg:$0xb];
	[sflag:s9] =	ssyncadd.s32 $0xFFFFFFF8  }
0xda: {  	[tilespmem:s23], [sflag:$0x7] =	stream.linear.gather [hbm4b:s21+s3], $0x8, $0x38;
	[tilespmem:$0x10200] =	vst v63  }
0xdb: {  	_ =	swait.ge [sflag:s9], $0x8  }
0xdc: {  	[sflag:s9] =	ssyncset.done $0x0  }
0xdd: {  	[sflag:s9] =	ssyncadd.s32 $0xFFFFFFF8  }
0xde: {  	[tilespmem:s31], [sflag:$0x3] =	stream.indirect.gather [hbm4b:s2+s12], $0x80, s3, s12, $0xb8;
	[tilespmem:$0x10200] =	vst v63  }
0xdf: {  	_ = 	snop  }
0xe0: {  	[tilespmem:s10], [sflag:$0x4] =	stream.indirect.gather [hbm4b:s4+s12], $0x80, s23, s12, $0xb8;
	[tilespmem:$0x10200] =	vst v63  }
0xe1: {  	_ =	swait.ge [sflag:s30], $0x400  }
0xe2: {  	[sflag:s30] =	ssyncset.done $0x0  }
0xe3: {  	[sflag:s30] =	ssyncadd.s32 $0xFFFFFC00  }
0xe4: {  	_ =	swait.ge [sflag:s1], $0x400  }
0xe5: {  	[sflag:s1] =	ssyncset.done $0x0  }
0xe6: {  	[sflag:s1] =	ssyncadd.s32 $0xFFFFFC00  }
0xe7: {  	v63 =	vld [tilespmem:$0x8200];
	_ =	sdelay $0x4  }
0xe8: {  	[tilespmem:s31+$0x0] =	vst.add.f32.msk $0xffff, v63  }
0xe9: {  	v0 =	vld [tilespmem:$0x8210];
	_ =	sdelay $0x3  }
0xea: {  	s18 =	simm.s32 $0x210  }
0xeb: {  	[tilespmem:s18+$0x0] =	vst.add.f32.msk $0xffff, v0  }
0xec: {  	v0 =	vld [tilespmem:$0x8220];
	_ =	sdelay $0x3  }
0xed: {  	s19 =	simm.s32 $0x220  }
0xee: {  	[tilespmem:s19+$0x0] =	vst.add.f32.msk $0xffff, v0  }
0xef: {  	v0 =	vld [tilespmem:$0x8230];
	_ =	sdelay $0x3  }
0xf0: {  	s20 =	simm.s32 $0x230  }
0xf1: {  	[tilespmem:s20+$0x0] =	vst.add.f32.msk $0xffff, v0  }
0xf2: {  	v0 =	vld [tilespmem:$0x8240];
	_ =	sdelay $0x3  }
0xf3: {  	s21 =	simm.s32 $0x240  }
0xf4: {  	[tilespmem:s21+$0x0] =	vst.add.f32.msk $0xffff, v0  }
0xf5: {  	v0 =	vld [tilespmem:$0x8250];
	_ =	sdelay $0x3  }
0xf6: {  	s18 =	simm.s32 $0x250  }
0xf7: {  	[tilespmem:s18+$0x0] =	vst.add.f32.msk $0xffff, v0  }
0xf8: {  	v0 =	vld [tilespmem:$0x8260];
	_ =	sdelay $0x3  }
0xf9: {  	s19 =	simm.s32 $0x260  }
0xfa: {  	[tilespmem:s19+$0x0] =	vst.add.f32.msk $0xffff, v0  }
0xfb: {  	v0 =	vld [tilespmem:$0x8270];
	_ =	sdelay $0x3  }
0xfc: {  	s20 =	simm.s32 $0x270  }
0xfd: {  	[tilespmem:s20+$0x0] =	vst.add.f32.msk $0xffff, v0  }
0xfe: {  	v0 =	vld [tilespmem:$0x8280];
	_ =	sdelay $0x3  }
0xff: {  	s21 =	simm.s32 $0x280  }
0x100: {  	[tilespmem:s21+$0x0] =	vst.add.f32.msk $0xffff, v0  }
0x101: {  	v0 =	vld [tilespmem:$0x8290];
	_ =	sdelay $0x3  }
0x102: {  	s18 =	simm.s32 $0x290  }
0x103: {  	[tilespmem:s18+$0x0] =	vst.add.f32.msk $0xffff, v0  }
0x104: {  	v0 =	vld [tilespmem:$0x82A0];
	_ =	sdelay $0x3  }
0x105: {  	s19 =	simm.s32 $0x2A0  }
0x106: {  	[tilespmem:s19+$0x0] =	vst.add.f32.msk $0xffff, v0  }
0x107: {  	v0 =	vld [tilespmem:$0x82B0];
	_ =	sdelay $0x3  }
0x108: {  	s20 =	simm.s32 $0x2B0  }
0x109: {  	[tilespmem:s20+$0x0] =	vst.add.f32.msk $0xffff, v0  }
0x10a: {  	v0 =	vld [tilespmem:$0x82C0];
	_ =	sdelay $0x3  }
0x10b: {  	s21 =	simm.s32 $0x2C0  }
0x10c: {  	[tilespmem:s21+$0x0] =	vst.add.f32.msk $0xffff, v0  }
0x10d: {  	v0 =	vld [tilespmem:$0x82D0];
	_ =	sdelay $0x3  }
0x10e: {  	s18 =	simm.s32 $0x2D0  }
0x10f: {  	[tilespmem:s18+$0x0] =	vst.add.f32.msk $0xffff, v0  }
0x110: {  	v0 =	vld [tilespmem:$0x82E0];
	_ =	sdelay $0x3  }
0x111: {  	s19 =	simm.s32 $0x2E0  }
0x112: {  	[tilespmem:s19+$0x0] =	vst.add.f32.msk $0xffff, v0  }
0x113: {  	v0 =	vld [tilespmem:$0x82F0];
	_ =	sdelay $0x3  }
0x114: {  	s20 =	simm.s32 $0x2F0  }
0x115: {  	[tilespmem:s20+$0x0] =	vst.add.f32.msk $0xffff, v0  }
0x116: {  	v0 =	vld [tilespmem:$0x8300];
	_ =	sdelay $0x3  }
0x117: {  	s21 =	simm.s32 $0x300  }
0x118: {  	[tilespmem:s21+$0x0] =	vst.add.f32.msk $0xffff, v0  }
0x119: {  	v0 =	vld [tilespmem:$0x8310];
	_ =	sdelay $0x3  }
0x11a: {  	s18 =	simm.s32 $0x310  }
0x11b: {  	[tilespmem:s18+$0x0] =	vst.add.f32.msk $0xffff, v0  }
0x11c: {  	v0 =	vld [tilespmem:$0x8320];
	_ =	sdelay $0x3  }
0x11d: {  	s19 =	simm.s32 $0x320  }
0x11e: {  	[tilespmem:s19+$0x0] =	vst.add.f32.msk $0xffff, v0  }
0x11f: {  	v0 =	vld [tilespmem:$0x8330];
	_ =	sdelay $0x3  }
0x120: {  	s20 =	simm.s32 $0x330  }
0x121: {  	[tilespmem:s20+$0x0] =	vst.add.f32.msk $0xffff, v0  }
0x122: {  	v0 =	vld [tilespmem:$0x8340];
	_ =	sdelay $0x3  }
0x123: {  	s21 =	simm.s32 $0x340  }
0x124: {  	[tilespmem:s21+$0x0] =	vst.add.f32.msk $0xffff, v0  }
0x125: {  	v0 =	vld [tilespmem:$0x8350];
	_ =	sdelay $0x3  }
0x126: {  	s18 =	simm.s32 $0x350  }
0x127: {  	[tilespmem:s18+$0x0] =	vst.add.f32.msk $0xffff, v0  }
0x128: {  	v0 =	vld [tilespmem:$0x8360];
	_ =	sdelay $0x3  }
0x129: {  	s19 =	simm.s32 $0x360  }
0x12a: {  	[tilespmem:s19+$0x0] =	vst.add.f32.msk $0xffff, v0  }
0x12b: {  	v0 =	vld [tilespmem:$0x8370];
	_ =	sdelay $0x3  }
0x12c: {  	s20 =	simm.s32 $0x370  }
0x12d: {  	[tilespmem:s20+$0x0] =	vst.add.f32.msk $0xffff, v0  }
0x12e: {  	v0 =	vld [tilespmem:$0x8380];
	_ =	sdelay $0x3  }
0x12f: {  	s21 =	simm.s32 $0x380  }
0x130: {  	[tilespmem:s21+$0x0] =	vst.add.f32.msk $0xffff, v0  }
0x131: {  	v0 =	vld [tilespmem:$0x8390];
	_ =	sdelay $0x3  }
0x132: {  	s18 =	simm.s32 $0x390  }
0x133: {  	[tilespmem:s18+$0x0] =	vst.add.f32.msk $0xffff, v0  }
0x134: {  	v0 =	vld [tilespmem:$0x83A0];
	_ =	sdelay $0x3  }
0x135: {  	s19 =	simm.s32 $0x3A0  }
0x136: {  	[tilespmem:s19+$0x0] =	vst.add.f32.msk $0xffff, v0  }
0x137: {  	v0 =	vld [tilespmem:$0x83B0];
	_ =	sdelay $0x3  }
0x138: {  	s20 =	simm.s32 $0x3B0  }
0x139: {  	[tilespmem:s20+$0x0] =	vst.add.f32.msk $0xffff, v0  }
0x13a: {  	v0 =	vld [tilespmem:$0x83C0];
	_ =	sdelay $0x3  }
0x13b: {  	s21 =	simm.s32 $0x3C0  }
0x13c: {  	[tilespmem:s21+$0x0] =	vst.add.f32.msk $0xffff, v0  }
0x13d: {  	v0 =	vld [tilespmem:$0x83D0];
	_ =	sdelay $0x3  }
0x13e: {  	s18 =	simm.s32 $0x3D0  }
0x13f: {  	[tilespmem:s18+$0x0] =	vst.add.f32.msk $0xffff, v0  }
0x140: {  	v0 =	vld [tilespmem:$0x83E0];
	_ =	sdelay $0x3  }
0x141: {  	s19 =	simm.s32 $0x3E0  }
0x142: {  	[tilespmem:s19+$0x0] =	vst.add.f32.msk $0xffff, v0  }
0x143: {  	v0 =	vld [tilespmem:$0x83F0];
	_ =	sdelay $0x3  }
0x144: {  	s20 =	simm.s32 $0x3F0  }
0x145: {  	[tilespmem:s20+$0x0] =	vst.add.f32.msk $0xffff, v0  }
0x146: {  	v0 =	vld [tilespmem:$0x8400];
	_ =	sdelay $0x3  }
0x147: {  	s21 =	simm.s32 $0x400  }
0x148: {  	[tilespmem:s21+$0x0] =	vst.add.f32.msk $0xffff, v0  }
0x149: {  	v0 =	vld [tilespmem:$0x8410];
	_ =	sdelay $0x3  }
0x14a: {  	s18 =	simm.s32 $0x410  }
0x14b: {  	[tilespmem:s18+$0x0] =	vst.add.f32.msk $0xffff, v0  }
0x14c: {  	v0 =	vld [tilespmem:$0x8420];
	_ =	sdelay $0x3  }
0x14d: {  	s19 =	simm.s32 $0x420  }
0x14e: {  	[tilespmem:s19+$0x0] =	vst.add.f32.msk $0xffff, v0  }
0x14f: {  	v0 =	vld [tilespmem:$0x8430];
	_ =	sdelay $0x3  }
0x150: {  	s20 =	simm.s32 $0x430  }
0x151: {  	[tilespmem:s20+$0x0] =	vst.add.f32.msk $0xffff, v0  }
0x152: {  	v0 =	vld [tilespmem:$0x8440];
	_ =	sdelay $0x3  }
0x153: {  	s21 =	simm.s32 $0x440  }
0x154: {  	[tilespmem:s21+$0x0] =	vst.add.f32.msk $0xffff, v0  }
0x155: {  	v0 =	vld [tilespmem:$0x8450];
	_ =	sdelay $0x3  }
0x156: {  	s18 =	simm.s32 $0x450  }
0x157: {  	[tilespmem:s18+$0x0] =	vst.add.f32.msk $0xffff, v0  }
0x158: {  	v0 =	vld [tilespmem:$0x8460];
	_ =	sdelay $0x3  }
0x159: {  	s19 =	simm.s32 $0x460  }
0x15a: {  	[tilespmem:s19+$0x0] =	vst.add.f32.msk $0xffff, v0  }
0x15b: {  	v0 =	vld [tilespmem:$0x8470];
	_ =	sdelay $0x3  }
0x15c: {  	s20 =	simm.s32 $0x470  }
0x15d: {  	[tilespmem:s20+$0x0] =	vst.add.f32.msk $0xffff, v0  }
0x15e: {  	v0 =	vld [tilespmem:$0x8480];
	_ =	sdelay $0x3  }
0x15f: {  	s21 =	simm.s32 $0x480  }
0x160: {  	[tilespmem:s21+$0x0] =	vst.add.f32.msk $0xffff, v0  }
0x161: {  	v0 =	vld [tilespmem:$0x8490];
	_ =	sdelay $0x3  }
0x162: {  	s18 =	simm.s32 $0x490  }
0x163: {  	[tilespmem:s18+$0x0] =	vst.add.f32.msk $0xffff, v0  }
0x164: {  	v0 =	vld [tilespmem:$0x84A0];
	_ =	sdelay $0x3  }
0x165: {  	s19 =	simm.s32 $0x4A0  }
0x166: {  	[tilespmem:s19+$0x0] =	vst.add.f32.msk $0xffff, v0  }
0x167: {  	v0 =	vld [tilespmem:$0x84B0];
	_ =	sdelay $0x3  }
0x168: {  	s20 =	simm.s32 $0x4B0  }
0x169: {  	[tilespmem:s20+$0x0] =	vst.add.f32.msk $0xffff, v0  }
0x16a: {  	v0 =	vld [tilespmem:$0x84C0];
	_ =	sdelay $0x3  }
0x16b: {  	s21 =	simm.s32 $0x4C0  }
0x16c: {  	[tilespmem:s21+$0x0] =	vst.add.f32.msk $0xffff, v0  }
0x16d: {  	v0 =	vld [tilespmem:$0x84D0];
	_ =	sdelay $0x3  }
0x16e: {  	s18 =	simm.s32 $0x4D0  }
0x16f: {  	[tilespmem:s18+$0x0] =	vst.add.f32.msk $0xffff, v0  }
0x170: {  	v0 =	vld [tilespmem:$0x84E0];
	_ =	sdelay $0x3  }
0x171: {  	s19 =	simm.s32 $0x4E0  }
0x172: {  	[tilespmem:s19+$0x0] =	vst.add.f32.msk $0xffff, v0  }
0x173: {  	v0 =	vld [tilespmem:$0x84F0];
	_ =	sdelay $0x3  }
0x174: {  	s20 =	simm.s32 $0x4F0  }
0x175: {  	[tilespmem:s20+$0x0] =	vst.add.f32.msk $0xffff, v0  }
0x176: {  	v0 =	vld [tilespmem:$0x8500];
	_ =	sdelay $0x3  }
0x177: {  	s21 =	simm.s32 $0x500  }
0x178: {  	[tilespmem:s21+$0x0] =	vst.add.f32.msk $0xffff, v0  }
0x179: {  	v0 =	vld [tilespmem:$0x8510];
	_ =	sdelay $0x3  }
0x17a: {  	s18 =	simm.s32 $0x510  }
0x17b: {  	[tilespmem:s18+$0x0] =	vst.add.f32.msk $0xffff, v0  }
0x17c: {  	v0 =	vld [tilespmem:$0x8520];
	_ =	sdelay $0x3  }
0x17d: {  	s19 =	simm.s32 $0x520  }
0x17e: {  	[tilespmem:s19+$0x0] =	vst.add.f32.msk $0xffff, v0  }
0x17f: {  	v0 =	vld [tilespmem:$0x8530];
	_ =	sdelay $0x3  }
0x180: {  	s20 =	simm.s32 $0x530  }
0x181: {  	[tilespmem:s20+$0x0] =	vst.add.f32.msk $0xffff, v0  }
0x182: {  	v0 =	vld [tilespmem:$0x8540];
	_ =	sdelay $0x3  }
0x183: {  	s21 =	simm.s32 $0x540  }
0x184: {  	[tilespmem:s21+$0x0] =	vst.add.f32.msk $0xffff, v0  }
0x185: {  	v0 =	vld [tilespmem:$0x8550];
	_ =	sdelay $0x3  }
0x186: {  	s18 =	simm.s32 $0x550  }
0x187: {  	[tilespmem:s18+$0x0] =	vst.add.f32.msk $0xffff, v0  }
0x188: {  	v0 =	vld [tilespmem:$0x8560];
	_ =	sdelay $0x3  }
0x189: {  	s19 =	simm.s32 $0x560  }
0x18a: {  	[tilespmem:s19+$0x0] =	vst.add.f32.msk $0xffff, v0  }
0x18b: {  	v0 =	vld [tilespmem:$0x8570];
	_ =	sdelay $0x3  }
0x18c: {  	s20 =	simm.s32 $0x570  }
0x18d: {  	[tilespmem:s20+$0x0] =	vst.add.f32.msk $0xffff, v0  }
0x18e: {  	v0 =	vld [tilespmem:$0x8580];
	_ =	sdelay $0x3  }
0x18f: {  	s21 =	simm.s32 $0x580  }
0x190: {  	[tilespmem:s21+$0x0] =	vst.add.f32.msk $0xffff, v0  }
0x191: {  	v0 =	vld [tilespmem:$0x8590];
	_ =	sdelay $0x3  }
0x192: {  	s18 =	simm.s32 $0x590  }
0x193: {  	[tilespmem:s18+$0x0] =	vst.add.f32.msk $0xffff, v0  }
0x194: {  	v0 =	vld [tilespmem:$0x85A0];
	_ =	sdelay $0x3  }
0x195: {  	s19 =	simm.s32 $0x5A0  }
0x196: {  	[tilespmem:s19+$0x0] =	vst.add.f32.msk $0xffff, v0  }
0x197: {  	v0 =	vld [tilespmem:$0x85B0];
	_ =	sdelay $0x3  }
0x198: {  	s20 =	simm.s32 $0x5B0  }
0x199: {  	[tilespmem:s20+$0x0] =	vst.add.f32.msk $0xffff, v0  }
0x19a: {  	v0 =	vld [tilespmem:$0x85C0];
	_ =	sdelay $0x3  }
0x19b: {  	s21 =	simm.s32 $0x5C0  }
0x19c: {  	[tilespmem:s21+$0x0] =	vst.add.f32.msk $0xffff, v0  }
0x19d: {  	v0 =	vld [tilespmem:$0x85D0];
	_ =	sdelay $0x3  }
0x19e: {  	s18 =	simm.s32 $0x5D0  }
0x19f: {  	[tilespmem:s18+$0x0] =	vst.add.f32.msk $0xffff, v0  }
0x1a0: {  	v0 =	vld [tilespmem:$0x85E0];
	_ =	sdelay $0x3  }
0x1a1: {  	s19 =	simm.s32 $0x5E0  }
0x1a2: {  	[tilespmem:s19+$0x0] =	vst.add.f32.msk $0xffff, v0  }
0x1a3: {  	v0 =	vld [tilespmem:$0x85F0];
	_ =	sdelay $0x2  }
0x1a4: {  	s16 =	sadd.s32 $0x1, s16  }
0x1a5: {  	p0 =	sne.s32 s16, s22;
	s20 =	simm.s32 $0x5F0  }
.Ltmp5:
0x1a6: {  	s21 =	rddreg [dreg:$0xc];
	[tilespmem:s20+$0x0] =	vst.add.f32.msk $0xffff, v0;
	(pc) =	sbr.rel @p0 .LBB2_1-.Ltmp5, $4  }
0x1a7: {  	[hbm4b:s21+s3] =	stream.linear.scatter [tilespmem:s31], [sflag:$0x7], $0x400, $0x38;
	[tilespmem:$0x10200] =	vst v63  }
0x1a8: {  	_ =	swait.ge [sflag:s9], $0x400  }
0x1a9: {  	[sflag:s9] =	ssyncset.done $0x0  }
0x1aa: {  	[sflag:s9] =	ssyncadd.s32 $0xFFFFFC00  }
0x1ab: {  	_ =	sfence.sel $0x180000  }
0x1ac: {  	[bflag:$0x0] =	sbarrier.arrive $0xFFFF  }
0x1ad: {  	_ =	strace $0x9000004A  }
0x1ae: {  	s0 =	stileid.u32;
	[bflag:$0x2] =	sbarrier.arrive $0xFFFF  }
0x1af: {  	p0 =	sne.s32 s0, $0x0;
	s0 =	rddreg [dreg:$0x2]  }
0x1b0: {  	s0 =	sadd.s32 @!p0 $0x100000, s0  }
0x1b1: {  	[sflag:s0] =	ssyncadd.tile.s32 @!p0 $0x1;
	_ =	shalt  }
.Lfunc_end2:
_tile_overlayer_lowered:
.L_overlay_start_2:
0x1b2: {  	(tag) =	ssettag $0x2  }
0x1b3: {  	s0 =	rddreg [dreg:$0x0];
	s2 =	stileid.u32  }
0x1b4: {  	s1 =	rddreg [dreg:$0x1];
	p0 =	sne.s32 s2, $0x0  }
0x1b5: {  	s3 =	rddreg [dreg:$0x2];
	[bflag:$0x3] =	sbarrier.arrive $0xFFFF;
	s2 =	simm.s32 @!p0 $0x1C07  }
0x1b6: {  	[timem:s3], [sflag:s2] =	dma.local @!p0 [hbm:s0], s1  }
0x1b7: {  	s0 =	simm.s32 @!p0 $0x7  }
0x1b8: {  	_ =	swait.ge @!p0 [sflag:s0], s1  }
0x1b9: {  	s1 =	ssub.s32 @!p0 $0x0, s1;
	[sflag:s0] =	ssyncset.done @!p0 $0x0  }
0x1ba: {  	[sflag:s0] =	ssyncadd.s32 @!p0 s1  }
0x1bb: {  	[bflag:$0x3] =	sbarrier.arrive $0xFFFF  }
0x1bc: {  	_ =	shalt  }

// kernel: kernel.16.cloned.1.call-start
scs
__scs_entry_jumppad:
0x0: {  	(pc) =	sbr.rel $0x88, $3  }
0x1: {  	(tag) =	ssettag $0x0;
	lr =	simm.s32 $0x1  }
0x2: {  	[smem:$0x3F96] =	sst lr;
	_ =	strace $0xD0000000  }
0x3: {  	_ = 	snop  }
0x4: {  	_ = 	snop  }
0x5: {  	_ = 	snop  }
0x6: {  	_ = 	snop  }
0x7: {  	_ = 	snop  }
__scs_overlays_trampoline_lowered:
0x8: {  	[smem:$0x3FA5] =	sst s0  }
0x9: {  	[smem:$0x3FA6] =	sst s1  }
0xa: {  	[smem:$0x3FA7] =	sst s2  }
0xb: {  	[smem:$0x3FA8] =	sst s3  }
0xc: {  	[smem:$0x3FA9] =	sst s4  }
0xd: {  	[smem:$0x3FAA] =	sst s5  }
0xe: {  	[smem:$0x3FAB] =	sst s6  }
0xf: {  	[smem:$0x3FAC] =	sst s7  }
0x10: {  	[smem:$0x3FAD] =	sst s8  }
0x11: {  	[smem:$0x3FAE] =	sst s9;
	s0 =	simm.s32 @!p0 $0x0  }
0x12: {  	s1 =	sld [smem:$0x3F94];
	s0 =	simm.s32 @p0 $0x1  }
0x13: {  	[smem:$0x3FAF] =	sst s0;
	s0 =	simm.s32 @!p1 $0x0  }
0x14: {  	s2 =	sld [smem:$0x3F93];
	s0 =	simm.s32 @p1 $0x1  }
0x15: {  	[smem:$0x3FB0] =	sst s0;
	s0 =	simm.s32 @!p2 $0x0  }
0x16: {  	s3 =	sld [smem:$0x3FDB];
	s0 =	simm.s32 @p2 $0x1  }
0x17: {  	s4 =	simm.s32 $0x1BF5;
	[smem:$0x3FB2] =	sst s0  }
0x18: {  	s0 =	sld [smem:$0x3F95];
	_ =	swait.ge [sflag:s4], $0x0  }
0x19: {  	s7 =	sld [smem:$0x3F96]  }
0x1a: {  	s8 =	sadd.s32 $0xFFFFE003, lr  }
0x1b: {  	s9 =	sadd.s32 $0xFFFFFEF7, lr;
	s5 =	simm.s32 $0xFFFFFFFF;
	p2 =	slt.u32 s8, $0xFFFFF086  }
0x1c: {  	p1 =	slt.u32 s9, $0xF7A;
	s5 =	simm.s32 @!p2 $0x0  }
0x1d: {  	s5 =	simm.s32 @p1 $0x1;
	p0 =	seq.s32 s7, s2  }
0x1e: {  	s7 =	smul.u32 @!p0 $0xF7A, s2;
	p2 =	seq.s32 @!p0 s5, $0x0  }
0x1f: {  	s9 =	smul.u32 $0xF7A, s1;
	s8 =	simm.s32 @!p0 $0x1BF5;
	p2 =	por !p2, p0  }
0x20: {  	[sflag:s8] =	ssyncset.s32 @!p0 $0xFFFFF086;
	s6 =	sadd.s32 @!p0 s3, s7;
	s7 =	simm.s32 @!p0 $0x108  }
0x21: {  	s3 =	sadd.s32 s3, s9;
	s6 =	sadd.s32 @!p0 $0x88, s6;
	s7 =	simm.s32 @p2 $0x1082  }
0x22: {  	[simem:s7], [sflag:s8] =	dma.local @!p0 [hbm:s6], $0xF7A  }
0x23: {  	s9 =	sor.u32 $0xD0000000, s2;
	s6 =	simm.s32 $0x108;
	_ =	swait.ge @!p0 [sflag:s8], $0x0  }
0x24: {  	s3 =	sadd.s32 $0x88, s3;
	s6 =	simm.s32 @!p1 $0x1082;
	[sflag:s4] =	ssyncset.s32 $0xFFFFF086  }
0x25: {  	[simem:s6], [sflag:s4] =	dma.local [hbm:s3], $0xF7A  }
0x26: {  	[smem:$0x3F96] =	sst s1;
	(tag) =	ssettag s2;
	_ =	strace s9  }
0x27: {  	s1 =	sld [smem:$0x3FA6]  }
0x28: {  	s2 =	sld [smem:$0x3FA7]  }
0x29: {  	s4 =	sld [smem:$0x3FA9]  }
0x2a: {  	p0 =	seq.s32 s5, $0x0;
	s5 =	sld [smem:$0x3FAA]  }
0x2b: {  	s6 =	sld [smem:$0x3FAB]  }
0x2c: {  	s7 =	sld [smem:$0x3FAC]  }
0x2d: {  	s3 =	simm.s32 $0x108;
	s8 =	sld [smem:$0x3FAD]  }
0x2e: {  	s3 =	simm.s32 @!p0 $0x1082;
	s9 =	sld [smem:$0x3FAE]  }
0x2f: {  	lr =	sadd.s32 s0, s3;
	s0 =	sld [smem:$0x3FA5]  }
0x30: {  	s3 =	sld [smem:$0x3FA8]  }
0x31: {  	[smem:$0x3FB1] =	sst s10  }
0x32: {  	s10 =	sld [smem:$0x3FAF];
	_ =	sdelay $0x3  }
0x33: {  	p0 =	seq.s32 s10, $0x1;
	s10 =	sld [smem:$0x3FB1];
	_ =	sdelay $0x3  }
0x34: {  	[smem:$0x3FB1] =	sst s10  }
0x35: {  	s10 =	sld [smem:$0x3FB0];
	_ =	sdelay $0x3  }
0x36: {  	p1 =	seq.s32 s10, $0x1;
	s10 =	sld [smem:$0x3FB1];
	_ =	sdelay $0x3  }
0x37: {  	[smem:$0x3FB1] =	sst s10  }
0x38: {  	s10 =	sld [smem:$0x3FB2]  }
0x39: {  	_ = 	snop;
	(pc) =	sbr.ind lr, $3  }
0x3a: {  	_ = 	snop  }
0x3b: {  	_ = 	snop  }
0x3c: {  	p2 =	seq.s32 s10, $0x1;
	s10 =	sld [smem:$0x3FB1]  }
0x3d: {  	_ =	shalt  }
0x3e: {  	_ =	shalt  }
0x3f: {  	_ =	shalt  }
0x40: {  	_ =	shalt  }
0x41: {  	_ =	shalt  }
0x42: {  	_ =	shalt  }
0x43: {  	_ =	shalt  }
0x44: {  	_ =	shalt  }
0x45: {  	_ =	shalt  }
0x46: {  	_ =	shalt  }
0x47: {  	_ =	shalt  }
0x48: {  	_ =	shalt  }
0x49: {  	_ =	shalt  }
0x4a: {  	_ =	shalt  }
0x4b: {  	_ =	shalt  }
0x4c: {  	_ =	shalt  }
0x4d: {  	_ =	shalt  }
0x4e: {  	_ =	shalt  }
0x4f: {  	_ =	shalt  }
0x50: {  	_ =	shalt  }
0x51: {  	_ =	shalt  }
0x52: {  	_ =	shalt  }
0x53: {  	_ =	shalt  }
0x54: {  	_ =	shalt  }
0x55: {  	_ =	shalt  }
0x56: {  	_ =	shalt  }
0x57: {  	_ =	shalt  }
0x58: {  	_ =	shalt  }
0x59: {  	_ =	shalt  }
0x5a: {  	_ =	shalt  }
0x5b: {  	_ =	shalt  }
0x5c: {  	_ =	shalt  }
0x5d: {  	_ =	shalt  }
0x5e: {  	_ =	shalt  }
0x5f: {  	_ =	shalt  }
0x60: {  	_ =	shalt  }
0x61: {  	_ =	shalt  }
0x62: {  	_ =	shalt  }
0x63: {  	_ =	shalt  }
0x64: {  	_ =	shalt  }
0x65: {  	_ =	shalt  }
0x66: {  	_ =	shalt  }
0x67: {  	_ =	shalt  }
0x68: {  	_ =	shalt  }
0x69: {  	_ =	shalt  }
0x6a: {  	_ =	shalt  }
0x6b: {  	_ =	shalt  }
0x6c: {  	_ =	shalt  }
0x6d: {  	_ =	shalt  }
0x6e: {  	_ =	shalt  }
0x6f: {  	_ =	shalt  }
0x70: {  	_ =	shalt  }
0x71: {  	_ =	shalt  }
0x72: {  	_ =	shalt  }
0x73: {  	_ =	shalt  }
0x74: {  	_ =	shalt  }
0x75: {  	_ =	shalt  }
0x76: {  	_ =	shalt  }
0x77: {  	_ =	shalt  }
0x78: {  	_ =	shalt  }
0x79: {  	_ =	shalt  }
0x7a: {  	_ =	shalt  }
0x7b: {  	_ =	shalt  }
0x7c: {  	_ =	shalt  }
0x7d: {  	_ =	shalt  }
0x7e: {  	_ =	shalt  }
0x7f: {  	_ =	shalt  }
0x80: {  	_ =	shalt  }
0x81: {  	_ =	shalt  }
0x82: {  	_ =	shalt  }
0x83: {  	_ =	shalt  }
0x84: {  	_ =	shalt  }
0x85: {  	_ =	shalt  }
0x86: {  	_ =	shalt  }
0x87: {  	_ =	shalt  }
.Lfunc_end0:
.L_simem_size_0:
called_computation.2_lowered:
.L_overlay_start_0:
0x88: {  	s2 =	sld [smem:$0x3FD9]  }
0x89: {  	s3 =	sld [smem:$0x3FFE];
	_ =	sdelay $0x1  }
0x8a: {  	s1 =	srdreg.scid  }
0x8b: {  	s0 =	sand.u32 $0x1, s1  }
0x8c: {  	s17 =	sshll.u32 s0, $0xA;
	s2 =	sadd.s32 s3, s2  }
0x8d: {  	s2 =	sadd.s32 s2, s17  }
0x8e: {  	[smem:$0x3FBD] =	sst s2  }
0x8f: {  	_ = 	snop  }
0x90: {  	(tm) =	ssettm $0x1  }
0x91: {  	s18 =	sld [smem:$0x3FFB];
	_ =	sdelay $0x3  }
0x92: {  	_ =	strace s18  }
0x93: {  	s2 =	sld [smem:$0x3FFC];
	_ =	sdelay $0x3  }
0x94: {  	_ =	strace s2  }
0x95: {  	s2 =	sld [smem:$0x3FFD];
	_ =	sdelay $0x3  }
0x96: {  	_ =	strace s2  }
0x97: {  	_ =	strace $0x8FFFFFFF  }
0x98: {  	s19 =	sld [smem:$0x3FDB];
	_ =	sdelay $0x1  }
0x99: {  	s20 =	simm.s32 $_scs_section_size  }
0x9a: {  	s4 =	simm.s32 $_size__tile_overlayer_lowered;
	s5 =	simm.s32 $_tile_overlayer_lowered  }
0x9b: {  	s6 =	simm.s32 $0x1BFF;
	s21 =	sshll.u32 s5, $0x1;
	s3 =	sadd.s32 s20, s19  }
0x9c: {  	s22 =	simm.s32 $0x0;
	s4 =	sshll.u32 s4, $0x1;
	s5 =	sadd.s32 s21, s3  }
0x9d: {  	[timem:s22], [sflag:s6] =	dma.local [hbm:s5], s4  }
0x9e: {  	_ =	swait.ge [sflag:s6], s4  }
0x9f: {  	s4 =	ssub.s32 $0x0, s4;
	[sflag:s6] =	ssyncset.done $0x0  }
0xa0: {  	[sflag:s6] =	ssyncadd.s32 s4;
	_ =	sdelay $0x1  }
0xa1: {  	s23 =	simm.s32 $0x1B8B  }
0xa2: {  	_ =	swait.ge [sflag:s23], $0x1  }
0xa3: {  	[sflag:s23] =	ssyncset.done $0x0  }
0xa4: {  	[sflag:s23] =	ssyncadd.s32 $0xFFFFFFFF  }
0xa5: {  	s4 =	sld [smem:$0x0]  }
0xa6: {  	s5 =	sand.u32 $0xFFFFFFFE, s1  }
0xa7: {  	p0 =	sne.s32 s1, s5  }
0xa8: {  	s5 =	sshll.u32 @p0 s5, $0xE  }
0xa9: {  	s5 =	sadd.s32 @p0 $0x11B8D, s5;
	s6 =	sshll.u32 @p0 s4, $0x11  }
0xaa: {  	s5 =	sor.u32 @p0 s6, s5  }
0xab: {  	[sflag:s5] =	ssyncadd.remote.s32 @p0 $0x1;
	_ =	sdelay $0x1  }
0xac: {  	s5 =	simm.s32 @p0 $0x1B8D  }
0xad: {  	_ =	swait.eq @p0 [sflag:s5], $0x1  }
0xae: {  	[sflag:s5] =	ssyncadd.s32 @p0 $0xFFFFFFFF  }
0xaf: {  	s6 =	sshll.u32 @!p0 s1, $0xE  }
0xb0: {  	s6 =	sor.u32 @!p0 $0x4000, s6;
	s5 =	simm.s32 @!p0 $0x1B8D  }
0xb1: {  	s4 =	sshll.u32 @!p0 s4, $0x11;
	s6 =	sadd.s32 @!p0 $0x11B8D, s6;
	_ =	swait.eq @!p0 [sflag:s5], $0x1  }
0xb2: {  	s4 =	sor.u32 @!p0 s4, s6;
	[sflag:s5] =	ssyncadd.s32 @!p0 $0xFFFFFFFF  }
0xb3: {  	s25 =	simm.s32 $0x1B8E;
	s24 =	sld [smem:$0x3FFE];
	[sflag:s4] =	ssyncadd.remote.s32 @!p0 $0x1  }
0xb4: {  	s26 =	simm.s32 $execute0_lowered;
	[smem:$0x3FD2] =	sst s25  }
0xb5: {  	s5 =	sshll.u32 s26, $0x1;
	_ =	strace $0x8000004C;
	[dreg:$0x1] =	wrdreg $0xFFFFFFFF  }
0xb6: {  	s28 =	simm.s32 $_size_execute0_lowered;
	s3 =	sadd.s32 s3, s5;
	[dreg:$0x0] =	wrdreg $0x0  }
0xb7: {  	s5 =	sshll.u32 s28, $0x1;
	[dreg:$0x2] =	wrdreg s3  }
0xb8: {  	[dreg:$0x3] =	wrdreg s5  }
0xb9: {  	[dreg:$0x4] =	wrdreg $0xC0  }
0xba: {  	_ =	task [dreg:s22], $0x5FFFF  }
0xbb: {  	[dreg:$0x1] =	wrdreg $0xFFFFFFFF  }
0xbc: {  	[dreg:$0x0] =	wrdreg $0x60  }
0xbd: {  	[dreg:$0x2] =	wrdreg s24  }
0xbe: {  	[dreg:$0x3] =	wrdreg $0x81000  }
0xbf: {  	[dreg:$0x4] =	wrdreg $0xA  }
0xc0: {  	_ =	task.clear_ibuf [dreg:s22], $0x5FFFF;
	_ =	strace $0x9000004C  }
0xc1: {  	s29 =	simm.s32 $0xA;
	_ =	strace $0x8000004E  }
0xc2: {  	_ =	swait.ge [sflag:s29], $0x1  }
0xc3: {  	[sflag:s29] =	ssyncadd.s32 $0xFFFFFFFF  }
0xc4: {  	_ =	strace $0x9000004E  }
0xc5: {  	_ =	sfence  }
0xc6: {  	s30 =	sld [smem:$0x0];
	_ =	sdelay $0x2  }
0xc7: {  	s31 =	sshll.u32 s1, $0xD;
	s1 =	sshrl.u32 s1, $0x2  }
0xc8: {  	s4 =	sand.u32 $0x4000, s31;
	s1 =	sadd.s32 s1, s30  }
0xc9: {  	s0 =	sor.u32 s4, s0;
	s1 =	sshll.u32 s1, $0x11  }
0xca: {  	s0 =	sor.u32 s1, s0  }
0xcb: {  	s0 =	sadd.s32 $0x8F2B, s0  }
0xcc: {  	[sflag:s0] =	ssyncadd.remote.s32 $0x1  }
0xcd: {  	_ =	sfence.sel $0xFFFF  }
0xce: {  	[dreg:$0x0] =	wrdreg $0xFFFFFFFF;
	(pc) =	sbr.abs _section_cstart, $3  }
0xcf: {  	[dreg:$0x1] =	wrdreg $0xFFFFFFFF  }
0xd0: {  	_ =	task.clear_ibuf [dreg:s22], $0x2FFFF;
	_ =	strace $0x9FFFFFFF  }
0xd1: {  	(tm) =	ssettm $0x7FFFFFFF  }
tec
execute0_lowered:
.L_overlay_start_1:
0x0: {  	(tag) =	ssettag $0x1  }
0x1: {  	s0 =	rddreg [dreg:$0x0]  }
0x2: {  	s2 =	rddreg [dreg:$0x1];
	s3 =	simm.s32 $0x0;
	s19 =	stileid.u32  }
0x3: {  	s4 =	srdreg.scid;
	s28 =	simm.s32 $0x1BD00;
	s29 =	simm.s32 $0x1BD80  }
0x4: {  	s31 =	simm.s32 $0x0;
	[smem:$0x7FF] =	sst s3;
	s1 =	smul.u32 $0x2780, s19  }
0x5: {  	s5 =	sadd.s32 $0x51F800, s0;
	s6 =	sand.u32 $0x1, s4;
	s4 =	sadd.s32 $0xC800, s0  }
0x6: {  	s10 =	sshll.u32 s19, $0x1;
	s11 =	smul.u32 $0x4F000, s19;
	s18 =	sshll.u32 s19, $0x6  }
0x7: {  	_ =	strace $0x8000004D;
	s8 =	smul.u32 $0x27800, s6;
	s10 =	sor.u32 s6, s10  }
0x8: {  	s9 =	ssub.s32 $0x2, s6;
	s7 =	sadd.s32 s1, s0;
	s13 =	smul.u32 $0x1388, s10  }
0x9: {  	s16 =	sshrl.u32 s9, $0x1;
	s17 =	sshrl.u32 s11, $0x2;
	s20 =	smul.u32 $0x13880, s10  }
0xa: {  	s0 =	sadd.s32 s8, s0;
	s16 =	ssub.s32 s9, s16;
	s8 =	sadd.s32 s17, s2  }
0xb: {  	s7 =	sadd.s32 $0x3D800, s7;
	s17 =	smul.u32 $0x2710, s19;
	[dreg:$0x3] =	wrdreg s8  }
0xc: {  	s19 =	smul.u32 $0x27100, s19;
	[dreg:$0x4] =	wrdreg s7;
	s7 =	sor.u32 $0x1C03, s18  }
0xd: {  	s21 =	sshrl.u32 s13, $0x3;
	s22 =	sadd.s32 s5, s20;
	s23 =	sadd.s32 $0x80, s13  }
0xe: {  	s14 =	sadd.s32 $0x1300, s13;
	s15 =	sadd.s32 $0x1380, s13;
	s18 =	smul.u32 $0x1388, s6  }
0xf: {  	s6 =	smul.u32 $0x13880, s6;
	s0 =	sadd.s32 $0x65000, s0;
	s16 =	smax.u32 s16, $0x1  }
0x10: {  	s20 =	simm.s32 $0x3;
	s8 =	sadd.s32 s4, s21;
	[dreg:$0x6] =	wrdreg s22  }
0x11: {  	s24 =	sshrl.u32 s23, $0x3;
	s12 =	sshll.u32 s23, $0x4;
	s25 =	sshrl.u32 s14, $0x3  }
0x12: {  	s26 =	sshll.u32 s14, $0x4;
	s30 =	sshrl.u32 s15, $0x3;
	s15 =	sshll.u32 s15, $0x4  }
0x13: {  	s21 =	simm.s32 $0x100;
	s22 =	simm.s32 $0x80;
	s23 =	simm.s32 $0x4100  }
0x14: {  	[dreg:$0x5] =	wrdreg s8;
	s10 =	sadd.s32 s4, s24;
	s11 =	sadd.s32 s5, s12  }
0x15: {  	s12 =	sadd.s32 s4, s25;
	s13 =	sadd.s32 s5, s26;
	s14 =	sadd.s32 s4, s30  }
0x16: {  	s17 =	sadd.s32 s18, s17;
	s15 =	sadd.s32 s5, s15;
	s5 =	sadd.s32 s19, s5  }
0x17: {  	s24 =	sadd.s32 s1, s0;
	s25 =	simm.s32 $0x1;
	s18 =	sadd.s32 $0x180, s17  }
0x18: {  	s26 =	simm.s32 $0x2;
	s5 =	sadd.s32 s6, s5;
	s18 =	sshrl.u32 s18, $0x3  }
0x19: {  	s19 =	sadd.s32 $0x100, s17;
	s6 =	sadd.s32 $0x1800, s5;
	s18 =	sadd.s32 s18, s4  }
.LBB2_1:
0x1a: {  	s0 =	rddreg [dreg:$0x3]  }
0x1b: {  	s1 =	rddreg [dreg:$0x4];
	s0 =	sshrl.u32 s0, $0x3  }
0x1c: {  	[spmem:s0], [sflag:s7] =	dma.local [hbm:s1], $0x2780  }
0x1d: {  	_ =	swait.ge [sflag:s20], $0x2780  }
0x1e: {  	[sflag:s20] =	ssyncset.done $0x0  }
0x1f: {  	[sflag:s20] =	ssyncadd.s32 $0xFFFFD880  }
0x20: {  	[bflag:$0x0] =	sbarrier.arrive $0xFFFF  }
0x21: {  	s17 =	rddreg [dreg:$0x5]  }
0x22: {  	[tilespmem:s3], [sflag:$0x1] =	stream.linear.gather [hbm4b:s17+s3], $0x80, $0x38;
	[tilespmem:$0x1BE00] =	vst v63  }
0x23: {  	s5 =	rddreg [dreg:$0x6]  }
0x24: {  	[tilespmem:s21], [sflag:$0x1] =	stream.linear.gather [hbm4b:s5+s3], $0x4000, $0x38;
	[tilespmem:$0x1BE00] =	vst v63  }
0x25: {  	_ = 	snop  }
0x26: {  	[tilespmem:s22], [sflag:$0x2] =	stream.linear.gather [hbm4b:s10+s3], $0x80, $0x38;
	[tilespmem:$0x1BE00] =	vst v63  }
0x27: {  	_ = 	snop  }
0x28: {  	[tilespmem:s23], [sflag:$0x2] =	stream.linear.gather [hbm4b:s11+s3], $0x4000, $0x38;
	[tilespmem:$0x1BE00] =	vst v63  }
0x29: {  	_ =	swait.ge [sflag:s25], $0x80  }
0x2a: {  	[sflag:s25] =	ssyncset.done $0x0  }
0x2b: {  	[sflag:s25] =	ssyncadd.s32 $0xFFFFFF80  }
0x2c: {  	_ =	swait.ge [sflag:s25], $0x4000  }
0x2d: {  	[sflag:s25] =	ssyncset.done $0x0  }
0x2e: {  	[sflag:s25] =	ssyncadd.s32 $0xFFFFC000  }
0x2f: {  	[spmem:s2] =	stream.indirect.scatter.add.f32 [tilespmem:s21], [sflag:$0x3], $0x80, s3, s22, $0xb8;
	[tilespmem:$0x1BE00] =	vst v63  }
0x30: {  	_ =	swait.ge [sflag:s20], $0x4000  }
0x31: {  	s8 =	sshrl.u32 s19, $0x3;
	[sflag:s20] =	ssyncset.done $0x0  }
0x32: {  	s1 =	sadd.s32 s4, s8;
	[sflag:s20] =	ssyncadd.s32 $0xFFFFC000  }
0x33: {  	[tilespmem:s3], [sflag:$0x1] =	stream.linear.gather [hbm4b:s1+s3], $0x80, $0x38;
	[tilespmem:$0x1BE00] =	vst v63  }
0x34: {  	s9 =	sadd.s32 $0xFFFFF800, s6  }
0x35: {  	[tilespmem:s21], [sflag:$0x1] =	stream.linear.gather [hbm4b:s9+s3], $0x4000, $0x38;
	[tilespmem:$0x1BE00] =	vst v63  }
0x36: {  	_ =	swait.ge [sflag:s26], $0x80  }
0x37: {  	[sflag:s26] =	ssyncset.done $0x0  }
0x38: {  	[sflag:s26] =	ssyncadd.s32 $0xFFFFFF80  }
0x39: {  	_ =	swait.ge [sflag:s26], $0x4000  }
0x3a: {  	[sflag:s26] =	ssyncset.done $0x0  }
0x3b: {  	[sflag:s26] =	ssyncadd.s32 $0xFFFFC000  }
0x3c: {  	[spmem:s2] =	stream.indirect.scatter.add.f32 [tilespmem:s23], [sflag:$0x3], $0x80, s22, s22, $0xb8;
	[tilespmem:$0x1BE00] =	vst v63  }
0x3d: {  	_ =	swait.ge [sflag:s20], $0x4000  }
0x3e: {  	[sflag:s20] =	ssyncset.done $0x0  }
0x3f: {  	s30 =	sadd.s32 $0x1000, s6;
	s17 =	sadd.s32 $0x0, s18;
	[sflag:s20] =	ssyncadd.s32 $0xFFFFC000  }
0x40: {  	[tilespmem:s22], [sflag:$0x2] =	stream.linear.gather [hbm4b:s17+s3], $0x80, $0x38;
	[tilespmem:$0x1BE00] =	vst v63  }
0x41: {  	s5 =	sadd.s32 $0x100, s19;
	s1 =	simm.s32 $0x20;
	s17 =	smov.u32 s6  }
.LBB2_2:
0x42: {  	[tilespmem:s23], [sflag:$0x2] =	stream.linear.gather [hbm4b:s17+s3], $0x4000, $0x38;
	[tilespmem:$0x1BE00] =	vst v63  }
0x43: {  	s8 =	smov.u32 s1;
	s17 =	smov.u32 s30  }
0x44: {  	p0 =	sne.s32 s1, $0x220;
	s1 =	sadd.s32 $0x20, s1;
	_ =	swait.ge [sflag:s25], $0x80  }
0x45: {  	[sflag:s25] =	ssyncset.done $0x0  }
0x46: {  	[sflag:s25] =	ssyncadd.s32 $0xFFFFFF80  }
0x47: {  	_ =	swait.ge [sflag:s25], $0x4000  }
0x48: {  	[sflag:s25] =	ssyncset.done $0x0  }
0x49: {  	[sflag:s25] =	ssyncadd.s32 $0xFFFFC000  }
0x4a: {  	[spmem:s2] =	stream.indirect.scatter.add.f32 [tilespmem:s21], [sflag:$0x3], $0x80, s3, s22, $0xb8;
	[tilespmem:$0x1BE00] =	vst v63  }
0x4b: {  	_ =	swait.ge [sflag:s20], $0x4000  }
0x4c: {  	s9 =	sshrl.u32 s5, $0x3;
	[sflag:s20] =	ssyncset.done $0x0  }
0x4d: {  	s9 =	sadd.s32 s4, s9;
	[sflag:s20] =	ssyncadd.s32 $0xFFFFC000  }
0x4e: {  	[tilespmem:s3], [sflag:$0x1] =	stream.linear.gather [hbm4b:s9+s3], $0x80, $0x38;
	[tilespmem:$0x1BE00] =	vst v63  }
0x4f: {  	s9 =	sadd.s32 $0xFFFFF800, s30  }
0x50: {  	[tilespmem:s21], [sflag:$0x1] =	stream.linear.gather [hbm4b:s9+s3], $0x4000, $0x38;
	[tilespmem:$0x1BE00] =	vst v63  }
0x51: {  	_ =	swait.ge [sflag:s26], $0x80  }
0x52: {  	[sflag:s26] =	ssyncset.done $0x0  }
0x53: {  	[sflag:s26] =	ssyncadd.s32 $0xFFFFFF80  }
0x54: {  	_ =	swait.ge [sflag:s26], $0x4000  }
0x55: {  	[sflag:s26] =	ssyncset.done $0x0  }
0x56: {  	[sflag:s26] =	ssyncadd.s32 $0xFFFFC000  }
0x57: {  	[spmem:s2] =	stream.indirect.scatter.add.f32 [tilespmem:s23], [sflag:$0x3], $0x80, s22, s22, $0xb8;
	[tilespmem:$0x1BE00] =	vst v63  }
.Ltmp0:
0x58: {  	_ =	swait.ge [sflag:s20], $0x4000;
	(pc) =	sbr.rel @p0 .LBB2_2-.Ltmp0, $4  }
0x59: {  	[sflag:s20] =	ssyncset.done $0x0  }
0x5a: {  	s8 =	sadd.s32 s8, s18;
	[sflag:s20] =	ssyncadd.s32 $0xFFFFC000  }
0x5b: {  	[tilespmem:s22], [sflag:$0x2] =	stream.linear.gather [hbm4b:s8+s3], $0x80, $0x38;
	[tilespmem:$0x1BE00] =	vst v63  }
0x5c: {  	s5 =	sadd.s32 $0x100, s5;
	s30 =	sadd.s32 $0x1000, s30  }
0x5d: {  	[tilespmem:s23], [sflag:$0x2] =	stream.linear.gather [hbm4b:s17+s3], $0x4000, $0x38;
	[tilespmem:$0x1BE00] =	vst v63  }
0x5e: {  	_ =	swait.ge [sflag:s25], $0x80  }
0x5f: {  	[sflag:s25] =	ssyncset.done $0x0  }
0x60: {  	[sflag:s25] =	ssyncadd.s32 $0xFFFFFF80  }
0x61: {  	_ =	swait.ge [sflag:s25], $0x4000  }
0x62: {  	[sflag:s25] =	ssyncset.done $0x0  }
0x63: {  	[sflag:s25] =	ssyncadd.s32 $0xFFFFC000  }
0x64: {  	[spmem:s2] =	stream.indirect.scatter.add.f32 [tilespmem:s21], [sflag:$0x3], $0x80, s3, s22, $0xb8;
	[tilespmem:$0x1BE00] =	vst v63  }
0x65: {  	_ =	swait.ge [sflag:s20], $0x4000  }
0x66: {  	[sflag:s20] =	ssyncset.done $0x0  }
0x67: {  	[sflag:s20] =	ssyncadd.s32 $0xFFFFC000  }
0x68: {  	_ =	swait.ge [sflag:s26], $0x80  }
0x69: {  	[sflag:s26] =	ssyncset.done $0x0  }
0x6a: {  	[sflag:s26] =	ssyncadd.s32 $0xFFFFFF80  }
0x6b: {  	_ =	swait.ge [sflag:s26], $0x4000  }
0x6c: {  	[sflag:s26] =	ssyncset.done $0x0  }
0x6d: {  	[sflag:s26] =	ssyncadd.s32 $0xFFFFC000  }
0x6e: {  	[spmem:s2] =	stream.indirect.scatter.add.f32 [tilespmem:s23], [sflag:$0x3], $0x80, s22, s22, $0xb8;
	[tilespmem:$0x1BE00] =	vst v63  }
0x6f: {  	_ =	swait.ge [sflag:s20], $0x4000  }
0x70: {  	[sflag:s20] =	ssyncset.done $0x0  }
0x71: {  	[sflag:s20] =	ssyncadd.s32 $0xFFFFC000  }
0x72: {  	[tilespmem:s28], [sflag:$0x3] =	stream.linear.gather [hbm4b:s12+s3], $0x80, $0x38;
	[tilespmem:$0x1BE00] =	vst v63  }
0x73: {  	_ =	swait.ge [sflag:s20], $0x80  }
0x74: {  	[sflag:s20] =	ssyncset.done $0x0  }
0x75: {  	[sflag:s20] =	ssyncadd.s32 $0xFFFFFF80  }
0x76: {  	[tilespmem:s21], [sflag:$0x3] =	stream.linear.gather [hbm4b:s13+s3], $0x4000, $0x38;
	[tilespmem:$0x1BE00] =	vst v63  }
0x77: {  	_ =	swait.ge [sflag:s20], $0x4000  }
0x78: {  	[sflag:s20] =	ssyncset.done $0x0  }
0x79: {  	[sflag:s20] =	ssyncadd.s32 $0xFFFFC000  }
0x7a: {  	[spmem:s2] =	stream.indirect.scatter.add.f32 [tilespmem:s21], [sflag:$0x3], $0x80, s28, s22, $0xb8;
	[tilespmem:$0x1BE00] =	vst v63  }
0x7b: {  	_ =	swait.ge [sflag:s20], $0x4000  }
0x7c: {  	[sflag:s20] =	ssyncset.done $0x0  }
0x7d: {  	[sflag:s20] =	ssyncadd.s32 $0xFFFFC000  }
0x7e: {  	[tilespmem:s29], [sflag:$0x3] =	stream.linear.gather [hbm4b:s14+s3], $0x8, $0x38;
	[tilespmem:$0x1BE00] =	vst v63  }
0x7f: {  	_ =	swait.ge [sflag:s20], $0x8  }
0x80: {  	[sflag:s20] =	ssyncset.done $0x0  }
0x81: {  	[sflag:s20] =	ssyncadd.s32 $0xFFFFFFF8  }
0x82: {  	[tilespmem:s21], [sflag:$0x3] =	stream.linear.gather [hbm4b:s15+s3], $0x400, $0x38;
	[tilespmem:$0x1BE00] =	vst v63  }
0x83: {  	_ =	swait.ge [sflag:s20], $0x400  }
0x84: {  	[sflag:s20] =	ssyncset.done $0x0  }
0x85: {  	s1 =	simm.s32 $0x8;
	[sflag:s20] =	ssyncadd.s32 $0xFFFFFC00  }
0x86: {  	[spmem:s2] =	stream.indirect.scatter.add.f32 [tilespmem:s21], [sflag:$0x3], $0x80, s29, s1, $0xb8;
	[tilespmem:$0x1BE00] =	vst v63  }
0x87: {  	_ =	swait.ge [sflag:s20], $0x400  }
0x88: {  	s31 =	sadd.s32 $0x1, s31;
	[sflag:s20] =	ssyncset.done $0x0  }
0x89: {  	p0 =	sne.s32 s31, s16;
	[sflag:s20] =	ssyncadd.s32 $0xFFFFFC00  }
.Ltmp1:
0x8a: {  	[bflag:$0x0] =	sbarrier.arrive $0xFFFF;
	(pc) =	sbr.rel @p0 .LBB2_1-.Ltmp1, $4  }
0x8b: {  	[hbm:s24], [sflag:s7] =	dma.local [spmem:s0], $0x2780  }
0x8c: {  	_ =	swait.ge [sflag:s20], $0x2780  }
0x8d: {  	[sflag:s20] =	ssyncset.done $0x0  }
0x8e: {  	[sflag:s20] =	ssyncadd.s32 $0xFFFFD880  }
0x8f: {  	_ =	sfence.sel $0x180000  }
0x90: {  	[bflag:$0x0] =	sbarrier.arrive $0xFFFF  }
0x91: {  	_ =	strace $0x9000004D  }
0x92: {  	s0 =	stileid.u32;
	[bflag:$0x2] =	sbarrier.arrive $0xFFFF  }
0x93: {  	p0 =	sne.s32 s0, $0x0;
	s0 =	rddreg [dreg:$0x2]  }
0x94: {  	s0 =	sadd.s32 @!p0 $0x100000, s0  }
0x95: {  	[sflag:s0] =	ssyncadd.tile.s32 @!p0 $0x1;
	_ =	shalt  }
.Lfunc_end2:
_tile_overlayer_lowered:
.L_overlay_start_2:
0x96: {  	(tag) =	ssettag $0x2  }
0x97: {  	s0 =	rddreg [dreg:$0x0];
	s2 =	stileid.u32  }
0x98: {  	s1 =	rddreg [dreg:$0x1];
	p0 =	sne.s32 s2, $0x0  }
0x99: {  	s3 =	rddreg [dreg:$0x2];
	[bflag:$0x3] =	sbarrier.arrive $0xFFFF;
	s2 =	simm.s32 @!p0 $0x1C03  }
0x9a: {  	[timem:s3], [sflag:s2] =	dma.local @!p0 [hbm:s0], s1  }
0x9b: {  	s0 =	simm.s32 @!p0 $0x3  }
0x9c: {  	_ =	swait.ge @!p0 [sflag:s0], s1  }
0x9d: {  	s1 =	ssub.s32 @!p0 $0x0, s1;
	[sflag:s0] =	ssyncset.done @!p0 $0x0  }
0x9e: {  	[sflag:s0] =	ssyncadd.s32 @!p0 s1  }
0x9f: {  	[bflag:$0x3] =	sbarrier.arrive $0xFFFF  }
0xa0: {  	_ =	shalt  }

// kernel: kernel.19.cloned.1.call-start
scs
__scs_entry_jumppad:
0x0: {  	(pc) =	sbr.rel $0x88, $3  }
0x1: {  	(tag) =	ssettag $0x0;
	lr =	simm.s32 $0x1  }
0x2: {  	[smem:$0x3F96] =	sst lr;
	_ =	strace $0xD0000000  }
0x3: {  	_ = 	snop  }
0x4: {  	_ = 	snop  }
0x5: {  	_ = 	snop  }
0x6: {  	_ = 	snop  }
0x7: {  	_ = 	snop  }
__scs_overlays_trampoline_lowered:
0x8: {  	[smem:$0x3FA5] =	sst s0  }
0x9: {  	[smem:$0x3FA6] =	sst s1  }
0xa: {  	[smem:$0x3FA7] =	sst s2  }
0xb: {  	[smem:$0x3FA8] =	sst s3  }
0xc: {  	[smem:$0x3FA9] =	sst s4  }
0xd: {  	[smem:$0x3FAA] =	sst s5  }
0xe: {  	[smem:$0x3FAB] =	sst s6  }
0xf: {  	[smem:$0x3FAC] =	sst s7  }
0x10: {  	[smem:$0x3FAD] =	sst s8  }
0x11: {  	[smem:$0x3FAE] =	sst s9;
	s0 =	simm.s32 @!p0 $0x0  }
0x12: {  	s1 =	sld [smem:$0x3F94];
	s0 =	simm.s32 @p0 $0x1  }
0x13: {  	[smem:$0x3FAF] =	sst s0;
	s0 =	simm.s32 @!p1 $0x0  }
0x14: {  	s2 =	sld [smem:$0x3F93];
	s0 =	simm.s32 @p1 $0x1  }
0x15: {  	[smem:$0x3FB0] =	sst s0;
	s0 =	simm.s32 @!p2 $0x0  }
0x16: {  	s3 =	sld [smem:$0x3FDB];
	s0 =	simm.s32 @p2 $0x1  }
0x17: {  	s4 =	simm.s32 $0x1BF5;
	[smem:$0x3FB2] =	sst s0  }
0x18: {  	s0 =	sld [smem:$0x3F95];
	_ =	swait.ge [sflag:s4], $0x0  }
0x19: {  	s7 =	sld [smem:$0x3F96]  }
0x1a: {  	s8 =	sadd.s32 $0xFFFFE003, lr  }
0x1b: {  	s9 =	sadd.s32 $0xFFFFFEF7, lr;
	s5 =	simm.s32 $0xFFFFFFFF;
	p2 =	slt.u32 s8, $0xFFFFF086  }
0x1c: {  	p1 =	slt.u32 s9, $0xF7A;
	s5 =	simm.s32 @!p2 $0x0  }
0x1d: {  	s5 =	simm.s32 @p1 $0x1;
	p0 =	seq.s32 s7, s2  }
0x1e: {  	s7 =	smul.u32 @!p0 $0xF7A, s2;
	p2 =	seq.s32 @!p0 s5, $0x0  }
0x1f: {  	s9 =	smul.u32 $0xF7A, s1;
	s8 =	simm.s32 @!p0 $0x1BF5;
	p2 =	por !p2, p0  }
0x20: {  	[sflag:s8] =	ssyncset.s32 @!p0 $0xFFFFF086;
	s6 =	sadd.s32 @!p0 s3, s7;
	s7 =	simm.s32 @!p0 $0x108  }
0x21: {  	s3 =	sadd.s32 s3, s9;
	s6 =	sadd.s32 @!p0 $0x88, s6;
	s7 =	simm.s32 @p2 $0x1082  }
0x22: {  	[simem:s7], [sflag:s8] =	dma.local @!p0 [hbm:s6], $0xF7A  }
0x23: {  	s9 =	sor.u32 $0xD0000000, s2;
	s6 =	simm.s32 $0x108;
	_ =	swait.ge @!p0 [sflag:s8], $0x0  }
0x24: {  	s3 =	sadd.s32 $0x88, s3;
	s6 =	simm.s32 @!p1 $0x1082;
	[sflag:s4] =	ssyncset.s32 $0xFFFFF086  }
0x25: {  	[simem:s6], [sflag:s4] =	dma.local [hbm:s3], $0xF7A  }
0x26: {  	[smem:$0x3F96] =	sst s1;
	(tag) =	ssettag s2;
	_ =	strace s9  }
0x27: {  	s1 =	sld [smem:$0x3FA6]  }
0x28: {  	s2 =	sld [smem:$0x3FA7]  }
0x29: {  	s4 =	sld [smem:$0x3FA9]  }
0x2a: {  	p0 =	seq.s32 s5, $0x0;
	s5 =	sld [smem:$0x3FAA]  }
0x2b: {  	s6 =	sld [smem:$0x3FAB]  }
0x2c: {  	s7 =	sld [smem:$0x3FAC]  }
0x2d: {  	s3 =	simm.s32 $0x108;
	s8 =	sld [smem:$0x3FAD]  }
0x2e: {  	s3 =	simm.s32 @!p0 $0x1082;
	s9 =	sld [smem:$0x3FAE]  }
0x2f: {  	lr =	sadd.s32 s0, s3;
	s0 =	sld [smem:$0x3FA5]  }
0x30: {  	s3 =	sld [smem:$0x3FA8]  }
0x31: {  	[smem:$0x3FB1] =	sst s10  }
0x32: {  	s10 =	sld [smem:$0x3FAF];
	_ =	sdelay $0x3  }
0x33: {  	p0 =	seq.s32 s10, $0x1;
	s10 =	sld [smem:$0x3FB1];
	_ =	sdelay $0x3  }
0x34: {  	[smem:$0x3FB1] =	sst s10  }
0x35: {  	s10 =	sld [smem:$0x3FB0];
	_ =	sdelay $0x3  }
0x36: {  	p1 =	seq.s32 s10, $0x1;
	s10 =	sld [smem:$0x3FB1];
	_ =	sdelay $0x3  }
0x37: {  	[smem:$0x3FB1] =	sst s10  }
0x38: {  	s10 =	sld [smem:$0x3FB2]  }
0x39: {  	_ = 	snop;
	(pc) =	sbr.ind lr, $3  }
0x3a: {  	_ = 	snop  }
0x3b: {  	_ = 	snop  }
0x3c: {  	p2 =	seq.s32 s10, $0x1;
	s10 =	sld [smem:$0x3FB1]  }
0x3d: {  	_ =	shalt  }
0x3e: {  	_ =	shalt  }
0x3f: {  	_ =	shalt  }
0x40: {  	_ =	shalt  }
0x41: {  	_ =	shalt  }
0x42: {  	_ =	shalt  }
0x43: {  	_ =	shalt  }
0x44: {  	_ =	shalt  }
0x45: {  	_ =	shalt  }
0x46: {  	_ =	shalt  }
0x47: {  	_ =	shalt  }
0x48: {  	_ =	shalt  }
0x49: {  	_ =	shalt  }
0x4a: {  	_ =	shalt  }
0x4b: {  	_ =	shalt  }
0x4c: {  	_ =	shalt  }
0x4d: {  	_ =	shalt  }
0x4e: {  	_ =	shalt  }
0x4f: {  	_ =	shalt  }
0x50: {  	_ =	shalt  }
0x51: {  	_ =	shalt  }
0x52: {  	_ =	shalt  }
0x53: {  	_ =	shalt  }
0x54: {  	_ =	shalt  }
0x55: {  	_ =	shalt  }
0x56: {  	_ =	shalt  }
0x57: {  	_ =	shalt  }
0x58: {  	_ =	shalt  }
0x59: {  	_ =	shalt  }
0x5a: {  	_ =	shalt  }
0x5b: {  	_ =	shalt  }
0x5c: {  	_ =	shalt  }
0x5d: {  	_ =	shalt  }
0x5e: {  	_ =	shalt  }
0x5f: {  	_ =	shalt  }
0x60: {  	_ =	shalt  }
0x61: {  	_ =	shalt  }
0x62: {  	_ =	shalt  }
0x63: {  	_ =	shalt  }
0x64: {  	_ =	shalt  }
0x65: {  	_ =	shalt  }
0x66: {  	_ =	shalt  }
0x67: {  	_ =	shalt  }
0x68: {  	_ =	shalt  }
0x69: {  	_ =	shalt  }
0x6a: {  	_ =	shalt  }
0x6b: {  	_ =	shalt  }
0x6c: {  	_ =	shalt  }
0x6d: {  	_ =	shalt  }
0x6e: {  	_ =	shalt  }
0x6f: {  	_ =	shalt  }
0x70: {  	_ =	shalt  }
0x71: {  	_ =	shalt  }
0x72: {  	_ =	shalt  }
0x73: {  	_ =	shalt  }
0x74: {  	_ =	shalt  }
0x75: {  	_ =	shalt  }
0x76: {  	_ =	shalt  }
0x77: {  	_ =	shalt  }
0x78: {  	_ =	shalt  }
0x79: {  	_ =	shalt  }
0x7a: {  	_ =	shalt  }
0x7b: {  	_ =	shalt  }
0x7c: {  	_ =	shalt  }
0x7d: {  	_ =	shalt  }
0x7e: {  	_ =	shalt  }
0x7f: {  	_ =	shalt  }
0x80: {  	_ =	shalt  }
0x81: {  	_ =	shalt  }
0x82: {  	_ =	shalt  }
0x83: {  	_ =	shalt  }
0x84: {  	_ =	shalt  }
0x85: {  	_ =	shalt  }
0x86: {  	_ =	shalt  }
0x87: {  	_ =	shalt  }
.Lfunc_end0:
.L_simem_size_0:
called_computation.3_lowered:
.L_overlay_start_0:
0x88: {  	s2 =	sld [smem:$0x3FD9]  }
0x89: {  	s3 =	sld [smem:$0x3FFE];
	_ =	sdelay $0x1  }
0x8a: {  	s1 =	srdreg.scid  }
0x8b: {  	s0 =	sand.u32 $0x1, s1  }
0x8c: {  	s17 =	sshll.u32 s0, $0xA;
	s2 =	sadd.s32 s3, s2  }
0x8d: {  	s2 =	sadd.s32 s2, s17  }
0x8e: {  	[smem:$0x3FBD] =	sst s2  }
0x8f: {  	_ = 	snop  }
0x90: {  	(tm) =	ssettm $0x1  }
0x91: {  	s18 =	sld [smem:$0x3FFB];
	_ =	sdelay $0x3  }
0x92: {  	_ =	strace s18  }
0x93: {  	s2 =	sld [smem:$0x3FFC];
	_ =	sdelay $0x3  }
0x94: {  	_ =	strace s2  }
0x95: {  	s2 =	sld [smem:$0x3FFD];
	_ =	sdelay $0x3  }
0x96: {  	_ =	strace s2  }
0x97: {  	_ =	strace $0x8FFFFFFF  }
0x98: {  	s19 =	sld [smem:$0x3FDB];
	_ =	sdelay $0x1  }
0x99: {  	s20 =	simm.s32 $_scs_section_size  }
0x9a: {  	s4 =	simm.s32 $_size__tile_overlayer_lowered;
	s5 =	simm.s32 $_tile_overlayer_lowered  }
0x9b: {  	s6 =	simm.s32 $0x1BFF;
	s21 =	sshll.u32 s5, $0x1;
	s3 =	sadd.s32 s20, s19  }
0x9c: {  	s22 =	simm.s32 $0x0;
	s4 =	sshll.u32 s4, $0x1;
	s5 =	sadd.s32 s21, s3  }
0x9d: {  	[timem:s22], [sflag:s6] =	dma.local [hbm:s5], s4  }
0x9e: {  	_ =	swait.ge [sflag:s6], s4  }
0x9f: {  	s4 =	ssub.s32 $0x0, s4;
	[sflag:s6] =	ssyncset.done $0x0  }
0xa0: {  	[sflag:s6] =	ssyncadd.s32 s4;
	_ =	sdelay $0x1  }
0xa1: {  	s23 =	simm.s32 $0x1B8B  }
0xa2: {  	_ =	swait.ge [sflag:s23], $0x1  }
0xa3: {  	[sflag:s23] =	ssyncset.done $0x0  }
0xa4: {  	[sflag:s23] =	ssyncadd.s32 $0xFFFFFFFF  }
0xa5: {  	s4 =	sld [smem:$0x0]  }
0xa6: {  	s5 =	sand.u32 $0xFFFFFFFE, s1  }
0xa7: {  	p0 =	sne.s32 s1, s5  }
0xa8: {  	s5 =	sshll.u32 @p0 s5, $0xE  }
0xa9: {  	s5 =	sadd.s32 @p0 $0x11B8D, s5;
	s6 =	sshll.u32 @p0 s4, $0x11  }
0xaa: {  	s5 =	sor.u32 @p0 s6, s5  }
0xab: {  	[sflag:s5] =	ssyncadd.remote.s32 @p0 $0x1;
	_ =	sdelay $0x1  }
0xac: {  	s5 =	simm.s32 @p0 $0x1B8D  }
0xad: {  	_ =	swait.eq @p0 [sflag:s5], $0x1  }
0xae: {  	[sflag:s5] =	ssyncadd.s32 @p0 $0xFFFFFFFF  }
0xaf: {  	s6 =	sshll.u32 @!p0 s1, $0xE  }
0xb0: {  	s6 =	sor.u32 @!p0 $0x4000, s6;
	s5 =	simm.s32 @!p0 $0x1B8D  }
0xb1: {  	s4 =	sshll.u32 @!p0 s4, $0x11;
	s6 =	sadd.s32 @!p0 $0x11B8D, s6;
	_ =	swait.eq @!p0 [sflag:s5], $0x1  }
0xb2: {  	s4 =	sor.u32 @!p0 s4, s6;
	[sflag:s5] =	ssyncadd.s32 @!p0 $0xFFFFFFFF  }
0xb3: {  	s25 =	simm.s32 $0x1B8E;
	s24 =	sld [smem:$0x3FFE];
	[sflag:s4] =	ssyncadd.remote.s32 @!p0 $0x1  }
0xb4: {  	s26 =	simm.s32 $execute0_lowered;
	[smem:$0x3FD2] =	sst s25  }
0xb5: {  	s5 =	sshll.u32 s26, $0x1;
	_ =	strace $0x8000004F;
	[dreg:$0x1] =	wrdreg $0xFFFFFFFF  }
0xb6: {  	s28 =	simm.s32 $_size_execute0_lowered;
	s3 =	sadd.s32 s3, s5;
	[dreg:$0x0] =	wrdreg $0x0  }
0xb7: {  	s5 =	sshll.u32 s28, $0x1;
	[dreg:$0x2] =	wrdreg s3  }
0xb8: {  	[dreg:$0x3] =	wrdreg s5  }
0xb9: {  	[dreg:$0x4] =	wrdreg $0xC0  }
0xba: {  	_ =	task [dreg:s22], $0x5FFFF  }
0xbb: {  	[dreg:$0x1] =	wrdreg $0xFFFFFFFF  }
0xbc: {  	[dreg:$0x0] =	wrdreg $0x60  }
0xbd: {  	[dreg:$0x2] =	wrdreg s24  }
0xbe: {  	[dreg:$0x3] =	wrdreg $0x81000  }
0xbf: {  	[dreg:$0x4] =	wrdreg $0x9  }
0xc0: {  	_ =	task.clear_ibuf [dreg:s22], $0x5FFFF;
	_ =	strace $0x9000004F  }
0xc1: {  	s29 =	simm.s32 $0x9;
	_ =	strace $0x80000051  }
0xc2: {  	_ =	swait.ge [sflag:s29], $0x1  }
0xc3: {  	[sflag:s29] =	ssyncadd.s32 $0xFFFFFFFF  }
0xc4: {  	_ =	strace $0x90000051  }
0xc5: {  	_ =	sfence  }
0xc6: {  	s30 =	sld [smem:$0x0];
	_ =	sdelay $0x2  }
0xc7: {  	s31 =	sshll.u32 s1, $0xD;
	s1 =	sshrl.u32 s1, $0x2  }
0xc8: {  	s4 =	sand.u32 $0x4000, s31;
	s1 =	sadd.s32 s1, s30  }
0xc9: {  	s0 =	sor.u32 s4, s0;
	s1 =	sshll.u32 s1, $0x11  }
0xca: {  	s0 =	sor.u32 s1, s0  }
0xcb: {  	s0 =	sadd.s32 $0x8F2B, s0  }
0xcc: {  	[sflag:s0] =	ssyncadd.remote.s32 $0x1  }
0xcd: {  	_ =	sfence.sel $0xFFFF  }
0xce: {  	[dreg:$0x0] =	wrdreg $0xFFFFFFFF;
	(pc) =	sbr.abs _section_cstart, $3  }
0xcf: {  	[dreg:$0x1] =	wrdreg $0xFFFFFFFF  }
0xd0: {  	_ =	task.clear_ibuf [dreg:s22], $0x2FFFF;
	_ =	strace $0x9FFFFFFF  }
0xd1: {  	(tm) =	ssettm $0x7FFFFFFF  }
tec
execute0_lowered:
.L_overlay_start_1:
0x0: {  	(tag) =	ssettag $0x1  }
0x1: {  	s0 =	rddreg [dreg:$0x0];
	s21 =	stileid.u32  }
0x2: {  	s2 =	rddreg [dreg:$0x1];
	s1 =	smul.u32 $0x2780, s21  }
0x3: {  	s3 =	simm.s32 $0x0;
	s5 =	srdreg.scid;
	s6 =	smul.u32 $0x4F000, s21  }
0x4: {  	s28 =	simm.s32 $0x1BD80;
	s16 =	sand.u32 $0x1, s5;
	s19 =	smul.u32 $0x2710, s21  }
0x5: {  	s22 =	sshll.u32 s21, $0x1;
	s25 =	sshll.u32 s21, $0x6;
	s21 =	smul.u32 $0x27100, s21  }
0x6: {  	s30 =	simm.s32 $0x0;
	[smem:$0x7FF] =	sst s3;
	s7 =	smul.u32 $0x27800, s16  }
0x7: {  	s15 =	sadd.s32 $0x790800, s0;
	s17 =	sadd.s32 $0xC800, s0;
	s20 =	smul.u32 $0x1388, s16  }
0x8: {  	s8 =	ssub.s32 $0x2, s16;
	s5 =	sor.u32 s16, s22;
	s16 =	smul.u32 $0x13880, s16  }
0x9: {  	_ =	strace $0x80000050;
	s22 =	simm.s32 $0x4100;
	s10 =	smul.u32 $0x1388, s5  }
0xa: {  	s4 =	sadd.s32 s1, s0;
	s9 =	sshrl.u32 s8, $0x1;
	s24 =	smul.u32 $0x9C400, s5  }
0xb: {  	s6 =	sshrl.u32 s6, $0x2;
	s26 =	smul.u32 $0x13880, s5;
	s5 =	sor.u32 $0x1C03, s25  }
0xc: {  	s25 =	simm.s32 $0x2;
	s0 =	sadd.s32 s7, s0;
	s14 =	ssub.s32 s8, s9  }
0xd: {  	s18 =	sadd.s32 s6, s2;
	s4 =	sadd.s32 $0x3D800, s4;
	s19 =	sadd.s32 s20, s19  }
0xe: {  	s23 =	sshrl.u32 s10, $0x3;
	s29 =	sshrl.u32 s24, $0x3;
	s7 =	sadd.s32 s15, s26  }
0xf: {  	s0 =	sadd.s32 $0xB4000, s0;
	s14 =	smax.u32 s14, $0x1;
	s20 =	sadd.s32 $0x27200, s19  }
0x10: {  	s19 =	sadd.s32 $0x27280, s19;
	s18 =	sshrl.u32 s18, $0x3;
	s26 =	simm.s32 $0x1BD00  }
0x11: {  	s12 =	sadd.s32 s17, s23;
	s13 =	sadd.s32 s15, s29;
	s15 =	sadd.s32 s21, s15  }
0x12: {  	s31 =	sshrl.u32 s20, $0x3;
	s19 =	sshrl.u32 s19, $0x3;
	s20 =	simm.s32 $0x100  }
0x13: {  	s21 =	simm.s32 $0x80;
	s23 =	simm.s32 $0x1;
	s24 =	sadd.s32 s1, s0  }
0x14: {  	s6 =	sadd.s32 $0x4E20, s12;
	s8 =	sadd.s32 $0x4E30, s12;
	s9 =	sadd.s32 $0x800, s13  }
0x15: {  	s10 =	sadd.s32 $0x5080, s12;
	s11 =	sadd.s32 $0x13000, s13;
	s12 =	sadd.s32 $0x5090, s12  }
0x16: {  	s13 =	sadd.s32 $0x13800, s13;
	s15 =	sadd.s32 s16, s15;
	s16 =	sadd.s32 s31, s17  }
0x17: {  	s17 =	sadd.s32 s19, s17;
	s19 =	simm.s32 $0x3;
	s15 =	sadd.s32 $0x1000, s15  }
.LBB2_1:
0x18: {  	[spmem:s18], [sflag:s5] =	dma.local [hbm:s4], $0x2780  }
0x19: {  	_ =	swait.ge [sflag:s19], $0x2780  }
0x1a: {  	[sflag:s19] =	ssyncset.done $0x0  }
0x1b: {  	[sflag:s19] =	ssyncadd.s32 $0xFFFFD880  }
0x1c: {  	[bflag:$0x0] =	sbarrier.arrive $0xFFFF  }
0x1d: {  	[tilespmem:s3], [sflag:$0x1] =	stream.linear.gather [hbm4b:s6+s3], $0x80, $0x38;
	[tilespmem:$0x1BE00] =	vst v63  }
0x1e: {  	_ = 	snop  }
0x1f: {  	[tilespmem:s20], [sflag:$0x1] =	stream.linear.gather [hbm4b:s7+s3], $0x4000, $0x38;
	[tilespmem:$0x1BE00] =	vst v63  }
0x20: {  	_ = 	snop  }
0x21: {  	[tilespmem:s21], [sflag:$0x2] =	stream.linear.gather [hbm4b:s8+s3], $0x80, $0x38;
	[tilespmem:$0x1BE00] =	vst v63  }
0x22: {  	_ = 	snop  }
0x23: {  	[tilespmem:s22], [sflag:$0x2] =	stream.linear.gather [hbm4b:s9+s3], $0x4000, $0x38;
	[tilespmem:$0x1BE00] =	vst v63  }
0x24: {  	_ =	swait.ge [sflag:s23], $0x80  }
0x25: {  	[sflag:s23] =	ssyncset.done $0x0  }
0x26: {  	[sflag:s23] =	ssyncadd.s32 $0xFFFFFF80  }
0x27: {  	_ =	swait.ge [sflag:s23], $0x4000  }
0x28: {  	[sflag:s23] =	ssyncset.done $0x0  }
0x29: {  	[sflag:s23] =	ssyncadd.s32 $0xFFFFC000  }
0x2a: {  	[spmem:s2] =	stream.indirect.scatter.add.f32 [tilespmem:s20], [sflag:$0x3], $0x80, s3, s21, $0xb8;
	[tilespmem:$0x1BE00] =	vst v63  }
0x2b: {  	_ =	swait.ge [sflag:s19], $0x4000  }
0x2c: {  	[sflag:s19] =	ssyncset.done $0x0  }
0x2d: {  	s0 =	sadd.s32 $0x0, s16;
	[sflag:s19] =	ssyncadd.s32 $0xFFFFC000  }
0x2e: {  	[tilespmem:s3], [sflag:$0x1] =	stream.linear.gather [hbm4b:s0+s3], $0x80, $0x38;
	[tilespmem:$0x1BE00] =	vst v63  }
0x2f: {  	_ = 	snop  }
0x30: {  	[tilespmem:s20], [sflag:$0x1] =	stream.linear.gather [hbm4b:s15+s3], $0x4000, $0x38;
	[tilespmem:$0x1BE00] =	vst v63  }
0x31: {  	_ =	swait.ge [sflag:s25], $0x80  }
0x32: {  	[sflag:s25] =	ssyncset.done $0x0  }
0x33: {  	[sflag:s25] =	ssyncadd.s32 $0xFFFFFF80  }
0x34: {  	_ =	swait.ge [sflag:s25], $0x4000  }
0x35: {  	[sflag:s25] =	ssyncset.done $0x0  }
0x36: {  	[sflag:s25] =	ssyncadd.s32 $0xFFFFC000  }
0x37: {  	[spmem:s2] =	stream.indirect.scatter.add.f32 [tilespmem:s22], [sflag:$0x3], $0x80, s21, s21, $0xb8;
	[tilespmem:$0x1BE00] =	vst v63  }
0x38: {  	_ =	swait.ge [sflag:s19], $0x4000  }
0x39: {  	s29 =	sadd.s32 $0x0, s17;
	s31 =	simm.s32 $0x20;
	[sflag:s19] =	ssyncset.done $0x0  }
0x3a: {  	s1 =	sadd.s32 $0x800, s15;
	s0 =	sadd.s32 $0x1000, s15;
	[sflag:s19] =	ssyncadd.s32 $0xFFFFC000  }
0x3b: {  	[tilespmem:s21], [sflag:$0x2] =	stream.linear.gather [hbm4b:s29+s3], $0x80, $0x38;
	[tilespmem:$0x1BE00] =	vst v63  }
.LBB2_2:
0x3c: {  	[tilespmem:s22], [sflag:$0x2] =	stream.linear.gather [hbm4b:s1+s3], $0x4000, $0x38;
	[tilespmem:$0x1BE00] =	vst v63  }
0x3d: {  	s1 =	smov.u32 s31  }
0x3e: {  	p0 =	sne.s32 s31, $0x220;
	s31 =	sadd.s32 $0x20, s31;
	_ =	swait.ge [sflag:s23], $0x80  }
0x3f: {  	[sflag:s23] =	ssyncset.done $0x0  }
0x40: {  	[sflag:s23] =	ssyncadd.s32 $0xFFFFFF80  }
0x41: {  	_ =	swait.ge [sflag:s23], $0x4000  }
0x42: {  	[sflag:s23] =	ssyncset.done $0x0  }
0x43: {  	[sflag:s23] =	ssyncadd.s32 $0xFFFFC000  }
0x44: {  	[spmem:s2] =	stream.indirect.scatter.add.f32 [tilespmem:s20], [sflag:$0x3], $0x80, s3, s21, $0xb8;
	[tilespmem:$0x1BE00] =	vst v63  }
0x45: {  	_ =	swait.ge [sflag:s19], $0x4000  }
0x46: {  	[sflag:s19] =	ssyncset.done $0x0  }
0x47: {  	s29 =	sadd.s32 s1, s16;
	[sflag:s19] =	ssyncadd.s32 $0xFFFFC000  }
0x48: {  	[tilespmem:s3], [sflag:$0x1] =	stream.linear.gather [hbm4b:s29+s3], $0x80, $0x38;
	[tilespmem:$0x1BE00] =	vst v63  }
0x49: {  	_ = 	snop  }
0x4a: {  	[tilespmem:s20], [sflag:$0x1] =	stream.linear.gather [hbm4b:s0+s3], $0x4000, $0x38;
	[tilespmem:$0x1BE00] =	vst v63  }
0x4b: {  	_ =	swait.ge [sflag:s25], $0x80  }
0x4c: {  	[sflag:s25] =	ssyncset.done $0x0  }
0x4d: {  	[sflag:s25] =	ssyncadd.s32 $0xFFFFFF80  }
0x4e: {  	_ =	swait.ge [sflag:s25], $0x4000  }
0x4f: {  	[sflag:s25] =	ssyncset.done $0x0  }
0x50: {  	[sflag:s25] =	ssyncadd.s32 $0xFFFFC000  }
0x51: {  	[spmem:s2] =	stream.indirect.scatter.add.f32 [tilespmem:s22], [sflag:$0x3], $0x80, s21, s21, $0xb8;
	[tilespmem:$0x1BE00] =	vst v63  }
.Ltmp0:
0x52: {  	_ =	swait.ge [sflag:s19], $0x4000;
	(pc) =	sbr.rel @p0 .LBB2_2-.Ltmp0, $4  }
0x53: {  	[sflag:s19] =	ssyncset.done $0x0  }
0x54: {  	s1 =	sadd.s32 s1, s17;
	[sflag:s19] =	ssyncadd.s32 $0xFFFFC000  }
0x55: {  	[tilespmem:s21], [sflag:$0x2] =	stream.linear.gather [hbm4b:s1+s3], $0x80, $0x38;
	[tilespmem:$0x1BE00] =	vst v63  }
0x56: {  	s1 =	sadd.s32 $0x800, s0;
	s0 =	sadd.s32 $0x1000, s0  }
0x57: {  	[tilespmem:s22], [sflag:$0x2] =	stream.linear.gather [hbm4b:s1+s3], $0x4000, $0x38;
	[tilespmem:$0x1BE00] =	vst v63  }
0x58: {  	_ =	swait.ge [sflag:s23], $0x80  }
0x59: {  	[sflag:s23] =	ssyncset.done $0x0  }
0x5a: {  	[sflag:s23] =	ssyncadd.s32 $0xFFFFFF80  }
0x5b: {  	_ =	swait.ge [sflag:s23], $0x4000  }
0x5c: {  	[sflag:s23] =	ssyncset.done $0x0  }
0x5d: {  	[sflag:s23] =	ssyncadd.s32 $0xFFFFC000  }
0x5e: {  	[spmem:s2] =	stream.indirect.scatter.add.f32 [tilespmem:s20], [sflag:$0x3], $0x80, s3, s21, $0xb8;
	[tilespmem:$0x1BE00] =	vst v63  }
0x5f: {  	_ =	swait.ge [sflag:s19], $0x4000  }
0x60: {  	[sflag:s19] =	ssyncset.done $0x0  }
0x61: {  	[sflag:s19] =	ssyncadd.s32 $0xFFFFC000  }
0x62: {  	_ =	swait.ge [sflag:s25], $0x80  }
0x63: {  	[sflag:s25] =	ssyncset.done $0x0  }
0x64: {  	[sflag:s25] =	ssyncadd.s32 $0xFFFFFF80  }
0x65: {  	_ =	swait.ge [sflag:s25], $0x4000  }
0x66: {  	[sflag:s25] =	ssyncset.done $0x0  }
0x67: {  	[sflag:s25] =	ssyncadd.s32 $0xFFFFC000  }
0x68: {  	[spmem:s2] =	stream.indirect.scatter.add.f32 [tilespmem:s22], [sflag:$0x3], $0x80, s21, s21, $0xb8;
	[tilespmem:$0x1BE00] =	vst v63  }
0x69: {  	_ =	swait.ge [sflag:s19], $0x4000  }
0x6a: {  	[sflag:s19] =	ssyncset.done $0x0  }
0x6b: {  	[sflag:s19] =	ssyncadd.s32 $0xFFFFC000  }
0x6c: {  	[tilespmem:s26], [sflag:$0x3] =	stream.linear.gather [hbm4b:s10+s3], $0x80, $0x38;
	[tilespmem:$0x1BE00] =	vst v63  }
0x6d: {  	_ =	swait.ge [sflag:s19], $0x80  }
0x6e: {  	[sflag:s19] =	ssyncset.done $0x0  }
0x6f: {  	[sflag:s19] =	ssyncadd.s32 $0xFFFFFF80  }
0x70: {  	[tilespmem:s20], [sflag:$0x3] =	stream.linear.gather [hbm4b:s11+s3], $0x4000, $0x38;
	[tilespmem:$0x1BE00] =	vst v63  }
0x71: {  	_ =	swait.ge [sflag:s19], $0x4000  }
0x72: {  	[sflag:s19] =	ssyncset.done $0x0  }
0x73: {  	[sflag:s19] =	ssyncadd.s32 $0xFFFFC000  }
0x74: {  	[spmem:s2] =	stream.indirect.scatter.add.f32 [tilespmem:s20], [sflag:$0x3], $0x80, s26, s21, $0xb8;
	[tilespmem:$0x1BE00] =	vst v63  }
0x75: {  	_ =	swait.ge [sflag:s19], $0x4000  }
0x76: {  	[sflag:s19] =	ssyncset.done $0x0  }
0x77: {  	[sflag:s19] =	ssyncadd.s32 $0xFFFFC000  }
0x78: {  	[tilespmem:s28], [sflag:$0x3] =	stream.linear.gather [hbm4b:s12+s3], $0x8, $0x38;
	[tilespmem:$0x1BE00] =	vst v63  }
0x79: {  	_ =	swait.ge [sflag:s19], $0x8  }
0x7a: {  	[sflag:s19] =	ssyncset.done $0x0  }
0x7b: {  	[sflag:s19] =	ssyncadd.s32 $0xFFFFFFF8  }
0x7c: {  	[tilespmem:s20], [sflag:$0x3] =	stream.linear.gather [hbm4b:s13+s3], $0x400, $0x38;
	[tilespmem:$0x1BE00] =	vst v63  }
0x7d: {  	_ =	swait.ge [sflag:s19], $0x400  }
0x7e: {  	[sflag:s19] =	ssyncset.done $0x0  }
0x7f: {  	s0 =	simm.s32 $0x8;
	[sflag:s19] =	ssyncadd.s32 $0xFFFFFC00  }
0x80: {  	[spmem:s2] =	stream.indirect.scatter.add.f32 [tilespmem:s20], [sflag:$0x3], $0x80, s28, s0, $0xb8;
	[tilespmem:$0x1BE00] =	vst v63  }
0x81: {  	_ =	swait.ge [sflag:s19], $0x400  }
0x82: {  	s30 =	sadd.s32 $0x1, s30;
	[sflag:s19] =	ssyncset.done $0x0  }
0x83: {  	p0 =	sne.s32 s30, s14;
	[sflag:s19] =	ssyncadd.s32 $0xFFFFFC00  }
.Ltmp1:
0x84: {  	[bflag:$0x0] =	sbarrier.arrive $0xFFFF;
	(pc) =	sbr.rel @p0 .LBB2_1-.Ltmp1, $4  }
0x85: {  	[hbm:s24], [sflag:s5] =	dma.local [spmem:s18], $0x2780  }
0x86: {  	_ =	swait.ge [sflag:s19], $0x2780  }
0x87: {  	[sflag:s19] =	ssyncset.done $0x0  }
0x88: {  	[sflag:s19] =	ssyncadd.s32 $0xFFFFD880  }
0x89: {  	_ =	sfence.sel $0x180000  }
0x8a: {  	[bflag:$0x0] =	sbarrier.arrive $0xFFFF  }
0x8b: {  	_ =	strace $0x90000050  }
0x8c: {  	s0 =	stileid.u32;
	[bflag:$0x2] =	sbarrier.arrive $0xFFFF  }
0x8d: {  	p0 =	sne.s32 s0, $0x0;
	s0 =	rddreg [dreg:$0x2]  }
0x8e: {  	s0 =	sadd.s32 @!p0 $0x100000, s0  }
0x8f: {  	[sflag:s0] =	ssyncadd.tile.s32 @!p0 $0x1;
	_ =	shalt  }
.Lfunc_end2:
_tile_overlayer_lowered:
.L_overlay_start_2:
0x90: {  	(tag) =	ssettag $0x2  }
0x91: {  	s0 =	rddreg [dreg:$0x0];
	s2 =	stileid.u32  }
0x92: {  	s1 =	rddreg [dreg:$0x1];
	p0 =	sne.s32 s2, $0x0  }
0x93: {  	s3 =	rddreg [dreg:$0x2];
	[bflag:$0x3] =	sbarrier.arrive $0xFFFF;
	s2 =	simm.s32 @!p0 $0x1C03  }
0x94: {  	[timem:s3], [sflag:s2] =	dma.local @!p0 [hbm:s0], s1  }
0x95: {  	s0 =	simm.s32 @!p0 $0x3  }
0x96: {  	_ =	swait.ge @!p0 [sflag:s0], s1  }
0x97: {  	s1 =	ssub.s32 @!p0 $0x0, s1;
	[sflag:s0] =	ssyncset.done @!p0 $0x0  }
0x98: {  	[sflag:s0] =	ssyncadd.s32 @!p0 s1  }
0x99: {  	[bflag:$0x3] =	sbarrier.arrive $0xFFFF  }
0x9a: {  	_ =	shalt  }

</sc_bundles>
